<compile_context>
chip_gen: v7x
topology: tpu7x:2x2x1
jax: 0.10.2.dev20260603
libtpu: 0.0.44.dev20260713+nightly
codegen_flags: <defaults>
</compile_context>

<pallas_src>
import jax
import jax.numpy as jnp
from jax import lax
from jax.experimental import pallas as pl
from jax.experimental.pallas import tpu as pltpu
from jax.experimental.pallas import tpu_sc as plsc

_B, _NF, _NLF, _NFEAT, _NCLASS, _HID, _E, _TOPK = 1024, 6, 3, 256, 349, 256, 8, 2
_C = _NF + _NLF
_TB = 256


def _spectral_inv(w):
    g0 = jax.lax.dot_general(w, w, (((1,), (1,)), ((), ())),
                             preferred_element_type=jnp.float32)

    def body(_, g):
        g = jnp.dot(g, g, preferred_element_type=jnp.float32)
        return g * (1.0 / jnp.max(jnp.abs(g)))

    g = jax.lax.fori_loop(0, 12, body, g0 * (1.0 / jnp.max(jnp.abs(g0))))
    v = jnp.sum(g, axis=1, keepdims=True)
    gv = jnp.dot(g0, v, preferred_element_type=jnp.float32)
    lam = jnp.sum(v * gv) / jnp.sum(v * v)
    return jax.lax.rsqrt(lam)


def _proj_attn_kernel(x_ref, lf_ref, W1_ref, b1_ref, W2_ref, b2_ref,
                      Wl1_ref, bl1_ref, Wl2_ref, bl2_ref,
                      g1_ref, be1_ref, g2_ref, be2_ref,
                      gl1_ref, bel1_ref, gl2_ref, bel2_ref,
                      Wq_ref, Wk_ref, Wv_ref, Wg_ref, bg_ref,
                      a1_ref, a2_ref, al1_ref, al2_ref, gamma_ref,
                      flat_ref, w_ref, inv_scr):
    i = pl.program_id(0)

    @pl.when(i == 0)
    def _():
        inv_scr[0] = _spectral_inv(Wq_ref[...]) * _spectral_inv(Wk_ref[...])
        inv_scr[1] = _spectral_inv(Wv_ref[...])

    inv_qk = inv_scr[0]
    inv_v = inv_scr[1]
    gamma = gamma_ref[0]

    def proj_layer(zs, W_ref, b_ref, g_ref, beta_ref, a, nc):
        hs = [jnp.dot(zs[c], W_ref[c], preferred_element_type=jnp.float32)
              + b_ref[c:c + 1, :] for c in range(nc)]
        n = nc * _HID
        tot = sum(jnp.sum(h, axis=1, keepdims=True) for h in hs)
        mean = tot * (1.0 / n)
        tot2 = sum(jnp.sum(h * h, axis=1, keepdims=True) for h in hs)
        var = tot2 * (1.0 / n) - mean * mean
        inv = jax.lax.rsqrt(var + 1e-5)
        outs = []
        for c in range(nc):
            o = (hs[c] - mean) * inv * g_ref[c:c + 1, :] + beta_ref[c:c + 1, :]
            outs.append(jnp.where(o > 0, o, a * o))
        return outs

    xs = [x_ref[:, c, :] for c in range(_NF)]
    hs = proj_layer(xs, W1_ref, b1_ref, g1_ref, be1_ref, a1_ref[0], _NF)
    hs = proj_layer(hs, W2_ref, b2_ref, g2_ref, be2_ref, a2_ref[0], _NF)
    lfs = [lf_ref[:, c, :] for c in range(_NLF)]
    hls = proj_layer(lfs, Wl1_ref, bl1_ref, gl1_ref, bel1_ref, al1_ref[0], _NLF)
    hls = proj_layer(hls, Wl2_ref, bl2_ref, gl2_ref, bel2_ref, al2_ref[0], _NLF)
    zs = hs + hls

    dims = (((1,), (1,)), ((), ()))
    Fs = [jax.lax.dot_general(z, Wq_ref[...], dims,
                              preferred_element_type=jnp.float32) for z in zs]
    Gs = [jax.lax.dot_general(z, Wk_ref[...], dims,
                              preferred_element_type=jnp.float32) for z in zs]
    Vs = [jax.lax.dot_general(z, Wv_ref[...], dims,
                              preferred_element_type=jnp.float32) for z in zs]

    logits = bg_ref[0:1, :]
    for d in range(_C):
        col = jnp.concatenate(
            [jnp.sum(Fs[c] * Gs[d], axis=1, keepdims=True) for c in range(_C)],
            axis=1) * inv_qk
        col = jnp.maximum(col, 0.0)
        m = jnp.max(col, axis=1, keepdims=True)
        e = jnp.exp(col - m)
        beta_d = e * (1.0 / jnp.sum(e, axis=1, keepdims=True))
        acc = jnp.zeros_like(Vs[0])
        for c in range(_C):
            acc = acc + beta_d[:, c:c + 1] * Vs[c]
        o_z = gamma * inv_v * acc + zs[d]
        flat_ref[:, d * _HID:(d + 1) * _HID] = o_z
        logits = logits + jnp.dot(o_z, Wg_ref[d],
                                  preferred_element_type=jnp.float32)

    w_ref[...] = logits.T


def _gate_sc_kernel(logitsT_hbm, w_hbm, buf, wbuf):
    info = plsc.get_sparse_core_info()
    nw = info.num_cores * info.num_subcores
    bpw = _B // nw
    wid = lax.axis_index("s") * info.num_cores + lax.axis_index("c")
    base = wid * bpw
    pltpu.sync_copy(logitsT_hbm, buf)
    for j in range(bpw // 16):
        r = [buf[e, pl.ds(base + 16 * j, 16)] for e in range(_E)]
        m1 = r[0]
        for e in range(1, _E):
            m1 = jnp.maximum(m1, r[e])
        i1 = jnp.where(r[0] == m1, 0.0, float(_E))
        for e in range(1, _E):
            i1 = jnp.minimum(i1, jnp.where(r[e] == m1, float(e), float(_E)))
        rm = [jnp.where(i1 == float(e), -jnp.inf, r[e]) for e in range(_E)]
        m2 = rm[0]
        for e in range(1, _E):
            m2 = jnp.maximum(m2, rm[e])
        i2 = jnp.where(rm[0] == m2, 0.0, float(_E))
        for e in range(1, _E):
            i2 = jnp.minimum(i2, jnp.where(rm[e] == m2, float(e), float(_E)))
        s1 = 1.0 / (1.0 + jnp.exp(m2 - m1))
        s2 = 1.0 - s1
        for e in range(_E):
            w_e = jnp.where(i1 == float(e), s1, 0.0) \
                + jnp.where(i2 == float(e), s2, 0.0)
            wbuf[pl.ds(e * bpw + 16 * j, 16)] = w_e
    for e in range(_E):
        pltpu.sync_copy(wbuf.at[pl.ds(e * bpw, bpw)],
                        w_hbm.at[pl.ds(e * _B + base, bpw)])


def _moe_kernel(flat_ref, w_ref, We_ref, be_ref, out_ref):
    e = pl.program_id(1)

    @pl.when(e == 0)
    def _():
        out_ref[...] = jnp.zeros_like(out_ref)

    idx = jax.lax.broadcasted_iota(jnp.int32, w_ref.shape, 1)
    w_e = jnp.sum(jnp.where(idx == e, w_ref[...], 0.0), axis=1, keepdims=True)
    exp_out = jnp.dot(flat_ref[...], We_ref[0],
                      preferred_element_type=jnp.float32) + be_ref[0]
    out_ref[...] = out_ref[...] + w_e * exp_out


def kernel(x, label_feats, W1, b1, W2, b2, Wl1, bl1, Wl2, bl2,
           ln1_g, ln1_b, ln2_g, ln2_b, lnl1_g, lnl1_b, lnl2_g, lnl2_b,
           a1, a2, al1, al2, Wq, Wk, Wv, gamma, Wg, bg, We, be):
    Wg_r = Wg.reshape(_C, _HID, _E)
    bg_r = bg.reshape(1, _E)

    nblk = _B // _TB
    full = lambda arr: pl.BlockSpec(arr.shape, lambda i: (0,) * arr.ndim)
    smem = pl.BlockSpec(memory_space=pltpu.SMEM)

    flat, logitsT = pl.pallas_call(
        _proj_attn_kernel,
        grid=(nblk,),
        in_specs=[
            pl.BlockSpec((_TB, _NF, _NFEAT), lambda i: (i, 0, 0)),
            pl.BlockSpec((_TB, _NLF, _NCLASS), lambda i: (i, 0, 0)),
            full(W1), full(b1), full(W2), full(b2),
            full(Wl1), full(bl1), full(Wl2), full(bl2),
            full(ln1_g), full(ln1_b), full(ln2_g), full(ln2_b),
            full(lnl1_g), full(lnl1_b), full(lnl2_g), full(lnl2_b),
            full(Wq), full(Wk), full(Wv), full(Wg_r), full(bg_r),
            smem, smem, smem, smem, smem,
        ],
        out_specs=[
            pl.BlockSpec((_TB, _C * _HID), lambda i: (i, 0)),
            pl.BlockSpec((_E, _TB), lambda i: (0, i)),
        ],
        out_shape=[
            jax.ShapeDtypeStruct((_B, _C * _HID), jnp.float32),
            jax.ShapeDtypeStruct((_E, _B), jnp.float32),
        ],
        scratch_shapes=[pltpu.SMEM((2,), jnp.float32)],
        compiler_params=pltpu.CompilerParams(
            dimension_semantics=("arbitrary",),
        ),
    )(x, label_feats, W1, b1, W2, b2, Wl1, bl1, Wl2, bl2,
      ln1_g, ln1_b, ln2_g, ln2_b, lnl1_g, lnl1_b, lnl2_g, lnl2_b,
      Wq, Wk, Wv, Wg_r, bg_r, a1, a2, al1, al2, gamma)

    nsc = plsc.get_sparse_core_info()
    bpw = _B // (nsc.num_cores * nsc.num_subcores)
    gate = pl.kernel(
        _gate_sc_kernel,
        mesh=plsc.VectorSubcoreMesh(core_axis_name="c", subcore_axis_name="s"),
        out_type=jax.ShapeDtypeStruct((_B * _E,), jnp.float32),
        scratch_types=[
            pltpu.VMEM((_E, _B), jnp.float32),
            pltpu.VMEM((bpw * _E,), jnp.float32),
        ],
    )
    w = gate(logitsT).reshape(_E, _B).T

    out = pl.pallas_call(
        _moe_kernel,
        grid=(1, _E),
        in_specs=[
            pl.BlockSpec((_B, _C * _HID), lambda i, e: (0, 0)),
            pl.BlockSpec((_B, _E), lambda i, e: (0, 0)),
            pl.BlockSpec((1, _C * _HID, _HID), lambda i, e: (e, 0, 0)),
            pl.BlockSpec((1, 1, _HID), lambda i, e: (e, 0, 0)),
        ],
        out_specs=pl.BlockSpec((_B, _HID), lambda i, e: (0, 0)),
        out_shape=jax.ShapeDtypeStruct((_B, _HID), jnp.float32),
        compiler_params=pltpu.CompilerParams(
            dimension_semantics=("arbitrary", "arbitrary"),
        ),
    )(flat, w, We, be.reshape(_E, 1, _HID))
    return out

# --- scband reference (transcript-rebuilt; emitter-appended) ---
"""Pipeline reference for scband-se-hgnn-mag-11871289606704 (READ-ONLY COPY).

The authoritative reference and input builder live on the scoring server;
editing this copy changes nothing except your own understanding.
"""

import jax, jax.numpy as jnp
import numpy as np

B, NF, NLF, NFEAT, NCLASS, HID, E, TOPK = 1024, 6, 3, 256, 349, 256, 8, 2
C = NF + NLF

def setup_inputs(seed: int = 0):
    key = jax.random.key(seed)
    ks = jax.random.split(key, 16)
    s = 0.05
    inp = {}
    inp['x'] = jax.random.normal(ks[0], (B, NF, NFEAT), jnp.float32)
    inp['label_feats'] = jax.random.uniform(ks[1], (B, NLF, NCLASS), dtype=jnp.float32)
    inp['W1'] = jax.random.normal(ks[2], (NF, NFEAT, HID), jnp.float32) * s
    inp['b1'] = jnp.zeros((NF, HID), jnp.float32)
    inp['W2'] = jax.random.normal(ks[3], (NF, HID, HID), jnp.float32) * s
    inp['b2'] = jnp.zeros((NF, HID), jnp.float32)
    inp['Wl1'] = jax.random.normal(ks[4], (NLF, NCLASS, HID), jnp.float32) * s
    inp['bl1'] = jnp.zeros((NLF, HID), jnp.float32)
    inp['Wl2'] = jax.random.normal(ks[5], (NLF, HID, HID), jnp.float32) * s
    inp['bl2'] = jnp.zeros((NLF, HID), jnp.float32)
    inp['ln1_g'] = jnp.ones((NF, HID), jnp.float32); inp['ln1_b'] = jnp.zeros((NF, HID), jnp.float32)
    inp['ln2_g'] = jnp.ones((NF, HID), jnp.float32); inp['ln2_b'] = jnp.zeros((NF, HID), jnp.float32)
    inp['lnl1_g'] = jnp.ones((NLF, HID), jnp.float32); inp['lnl1_b'] = jnp.zeros((NLF, HID), jnp.float32)
    inp['lnl2_g'] = jnp.ones((NLF, HID), jnp.float32); inp['lnl2_b'] = jnp.zeros((NLF, HID), jnp.float32)
    inp['a1'] = jnp.full((1,), 0.25, jnp.float32)
    inp['a2'] = jnp.full((1,), 0.25, jnp.float32)
    inp['al1'] = jnp.full((1,), 0.25, jnp.float32)
    inp['al2'] = jnp.full((1,), 0.25, jnp.float32)
    inp['Wq'] = jax.random.normal(ks[6], (HID // 8, HID), jnp.float32) * s
    inp['Wk'] = jax.random.normal(ks[7], (HID // 8, HID), jnp.float32) * s
    inp['Wv'] = jax.random.normal(ks[8], (HID, HID), jnp.float32) * s
    inp['gamma'] = jnp.full((1,), 0.1, jnp.float32)
    inp['Wg'] = jax.random.normal(ks[9], (C * HID, E), jnp.float32) * s
    inp['bg'] = jnp.zeros((E,), jnp.float32)
    inp['We'] = jax.random.normal(ks[10], (E, C * HID, HID), jnp.float32) * (1.0 / np.sqrt(C * HID))
    inp['be'] = jnp.zeros((E, HID), jnp.float32)
    return inp

def _ln2d(x, g, b, eps=1e-5):
    m = jnp.mean(x, axis=(-2, -1), keepdims=True)
    v = jnp.var(x, axis=(-2, -1), keepdims=True)
    return (x - m) / jnp.sqrt(v + eps) * g + b

def _prelu(x, a):
    return jnp.where(x > 0, x, a * x)

def _sn(w):
    # spectral norm: divide by largest singular value (eval-mode behaviour)
    return w / jnp.linalg.norm(w, ord=2)

def reference(x, label_feats, W1, b1, W2, b2, Wl1, bl1, Wl2, bl2, ln1_g, ln1_b, ln2_g, ln2_b, lnl1_g, lnl1_b, lnl2_g, lnl2_b, a1, a2, al1, al2, Wq, Wk, Wv, gamma, Wg, bg, We, be):
    # feat_project_layers1/2: Conv1d1x1 (grouped per-channel linear) + LayerNorm([C, HID]) + PReLU (dropout = identity at eval)
    h = jnp.einsum('bcm,cmn->bcn', x, W1) + b1
    h = _prelu(_ln2d(h, ln1_g, ln1_b), a1)
    h = jnp.einsum('bcm,cmn->bcn', h, W2) + b2
    h = _prelu(_ln2d(h, ln2_g, ln2_b), a2)
    # label_feat_project_layers1/2
    hl = jnp.einsum('bcm,cmn->bcn', label_feats, Wl1) + bl1
    hl = _prelu(_ln2d(hl, lnl1_g, lnl1_b), al1)
    hl = jnp.einsum('bcm,cmn->bcn', hl, Wl2) + bl2
    hl = _prelu(_ln2d(hl, lnl2_g, lnl2_b), al2)
    z = jnp.concatenate([h, hl], axis=1)  # [B, C, HID]
    # semantic_aggr_layers: Transformer over channel axis (n_channels = HID, length = C)
    zt = jnp.swapaxes(z, 1, 2)  # [B, HID, C]
    f = jnp.einsum('oh,bhc->boc', _sn(Wq), zt)
    g = jnp.einsum('oh,bhc->boc', _sn(Wk), zt)
    v = jnp.einsum('oh,bhc->boc', _sn(Wv), zt)
    beta = jax.nn.softmax(jax.nn.relu(jnp.einsum('boc,bod->bcd', f, g)), axis=1)
    o = gamma * jnp.einsum('bhc,bcd->bhd', v, beta) + zt
    flat = jnp.swapaxes(o, 1, 2).reshape(o.shape[0], -1)  # [B, C*HID]
    # concat_project_layer: FMoEMLP with naive gate, top_k=2
    logits = flat @ Wg + bg
    topv, topi = jax.lax.top_k(logits, TOPK)
    score = jax.nn.softmax(topv, axis=-1)
    eout = jnp.einsum('bd,edh->beh', flat, We) + be  # all-expert outputs (dense equivalent of dispatch)
    sel = jnp.take_along_axis(eout, topi[:, :, None], axis=1)
    out = jnp.sum(score[:, :, None] * sel, axis=1)
    return out

if __name__ == "__main__":
    import jax
    _d = setup_inputs()
    print(jax.jit(kernel)(*tuple(_d.values())))

</pallas_src>

<mosaic_0001>
#map = affine_map<(d0, d1) -> (0, 0)>
#map1 = affine_map<(d0, d1) -> (0)>
module attributes {stable_mosaic.version = 14 : i64} {
  func.func @_gate_sc_kernel(%arg0: i32, %arg1: i32, %arg2: memref<8x1024xf32, #tpu.memory_space<hbm>>, %arg3: memref<8192xf32, #tpu.memory_space<hbm>>, %arg4: memref<8x1024xf32, #tpu.memory_space<vmem>>, %arg5: memref<256xf32, #tpu.memory_space<vmem>>) attributes {dimension_semantics = [#tpu.dimension_semantics<core_parallel>, #tpu.dimension_semantics<subcore_parallel>], iteration_bounds = array<i64: 2, 16>, scalar_prefetch = 0 : i64, scratch_operands = 2 : i64, tpu.core_type = #tpu.core_type<sc_vector_subcore>, window_params = [{transform_indices = #map}, {transform_indices = #map1}]} {
    %mul3A = arith.constant 2 : i32
    %mul3A_0 = arith.muli %arg1, %mul3A : i32
    %add3A = arith.addi %mul3A_0, %arg0 : i32
    %mul3A_1 = arith.constant 32 : i32
    %mul3A_2 = arith.muli %add3A, %mul3A_1 : i32
    "tpu.region"() ({
      %run_scoped3A = tpu.sem_alloc : memref<!tpu.dma_semaphore, #tpu.memory_space<semaphore_mem>>
      tpu.enqueue_dma source(%arg2 : memref<8x1024xf32, #tpu.memory_space<hbm>>) target(%arg4 : memref<8x1024xf32, #tpu.memory_space<vmem>>) target_semaphore(%run_scoped3A : memref<!tpu.dma_semaphore, #tpu.memory_space<semaphore_mem>>)
      tpu.wait_dma2 semaphore(%run_scoped3A : memref<!tpu.dma_semaphore, #tpu.memory_space<semaphore_mem>>) src(%arg2 : memref<8x1024xf32, #tpu.memory_space<hbm>>) dst(%arg4 : memref<8x1024xf32, #tpu.memory_space<vmem>>)
      tpu.yield
    }) : () -> ()
    %add3A_3 = arith.constant 0 : i32
    %add3A_4 = arith.addi %mul3A_2, %add3A_3 : i32
    %get3A = arith.constant 0 : i32
    %get3A_5 = arith.index_cast %get3A : i32 to index
    %get3A_6 = arith.index_cast %add3A_4 : i32 to index
    %get3A_7 = tpu.vector_load %arg4[%get3A_5, %get3A_6] {strides = array<i32>} : memref<8x1024xf32, #tpu.memory_space<vmem>>, vector<1x16xf32>,
    %get3A_8 = vector.shape_cast %get3A_7 : vector<1x16xf32> to vector<16xf32>
    %add3A_9 = arith.constant 0 : i32
    %add3A_10 = arith.addi %mul3A_2, %add3A_9 : i32
    %get3A_11 = arith.constant 1 : i32
    %get3A_12 = arith.index_cast %get3A_11 : i32 to index
    %get3A_13 = arith.index_cast %add3A_10 : i32 to index
    %get3A_14 = tpu.vector_load %arg4[%get3A_12, %get3A_13] {strides = array<i32>} : memref<8x1024xf32, #tpu.memory_space<vmem>>, vector<1x16xf32>,
    %get3A_15 = vector.shape_cast %get3A_14 : vector<1x16xf32> to vector<16xf32>
    %add3A_16 = arith.constant 0 : i32
    %add3A_17 = arith.addi %mul3A_2, %add3A_16 : i32
    %get3A_18 = arith.constant 2 : i32
    %get3A_19 = arith.index_cast %get3A_18 : i32 to index
    %get3A_20 = arith.index_cast %add3A_17 : i32 to index
    %get3A_21 = tpu.vector_load %arg4[%get3A_19, %get3A_20] {strides = array<i32>} : memref<8x1024xf32, #tpu.memory_space<vmem>>, vector<1x16xf32>,
    %get3A_22 = vector.shape_cast %get3A_21 : vector<1x16xf32> to vector<16xf32>
    %add3A_23 = arith.constant 0 : i32
    %add3A_24 = arith.addi %mul3A_2, %add3A_23 : i32
    %get3A_25 = arith.constant 3 : i32
    %get3A_26 = arith.index_cast %get3A_25 : i32 to index
    %get3A_27 = arith.index_cast %add3A_24 : i32 to index
    %get3A_28 = tpu.vector_load %arg4[%get3A_26, %get3A_27] {strides = array<i32>} : memref<8x1024xf32, #tpu.memory_space<vmem>>, vector<1x16xf32>,
    %get3A_29 = vector.shape_cast %get3A_28 : vector<1x16xf32> to vector<16xf32>
    %add3A_30 = arith.constant 0 : i32
    %add3A_31 = arith.addi %mul3A_2, %add3A_30 : i32
    %get3A_32 = arith.constant 4 : i32
    %get3A_33 = arith.index_cast %get3A_32 : i32 to index
    %get3A_34 = arith.index_cast %add3A_31 : i32 to index
    %get3A_35 = tpu.vector_load %arg4[%get3A_33, %get3A_34] {strides = array<i32>} : memref<8x1024xf32, #tpu.memory_space<vmem>>, vector<1x16xf32>,
    %get3A_36 = vector.shape_cast %get3A_35 : vector<1x16xf32> to vector<16xf32>
    %add3A_37 = arith.constant 0 : i32
    %add3A_38 = arith.addi %mul3A_2, %add3A_37 : i32
    %get3A_39 = arith.constant 5 : i32
    %get3A_40 = arith.index_cast %get3A_39 : i32 to index
    %get3A_41 = arith.index_cast %add3A_38 : i32 to index
    %get3A_42 = tpu.vector_load %arg4[%get3A_40, %get3A_41] {strides = array<i32>} : memref<8x1024xf32, #tpu.memory_space<vmem>>, vector<1x16xf32>,
    %get3A_43 = vector.shape_cast %get3A_42 : vector<1x16xf32> to vector<16xf32>
    %add3A_44 = arith.constant 0 : i32
    %add3A_45 = arith.addi %mul3A_2, %add3A_44 : i32
    %get3A_46 = arith.constant 6 : i32
    %get3A_47 = arith.index_cast %get3A_46 : i32 to index
    %get3A_48 = arith.index_cast %add3A_45 : i32 to index
    %get3A_49 = tpu.vector_load %arg4[%get3A_47, %get3A_48] {strides = array<i32>} : memref<8x1024xf32, #tpu.memory_space<vmem>>, vector<1x16xf32>,
    %get3A_50 = vector.shape_cast %get3A_49 : vector<1x16xf32> to vector<16xf32>
    %add3A_51 = arith.constant 0 : i32
    %add3A_52 = arith.addi %mul3A_2, %add3A_51 : i32
    %get3A_53 = arith.constant 7 : i32
    %get3A_54 = arith.index_cast %get3A_53 : i32 to index
    %get3A_55 = arith.index_cast %add3A_52 : i32 to index
    %get3A_56 = tpu.vector_load %arg4[%get3A_54, %get3A_55] {strides = array<i32>} : memref<8x1024xf32, #tpu.memory_space<vmem>>, vector<1x16xf32>,
    %get3A_57 = vector.shape_cast %get3A_56 : vector<1x16xf32> to vector<16xf32>
    %max3A = arith.maximumf %get3A_8, %get3A_15 : vector<16xf32>
    %max3A_58 = arith.maximumf %max3A, %get3A_22 : vector<16xf32>
    %max3A_59 = arith.maximumf %max3A_58, %get3A_29 : vector<16xf32>
    %max3A_60 = arith.maximumf %max3A_59, %get3A_36 : vector<16xf32>
    %max3A_61 = arith.maximumf %max3A_60, %get3A_43 : vector<16xf32>
    %max3A_62 = arith.maximumf %max3A_61, %get3A_50 : vector<16xf32>
    %max3A_63 = arith.maximumf %max3A_62, %get3A_57 : vector<16xf32>
    %eq3A = arith.cmpf oeq, %get3A_8, %max3A_63 : vector<16xf32>
    %jit3A = arith.constant 0.000000e+00 : f32
    %jit3A_64 = arith.constant 8.000000e+00 : f32
    %broadcast_in_dim3A = vector.broadcast %jit3A : f32 to vector<16xf32>
    %broadcast_in_dim3A_65 = vector.broadcast %jit3A_64 : f32 to vector<16xf32>
    %select_n3A = arith.select %eq3A, %broadcast_in_dim3A, %broadcast_in_dim3A_65 : vector<16xi1>, vector<16xf32>
    %eq3A_66 = arith.cmpf oeq, %get3A_15, %max3A_63 : vector<16xf32>
    %jit3A_67 = arith.constant 1.000000e+00 : f32
    %jit3A_68 = arith.constant 8.000000e+00 : f32
    %broadcast_in_dim3A_69 = vector.broadcast %jit3A_67 : f32 to vector<16xf32>
    %broadcast_in_dim3A_70 = vector.broadcast %jit3A_68 : f32 to vector<16xf32>
    %select_n3A_71 = arith.select %eq3A_66, %broadcast_in_dim3A_69, %broadcast_in_dim3A_70 : vector<16xi1>, vector<16xf32>
    %min3A = arith.minimumf %select_n3A, %select_n3A_71 : vector<16xf32>
    %eq3A_72 = arith.cmpf oeq, %get3A_22, %max3A_63 : vector<16xf32>
    %jit3A_73 = arith.constant 2.000000e+00 : f32
    %jit3A_74 = arith.constant 8.000000e+00 : f32
    %broadcast_in_dim3A_75 = vector.broadcast %jit3A_73 : f32 to vector<16xf32>
    %broadcast_in_dim3A_76 = vector.broadcast %jit3A_74 : f32 to vector<16xf32>
    %select_n3A_77 = arith.select %eq3A_72, %broadcast_in_dim3A_75, %broadcast_in_dim3A_76 : vector<16xi1>, vector<16xf32>
    %min3A_78 = arith.minimumf %min3A, %select_n3A_77 : vector<16xf32>
    %eq3A_79 = arith.cmpf oeq, %get3A_29, %max3A_63 : vector<16xf32>
    %jit3A_80 = arith.constant 3.000000e+00 : f32
    %jit3A_81 = arith.constant 8.000000e+00 : f32
    %broadcast_in_dim3A_82 = vector.broadcast %jit3A_80 : f32 to vector<16xf32>
    %broadcast_in_dim3A_83 = vector.broadcast %jit3A_81 : f32 to vector<16xf32>
    %select_n3A_84 = arith.select %eq3A_79, %broadcast_in_dim3A_82, %broadcast_in_dim3A_83 : vector<16xi1>, vector<16xf32>
    %min3A_85 = arith.minimumf %min3A_78, %select_n3A_84 : vector<16xf32>
    %eq3A_86 = arith.cmpf oeq, %get3A_36, %max3A_63 : vector<16xf32>
    %jit3A_87 = arith.constant 4.000000e+00 : f32
    %jit3A_88 = arith.constant 8.000000e+00 : f32
    %broadcast_in_dim3A_89 = vector.broadcast %jit3A_87 : f32 to vector<16xf32>
    %broadcast_in_dim3A_90 = vector.broadcast %jit3A_88 : f32 to vector<16xf32>
    %select_n3A_91 = arith.select %eq3A_86, %broadcast_in_dim3A_89, %broadcast_in_dim3A_90 : vector<16xi1>, vector<16xf32>
    %min3A_92 = arith.minimumf %min3A_85, %select_n3A_91 : vector<16xf32>
    %eq3A_93 = arith.cmpf oeq, %get3A_43, %max3A_63 : vector<16xf32>
    %jit3A_94 = arith.constant 5.000000e+00 : f32
    %jit3A_95 = arith.constant 8.000000e+00 : f32
    %broadcast_in_dim3A_96 = vector.broadcast %jit3A_94 : f32 to vector<16xf32>
    %broadcast_in_dim3A_97 = vector.broadcast %jit3A_95 : f32 to vector<16xf32>
    %select_n3A_98 = arith.select %eq3A_93, %broadcast_in_dim3A_96, %broadcast_in_dim3A_97 : vector<16xi1>, vector<16xf32>
    %min3A_99 = arith.minimumf %min3A_92, %select_n3A_98 : vector<16xf32>
    %eq3A_100 = arith.cmpf oeq, %get3A_50, %max3A_63 : vector<16xf32>
    %jit3A_101 = arith.constant 6.000000e+00 : f32
    %jit3A_102 = arith.constant 8.000000e+00 : f32
    %broadcast_in_dim3A_103 = vector.broadcast %jit3A_101 : f32 to vector<16xf32>
    %broadcast_in_dim3A_104 = vector.broadcast %jit3A_102 : f32 to vector<16xf32>
    %select_n3A_105 = arith.select %eq3A_100, %broadcast_in_dim3A_103, %broadcast_in_dim3A_104 : vector<16xi1>, vector<16xf32>
    %min3A_106 = arith.minimumf %min3A_99, %select_n3A_105 : vector<16xf32>
    %eq3A_107 = arith.cmpf oeq, %get3A_57, %max3A_63 : vector<16xf32>
    %jit3A_108 = arith.constant 7.000000e+00 : f32
    %jit3A_109 = arith.constant 8.000000e+00 : f32
    %broadcast_in_dim3A_110 = vector.broadcast %jit3A_108 : f32 to vector<16xf32>
    %broadcast_in_dim3A_111 = vector.broadcast %jit3A_109 : f32 to vector<16xf32>
    %select_n3A_112 = arith.select %eq3A_107, %broadcast_in_dim3A_110, %broadcast_in_dim3A_111 : vector<16xi1>, vector<16xf32>
    %min3A_113 = arith.minimumf %min3A_106, %select_n3A_112 : vector<16xf32>
    %eq3A_114 = arith.constant 0.000000e+00 : f32
    %eq3A_115 = vector.broadcast %eq3A_114 : f32 to vector<16xf32>
    %eq3A_116 = arith.cmpf oeq, %min3A_113, %eq3A_115 : vector<16xf32>
    %jit3A_117 = arith.constant 0xFF800000 : f32
    %broadcast_in_dim3A_118 = vector.broadcast %jit3A_117 : f32 to vector<16xf32>
    %select_n3A_119 = arith.select %eq3A_116, %broadcast_in_dim3A_118, %get3A_8 : vector<16xi1>, vector<16xf32>
    %eq3A_120 = arith.constant 1.000000e+00 : f32
    %eq3A_121 = vector.broadcast %eq3A_120 : f32 to vector<16xf32>
    %eq3A_122 = arith.cmpf oeq, %min3A_113, %eq3A_121 : vector<16xf32>
    %jit3A_123 = arith.constant 0xFF800000 : f32
    %broadcast_in_dim3A_124 = vector.broadcast %jit3A_123 : f32 to vector<16xf32>
    %select_n3A_125 = arith.select %eq3A_122, %broadcast_in_dim3A_124, %get3A_15 : vector<16xi1>, vector<16xf32>
    %eq3A_126 = arith.constant 2.000000e+00 : f32
    %eq3A_127 = vector.broadcast %eq3A_126 : f32 to vector<16xf32>
    %eq3A_128 = arith.cmpf oeq, %min3A_113, %eq3A_127 : vector<16xf32>
    %jit3A_129 = arith.constant 0xFF800000 : f32
    %broadcast_in_dim3A_130 = vector.broadcast %jit3A_129 : f32 to vector<16xf32>
    %select_n3A_131 = arith.select %eq3A_128, %broadcast_in_dim3A_130, %get3A_22 : vector<16xi1>, vector<16xf32>
    %eq3A_132 = arith.constant 3.000000e+00 : f32
    %eq3A_133 = vector.broadcast %eq3A_132 : f32 to vector<16xf32>
    %eq3A_134 = arith.cmpf oeq, %min3A_113, %eq3A_133 : vector<16xf32>
    %jit3A_135 = arith.constant 0xFF800000 : f32
    %broadcast_in_dim3A_136 = vector.broadcast %jit3A_135 : f32 to vector<16xf32>
    %select_n3A_137 = arith.select %eq3A_134, %broadcast_in_dim3A_136, %get3A_29 : vector<16xi1>, vector<16xf32>
    %eq3A_138 = arith.constant 4.000000e+00 : f32
    %eq3A_139 = vector.broadcast %eq3A_138 : f32 to vector<16xf32>
    %eq3A_140 = arith.cmpf oeq, %min3A_113, %eq3A_139 : vector<16xf32>
    %jit3A_141 = arith.constant 0xFF800000 : f32
    %broadcast_in_dim3A_142 = vector.broadcast %jit3A_141 : f32 to vector<16xf32>
    %select_n3A_143 = arith.select %eq3A_140, %broadcast_in_dim3A_142, %get3A_36 : vector<16xi1>, vector<16xf32>
    %eq3A_144 = arith.constant 5.000000e+00 : f32
    %eq3A_145 = vector.broadcast %eq3A_144 : f32 to vector<16xf32>
    %eq3A_146 = arith.cmpf oeq, %min3A_113, %eq3A_145 : vector<16xf32>
    %jit3A_147 = arith.constant 0xFF800000 : f32
    %broadcast_in_dim3A_148 = vector.broadcast %jit3A_147 : f32 to vector<16xf32>
    %select_n3A_149 = arith.select %eq3A_146, %broadcast_in_dim3A_148, %get3A_43 : vector<16xi1>, vector<16xf32>
    %eq3A_150 = arith.constant 6.000000e+00 : f32
    %eq3A_151 = vector.broadcast %eq3A_150 : f32 to vector<16xf32>
    %eq3A_152 = arith.cmpf oeq, %min3A_113, %eq3A_151 : vector<16xf32>
    %jit3A_153 = arith.constant 0xFF800000 : f32
    %broadcast_in_dim3A_154 = vector.broadcast %jit3A_153 : f32 to vector<16xf32>
    %select_n3A_155 = arith.select %eq3A_152, %broadcast_in_dim3A_154, %get3A_50 : vector<16xi1>, vector<16xf32>
    %eq3A_156 = arith.constant 7.000000e+00 : f32
    %eq3A_157 = vector.broadcast %eq3A_156 : f32 to vector<16xf32>
    %eq3A_158 = arith.cmpf oeq, %min3A_113, %eq3A_157 : vector<16xf32>
    %jit3A_159 = arith.constant 0xFF800000 : f32
    %broadcast_in_dim3A_160 = vector.broadcast %jit3A_159 : f32 to vector<16xf32>
    %select_n3A_161 = arith.select %eq3A_158, %broadcast_in_dim3A_160, %get3A_57 : vector<16xi1>, vector<16xf32>
    %max3A_162 = arith.maximumf %select_n3A_119, %select_n3A_125 : vector<16xf32>
    %max3A_163 = arith.maximumf %max3A_162, %select_n3A_131 : vector<16xf32>
    %max3A_164 = arith.maximumf %max3A_163, %select_n3A_137 : vector<16xf32>
    %max3A_165 = arith.maximumf %max3A_164, %select_n3A_143 : vector<16xf32>
    %max3A_166 = arith.maximumf %max3A_165, %select_n3A_149 : vector<16xf32>
    %max3A_167 = arith.maximumf %max3A_166, %select_n3A_155 : vector<16xf32>
    %max3A_168 = arith.maximumf %max3A_167, %select_n3A_161 : vector<16xf32>
    %eq3A_169 = arith.cmpf oeq, %select_n3A_119, %max3A_168 : vector<16xf32>
    %jit3A_170 = arith.constant 0.000000e+00 : f32
    %jit3A_171 = arith.constant 8.000000e+00 : f32
    %broadcast_in_dim3A_172 = vector.broadcast %jit3A_170 : f32 to vector<16xf32>
    %broadcast_in_dim3A_173 = vector.broadcast %jit3A_171 : f32 to vector<16xf32>
    %select_n3A_174 = arith.select %eq3A_169, %broadcast_in_dim3A_172, %broadcast_in_dim3A_173 : vector<16xi1>, vector<16xf32>
    %eq3A_175 = arith.cmpf oeq, %select_n3A_125, %max3A_168 : vector<16xf32>
    %jit3A_176 = arith.constant 1.000000e+00 : f32
    %jit3A_177 = arith.constant 8.000000e+00 : f32
    %broadcast_in_dim3A_178 = vector.broadcast %jit3A_176 : f32 to vector<16xf32>
    %broadcast_in_dim3A_179 = vector.broadcast %jit3A_177 : f32 to vector<16xf32>
    %select_n3A_180 = arith.select %eq3A_175, %broadcast_in_dim3A_178, %broadcast_in_dim3A_179 : vector<16xi1>, vector<16xf32>
    %min3A_181 = arith.minimumf %select_n3A_174, %select_n3A_180 : vector<16xf32>
    %eq3A_182 = arith.cmpf oeq, %select_n3A_131, %max3A_168 : vector<16xf32>
    %jit3A_183 = arith.constant 2.000000e+00 : f32
    %jit3A_184 = arith.constant 8.000000e+00 : f32
    %broadcast_in_dim3A_185 = vector.broadcast %jit3A_183 : f32 to vector<16xf32>
    %broadcast_in_dim3A_186 = vector.broadcast %jit3A_184 : f32 to vector<16xf32>
    %select_n3A_187 = arith.select %eq3A_182, %broadcast_in_dim3A_185, %broadcast_in_dim3A_186 : vector<16xi1>, vector<16xf32>
    %min3A_188 = arith.minimumf %min3A_181, %select_n3A_187 : vector<16xf32>
    %eq3A_189 = arith.cmpf oeq, %select_n3A_137, %max3A_168 : vector<16xf32>
    %jit3A_190 = arith.constant 3.000000e+00 : f32
    %jit3A_191 = arith.constant 8.000000e+00 : f32
    %broadcast_in_dim3A_192 = vector.broadcast %jit3A_190 : f32 to vector<16xf32>
    %broadcast_in_dim3A_193 = vector.broadcast %jit3A_191 : f32 to vector<16xf32>
    %select_n3A_194 = arith.select %eq3A_189, %broadcast_in_dim3A_192, %broadcast_in_dim3A_193 : vector<16xi1>, vector<16xf32>
    %min3A_195 = arith.minimumf %min3A_188, %select_n3A_194 : vector<16xf32>
    %eq3A_196 = arith.cmpf oeq, %select_n3A_143, %max3A_168 : vector<16xf32>
    %jit3A_197 = arith.constant 4.000000e+00 : f32
    %jit3A_198 = arith.constant 8.000000e+00 : f32
    %broadcast_in_dim3A_199 = vector.broadcast %jit3A_197 : f32 to vector<16xf32>
    %broadcast_in_dim3A_200 = vector.broadcast %jit3A_198 : f32 to vector<16xf32>
    %select_n3A_201 = arith.select %eq3A_196, %broadcast_in_dim3A_199, %broadcast_in_dim3A_200 : vector<16xi1>, vector<16xf32>
    %min3A_202 = arith.minimumf %min3A_195, %select_n3A_201 : vector<16xf32>
    %eq3A_203 = arith.cmpf oeq, %select_n3A_149, %max3A_168 : vector<16xf32>
    %jit3A_204 = arith.constant 5.000000e+00 : f32
    %jit3A_205 = arith.constant 8.000000e+00 : f32
    %broadcast_in_dim3A_206 = vector.broadcast %jit3A_204 : f32 to vector<16xf32>
    %broadcast_in_dim3A_207 = vector.broadcast %jit3A_205 : f32 to vector<16xf32>
    %select_n3A_208 = arith.select %eq3A_203, %broadcast_in_dim3A_206, %broadcast_in_dim3A_207 : vector<16xi1>, vector<16xf32>
    %min3A_209 = arith.minimumf %min3A_202, %select_n3A_208 : vector<16xf32>
    %eq3A_210 = arith.cmpf oeq, %select_n3A_155, %max3A_168 : vector<16xf32>
    %jit3A_211 = arith.constant 6.000000e+00 : f32
    %jit3A_212 = arith.constant 8.000000e+00 : f32
    %broadcast_in_dim3A_213 = vector.broadcast %jit3A_211 : f32 to vector<16xf32>
    %broadcast_in_dim3A_214 = vector.broadcast %jit3A_212 : f32 to vector<16xf32>
    %select_n3A_215 = arith.select %eq3A_210, %broadcast_in_dim3A_213, %broadcast_in_dim3A_214 : vector<16xi1>, vector<16xf32>
    %min3A_216 = arith.minimumf %min3A_209, %select_n3A_215 : vector<16xf32>
    %eq3A_217 = arith.cmpf oeq, %select_n3A_161, %max3A_168 : vector<16xf32>
    %jit3A_218 = arith.constant 7.000000e+00 : f32
    %jit3A_219 = arith.constant 8.000000e+00 : f32
    %broadcast_in_dim3A_220 = vector.broadcast %jit3A_218 : f32 to vector<16xf32>
    %broadcast_in_dim3A_221 = vector.broadcast %jit3A_219 : f32 to vector<16xf32>
    %select_n3A_222 = arith.select %eq3A_217, %broadcast_in_dim3A_220, %broadcast_in_dim3A_221 : vector<16xi1>, vector<16xf32>
    %min3A_223 = arith.minimumf %min3A_216, %select_n3A_222 : vector<16xf32>
    %sub3A = arith.subf %max3A_168, %max3A_63 : vector<16xf32>
    %exp3A = math.exp %sub3A : vector<16xf32>
    %add3A_224 = arith.constant 1.000000e+00 : f32
    %add3A_225 = vector.broadcast %add3A_224 : f32 to vector<16xf32>
    %add3A_226 = arith.addf %add3A_225, %exp3A : vector<16xf32>
    %div3A = arith.constant 1.000000e+00 : f32
    %div3A_227 = vector.broadcast %div3A : f32 to vector<16xf32>
    %div3A_228 = arith.divf %div3A_227, %add3A_226 : vector<16xf32>
    %sub3A_229 = arith.constant 1.000000e+00 : f32
    %sub3A_230 = vector.broadcast %sub3A_229 : f32 to vector<16xf32>
    %sub3A_231 = arith.subf %sub3A_230, %div3A_228 : vector<16xf32>
    %eq3A_232 = arith.constant 0.000000e+00 : f32
    %eq3A_233 = vector.broadcast %eq3A_232 : f32 to vector<16xf32>
    %eq3A_234 = arith.cmpf oeq, %min3A_113, %eq3A_233 : vector<16xf32>
    %jit3A_235 = arith.constant 0.000000e+00 : f32
    %broadcast_in_dim3A_236 = vector.broadcast %jit3A_235 : f32 to vector<16xf32>
    %select_n3A_237 = arith.select %eq3A_234, %div3A_228, %broadcast_in_dim3A_236 : vector<16xi1>, vector<16xf32>
    %eq3A_238 = arith.constant 0.000000e+00 : f32
    %eq3A_239 = vector.broadcast %eq3A_238 : f32 to vector<16xf32>
    %eq3A_240 = arith.cmpf oeq, %min3A_223, %eq3A_239 : vector<16xf32>
    %jit3A_241 = arith.constant 0.000000e+00 : f32
    %broadcast_in_dim3A_242 = vector.broadcast %jit3A_241 : f32 to vector<16xf32>
    %select_n3A_243 = arith.select %eq3A_240, %sub3A_231, %broadcast_in_dim3A_242 : vector<16xi1>, vector<16xf32>
    %add3A_244 = arith.addf %select_n3A_237, %select_n3A_243 : vector<16xf32>
    %swap3A = arith.constant 0 : index
    %swap3A_245 = tpu.vector_load %arg5[%swap3A] {strides = array<i32>} : memref<256xf32, #tpu.memory_space<vmem>>, vector<16xf32>,
    %swap3A_246 = vector.shape_cast %swap3A_245 : vector<16xf32> to vector<16xf32>
    %swap3A_247 = vector.shape_cast %add3A_244 : vector<16xf32> to vector<16xf32>
    tpu.vector_store %arg5[%swap3A], %swap3A_247 {strides = array<i32>} : memref<256xf32, #tpu.memory_space<vmem>>, vector<16xf32>,
    %eq3A_248 = arith.constant 1.000000e+00 : f32
    %eq3A_249 = vector.broadcast %eq3A_248 : f32 to vector<16xf32>
    %eq3A_250 = arith.cmpf oeq, %min3A_113, %eq3A_249 : vector<16xf32>
    %jit3A_251 = arith.constant 0.000000e+00 : f32
    %broadcast_in_dim3A_252 = vector.broadcast %jit3A_251 : f32 to vector<16xf32>
    %select_n3A_253 = arith.select %eq3A_250, %div3A_228, %broadcast_in_dim3A_252 : vector<16xi1>, vector<16xf32>
    %eq3A_254 = arith.constant 1.000000e+00 : f32
    %eq3A_255 = vector.broadcast %eq3A_254 : f32 to vector<16xf32>
    %eq3A_256 = arith.cmpf oeq, %min3A_223, %eq3A_255 : vector<16xf32>
    %jit3A_257 = arith.constant 0.000000e+00 : f32
    %broadcast_in_dim3A_258 = vector.broadcast %jit3A_257 : f32 to vector<16xf32>
    %select_n3A_259 = arith.select %eq3A_256, %sub3A_231, %broadcast_in_dim3A_258 : vector<16xi1>, vector<16xf32>
    %add3A_260 = arith.addf %select_n3A_253, %select_n3A_259 : vector<16xf32>
    %swap3A_261 = arith.constant 32 : index
    %swap3A_262 = tpu.vector_load %arg5[%swap3A_261] {strides = array<i32>} : memref<256xf32, #tpu.memory_space<vmem>>, vector<16xf32>,
    %swap3A_263 = vector.shape_cast %swap3A_262 : vector<16xf32> to vector<16xf32>
    %swap3A_264 = vector.shape_cast %add3A_260 : vector<16xf32> to vector<16xf32>
    tpu.vector_store %arg5[%swap3A_261], %swap3A_264 {strides = array<i32>} : memref<256xf32, #tpu.memory_space<vmem>>, vector<16xf32>,
    %eq3A_265 = arith.constant 2.000000e+00 : f32
    %eq3A_266 = vector.broadcast %eq3A_265 : f32 to vector<16xf32>
    %eq3A_267 = arith.cmpf oeq, %min3A_113, %eq3A_266 : vector<16xf32>
    %jit3A_268 = arith.constant 0.000000e+00 : f32
    %broadcast_in_dim3A_269 = vector.broadcast %jit3A_268 : f32 to vector<16xf32>
    %select_n3A_270 = arith.select %eq3A_267, %div3A_228, %broadcast_in_dim3A_269 : vector<16xi1>, vector<16xf32>
    %eq3A_271 = arith.constant 2.000000e+00 : f32
    %eq3A_272 = vector.broadcast %eq3A_271 : f32 to vector<16xf32>
    %eq3A_273 = arith.cmpf oeq, %min3A_223, %eq3A_272 : vector<16xf32>
    %jit3A_274 = arith.constant 0.000000e+00 : f32
    %broadcast_in_dim3A_275 = vector.broadcast %jit3A_274 : f32 to vector<16xf32>
    %select_n3A_276 = arith.select %eq3A_273, %sub3A_231, %broadcast_in_dim3A_275 : vector<16xi1>, vector<16xf32>
    %add3A_277 = arith.addf %select_n3A_270, %select_n3A_276 : vector<16xf32>
    %swap3A_278 = arith.constant 64 : index
    %swap3A_279 = tpu.vector_load %arg5[%swap3A_278] {strides = array<i32>} : memref<256xf32, #tpu.memory_space<vmem>>, vector<16xf32>,
    %swap3A_280 = vector.shape_cast %swap3A_279 : vector<16xf32> to vector<16xf32>
    %swap3A_281 = vector.shape_cast %add3A_277 : vector<16xf32> to vector<16xf32>
    tpu.vector_store %arg5[%swap3A_278], %swap3A_281 {strides = array<i32>} : memref<256xf32, #tpu.memory_space<vmem>>, vector<16xf32>,
    %eq3A_282 = arith.constant 3.000000e+00 : f32
    %eq3A_283 = vector.broadcast %eq3A_282 : f32 to vector<16xf32>
    %eq3A_284 = arith.cmpf oeq, %min3A_113, %eq3A_283 : vector<16xf32>
    %jit3A_285 = arith.constant 0.000000e+00 : f32
    %broadcast_in_dim3A_286 = vector.broadcast %jit3A_285 : f32 to vector<16xf32>
    %select_n3A_287 = arith.select %eq3A_284, %div3A_228, %broadcast_in_dim3A_286 : vector<16xi1>, vector<16xf32>
    %eq3A_288 = arith.constant 3.000000e+00 : f32
    %eq3A_289 = vector.broadcast %eq3A_288 : f32 to vector<16xf32>
    %eq3A_290 = arith.cmpf oeq, %min3A_223, %eq3A_289 : vector<16xf32>
    %jit3A_291 = arith.constant 0.000000e+00 : f32
    %broadcast_in_dim3A_292 = vector.broadcast %jit3A_291 : f32 to vector<16xf32>
    %select_n3A_293 = arith.select %eq3A_290, %sub3A_231, %broadcast_in_dim3A_292 : vector<16xi1>, vector<16xf32>
    %add3A_294 = arith.addf %select_n3A_287, %select_n3A_293 : vector<16xf32>
    %swap3A_295 = arith.constant 96 : index
    %swap3A_296 = tpu.vector_load %arg5[%swap3A_295] {strides = array<i32>} : memref<256xf32, #tpu.memory_space<vmem>>, vector<16xf32>,
    %swap3A_297 = vector.shape_cast %swap3A_296 : vector<16xf32> to vector<16xf32>
    %swap3A_298 = vector.shape_cast %add3A_294 : vector<16xf32> to vector<16xf32>
    tpu.vector_store %arg5[%swap3A_295], %swap3A_298 {strides = array<i32>} : memref<256xf32, #tpu.memory_space<vmem>>, vector<16xf32>,
    %eq3A_299 = arith.constant 4.000000e+00 : f32
    %eq3A_300 = vector.broadcast %eq3A_299 : f32 to vector<16xf32>
    %eq3A_301 = arith.cmpf oeq, %min3A_113, %eq3A_300 : vector<16xf32>
    %jit3A_302 = arith.constant 0.000000e+00 : f32
    %broadcast_in_dim3A_303 = vector.broadcast %jit3A_302 : f32 to vector<16xf32>
    %select_n3A_304 = arith.select %eq3A_301, %div3A_228, %broadcast_in_dim3A_303 : vector<16xi1>, vector<16xf32>
    %eq3A_305 = arith.constant 4.000000e+00 : f32
    %eq3A_306 = vector.broadcast %eq3A_305 : f32 to vector<16xf32>
    %eq3A_307 = arith.cmpf oeq, %min3A_223, %eq3A_306 : vector<16xf32>
    %jit3A_308 = arith.constant 0.000000e+00 : f32
    %broadcast_in_dim3A_309 = vector.broadcast %jit3A_308 : f32 to vector<16xf32>
    %select_n3A_310 = arith.select %eq3A_307, %sub3A_231, %broadcast_in_dim3A_309 : vector<16xi1>, vector<16xf32>
    %add3A_311 = arith.addf %select_n3A_304, %select_n3A_310 : vector<16xf32>
    %swap3A_312 = arith.constant 128 : index
    %swap3A_313 = tpu.vector_load %arg5[%swap3A_312] {strides = array<i32>} : memref<256xf32, #tpu.memory_space<vmem>>, vector<16xf32>,
    %swap3A_314 = vector.shape_cast %swap3A_313 : vector<16xf32> to vector<16xf32>
    %swap3A_315 = vector.shape_cast %add3A_311 : vector<16xf32> to vector<16xf32>
    tpu.vector_store %arg5[%swap3A_312], %swap3A_315 {strides = array<i32>} : memref<256xf32, #tpu.memory_space<vmem>>, vector<16xf32>,
    %eq3A_316 = arith.constant 5.000000e+00 : f32
    %eq3A_317 = vector.broadcast %eq3A_316 : f32 to vector<16xf32>
    %eq3A_318 = arith.cmpf oeq, %min3A_113, %eq3A_317 : vector<16xf32>
    %jit3A_319 = arith.constant 0.000000e+00 : f32
    %broadcast_in_dim3A_320 = vector.broadcast %jit3A_319 : f32 to vector<16xf32>
    %select_n3A_321 = arith.select %eq3A_318, %div3A_228, %broadcast_in_dim3A_320 : vector<16xi1>, vector<16xf32>
    %eq3A_322 = arith.constant 5.000000e+00 : f32
    %eq3A_323 = vector.broadcast %eq3A_322 : f32 to vector<16xf32>
    %eq3A_324 = arith.cmpf oeq, %min3A_223, %eq3A_323 : vector<16xf32>
    %jit3A_325 = arith.constant 0.000000e+00 : f32
    %broadcast_in_dim3A_326 = vector.broadcast %jit3A_325 : f32 to vector<16xf32>
    %select_n3A_327 = arith.select %eq3A_324, %sub3A_231, %broadcast_in_dim3A_326 : vector<16xi1>, vector<16xf32>
    %add3A_328 = arith.addf %select_n3A_321, %select_n3A_327 : vector<16xf32>
    %swap3A_329 = arith.constant 160 : index
    %swap3A_330 = tpu.vector_load %arg5[%swap3A_329] {strides = array<i32>} : memref<256xf32, #tpu.memory_space<vmem>>, vector<16xf32>,
    %swap3A_331 = vector.shape_cast %swap3A_330 : vector<16xf32> to vector<16xf32>
    %swap3A_332 = vector.shape_cast %add3A_328 : vector<16xf32> to vector<16xf32>
    tpu.vector_store %arg5[%swap3A_329], %swap3A_332 {strides = array<i32>} : memref<256xf32, #tpu.memory_space<vmem>>, vector<16xf32>,
    %eq3A_333 = arith.constant 6.000000e+00 : f32
    %eq3A_334 = vector.broadcast %eq3A_333 : f32 to vector<16xf32>
    %eq3A_335 = arith.cmpf oeq, %min3A_113, %eq3A_334 : vector<16xf32>
    %jit3A_336 = arith.constant 0.000000e+00 : f32
    %broadcast_in_dim3A_337 = vector.broadcast %jit3A_336 : f32 to vector<16xf32>
    %select_n3A_338 = arith.select %eq3A_335, %div3A_228, %broadcast_in_dim3A_337 : vector<16xi1>, vector<16xf32>
    %eq3A_339 = arith.constant 6.000000e+00 : f32
    %eq3A_340 = vector.broadcast %eq3A_339 : f32 to vector<16xf32>
    %eq3A_341 = arith.cmpf oeq, %min3A_223, %eq3A_340 : vector<16xf32>
    %jit3A_342 = arith.constant 0.000000e+00 : f32
    %broadcast_in_dim3A_343 = vector.broadcast %jit3A_342 : f32 to vector<16xf32>
    %select_n3A_344 = arith.select %eq3A_341, %sub3A_231, %broadcast_in_dim3A_343 : vector<16xi1>, vector<16xf32>
    %add3A_345 = arith.addf %select_n3A_338, %select_n3A_344 : vector<16xf32>
    %swap3A_346 = arith.constant 192 : index
    %swap3A_347 = tpu.vector_load %arg5[%swap3A_346] {strides = array<i32>} : memref<256xf32, #tpu.memory_space<vmem>>, vector<16xf32>,
    %swap3A_348 = vector.shape_cast %swap3A_347 : vector<16xf32> to vector<16xf32>
    %swap3A_349 = vector.shape_cast %add3A_345 : vector<16xf32> to vector<16xf32>
    tpu.vector_store %arg5[%swap3A_346], %swap3A_349 {strides = array<i32>} : memref<256xf32, #tpu.memory_space<vmem>>, vector<16xf32>,
    %eq3A_350 = arith.constant 7.000000e+00 : f32
    %eq3A_351 = vector.broadcast %eq3A_350 : f32 to vector<16xf32>
    %eq3A_352 = arith.cmpf oeq, %min3A_113, %eq3A_351 : vector<16xf32>
    %jit3A_353 = arith.constant 0.000000e+00 : f32
    %broadcast_in_dim3A_354 = vector.broadcast %jit3A_353 : f32 to vector<16xf32>
    %select_n3A_355 = arith.select %eq3A_352, %div3A_228, %broadcast_in_dim3A_354 : vector<16xi1>, vector<16xf32>
    %eq3A_356 = arith.constant 7.000000e+00 : f32
    %eq3A_357 = vector.broadcast %eq3A_356 : f32 to vector<16xf32>
    %eq3A_358 = arith.cmpf oeq, %min3A_223, %eq3A_357 : vector<16xf32>
    %jit3A_359 = arith.constant 0.000000e+00 : f32
    %broadcast_in_dim3A_360 = vector.broadcast %jit3A_359 : f32 to vector<16xf32>
    %select_n3A_361 = arith.select %eq3A_358, %sub3A_231, %broadcast_in_dim3A_360 : vector<16xi1>, vector<16xf32>
    %add3A_362 = arith.addf %select_n3A_355, %select_n3A_361 : vector<16xf32>
    %swap3A_363 = arith.constant 224 : index
    %swap3A_364 = tpu.vector_load %arg5[%swap3A_363] {strides = array<i32>} : memref<256xf32, #tpu.memory_space<vmem>>, vector<16xf32>,
    %swap3A_365 = vector.shape_cast %swap3A_364 : vector<16xf32> to vector<16xf32>
    %swap3A_366 = vector.shape_cast %add3A_362 : vector<16xf32> to vector<16xf32>
    tpu.vector_store %arg5[%swap3A_363], %swap3A_366 {strides = array<i32>} : memref<256xf32, #tpu.memory_space<vmem>>, vector<16xf32>,
    %add3A_367 = arith.constant 16 : i32
    %add3A_368 = arith.addi %mul3A_2, %add3A_367 : i32
    %get3A_369 = arith.constant 0 : i32
    %get3A_370 = arith.index_cast %get3A_369 : i32 to index
    %get3A_371 = arith.index_cast %add3A_368 : i32 to index
    %get3A_372 = tpu.vector_load %arg4[%get3A_370, %get3A_371] {strides = array<i32>} : memref<8x1024xf32, #tpu.memory_space<vmem>>, vector<1x16xf32>,
    %get3A_373 = vector.shape_cast %get3A_372 : vector<1x16xf32> to vector<16xf32>
    %add3A_374 = arith.constant 16 : i32
    %add3A_375 = arith.addi %mul3A_2, %add3A_374 : i32
    %get3A_376 = arith.constant 1 : i32
    %get3A_377 = arith.index_cast %get3A_376 : i32 to index
    %get3A_378 = arith.index_cast %add3A_375 : i32 to index
    %get3A_379 = tpu.vector_load %arg4[%get3A_377, %get3A_378] {strides = array<i32>} : memref<8x1024xf32, #tpu.memory_space<vmem>>, vector<1x16xf32>,
    %get3A_380 = vector.shape_cast %get3A_379 : vector<1x16xf32> to vector<16xf32>
    %add3A_381 = arith.constant 16 : i32
    %add3A_382 = arith.addi %mul3A_2, %add3A_381 : i32
    %get3A_383 = arith.constant 2 : i32
    %get3A_384 = arith.index_cast %get3A_383 : i32 to index
    %get3A_385 = arith.index_cast %add3A_382 : i32 to index
    %get3A_386 = tpu.vector_load %arg4[%get3A_384, %get3A_385] {strides = array<i32>} : memref<8x1024xf32, #tpu.memory_space<vmem>>, vector<1x16xf32>,
    %get3A_387 = vector.shape_cast %get3A_386 : vector<1x16xf32> to vector<16xf32>
    %add3A_388 = arith.constant 16 : i32
    %add3A_389 = arith.addi %mul3A_2, %add3A_388 : i32
    %get3A_390 = arith.constant 3 : i32
    %get3A_391 = arith.index_cast %get3A_390 : i32 to index
    %get3A_392 = arith.index_cast %add3A_389 : i32 to index
    %get3A_393 = tpu.vector_load %arg4[%get3A_391, %get3A_392] {strides = array<i32>} : memref<8x1024xf32, #tpu.memory_space<vmem>>, vector<1x16xf32>,
    %get3A_394 = vector.shape_cast %get3A_393 : vector<1x16xf32> to vector<16xf32>
    %add3A_395 = arith.constant 16 : i32
    %add3A_396 = arith.addi %mul3A_2, %add3A_395 : i32
    %get3A_397 = arith.constant 4 : i32
    %get3A_398 = arith.index_cast %get3A_397 : i32 to index
    %get3A_399 = arith.index_cast %add3A_396 : i32 to index
    %get3A_400 = tpu.vector_load %arg4[%get3A_398, %get3A_399] {strides = array<i32>} : memref<8x1024xf32, #tpu.memory_space<vmem>>, vector<1x16xf32>,
    %get3A_401 = vector.shape_cast %get3A_400 : vector<1x16xf32> to vector<16xf32>
    %add3A_402 = arith.constant 16 : i32
    %add3A_403 = arith.addi %mul3A_2, %add3A_402 : i32
    %get3A_404 = arith.constant 5 : i32
    %get3A_405 = arith.index_cast %get3A_404 : i32 to index
    %get3A_406 = arith.index_cast %add3A_403 : i32 to index
    %get3A_407 = tpu.vector_load %arg4[%get3A_405, %get3A_406] {strides = array<i32>} : memref<8x1024xf32, #tpu.memory_space<vmem>>, vector<1x16xf32>,
    %get3A_408 = vector.shape_cast %get3A_407 : vector<1x16xf32> to vector<16xf32>
    %add3A_409 = arith.constant 16 : i32
    %add3A_410 = arith.addi %mul3A_2, %add3A_409 : i32
    %get3A_411 = arith.constant 6 : i32
    %get3A_412 = arith.index_cast %get3A_411 : i32 to index
    %get3A_413 = arith.index_cast %add3A_410 : i32 to index
    %get3A_414 = tpu.vector_load %arg4[%get3A_412, %get3A_413] {strides = array<i32>} : memref<8x1024xf32, #tpu.memory_space<vmem>>, vector<1x16xf32>,
    %get3A_415 = vector.shape_cast %get3A_414 : vector<1x16xf32> to vector<16xf32>
    %add3A_416 = arith.constant 16 : i32
    %add3A_417 = arith.addi %mul3A_2, %add3A_416 : i32
    %get3A_418 = arith.constant 7 : i32
    %get3A_419 = arith.index_cast %get3A_418 : i32 to index
    %get3A_420 = arith.index_cast %add3A_417 : i32 to index
    %get3A_421 = tpu.vector_load %arg4[%get3A_419, %get3A_420] {strides = array<i32>} : memref<8x1024xf32, #tpu.memory_space<vmem>>, vector<1x16xf32>,
    %get3A_422 = vector.shape_cast %get3A_421 : vector<1x16xf32> to vector<16xf32>
    %max3A_423 = arith.maximumf %get3A_373, %get3A_380 : vector<16xf32>
    %max3A_424 = arith.maximumf %max3A_423, %get3A_387 : vector<16xf32>
    %max3A_425 = arith.maximumf %max3A_424, %get3A_394 : vector<16xf32>
    %max3A_426 = arith.maximumf %max3A_425, %get3A_401 : vector<16xf32>
    %max3A_427 = arith.maximumf %max3A_426, %get3A_408 : vector<16xf32>
    %max3A_428 = arith.maximumf %max3A_427, %get3A_415 : vector<16xf32>
    %max3A_429 = arith.maximumf %max3A_428, %get3A_422 : vector<16xf32>
    %eq3A_430 = arith.cmpf oeq, %get3A_373, %max3A_429 : vector<16xf32>
    %jit3A_431 = arith.constant 0.000000e+00 : f32
    %jit3A_432 = arith.constant 8.000000e+00 : f32
    %broadcast_in_dim3A_433 = vector.broadcast %jit3A_431 : f32 to vector<16xf32>
    %broadcast_in_dim3A_434 = vector.broadcast %jit3A_432 : f32 to vector<16xf32>
    %select_n3A_435 = arith.select %eq3A_430, %broadcast_in_dim3A_433, %broadcast_in_dim3A_434 : vector<16xi1>, vector<16xf32>
    %eq3A_436 = arith.cmpf oeq, %get3A_380, %max3A_429 : vector<16xf32>
    %jit3A_437 = arith.constant 1.000000e+00 : f32
    %jit3A_438 = arith.constant 8.000000e+00 : f32
    %broadcast_in_dim3A_439 = vector.broadcast %jit3A_437 : f32 to vector<16xf32>
    %broadcast_in_dim3A_440 = vector.broadcast %jit3A_438 : f32 to vector<16xf32>
    %select_n3A_441 = arith.select %eq3A_436, %broadcast_in_dim3A_439, %broadcast_in_dim3A_440 : vector<16xi1>, vector<16xf32>
    %min3A_442 = arith.minimumf %select_n3A_435, %select_n3A_441 : vector<16xf32>
    %eq3A_443 = arith.cmpf oeq, %get3A_387, %max3A_429 : vector<16xf32>
    %jit3A_444 = arith.constant 2.000000e+00 : f32
    %jit3A_445 = arith.constant 8.000000e+00 : f32
    %broadcast_in_dim3A_446 = vector.broadcast %jit3A_444 : f32 to vector<16xf32>
    %broadcast_in_dim3A_447 = vector.broadcast %jit3A_445 : f32 to vector<16xf32>
    %select_n3A_448 = arith.select %eq3A_443, %broadcast_in_dim3A_446, %broadcast_in_dim3A_447 : vector<16xi1>, vector<16xf32>
    %min3A_449 = arith.minimumf %min3A_442, %select_n3A_448 : vector<16xf32>
    %eq3A_450 = arith.cmpf oeq, %get3A_394, %max3A_429 : vector<16xf32>
    %jit3A_451 = arith.constant 3.000000e+00 : f32
    %jit3A_452 = arith.constant 8.000000e+00 : f32
    %broadcast_in_dim3A_453 = vector.broadcast %jit3A_451 : f32 to vector<16xf32>
    %broadcast_in_dim3A_454 = vector.broadcast %jit3A_452 : f32 to vector<16xf32>
    %select_n3A_455 = arith.select %eq3A_450, %broadcast_in_dim3A_453, %broadcast_in_dim3A_454 : vector<16xi1>, vector<16xf32>
    %min3A_456 = arith.minimumf %min3A_449, %select_n3A_455 : vector<16xf32>
    %eq3A_457 = arith.cmpf oeq, %get3A_401, %max3A_429 : vector<16xf32>
    %jit3A_458 = arith.constant 4.000000e+00 : f32
    %jit3A_459 = arith.constant 8.000000e+00 : f32
    %broadcast_in_dim3A_460 = vector.broadcast %jit3A_458 : f32 to vector<16xf32>
    %broadcast_in_dim3A_461 = vector.broadcast %jit3A_459 : f32 to vector<16xf32>
    %select_n3A_462 = arith.select %eq3A_457, %broadcast_in_dim3A_460, %broadcast_in_dim3A_461 : vector<16xi1>, vector<16xf32>
    %min3A_463 = arith.minimumf %min3A_456, %select_n3A_462 : vector<16xf32>
    %eq3A_464 = arith.cmpf oeq, %get3A_408, %max3A_429 : vector<16xf32>
    %jit3A_465 = arith.constant 5.000000e+00 : f32
    %jit3A_466 = arith.constant 8.000000e+00 : f32
    %broadcast_in_dim3A_467 = vector.broadcast %jit3A_465 : f32 to vector<16xf32>
    %broadcast_in_dim3A_468 = vector.broadcast %jit3A_466 : f32 to vector<16xf32>
    %select_n3A_469 = arith.select %eq3A_464, %broadcast_in_dim3A_467, %broadcast_in_dim3A_468 : vector<16xi1>, vector<16xf32>
    %min3A_470 = arith.minimumf %min3A_463, %select_n3A_469 : vector<16xf32>
    %eq3A_471 = arith.cmpf oeq, %get3A_415, %max3A_429 : vector<16xf32>
    %jit3A_472 = arith.constant 6.000000e+00 : f32
    %jit3A_473 = arith.constant 8.000000e+00 : f32
    %broadcast_in_dim3A_474 = vector.broadcast %jit3A_472 : f32 to vector<16xf32>
    %broadcast_in_dim3A_475 = vector.broadcast %jit3A_473 : f32 to vector<16xf32>
    %select_n3A_476 = arith.select %eq3A_471, %broadcast_in_dim3A_474, %broadcast_in_dim3A_475 : vector<16xi1>, vector<16xf32>
    %min3A_477 = arith.minimumf %min3A_470, %select_n3A_476 : vector<16xf32>
    %eq3A_478 = arith.cmpf oeq, %get3A_422, %max3A_429 : vector<16xf32>
    %jit3A_479 = arith.constant 7.000000e+00 : f32
    %jit3A_480 = arith.constant 8.000000e+00 : f32
    %broadcast_in_dim3A_481 = vector.broadcast %jit3A_479 : f32 to vector<16xf32>
    %broadcast_in_dim3A_482 = vector.broadcast %jit3A_480 : f32 to vector<16xf32>
    %select_n3A_483 = arith.select %eq3A_478, %broadcast_in_dim3A_481, %broadcast_in_dim3A_482 : vector<16xi1>, vector<16xf32>
    %min3A_484 = arith.minimumf %min3A_477, %select_n3A_483 : vector<16xf32>
    %eq3A_485 = arith.constant 0.000000e+00 : f32
    %eq3A_486 = vector.broadcast %eq3A_485 : f32 to vector<16xf32>
    %eq3A_487 = arith.cmpf oeq, %min3A_484, %eq3A_486 : vector<16xf32>
    %jit3A_488 = arith.constant 0xFF800000 : f32
    %broadcast_in_dim3A_489 = vector.broadcast %jit3A_488 : f32 to vector<16xf32>
    %select_n3A_490 = arith.select %eq3A_487, %broadcast_in_dim3A_489, %get3A_373 : vector<16xi1>, vector<16xf32>
    %eq3A_491 = arith.constant 1.000000e+00 : f32
    %eq3A_492 = vector.broadcast %eq3A_491 : f32 to vector<16xf32>
    %eq3A_493 = arith.cmpf oeq, %min3A_484, %eq3A_492 : vector<16xf32>
    %jit3A_494 = arith.constant 0xFF800000 : f32
    %broadcast_in_dim3A_495 = vector.broadcast %jit3A_494 : f32 to vector<16xf32>
    %select_n3A_496 = arith.select %eq3A_493, %broadcast_in_dim3A_495, %get3A_380 : vector<16xi1>, vector<16xf32>
    %eq3A_497 = arith.constant 2.000000e+00 : f32
    %eq3A_498 = vector.broadcast %eq3A_497 : f32 to vector<16xf32>
    %eq3A_499 = arith.cmpf oeq, %min3A_484, %eq3A_498 : vector<16xf32>
    %jit3A_500 = arith.constant 0xFF800000 : f32
    %broadcast_in_dim3A_501 = vector.broadcast %jit3A_500 : f32 to vector<16xf32>
    %select_n3A_502 = arith.select %eq3A_499, %broadcast_in_dim3A_501, %get3A_387 : vector<16xi1>, vector<16xf32>
    %eq3A_503 = arith.constant 3.000000e+00 : f32
    %eq3A_504 = vector.broadcast %eq3A_503 : f32 to vector<16xf32>
    %eq3A_505 = arith.cmpf oeq, %min3A_484, %eq3A_504 : vector<16xf32>
    %jit3A_506 = arith.constant 0xFF800000 : f32
    %broadcast_in_dim3A_507 = vector.broadcast %jit3A_506 : f32 to vector<16xf32>
    %select_n3A_508 = arith.select %eq3A_505, %broadcast_in_dim3A_507, %get3A_394 : vector<16xi1>, vector<16xf32>
    %eq3A_509 = arith.constant 4.000000e+00 : f32
    %eq3A_510 = vector.broadcast %eq3A_509 : f32 to vector<16xf32>
    %eq3A_511 = arith.cmpf oeq, %min3A_484, %eq3A_510 : vector<16xf32>
    %jit3A_512 = arith.constant 0xFF800000 : f32
    %broadcast_in_dim3A_513 = vector.broadcast %jit3A_512 : f32 to vector<16xf32>
    %select_n3A_514 = arith.select %eq3A_511, %broadcast_in_dim3A_513, %get3A_401 : vector<16xi1>, vector<16xf32>
    %eq3A_515 = arith.constant 5.000000e+00 : f32
    %eq3A_516 = vector.broadcast %eq3A_515 : f32 to vector<16xf32>
    %eq3A_517 = arith.cmpf oeq, %min3A_484, %eq3A_516 : vector<16xf32>
    %jit3A_518 = arith.constant 0xFF800000 : f32
    %broadcast_in_dim3A_519 = vector.broadcast %jit3A_518 : f32 to vector<16xf32>
    %select_n3A_520 = arith.select %eq3A_517, %broadcast_in_dim3A_519, %get3A_408 : vector<16xi1>, vector<16xf32>
    %eq3A_521 = arith.constant 6.000000e+00 : f32
    %eq3A_522 = vector.broadcast %eq3A_521 : f32 to vector<16xf32>
    %eq3A_523 = arith.cmpf oeq, %min3A_484, %eq3A_522 : vector<16xf32>
    %jit3A_524 = arith.constant 0xFF800000 : f32
    %broadcast_in_dim3A_525 = vector.broadcast %jit3A_524 : f32 to vector<16xf32>
    %select_n3A_526 = arith.select %eq3A_523, %broadcast_in_dim3A_525, %get3A_415 : vector<16xi1>, vector<16xf32>
    %eq3A_527 = arith.constant 7.000000e+00 : f32
    %eq3A_528 = vector.broadcast %eq3A_527 : f32 to vector<16xf32>
    %eq3A_529 = arith.cmpf oeq, %min3A_484, %eq3A_528 : vector<16xf32>
    %jit3A_530 = arith.constant 0xFF800000 : f32
    %broadcast_in_dim3A_531 = vector.broadcast %jit3A_530 : f32 to vector<16xf32>
    %select_n3A_532 = arith.select %eq3A_529, %broadcast_in_dim3A_531, %get3A_422 : vector<16xi1>, vector<16xf32>
    %max3A_533 = arith.maximumf %select_n3A_490, %select_n3A_496 : vector<16xf32>
    %max3A_534 = arith.maximumf %max3A_533, %select_n3A_502 : vector<16xf32>
    %max3A_535 = arith.maximumf %max3A_534, %select_n3A_508 : vector<16xf32>
    %max3A_536 = arith.maximumf %max3A_535, %select_n3A_514 : vector<16xf32>
    %max3A_537 = arith.maximumf %max3A_536, %select_n3A_520 : vector<16xf32>
    %max3A_538 = arith.maximumf %max3A_537, %select_n3A_526 : vector<16xf32>
    %max3A_539 = arith.maximumf %max3A_538, %select_n3A_532 : vector<16xf32>
    %eq3A_540 = arith.cmpf oeq, %select_n3A_490, %max3A_539 : vector<16xf32>
    %jit3A_541 = arith.constant 0.000000e+00 : f32
    %jit3A_542 = arith.constant 8.000000e+00 : f32
    %broadcast_in_dim3A_543 = vector.broadcast %jit3A_541 : f32 to vector<16xf32>
    %broadcast_in_dim3A_544 = vector.broadcast %jit3A_542 : f32 to vector<16xf32>
    %select_n3A_545 = arith.select %eq3A_540, %broadcast_in_dim3A_543, %broadcast_in_dim3A_544 : vector<16xi1>, vector<16xf32>
    %eq3A_546 = arith.cmpf oeq, %select_n3A_496, %max3A_539 : vector<16xf32>
    %jit3A_547 = arith.constant 1.000000e+00 : f32
    %jit3A_548 = arith.constant 8.000000e+00 : f32
    %broadcast_in_dim3A_549 = vector.broadcast %jit3A_547 : f32 to vector<16xf32>
    %broadcast_in_dim3A_550 = vector.broadcast %jit3A_548 : f32 to vector<16xf32>
    %select_n3A_551 = arith.select %eq3A_546, %broadcast_in_dim3A_549, %broadcast_in_dim3A_550 : vector<16xi1>, vector<16xf32>
    %min3A_552 = arith.minimumf %select_n3A_545, %select_n3A_551 : vector<16xf32>
    %eq3A_553 = arith.cmpf oeq, %select_n3A_502, %max3A_539 : vector<16xf32>
    %jit3A_554 = arith.constant 2.000000e+00 : f32
    %jit3A_555 = arith.constant 8.000000e+00 : f32
    %broadcast_in_dim3A_556 = vector.broadcast %jit3A_554 : f32 to vector<16xf32>
    %broadcast_in_dim3A_557 = vector.broadcast %jit3A_555 : f32 to vector<16xf32>
    %select_n3A_558 = arith.select %eq3A_553, %broadcast_in_dim3A_556, %broadcast_in_dim3A_557 : vector<16xi1>, vector<16xf32>
    %min3A_559 = arith.minimumf %min3A_552, %select_n3A_558 : vector<16xf32>
    %eq3A_560 = arith.cmpf oeq, %select_n3A_508, %max3A_539 : vector<16xf32>
    %jit3A_561 = arith.constant 3.000000e+00 : f32
    %jit3A_562 = arith.constant 8.000000e+00 : f32
    %broadcast_in_dim3A_563 = vector.broadcast %jit3A_561 : f32 to vector<16xf32>
    %broadcast_in_dim3A_564 = vector.broadcast %jit3A_562 : f32 to vector<16xf32>
    %select_n3A_565 = arith.select %eq3A_560, %broadcast_in_dim3A_563, %broadcast_in_dim3A_564 : vector<16xi1>, vector<16xf32>
    %min3A_566 = arith.minimumf %min3A_559, %select_n3A_565 : vector<16xf32>
    %eq3A_567 = arith.cmpf oeq, %select_n3A_514, %max3A_539 : vector<16xf32>
    %jit3A_568 = arith.constant 4.000000e+00 : f32
    %jit3A_569 = arith.constant 8.000000e+00 : f32
    %broadcast_in_dim3A_570 = vector.broadcast %jit3A_568 : f32 to vector<16xf32>
    %broadcast_in_dim3A_571 = vector.broadcast %jit3A_569 : f32 to vector<16xf32>
    %select_n3A_572 = arith.select %eq3A_567, %broadcast_in_dim3A_570, %broadcast_in_dim3A_571 : vector<16xi1>, vector<16xf32>
    %min3A_573 = arith.minimumf %min3A_566, %select_n3A_572 : vector<16xf32>
    %eq3A_574 = arith.cmpf oeq, %select_n3A_520, %max3A_539 : vector<16xf32>
    %jit3A_575 = arith.constant 5.000000e+00 : f32
    %jit3A_576 = arith.constant 8.000000e+00 : f32
    %broadcast_in_dim3A_577 = vector.broadcast %jit3A_575 : f32 to vector<16xf32>
    %broadcast_in_dim3A_578 = vector.broadcast %jit3A_576 : f32 to vector<16xf32>
    %select_n3A_579 = arith.select %eq3A_574, %broadcast_in_dim3A_577, %broadcast_in_dim3A_578 : vector<16xi1>, vector<16xf32>
    %min3A_580 = arith.minimumf %min3A_573, %select_n3A_579 : vector<16xf32>
    %eq3A_581 = arith.cmpf oeq, %select_n3A_526, %max3A_539 : vector<16xf32>
    %jit3A_582 = arith.constant 6.000000e+00 : f32
    %jit3A_583 = arith.constant 8.000000e+00 : f32
    %broadcast_in_dim3A_584 = vector.broadcast %jit3A_582 : f32 to vector<16xf32>
    %broadcast_in_dim3A_585 = vector.broadcast %jit3A_583 : f32 to vector<16xf32>
    %select_n3A_586 = arith.select %eq3A_581, %broadcast_in_dim3A_584, %broadcast_in_dim3A_585 : vector<16xi1>, vector<16xf32>
    %min3A_587 = arith.minimumf %min3A_580, %select_n3A_586 : vector<16xf32>
    %eq3A_588 = arith.cmpf oeq, %select_n3A_532, %max3A_539 : vector<16xf32>
    %jit3A_589 = arith.constant 7.000000e+00 : f32
    %jit3A_590 = arith.constant 8.000000e+00 : f32
    %broadcast_in_dim3A_591 = vector.broadcast %jit3A_589 : f32 to vector<16xf32>
    %broadcast_in_dim3A_592 = vector.broadcast %jit3A_590 : f32 to vector<16xf32>
    %select_n3A_593 = arith.select %eq3A_588, %broadcast_in_dim3A_591, %broadcast_in_dim3A_592 : vector<16xi1>, vector<16xf32>
    %min3A_594 = arith.minimumf %min3A_587, %select_n3A_593 : vector<16xf32>
    %sub3A_595 = arith.subf %max3A_539, %max3A_429 : vector<16xf32>
    %exp3A_596 = math.exp %sub3A_595 : vector<16xf32>
    %add3A_597 = arith.constant 1.000000e+00 : f32
    %add3A_598 = vector.broadcast %add3A_597 : f32 to vector<16xf32>
    %add3A_599 = arith.addf %add3A_598, %exp3A_596 : vector<16xf32>
    %div3A_600 = arith.constant 1.000000e+00 : f32
    %div3A_601 = vector.broadcast %div3A_600 : f32 to vector<16xf32>
    %div3A_602 = arith.divf %div3A_601, %add3A_599 : vector<16xf32>
    %sub3A_603 = arith.constant 1.000000e+00 : f32
    %sub3A_604 = vector.broadcast %sub3A_603 : f32 to vector<16xf32>
    %sub3A_605 = arith.subf %sub3A_604, %div3A_602 : vector<16xf32>
    %eq3A_606 = arith.constant 0.000000e+00 : f32
    %eq3A_607 = vector.broadcast %eq3A_606 : f32 to vector<16xf32>
    %eq3A_608 = arith.cmpf oeq, %min3A_484, %eq3A_607 : vector<16xf32>
    %jit3A_609 = arith.constant 0.000000e+00 : f32
    %broadcast_in_dim3A_610 = vector.broadcast %jit3A_609 : f32 to vector<16xf32>
    %select_n3A_611 = arith.select %eq3A_608, %div3A_602, %broadcast_in_dim3A_610 : vector<16xi1>, vector<16xf32>
    %eq3A_612 = arith.constant 0.000000e+00 : f32
    %eq3A_613 = vector.broadcast %eq3A_612 : f32 to vector<16xf32>
    %eq3A_614 = arith.cmpf oeq, %min3A_594, %eq3A_613 : vector<16xf32>
    %jit3A_615 = arith.constant 0.000000e+00 : f32
    %broadcast_in_dim3A_616 = vector.broadcast %jit3A_615 : f32 to vector<16xf32>
    %select_n3A_617 = arith.select %eq3A_614, %sub3A_605, %broadcast_in_dim3A_616 : vector<16xi1>, vector<16xf32>
    %add3A_618 = arith.addf %select_n3A_611, %select_n3A_617 : vector<16xf32>
    %swap3A_619 = arith.constant 16 : index
    %swap3A_620 = tpu.vector_load %arg5[%swap3A_619] {strides = array<i32>} : memref<256xf32, #tpu.memory_space<vmem>>, vector<16xf32>,
    %swap3A_621 = vector.shape_cast %swap3A_620 : vector<16xf32> to vector<16xf32>
    %swap3A_622 = vector.shape_cast %add3A_618 : vector<16xf32> to vector<16xf32>
    tpu.vector_store %arg5[%swap3A_619], %swap3A_622 {strides = array<i32>} : memref<256xf32, #tpu.memory_space<vmem>>, vector<16xf32>,
    %eq3A_623 = arith.constant 1.000000e+00 : f32
    %eq3A_624 = vector.broadcast %eq3A_623 : f32 to vector<16xf32>
    %eq3A_625 = arith.cmpf oeq, %min3A_484, %eq3A_624 : vector<16xf32>
    %jit3A_626 = arith.constant 0.000000e+00 : f32
    %broadcast_in_dim3A_627 = vector.broadcast %jit3A_626 : f32 to vector<16xf32>
    %select_n3A_628 = arith.select %eq3A_625, %div3A_602, %broadcast_in_dim3A_627 : vector<16xi1>, vector<16xf32>
    %eq3A_629 = arith.constant 1.000000e+00 : f32
    %eq3A_630 = vector.broadcast %eq3A_629 : f32 to vector<16xf32>
    %eq3A_631 = arith.cmpf oeq, %min3A_594, %eq3A_630 : vector<16xf32>
    %jit3A_632 = arith.constant 0.000000e+00 : f32
    %broadcast_in_dim3A_633 = vector.broadcast %jit3A_632 : f32 to vector<16xf32>
    %select_n3A_634 = arith.select %eq3A_631, %sub3A_605, %broadcast_in_dim3A_633 : vector<16xi1>, vector<16xf32>
    %add3A_635 = arith.addf %select_n3A_628, %select_n3A_634 : vector<16xf32>
    %swap3A_636 = arith.constant 48 : index
    %swap3A_637 = tpu.vector_load %arg5[%swap3A_636] {strides = array<i32>} : memref<256xf32, #tpu.memory_space<vmem>>, vector<16xf32>,
    %swap3A_638 = vector.shape_cast %swap3A_637 : vector<16xf32> to vector<16xf32>
    %swap3A_639 = vector.shape_cast %add3A_635 : vector<16xf32> to vector<16xf32>
    tpu.vector_store %arg5[%swap3A_636], %swap3A_639 {strides = array<i32>} : memref<256xf32, #tpu.memory_space<vmem>>, vector<16xf32>,
    %eq3A_640 = arith.constant 2.000000e+00 : f32
    %eq3A_641 = vector.broadcast %eq3A_640 : f32 to vector<16xf32>
    %eq3A_642 = arith.cmpf oeq, %min3A_484, %eq3A_641 : vector<16xf32>
    %jit3A_643 = arith.constant 0.000000e+00 : f32
    %broadcast_in_dim3A_644 = vector.broadcast %jit3A_643 : f32 to vector<16xf32>
    %select_n3A_645 = arith.select %eq3A_642, %div3A_602, %broadcast_in_dim3A_644 : vector<16xi1>, vector<16xf32>
    %eq3A_646 = arith.constant 2.000000e+00 : f32
    %eq3A_647 = vector.broadcast %eq3A_646 : f32 to vector<16xf32>
    %eq3A_648 = arith.cmpf oeq, %min3A_594, %eq3A_647 : vector<16xf32>
    %jit3A_649 = arith.constant 0.000000e+00 : f32
    %broadcast_in_dim3A_650 = vector.broadcast %jit3A_649 : f32 to vector<16xf32>
    %select_n3A_651 = arith.select %eq3A_648, %sub3A_605, %broadcast_in_dim3A_650 : vector<16xi1>, vector<16xf32>
    %add3A_652 = arith.addf %select_n3A_645, %select_n3A_651 : vector<16xf32>
    %swap3A_653 = arith.constant 80 : index
    %swap3A_654 = tpu.vector_load %arg5[%swap3A_653] {strides = array<i32>} : memref<256xf32, #tpu.memory_space<vmem>>, vector<16xf32>,
    %swap3A_655 = vector.shape_cast %swap3A_654 : vector<16xf32> to vector<16xf32>
    %swap3A_656 = vector.shape_cast %add3A_652 : vector<16xf32> to vector<16xf32>
    tpu.vector_store %arg5[%swap3A_653], %swap3A_656 {strides = array<i32>} : memref<256xf32, #tpu.memory_space<vmem>>, vector<16xf32>,
    %eq3A_657 = arith.constant 3.000000e+00 : f32
    %eq3A_658 = vector.broadcast %eq3A_657 : f32 to vector<16xf32>
    %eq3A_659 = arith.cmpf oeq, %min3A_484, %eq3A_658 : vector<16xf32>
    %jit3A_660 = arith.constant 0.000000e+00 : f32
    %broadcast_in_dim3A_661 = vector.broadcast %jit3A_660 : f32 to vector<16xf32>
    %select_n3A_662 = arith.select %eq3A_659, %div3A_602, %broadcast_in_dim3A_661 : vector<16xi1>, vector<16xf32>
    %eq3A_663 = arith.constant 3.000000e+00 : f32
    %eq3A_664 = vector.broadcast %eq3A_663 : f32 to vector<16xf32>
    %eq3A_665 = arith.cmpf oeq, %min3A_594, %eq3A_664 : vector<16xf32>
    %jit3A_666 = arith.constant 0.000000e+00 : f32
    %broadcast_in_dim3A_667 = vector.broadcast %jit3A_666 : f32 to vector<16xf32>
    %select_n3A_668 = arith.select %eq3A_665, %sub3A_605, %broadcast_in_dim3A_667 : vector<16xi1>, vector<16xf32>
    %add3A_669 = arith.addf %select_n3A_662, %select_n3A_668 : vector<16xf32>
    %swap3A_670 = arith.constant 112 : index
    %swap3A_671 = tpu.vector_load %arg5[%swap3A_670] {strides = array<i32>} : memref<256xf32, #tpu.memory_space<vmem>>, vector<16xf32>,
    %swap3A_672 = vector.shape_cast %swap3A_671 : vector<16xf32> to vector<16xf32>
    %swap3A_673 = vector.shape_cast %add3A_669 : vector<16xf32> to vector<16xf32>
    tpu.vector_store %arg5[%swap3A_670], %swap3A_673 {strides = array<i32>} : memref<256xf32, #tpu.memory_space<vmem>>, vector<16xf32>,
    %eq3A_674 = arith.constant 4.000000e+00 : f32
    %eq3A_675 = vector.broadcast %eq3A_674 : f32 to vector<16xf32>
    %eq3A_676 = arith.cmpf oeq, %min3A_484, %eq3A_675 : vector<16xf32>
    %jit3A_677 = arith.constant 0.000000e+00 : f32
    %broadcast_in_dim3A_678 = vector.broadcast %jit3A_677 : f32 to vector<16xf32>
    %select_n3A_679 = arith.select %eq3A_676, %div3A_602, %broadcast_in_dim3A_678 : vector<16xi1>, vector<16xf32>
    %eq3A_680 = arith.constant 4.000000e+00 : f32
    %eq3A_681 = vector.broadcast %eq3A_680 : f32 to vector<16xf32>
    %eq3A_682 = arith.cmpf oeq, %min3A_594, %eq3A_681 : vector<16xf32>
    %jit3A_683 = arith.constant 0.000000e+00 : f32
    %broadcast_in_dim3A_684 = vector.broadcast %jit3A_683 : f32 to vector<16xf32>
    %select_n3A_685 = arith.select %eq3A_682, %sub3A_605, %broadcast_in_dim3A_684 : vector<16xi1>, vector<16xf32>
    %add3A_686 = arith.addf %select_n3A_679, %select_n3A_685 : vector<16xf32>
    %swap3A_687 = arith.constant 144 : index
    %swap3A_688 = tpu.vector_load %arg5[%swap3A_687] {strides = array<i32>} : memref<256xf32, #tpu.memory_space<vmem>>, vector<16xf32>,
    %swap3A_689 = vector.shape_cast %swap3A_688 : vector<16xf32> to vector<16xf32>
    %swap3A_690 = vector.shape_cast %add3A_686 : vector<16xf32> to vector<16xf32>
    tpu.vector_store %arg5[%swap3A_687], %swap3A_690 {strides = array<i32>} : memref<256xf32, #tpu.memory_space<vmem>>, vector<16xf32>,
    %eq3A_691 = arith.constant 5.000000e+00 : f32
    %eq3A_692 = vector.broadcast %eq3A_691 : f32 to vector<16xf32>
    %eq3A_693 = arith.cmpf oeq, %min3A_484, %eq3A_692 : vector<16xf32>
    %jit3A_694 = arith.constant 0.000000e+00 : f32
    %broadcast_in_dim3A_695 = vector.broadcast %jit3A_694 : f32 to vector<16xf32>
    %select_n3A_696 = arith.select %eq3A_693, %div3A_602, %broadcast_in_dim3A_695 : vector<16xi1>, vector<16xf32>
    %eq3A_697 = arith.constant 5.000000e+00 : f32
    %eq3A_698 = vector.broadcast %eq3A_697 : f32 to vector<16xf32>
    %eq3A_699 = arith.cmpf oeq, %min3A_594, %eq3A_698 : vector<16xf32>
    %jit3A_700 = arith.constant 0.000000e+00 : f32
    %broadcast_in_dim3A_701 = vector.broadcast %jit3A_700 : f32 to vector<16xf32>
    %select_n3A_702 = arith.select %eq3A_699, %sub3A_605, %broadcast_in_dim3A_701 : vector<16xi1>, vector<16xf32>
    %add3A_703 = arith.addf %select_n3A_696, %select_n3A_702 : vector<16xf32>
    %swap3A_704 = arith.constant 176 : index
    %swap3A_705 = tpu.vector_load %arg5[%swap3A_704] {strides = array<i32>} : memref<256xf32, #tpu.memory_space<vmem>>, vector<16xf32>,
    %swap3A_706 = vector.shape_cast %swap3A_705 : vector<16xf32> to vector<16xf32>
    %swap3A_707 = vector.shape_cast %add3A_703 : vector<16xf32> to vector<16xf32>
    tpu.vector_store %arg5[%swap3A_704], %swap3A_707 {strides = array<i32>} : memref<256xf32, #tpu.memory_space<vmem>>, vector<16xf32>,
    %eq3A_708 = arith.constant 6.000000e+00 : f32
    %eq3A_709 = vector.broadcast %eq3A_708 : f32 to vector<16xf32>
    %eq3A_710 = arith.cmpf oeq, %min3A_484, %eq3A_709 : vector<16xf32>
    %jit3A_711 = arith.constant 0.000000e+00 : f32
    %broadcast_in_dim3A_712 = vector.broadcast %jit3A_711 : f32 to vector<16xf32>
    %select_n3A_713 = arith.select %eq3A_710, %div3A_602, %broadcast_in_dim3A_712 : vector<16xi1>, vector<16xf32>
    %eq3A_714 = arith.constant 6.000000e+00 : f32
    %eq3A_715 = vector.broadcast %eq3A_714 : f32 to vector<16xf32>
    %eq3A_716 = arith.cmpf oeq, %min3A_594, %eq3A_715 : vector<16xf32>
    %jit3A_717 = arith.constant 0.000000e+00 : f32
    %broadcast_in_dim3A_718 = vector.broadcast %jit3A_717 : f32 to vector<16xf32>
    %select_n3A_719 = arith.select %eq3A_716, %sub3A_605, %broadcast_in_dim3A_718 : vector<16xi1>, vector<16xf32>
    %add3A_720 = arith.addf %select_n3A_713, %select_n3A_719 : vector<16xf32>
    %swap3A_721 = arith.constant 208 : index
    %swap3A_722 = tpu.vector_load %arg5[%swap3A_721] {strides = array<i32>} : memref<256xf32, #tpu.memory_space<vmem>>, vector<16xf32>,
    %swap3A_723 = vector.shape_cast %swap3A_722 : vector<16xf32> to vector<16xf32>
    %swap3A_724 = vector.shape_cast %add3A_720 : vector<16xf32> to vector<16xf32>
    tpu.vector_store %arg5[%swap3A_721], %swap3A_724 {strides = array<i32>} : memref<256xf32, #tpu.memory_space<vmem>>, vector<16xf32>,
    %eq3A_725 = arith.constant 7.000000e+00 : f32
    %eq3A_726 = vector.broadcast %eq3A_725 : f32 to vector<16xf32>
    %eq3A_727 = arith.cmpf oeq, %min3A_484, %eq3A_726 : vector<16xf32>
    %jit3A_728 = arith.constant 0.000000e+00 : f32
    %broadcast_in_dim3A_729 = vector.broadcast %jit3A_728 : f32 to vector<16xf32>
    %select_n3A_730 = arith.select %eq3A_727, %div3A_602, %broadcast_in_dim3A_729 : vector<16xi1>, vector<16xf32>
    %eq3A_731 = arith.constant 7.000000e+00 : f32
    %eq3A_732 = vector.broadcast %eq3A_731 : f32 to vector<16xf32>
    %eq3A_733 = arith.cmpf oeq, %min3A_594, %eq3A_732 : vector<16xf32>
    %jit3A_734 = arith.constant 0.000000e+00 : f32
    %broadcast_in_dim3A_735 = vector.broadcast %jit3A_734 : f32 to vector<16xf32>
    %select_n3A_736 = arith.select %eq3A_733, %sub3A_605, %broadcast_in_dim3A_735 : vector<16xi1>, vector<16xf32>
    %add3A_737 = arith.addf %select_n3A_730, %select_n3A_736 : vector<16xf32>
    %swap3A_738 = arith.constant 240 : index
    %swap3A_739 = tpu.vector_load %arg5[%swap3A_738] {strides = array<i32>} : memref<256xf32, #tpu.memory_space<vmem>>, vector<16xf32>,
    %swap3A_740 = vector.shape_cast %swap3A_739 : vector<16xf32> to vector<16xf32>
    %swap3A_741 = vector.shape_cast %add3A_737 : vector<16xf32> to vector<16xf32>
    tpu.vector_store %arg5[%swap3A_738], %swap3A_741 {strides = array<i32>} : memref<256xf32, #tpu.memory_space<vmem>>, vector<16xf32>,
    %add3A_742 = arith.constant 0 : i32
    %add3A_743 = arith.addi %add3A_742, %mul3A_2 : i32
    "tpu.region"() ({
      %run_scoped3A = tpu.sem_alloc : memref<!tpu.dma_semaphore, #tpu.memory_space<semaphore_mem>>
      %dma_start3A = arith.constant 0 : i32
      %dma_start3A_758 = tpu.memref_slice %arg5[%dma_start3A] : memref<256xf32, #tpu.memory_space<vmem>> -> memref<32xf32, #tpu.memory_space<vmem>>
      %dma_start3A_759 = tpu.memref_slice %arg3[%add3A_743] : memref<8192xf32, #tpu.memory_space<hbm>> -> memref<32xf32, #tpu.memory_space<hbm>>
      %dma_start3A_760 = tpu.memref_slice %arg3[%add3A_743] : memref<8192xf32, #tpu.memory_space<hbm>> -> memref<32xf32, #tpu.memory_space<hbm>>
      %dma_start3A_761 = arith.constant 0 : i32
      %dma_start3A_762 = tpu.memref_slice %arg5[%dma_start3A_761] : memref<256xf32, #tpu.memory_space<vmem>> -> memref<32xf32, #tpu.memory_space<vmem>>
      tpu.enqueue_dma source(%dma_start3A_762 : memref<32xf32, #tpu.memory_space<vmem>>) target(%dma_start3A_760 : memref<32xf32, #tpu.memory_space<hbm>>) target_semaphore(%run_scoped3A : memref<!tpu.dma_semaphore, #tpu.memory_space<semaphore_mem>>)
      %dma_wait3A = arith.constant 0 : i32
      %dma_wait3A_763 = tpu.memref_slice %arg5[%dma_wait3A] : memref<256xf32, #tpu.memory_space<vmem>> -> memref<32xf32, #tpu.memory_space<vmem>>
      %dma_wait3A_764 = tpu.memref_slice %arg3[%add3A_743] : memref<8192xf32, #tpu.memory_space<hbm>> -> memref<32xf32, #tpu.memory_space<hbm>>
      %dma_wait3A_765 = tpu.memref_slice %arg3[%add3A_743] : memref<8192xf32, #tpu.memory_space<hbm>> -> memref<32xf32, #tpu.memory_space<hbm>>
      %dma_wait3A_766 = arith.constant 0 : i32
      %dma_wait3A_767 = tpu.memref_slice %arg5[%dma_wait3A_766] : memref<256xf32, #tpu.memory_space<vmem>> -> memref<32xf32, #tpu.memory_space<vmem>>
      tpu.wait_dma2 semaphore(%run_scoped3A : memref<!tpu.dma_semaphore, #tpu.memory_space<semaphore_mem>>) src(%dma_wait3A_767 : memref<32xf32, #tpu.memory_space<vmem>>) dst(%dma_wait3A_765 : memref<32xf32, #tpu.memory_space<hbm>>)
      tpu.yield
    }) : () -> ()
    %add3A_744 = arith.constant 1024 : i32
    %add3A_745 = arith.addi %add3A_744, %mul3A_2 : i32
    "tpu.region"() ({
      %run_scoped3A = tpu.sem_alloc : memref<!tpu.dma_semaphore, #tpu.memory_space<semaphore_mem>>
      %dma_start3A = arith.constant 32 : i32
      %dma_start3A_758 = tpu.memref_slice %arg5[%dma_start3A] : memref<256xf32, #tpu.memory_space<vmem>> -> memref<32xf32, #tpu.memory_space<vmem>>
      %dma_start3A_759 = tpu.memref_slice %arg3[%add3A_745] : memref<8192xf32, #tpu.memory_space<hbm>> -> memref<32xf32, #tpu.memory_space<hbm>>
      %dma_start3A_760 = tpu.memref_slice %arg3[%add3A_745] : memref<8192xf32, #tpu.memory_space<hbm>> -> memref<32xf32, #tpu.memory_space<hbm>>
      %dma_start3A_761 = arith.constant 32 : i32
      %dma_start3A_762 = tpu.memref_slice %arg5[%dma_start3A_761] : memref<256xf32, #tpu.memory_space<vmem>> -> memref<32xf32, #tpu.memory_space<vmem>>
      tpu.enqueue_dma source(%dma_start3A_762 : memref<32xf32, #tpu.memory_space<vmem>>) target(%dma_start3A_760 : memref<32xf32, #tpu.memory_space<hbm>>) target_semaphore(%run_scoped3A : memref<!tpu.dma_semaphore, #tpu.memory_space<semaphore_mem>>)
      %dma_wait3A = arith.constant 32 : i32
      %dma_wait3A_763 = tpu.memref_slice %arg5[%dma_wait3A] : memref<256xf32, #tpu.memory_space<vmem>> -> memref<32xf32, #tpu.memory_space<vmem>>
      %dma_wait3A_764 = tpu.memref_slice %arg3[%add3A_745] : memref<8192xf32, #tpu.memory_space<hbm>> -> memref<32xf32, #tpu.memory_space<hbm>>
      %dma_wait3A_765 = tpu.memref_slice %arg3[%add3A_745] : memref<8192xf32, #tpu.memory_space<hbm>> -> memref<32xf32, #tpu.memory_space<hbm>>
      %dma_wait3A_766 = arith.constant 32 : i32
      %dma_wait3A_767 = tpu.memref_slice %arg5[%dma_wait3A_766] : memref<256xf32, #tpu.memory_space<vmem>> -> memref<32xf32, #tpu.memory_space<vmem>>
      tpu.wait_dma2 semaphore(%run_scoped3A : memref<!tpu.dma_semaphore, #tpu.memory_space<semaphore_mem>>) src(%dma_wait3A_767 : memref<32xf32, #tpu.memory_space<vmem>>) dst(%dma_wait3A_765 : memref<32xf32, #tpu.memory_space<hbm>>)
      tpu.yield
    }) : () -> ()
    %add3A_746 = arith.constant 2048 : i32
    %add3A_747 = arith.addi %add3A_746, %mul3A_2 : i32
    "tpu.region"() ({
      %run_scoped3A = tpu.sem_alloc : memref<!tpu.dma_semaphore, #tpu.memory_space<semaphore_mem>>
      %dma_start3A = arith.constant 64 : i32
      %dma_start3A_758 = tpu.memref_slice %arg5[%dma_start3A] : memref<256xf32, #tpu.memory_space<vmem>> -> memref<32xf32, #tpu.memory_space<vmem>>
      %dma_start3A_759 = tpu.memref_slice %arg3[%add3A_747] : memref<8192xf32, #tpu.memory_space<hbm>> -> memref<32xf32, #tpu.memory_space<hbm>>
      %dma_start3A_760 = tpu.memref_slice %arg3[%add3A_747] : memref<8192xf32, #tpu.memory_space<hbm>> -> memref<32xf32, #tpu.memory_space<hbm>>
      %dma_start3A_761 = arith.constant 64 : i32
      %dma_start3A_762 = tpu.memref_slice %arg5[%dma_start3A_761] : memref<256xf32, #tpu.memory_space<vmem>> -> memref<32xf32, #tpu.memory_space<vmem>>
      tpu.enqueue_dma source(%dma_start3A_762 : memref<32xf32, #tpu.memory_space<vmem>>) target(%dma_start3A_760 : memref<32xf32, #tpu.memory_space<hbm>>) target_semaphore(%run_scoped3A : memref<!tpu.dma_semaphore, #tpu.memory_space<semaphore_mem>>)
      %dma_wait3A = arith.constant 64 : i32
      %dma_wait3A_763 = tpu.memref_slice %arg5[%dma_wait3A] : memref<256xf32, #tpu.memory_space<vmem>> -> memref<32xf32, #tpu.memory_space<vmem>>
      %dma_wait3A_764 = tpu.memref_slice %arg3[%add3A_747] : memref<8192xf32, #tpu.memory_space<hbm>> -> memref<32xf32, #tpu.memory_space<hbm>>
      %dma_wait3A_765 = tpu.memref_slice %arg3[%add3A_747] : memref<8192xf32, #tpu.memory_space<hbm>> -> memref<32xf32, #tpu.memory_space<hbm>>
      %dma_wait3A_766 = arith.constant 64 : i32
      %dma_wait3A_767 = tpu.memref_slice %arg5[%dma_wait3A_766] : memref<256xf32, #tpu.memory_space<vmem>> -> memref<32xf32, #tpu.memory_space<vmem>>
      tpu.wait_dma2 semaphore(%run_scoped3A : memref<!tpu.dma_semaphore, #tpu.memory_space<semaphore_mem>>) src(%dma_wait3A_767 : memref<32xf32, #tpu.memory_space<vmem>>) dst(%dma_wait3A_765 : memref<32xf32, #tpu.memory_space<hbm>>)
      tpu.yield
    }) : () -> ()
    %add3A_748 = arith.constant 3072 : i32
    %add3A_749 = arith.addi %add3A_748, %mul3A_2 : i32
    "tpu.region"() ({
      %run_scoped3A = tpu.sem_alloc : memref<!tpu.dma_semaphore, #tpu.memory_space<semaphore_mem>>
      %dma_start3A = arith.constant 96 : i32
      %dma_start3A_758 = tpu.memref_slice %arg5[%dma_start3A] : memref<256xf32, #tpu.memory_space<vmem>> -> memref<32xf32, #tpu.memory_space<vmem>>
      %dma_start3A_759 = tpu.memref_slice %arg3[%add3A_749] : memref<8192xf32, #tpu.memory_space<hbm>> -> memref<32xf32, #tpu.memory_space<hbm>>
      %dma_start3A_760 = tpu.memref_slice %arg3[%add3A_749] : memref<8192xf32, #tpu.memory_space<hbm>> -> memref<32xf32, #tpu.memory_space<hbm>>
      %dma_start3A_761 = arith.constant 96 : i32
      %dma_start3A_762 = tpu.memref_slice %arg5[%dma_start3A_761] : memref<256xf32, #tpu.memory_space<vmem>> -> memref<32xf32, #tpu.memory_space<vmem>>
      tpu.enqueue_dma source(%dma_start3A_762 : memref<32xf32, #tpu.memory_space<vmem>>) target(%dma_start3A_760 : memref<32xf32, #tpu.memory_space<hbm>>) target_semaphore(%run_scoped3A : memref<!tpu.dma_semaphore, #tpu.memory_space<semaphore_mem>>)
      %dma_wait3A = arith.constant 96 : i32
      %dma_wait3A_763 = tpu.memref_slice %arg5[%dma_wait3A] : memref<256xf32, #tpu.memory_space<vmem>> -> memref<32xf32, #tpu.memory_space<vmem>>
      %dma_wait3A_764 = tpu.memref_slice %arg3[%add3A_749] : memref<8192xf32, #tpu.memory_space<hbm>> -> memref<32xf32, #tpu.memory_space<hbm>>
      %dma_wait3A_765 = tpu.memref_slice %arg3[%add3A_749] : memref<8192xf32, #tpu.memory_space<hbm>> -> memref<32xf32, #tpu.memory_space<hbm>>
      %dma_wait3A_766 = arith.constant 96 : i32
      %dma_wait3A_767 = tpu.memref_slice %arg5[%dma_wait3A_766] : memref<256xf32, #tpu.memory_space<vmem>> -> memref<32xf32, #tpu.memory_space<vmem>>
      tpu.wait_dma2 semaphore(%run_scoped3A : memref<!tpu.dma_semaphore, #tpu.memory_space<semaphore_mem>>) src(%dma_wait3A_767 : memref<32xf32, #tpu.memory_space<vmem>>) dst(%dma_wait3A_765 : memref<32xf32, #tpu.memory_space<hbm>>)
      tpu.yield
    }) : () -> ()
    %add3A_750 = arith.constant 4096 : i32
    %add3A_751 = arith.addi %add3A_750, %mul3A_2 : i32
    "tpu.region"() ({
      %run_scoped3A = tpu.sem_alloc : memref<!tpu.dma_semaphore, #tpu.memory_space<semaphore_mem>>
      %dma_start3A = arith.constant 128 : i32
      %dma_start3A_758 = tpu.memref_slice %arg5[%dma_start3A] : memref<256xf32, #tpu.memory_space<vmem>> -> memref<32xf32, #tpu.memory_space<vmem>>
      %dma_start3A_759 = tpu.memref_slice %arg3[%add3A_751] : memref<8192xf32, #tpu.memory_space<hbm>> -> memref<32xf32, #tpu.memory_space<hbm>>
      %dma_start3A_760 = tpu.memref_slice %arg3[%add3A_751] : memref<8192xf32, #tpu.memory_space<hbm>> -> memref<32xf32, #tpu.memory_space<hbm>>
      %dma_start3A_761 = arith.constant 128 : i32
      %dma_start3A_762 = tpu.memref_slice %arg5[%dma_start3A_761] : memref<256xf32, #tpu.memory_space<vmem>> -> memref<32xf32, #tpu.memory_space<vmem>>
      tpu.enqueue_dma source(%dma_start3A_762 : memref<32xf32, #tpu.memory_space<vmem>>) target(%dma_start3A_760 : memref<32xf32, #tpu.memory_space<hbm>>) target_semaphore(%run_scoped3A : memref<!tpu.dma_semaphore, #tpu.memory_space<semaphore_mem>>)
      %dma_wait3A = arith.constant 128 : i32
      %dma_wait3A_763 = tpu.memref_slice %arg5[%dma_wait3A] : memref<256xf32, #tpu.memory_space<vmem>> -> memref<32xf32, #tpu.memory_space<vmem>>
      %dma_wait3A_764 = tpu.memref_slice %arg3[%add3A_751] : memref<8192xf32, #tpu.memory_space<hbm>> -> memref<32xf32, #tpu.memory_space<hbm>>
      %dma_wait3A_765 = tpu.memref_slice %arg3[%add3A_751] : memref<8192xf32, #tpu.memory_space<hbm>> -> memref<32xf32, #tpu.memory_space<hbm>>
      %dma_wait3A_766 = arith.constant 128 : i32
      %dma_wait3A_767 = tpu.memref_slice %arg5[%dma_wait3A_766] : memref<256xf32, #tpu.memory_space<vmem>> -> memref<32xf32, #tpu.memory_space<vmem>>
      tpu.wait_dma2 semaphore(%run_scoped3A : memref<!tpu.dma_semaphore, #tpu.memory_space<semaphore_mem>>) src(%dma_wait3A_767 : memref<32xf32, #tpu.memory_space<vmem>>) dst(%dma_wait3A_765 : memref<32xf32, #tpu.memory_space<hbm>>)
      tpu.yield
    }) : () -> ()
    %add3A_752 = arith.constant 5120 : i32
    %add3A_753 = arith.addi %add3A_752, %mul3A_2 : i32
    "tpu.region"() ({
      %run_scoped3A = tpu.sem_alloc : memref<!tpu.dma_semaphore, #tpu.memory_space<semaphore_mem>>
      %dma_start3A = arith.constant 160 : i32
      %dma_start3A_758 = tpu.memref_slice %arg5[%dma_start3A] : memref<256xf32, #tpu.memory_space<vmem>> -> memref<32xf32, #tpu.memory_space<vmem>>
      %dma_start3A_759 = tpu.memref_slice %arg3[%add3A_753] : memref<8192xf32, #tpu.memory_space<hbm>> -> memref<32xf32, #tpu.memory_space<hbm>>
      %dma_start3A_760 = tpu.memref_slice %arg3[%add3A_753] : memref<8192xf32, #tpu.memory_space<hbm>> -> memref<32xf32, #tpu.memory_space<hbm>>
      %dma_start3A_761 = arith.constant 160 : i32
      %dma_start3A_762 = tpu.memref_slice %arg5[%dma_start3A_761] : memref<256xf32, #tpu.memory_space<vmem>> -> memref<32xf32, #tpu.memory_space<vmem>>
      tpu.enqueue_dma source(%dma_start3A_762 : memref<32xf32, #tpu.memory_space<vmem>>) target(%dma_start3A_760 : memref<32xf32, #tpu.memory_space<hbm>>) target_semaphore(%run_scoped3A : memref<!tpu.dma_semaphore, #tpu.memory_space<semaphore_mem>>)
      %dma_wait3A = arith.constant 160 : i32
      %dma_wait3A_763 = tpu.memref_slice %arg5[%dma_wait3A] : memref<256xf32, #tpu.memory_space<vmem>> -> memref<32xf32, #tpu.memory_space<vmem>>
      %dma_wait3A_764 = tpu.memref_slice %arg3[%add3A_753] : memref<8192xf32, #tpu.memory_space<hbm>> -> memref<32xf32, #tpu.memory_space<hbm>>
      %dma_wait3A_765 = tpu.memref_slice %arg3[%add3A_753] : memref<8192xf32, #tpu.memory_space<hbm>> -> memref<32xf32, #tpu.memory_space<hbm>>
      %dma_wait3A_766 = arith.constant 160 : i32
      %dma_wait3A_767 = tpu.memref_slice %arg5[%dma_wait3A_766] : memref<256xf32, #tpu.memory_space<vmem>> -> memref<32xf32, #tpu.memory_space<vmem>>
      tpu.wait_dma2 semaphore(%run_scoped3A : memref<!tpu.dma_semaphore, #tpu.memory_space<semaphore_mem>>) src(%dma_wait3A_767 : memref<32xf32, #tpu.memory_space<vmem>>) dst(%dma_wait3A_765 : memref<32xf32, #tpu.memory_space<hbm>>)
      tpu.yield
    }) : () -> ()
    %add3A_754 = arith.constant 6144 : i32
    %add3A_755 = arith.addi %add3A_754, %mul3A_2 : i32
    "tpu.region"() ({
      %run_scoped3A = tpu.sem_alloc : memref<!tpu.dma_semaphore, #tpu.memory_space<semaphore_mem>>
      %dma_start3A = arith.constant 192 : i32
      %dma_start3A_758 = tpu.memref_slice %arg5[%dma_start3A] : memref<256xf32, #tpu.memory_space<vmem>> -> memref<32xf32, #tpu.memory_space<vmem>>
      %dma_start3A_759 = tpu.memref_slice %arg3[%add3A_755] : memref<8192xf32, #tpu.memory_space<hbm>> -> memref<32xf32, #tpu.memory_space<hbm>>
      %dma_start3A_760 = tpu.memref_slice %arg3[%add3A_755] : memref<8192xf32, #tpu.memory_space<hbm>> -> memref<32xf32, #tpu.memory_space<hbm>>
      %dma_start3A_761 = arith.constant 192 : i32
      %dma_start3A_762 = tpu.memref_slice %arg5[%dma_start3A_761] : memref<256xf32, #tpu.memory_space<vmem>> -> memref<32xf32, #tpu.memory_space<vmem>>
      tpu.enqueue_dma source(%dma_start3A_762 : memref<32xf32, #tpu.memory_space<vmem>>) target(%dma_start3A_760 : memref<32xf32, #tpu.memory_space<hbm>>) target_semaphore(%run_scoped3A : memref<!tpu.dma_semaphore, #tpu.memory_space<semaphore_mem>>)
      %dma_wait3A = arith.constant 192 : i32
      %dma_wait3A_763 = tpu.memref_slice %arg5[%dma_wait3A] : memref<256xf32, #tpu.memory_space<vmem>> -> memref<32xf32, #tpu.memory_space<vmem>>
      %dma_wait3A_764 = tpu.memref_slice %arg3[%add3A_755] : memref<8192xf32, #tpu.memory_space<hbm>> -> memref<32xf32, #tpu.memory_space<hbm>>
      %dma_wait3A_765 = tpu.memref_slice %arg3[%add3A_755] : memref<8192xf32, #tpu.memory_space<hbm>> -> memref<32xf32, #tpu.memory_space<hbm>>
      %dma_wait3A_766 = arith.constant 192 : i32
      %dma_wait3A_767 = tpu.memref_slice %arg5[%dma_wait3A_766] : memref<256xf32, #tpu.memory_space<vmem>> -> memref<32xf32, #tpu.memory_space<vmem>>
      tpu.wait_dma2 semaphore(%run_scoped3A : memref<!tpu.dma_semaphore, #tpu.memory_space<semaphore_mem>>) src(%dma_wait3A_767 : memref<32xf32, #tpu.memory_space<vmem>>) dst(%dma_wait3A_765 : memref<32xf32, #tpu.memory_space<hbm>>)
      tpu.yield
    }) : () -> ()
    %add3A_756 = arith.constant 7168 : i32
    %add3A_757 = arith.addi %add3A_756, %mul3A_2 : i32
    "tpu.region"() ({
      %run_scoped3A = tpu.sem_alloc : memref<!tpu.dma_semaphore, #tpu.memory_space<semaphore_mem>>
      %dma_start3A = arith.constant 224 : i32
      %dma_start3A_758 = tpu.memref_slice %arg5[%dma_start3A] : memref<256xf32, #tpu.memory_space<vmem>> -> memref<32xf32, #tpu.memory_space<vmem>>
      %dma_start3A_759 = tpu.memref_slice %arg3[%add3A_757] : memref<8192xf32, #tpu.memory_space<hbm>> -> memref<32xf32, #tpu.memory_space<hbm>>
      %dma_start3A_760 = tpu.memref_slice %arg3[%add3A_757] : memref<8192xf32, #tpu.memory_space<hbm>> -> memref<32xf32, #tpu.memory_space<hbm>>
      %dma_start3A_761 = arith.constant 224 : i32
      %dma_start3A_762 = tpu.memref_slice %arg5[%dma_start3A_761] : memref<256xf32, #tpu.memory_space<vmem>> -> memref<32xf32, #tpu.memory_space<vmem>>
      tpu.enqueue_dma source(%dma_start3A_762 : memref<32xf32, #tpu.memory_space<vmem>>) target(%dma_start3A_760 : memref<32xf32, #tpu.memory_space<hbm>>) target_semaphore(%run_scoped3A : memref<!tpu.dma_semaphore, #tpu.memory_space<semaphore_mem>>)
      %dma_wait3A = arith.constant 224 : i32
      %dma_wait3A_763 = tpu.memref_slice %arg5[%dma_wait3A] : memref<256xf32, #tpu.memory_space<vmem>> -> memref<32xf32, #tpu.memory_space<vmem>>
      %dma_wait3A_764 = tpu.memref_slice %arg3[%add3A_757] : memref<8192xf32, #tpu.memory_space<hbm>> -> memref<32xf32, #tpu.memory_space<hbm>>
      %dma_wait3A_765 = tpu.memref_slice %arg3[%add3A_757] : memref<8192xf32, #tpu.memory_space<hbm>> -> memref<32xf32, #tpu.memory_space<hbm>>
      %dma_wait3A_766 = arith.constant 224 : i32
      %dma_wait3A_767 = tpu.memref_slice %arg5[%dma_wait3A_766] : memref<256xf32, #tpu.memory_space<vmem>> -> memref<32xf32, #tpu.memory_space<vmem>>
      tpu.wait_dma2 semaphore(%run_scoped3A : memref<!tpu.dma_semaphore, #tpu.memory_space<semaphore_mem>>) src(%dma_wait3A_767 : memref<32xf32, #tpu.memory_space<vmem>>) dst(%dma_wait3A_765 : memref<32xf32, #tpu.memory_space<hbm>>)
      tpu.yield
    }) : () -> ()
    return
  }
}

module attributes {stable_mosaic.version = 14 : i64} {
  func.func @_moe_kernel(%arg0: i32, %arg1: i32, %arg2: memref<1024x2304xf32, #tpu.memory_space<vmem>>, %arg3: memref<1024x8xf32, #tpu.memory_space<vmem>>, %arg4: memref<1x2304x256xf32, #tpu.memory_space<vmem>>, %arg5: memref<1x1x256xf32, #tpu.memory_space<vmem>>, %arg6: memref<1024x256xf32, #tpu.memory_space<vmem>>) attributes {dimension_semantics = [#tpu.dimension_semantics<arbitrary>, #tpu.dimension_semantics<arbitrary>], iteration_bounds = array<i64: 1, 8>, scalar_prefetch = 0 : i64, scratch_operands = 0 : i64, tpu.core_type = #tpu.core_type<tc>, window_params = [{pipeline_mode = #tpu.pipeline_mode<synchronous>, transform_indices = @transform_0, window_bounds = array<i64: 1024, 2304>}, {pipeline_mode = #tpu.pipeline_mode<synchronous>, transform_indices = @transform_1, window_bounds = array<i64: 1024, 8>}, {transform_indices = @transform_2, window_bounds = array<i64: 1, 2304, 256>}, {transform_indices = @transform_3, window_bounds = array<i64: 1, 1, 256>}, {pipeline_mode = #tpu.pipeline_mode<synchronous>, transform_indices = @transform_4, window_bounds = array<i64: 1024, 256>}]} {
    %eq3A = arith.constant 0 : i32
    %eq3A_0 = arith.cmpi eq, %arg1, %eq3A : i32
    %convert_element_type3A = arith.extui %eq3A_0 : i1 to i32
    %cond3A = arith.constant 0 : i32
    %cond3A_1 = arith.cmpi ne, %convert_element_type3A, %cond3A : i32
    scf.if %cond3A_1 {
      %broadcast_in_dim3A_30 = arith.constant 0.000000e+00 : f32
      %broadcast_in_dim3A_31 = vector.broadcast %broadcast_in_dim3A_30 : f32 to vector<1024x256xf32>
      %swap3A_32 = arith.constant 0 : index
      %swap3A_33 = arith.constant 0 : index
      %swap3A_34 = vector.load %arg6[%swap3A_32, %swap3A_33] : memref<1024x256xf32, #tpu.memory_space<vmem>>, vector<1024x256xf32>
      tpu.vector_store %arg6[%swap3A_32, %swap3A_33], %broadcast_in_dim3A_31 {strides = array<i32>} : memref<1024x256xf32, #tpu.memory_space<vmem>>, vector<1024x256xf32>,
    } else {
    }
    %iota3A = tpu.iota {dimensions = array<i32: 1>} : vector<1024x8xi32>
    %eq3A_2 = vector.broadcast %arg1 : i32 to vector<1024x8xi32>
    %eq3A_3 = arith.cmpi eq, %iota3A, %eq3A_2 : vector<1024x8xi32>
    %get3A = arith.constant 0 : index
    %get3A_4 = arith.constant 0 : index
    %get3A_5 = vector.load %arg3[%get3A, %get3A_4] : memref<1024x8xf32, #tpu.memory_space<vmem>>, vector<1024x8xf32>
    %jit3A = arith.constant 0.000000e+00 : f32
    %broadcast_in_dim3A = vector.broadcast %jit3A : f32 to vector<1024x8xf32>
    %select_n3A = arith.select %eq3A_3, %get3A_5, %broadcast_in_dim3A : vector<1024x8xi1>, vector<1024x8xf32>
    %reduce_sum3A = arith.constant dense<0.000000e+00> : vector<1024xf32>
    %reduce_sum3A_6 = vector.multi_reduction <add>, %select_n3A, %reduce_sum3A [1] : vector<1024x8xf32> to vector<1024xf32>
    %broadcast_in_dim3A_7 = vector.shape_cast %reduce_sum3A_6 : vector<1024xf32> to vector<1024x1xf32>
    %get3A_8 = arith.constant 0 : index
    %get3A_9 = arith.constant 0 : index
    %get3A_10 = vector.load %arg2[%get3A_8, %get3A_9] : memref<1024x2304xf32, #tpu.memory_space<vmem>>, vector<1024x2304xf32>
    %get3A_11 = arith.constant 0 : index
    %get3A_12 = arith.constant 0 : index
    %get3A_13 = arith.constant 0 : index
    %get3A_14 = vector.load %arg4[%get3A_11, %get3A_12, %get3A_13] : memref<1x2304x256xf32, #tpu.memory_space<vmem>>, vector<1x2304x256xf32>
    %get3A_15 = vector.shape_cast %get3A_14 : vector<1x2304x256xf32> to vector<2304x256xf32>
    %dot_general3A = arith.constant dense<0.000000e+00> : vector<1024x256xf32>
    %dot_general3A_16 = tpu.matmul %get3A_10, %get3A_15, %dot_general3A {dimension_numbers = #tpu.dot_dimension_numbers<[1], [0], [0], [1], [0, 0, 1, 1], [], []>, transpose_lhs_hint = false} : vector<1024x2304xf32>, vector<2304x256xf32>, vector<1024x256xf32> -> vector<1024x256xf32>
    %get3A_17 = arith.constant 0 : index
    %get3A_18 = arith.constant 0 : index
    %get3A_19 = arith.constant 0 : index
    %get3A_20 = vector.load %arg5[%get3A_17, %get3A_18, %get3A_19] : memref<1x1x256xf32, #tpu.memory_space<vmem>>, vector<1x1x256xf32>
    %get3A_21 = vector.shape_cast %get3A_20 : vector<1x1x256xf32> to vector<1x256xf32>
    %add3A = vector.broadcast %get3A_21 : vector<1x256xf32> to vector<1024x256xf32>
    %add3A_22 = arith.addf %dot_general3A_16, %add3A : vector<1024x256xf32>
    %get3A_23 = arith.constant 0 : index
    %get3A_24 = arith.constant 0 : index
    %get3A_25 = vector.load %arg6[%get3A_23, %get3A_24] : memref<1024x256xf32, #tpu.memory_space<vmem>>, vector<1024x256xf32>
    %mul3A = vector.broadcast %broadcast_in_dim3A_7 : vector<1024x1xf32> to vector<1024x256xf32>
    %mul3A_26 = arith.mulf %mul3A, %add3A_22 : vector<1024x256xf32>
    %add3A_27 = arith.addf %get3A_25, %mul3A_26 : vector<1024x256xf32>
    %swap3A = arith.constant 0 : index
    %swap3A_28 = arith.constant 0 : index
    %swap3A_29 = vector.load %arg6[%swap3A, %swap3A_28] : memref<1024x256xf32, #tpu.memory_space<vmem>>, vector<1024x256xf32>
    tpu.vector_store %arg6[%swap3A, %swap3A_28], %add3A_27 {strides = array<i32>} : memref<1024x256xf32, #tpu.memory_space<vmem>>, vector<1024x256xf32>,
    return
  }
  func.func @transform_0(%arg0: i32, %arg1: i32) -> (i32, i32) {
    %c0_i32 = arith.constant 0 : i32
    %c0_i32_0 = arith.constant 0 : i32
    %c0_i32_1 = arith.constant 0 : i32
    return %c0_i32, %c0_i32_0 : i32, i32
  }
  func.func @transform_1(%arg0: i32, %arg1: i32) -> (i32, i32) {
    %c0_i32 = arith.constant 0 : i32
    %c0_i32_0 = arith.constant 0 : i32
    %c0_i32_1 = arith.constant 0 : i32
    return %c0_i32, %c0_i32_0 : i32, i32
  }
  func.func @transform_2(%arg0: i32, %arg1: i32) -> (i32, i32, i32) {
    %c0_i32 = arith.constant 0 : i32
    %c0_i32_0 = arith.constant 0 : i32
    %c0_i32_1 = arith.constant 0 : i32
    return %arg1, %c0_i32, %c0_i32_0 : i32, i32, i32
  }
  func.func @transform_3(%arg0: i32, %arg1: i32) -> (i32, i32, i32) {
    %c0_i32 = arith.constant 0 : i32
    %c0_i32_0 = arith.constant 0 : i32
    %c0_i32_1 = arith.constant 0 : i32
    return %arg1, %c0_i32, %c0_i32_0 : i32, i32, i32
  }
  func.func @transform_4(%arg0: i32, %arg1: i32) -> (i32, i32) {
    %c0_i32 = arith.constant 0 : i32
    %c0_i32_0 = arith.constant 0 : i32
    %c0_i32_1 = arith.constant 0 : i32
    return %c0_i32, %c0_i32_0 : i32, i32
  }
}

module attributes {stable_mosaic.version = 14 : i64} {
  func.func @_proj_attn_kernel(%arg0: i32, %arg1: memref<256x6x256xf32, #tpu.memory_space<vmem>>, %arg2: memref<256x3x349xf32, #tpu.memory_space<vmem>>, %arg3: memref<6x256x256xf32, #tpu.memory_space<vmem>>, %arg4: memref<6x256xf32, #tpu.memory_space<vmem>>, %arg5: memref<6x256x256xf32, #tpu.memory_space<vmem>>, %arg6: memref<6x256xf32, #tpu.memory_space<vmem>>, %arg7: memref<3x349x256xf32, #tpu.memory_space<vmem>>, %arg8: memref<3x256xf32, #tpu.memory_space<vmem>>, %arg9: memref<3x256x256xf32, #tpu.memory_space<vmem>>, %arg10: memref<3x256xf32, #tpu.memory_space<vmem>>, %arg11: memref<6x256xf32, #tpu.memory_space<vmem>>, %arg12: memref<6x256xf32, #tpu.memory_space<vmem>>, %arg13: memref<6x256xf32, #tpu.memory_space<vmem>>, %arg14: memref<6x256xf32, #tpu.memory_space<vmem>>, %arg15: memref<3x256xf32, #tpu.memory_space<vmem>>, %arg16: memref<3x256xf32, #tpu.memory_space<vmem>>, %arg17: memref<3x256xf32, #tpu.memory_space<vmem>>, %arg18: memref<3x256xf32, #tpu.memory_space<vmem>>, %arg19: memref<32x256xf32, #tpu.memory_space<vmem>>, %arg20: memref<32x256xf32, #tpu.memory_space<vmem>>, %arg21: memref<256x256xf32, #tpu.memory_space<vmem>>, %arg22: memref<9x256x8xf32, #tpu.memory_space<vmem>>, %arg23: memref<1x8xf32, #tpu.memory_space<vmem>>, %arg24: memref<1xf32, #tpu.memory_space<smem>>, %arg25: memref<1xf32, #tpu.memory_space<smem>>, %arg26: memref<1xf32, #tpu.memory_space<smem>>, %arg27: memref<1xf32, #tpu.memory_space<smem>>, %arg28: memref<1xf32, #tpu.memory_space<smem>>, %arg29: memref<256x2304xf32, #tpu.memory_space<vmem>>, %arg30: memref<8x256xf32, #tpu.memory_space<vmem>>, %arg31: memref<2xf32, #tpu.memory_space<smem>>) attributes {dimension_semantics = [#tpu.dimension_semantics<arbitrary>], iteration_bounds = array<i64: 4>, scalar_prefetch = 0 : i64, scratch_operands = 1 : i64, tpu.core_type = #tpu.core_type<tc>, window_params = [{transform_indices = @transform_0, window_bounds = array<i64: 256, 6, 256>}, {transform_indices = @transform_1, window_bounds = array<i64: 256, 3, 349>}, {pipeline_mode = #tpu.pipeline_mode<synchronous>, transform_indices = @transform_2, window_bounds = array<i64: 6, 256, 256>}, {pipeline_mode = #tpu.pipeline_mode<synchronous>, transform_indices = @transform_3, window_bounds = array<i64: 6, 256>}, {pipeline_mode = #tpu.pipeline_mode<synchronous>, transform_indices = @transform_4, window_bounds = array<i64: 6, 256, 256>}, {pipeline_mode = #tpu.pipeline_mode<synchronous>, transform_indices = @transform_5, window_bounds = array<i64: 6, 256>}, {pipeline_mode = #tpu.pipeline_mode<synchronous>, transform_indices = @transform_6, window_bounds = array<i64: 3, 349, 256>}, {pipeline_mode = #tpu.pipeline_mode<synchronous>, transform_indices = @transform_7, window_bounds = array<i64: 3, 256>}, {pipeline_mode = #tpu.pipeline_mode<synchronous>, transform_indices = @transform_8, window_bounds = array<i64: 3, 256, 256>}, {pipeline_mode = #tpu.pipeline_mode<synchronous>, transform_indices = @transform_9, window_bounds = array<i64: 3, 256>}, {pipeline_mode = #tpu.pipeline_mode<synchronous>, transform_indices = @transform_10, window_bounds = array<i64: 6, 256>}, {pipeline_mode = #tpu.pipeline_mode<synchronous>, transform_indices = @transform_11, window_bounds = array<i64: 6, 256>}, {pipeline_mode = #tpu.pipeline_mode<synchronous>, transform_indices = @transform_12, window_bounds = array<i64: 6, 256>}, {pipeline_mode = #tpu.pipeline_mode<synchronous>, transform_indices = @transform_13, window_bounds = array<i64: 6, 256>}, {pipeline_mode = #tpu.pipeline_mode<synchronous>, transform_indices = @transform_14, window_bounds = array<i64: 3, 256>}, {pipeline_mode = #tpu.pipeline_mode<synchronous>, transform_indices = @transform_15, window_bounds = array<i64: 3, 256>}, {pipeline_mode = #tpu.pipeline_mode<synchronous>, transform_indices = @transform_16, window_bounds = array<i64: 3, 256>}, {pipeline_mode = #tpu.pipeline_mode<synchronous>, transform_indices = @transform_17, window_bounds = array<i64: 3, 256>}, {pipeline_mode = #tpu.pipeline_mode<synchronous>, transform_indices = @transform_18, window_bounds = array<i64: 32, 256>}, {pipeline_mode = #tpu.pipeline_mode<synchronous>, transform_indices = @transform_19, window_bounds = array<i64: 32, 256>}, {pipeline_mode = #tpu.pipeline_mode<synchronous>, transform_indices = @transform_20, window_bounds = array<i64: 256, 256>}, {pipeline_mode = #tpu.pipeline_mode<synchronous>, transform_indices = @transform_21, window_bounds = array<i64: 9, 256, 8>}, {pipeline_mode = #tpu.pipeline_mode<synchronous>, transform_indices = @transform_22, window_bounds = array<i64: 1, 8>}, {transform_indices = @transform_23, window_bounds = array<i64: 1>}, {transform_indices = @transform_24, window_bounds = array<i64: 1>}, {transform_indices = @transform_25, window_bounds = array<i64: 1>}, {transform_indices = @transform_26, window_bounds = array<i64: 1>}, {transform_indices = @transform_27, window_bounds = array<i64: 1>}, {transform_indices = @transform_28, window_bounds = array<i64: 256, 2304>}, {transform_indices = @transform_29, window_bounds = array<i64: 8, 256>}]} {
    %eq3A = arith.constant 0 : i32
    %eq3A_0 = arith.cmpi eq, %arg0, %eq3A : i32
    %convert_element_type3A = arith.extui %eq3A_0 : i1 to i32
    %cond3A = arith.constant 0 : i32
    %cond3A_1 = arith.cmpi ne, %convert_element_type3A, %cond3A : i32
    scf.if %cond3A_1 {
      %get3A_1969 = arith.constant 0 : index
      %get3A_1970 = arith.constant 0 : index
      %get3A_1971 = vector.load %arg19[%get3A_1969, %get3A_1970] : memref<32x256xf32, #tpu.memory_space<vmem>>, vector<32x256xf32>
      %dot_general3A_1972 = arith.constant dense<0.000000e+00> : vector<32x32xf32>
      %dot_general3A_1973 = tpu.matmul %get3A_1971, %get3A_1971, %dot_general3A_1972 {dimension_numbers = #tpu.dot_dimension_numbers<[1], [1], [0], [0], [0, 0, 1, 0], [], []>, transpose_lhs_hint = false} : vector<32x256xf32>, vector<32x256xf32>, vector<32x32xf32> -> vector<32x32xf32>
      %abs3A = math.absf %dot_general3A_1973 : vector<32x32xf32>
      %reduce_max3A_1974 = vector.shape_cast %abs3A : vector<32x32xf32> to vector<1x32x32xf32>
      %reduce_max3A_1975 = arith.constant dense<0xFF800000> : vector<1xf32>
      %reduce_max3A_1976 = vector.multi_reduction <maximumf>, %reduce_max3A_1974, %reduce_max3A_1975 [1, 2] : vector<1x32x32xf32> to vector<1xf32>
      %reduce_max3A_1977 = vector.shape_cast %reduce_max3A_1976 : vector<1xf32> to vector<1x1x1xf32>
      %reduce_max3A_1978 = vector.extract %reduce_max3A_1977[0, 0, 0] : f32 from vector<1x1x1xf32>
      %div3A_1979 = arith.constant 1.000000e+00 : f32
      %div3A_1980 = arith.divf %div3A_1979, %reduce_max3A_1978 : f32
      %mul3A_1981 = vector.broadcast %div3A_1980 : f32 to vector<32x32xf32>
      %mul3A_1982 = arith.mulf %dot_general3A_1973, %mul3A_1981 : vector<32x32xf32>
      %scan3A = arith.constant 0 : i32
      %scan3A_1983 = arith.constant 12 : i32
      %scan3A_1984 = arith.addi %scan3A, %scan3A_1983 : i32
      %scan3A_1985 = arith.constant 1 : i32
      %scan3A_1986 = scf.for %scan3A_2089 = %scan3A to %scan3A_1984 step %scan3A_1985 iter_args(%scan3A_2090 = %mul3A_1982) -> (vector<32x32xf32>)  : i32 {
        %dot_general3A_2091 = arith.constant dense<0.000000e+00> : vector<32x32xf32>
        %dot_general3A_2092 = tpu.matmul %scan3A_2090, %scan3A_2090, %dot_general3A_2091 {dimension_numbers = #tpu.dot_dimension_numbers<[1], [0], [0], [1], [0, 0, 1, 1], [], []>, transpose_lhs_hint = false} : vector<32x32xf32>, vector<32x32xf32>, vector<32x32xf32> -> vector<32x32xf32>
        %abs3A_2093 = math.absf %dot_general3A_2092 : vector<32x32xf32>
        %reduce_max3A_2094 = vector.shape_cast %abs3A_2093 : vector<32x32xf32> to vector<1x32x32xf32>
        %reduce_max3A_2095 = arith.constant dense<0xFF800000> : vector<1xf32>
        %reduce_max3A_2096 = vector.multi_reduction <maximumf>, %reduce_max3A_2094, %reduce_max3A_2095 [1, 2] : vector<1x32x32xf32> to vector<1xf32>
        %reduce_max3A_2097 = vector.shape_cast %reduce_max3A_2096 : vector<1xf32> to vector<1x1x1xf32>
        %reduce_max3A_2098 = vector.extract %reduce_max3A_2097[0, 0, 0] : f32 from vector<1x1x1xf32>
        %div3A_2099 = arith.constant 1.000000e+00 : f32
        %div3A_2100 = arith.divf %div3A_2099, %reduce_max3A_2098 : f32
        %mul3A_2101 = vector.broadcast %div3A_2100 : f32 to vector<32x32xf32>
        %mul3A_2102 = arith.mulf %dot_general3A_2092, %mul3A_2101 : vector<32x32xf32>
        scf.yield %mul3A_2102 : vector<32x32xf32>
      }
      %reduce_sum3A_1987 = arith.constant dense<0.000000e+00> : vector<32xf32>
      %reduce_sum3A_1988 = vector.multi_reduction <add>, %scan3A_1986, %reduce_sum3A_1987 [1] : vector<32x32xf32> to vector<32xf32>
      %broadcast_in_dim3A_1989 = vector.shape_cast %reduce_sum3A_1988 : vector<32xf32> to vector<32x1xf32>
      %dot_general3A_1990 = arith.constant dense<0.000000e+00> : vector<32x1xf32>
      %dot_general3A_1991 = tpu.matmul %dot_general3A_1973, %broadcast_in_dim3A_1989, %dot_general3A_1990 {dimension_numbers = #tpu.dot_dimension_numbers<[1], [0], [0], [1], [0, 0, 1, 1], [], []>, transpose_lhs_hint = false} : vector<32x32xf32>, vector<32x1xf32>, vector<32x1xf32> -> vector<32x1xf32>
      %mul3A_1992 = arith.mulf %broadcast_in_dim3A_1989, %dot_general3A_1991 : vector<32x1xf32>
      %reduce_sum3A_1993 = vector.shape_cast %mul3A_1992 : vector<32x1xf32> to vector<1x32x1xf32>
      %reduce_sum3A_1994 = arith.constant dense<0.000000e+00> : vector<1xf32>
      %reduce_sum3A_1995 = vector.multi_reduction <add>, %reduce_sum3A_1993, %reduce_sum3A_1994 [1, 2] : vector<1x32x1xf32> to vector<1xf32>
      %reduce_sum3A_1996 = vector.shape_cast %reduce_sum3A_1995 : vector<1xf32> to vector<1x1x1xf32>
      %reduce_sum3A_1997 = vector.extract %reduce_sum3A_1996[0, 0, 0] : f32 from vector<1x1x1xf32>
      %mul3A_1998 = arith.mulf %broadcast_in_dim3A_1989, %broadcast_in_dim3A_1989 : vector<32x1xf32>
      %reduce_sum3A_1999 = vector.shape_cast %mul3A_1998 : vector<32x1xf32> to vector<1x32x1xf32>
      %reduce_sum3A_2000 = arith.constant dense<0.000000e+00> : vector<1xf32>
      %reduce_sum3A_2001 = vector.multi_reduction <add>, %reduce_sum3A_1999, %reduce_sum3A_2000 [1, 2] : vector<1x32x1xf32> to vector<1xf32>
      %reduce_sum3A_2002 = vector.shape_cast %reduce_sum3A_2001 : vector<1xf32> to vector<1x1x1xf32>
      %reduce_sum3A_2003 = vector.extract %reduce_sum3A_2002[0, 0, 0] : f32 from vector<1x1x1xf32>
      %div3A_2004 = arith.divf %reduce_sum3A_1997, %reduce_sum3A_2003 : f32
      %rsqrt3A_2005 = math.rsqrt %div3A_2004 : f32
      %get3A_2006 = arith.constant 0 : index
      %get3A_2007 = arith.constant 0 : index
      %get3A_2008 = vector.load %arg20[%get3A_2006, %get3A_2007] : memref<32x256xf32, #tpu.memory_space<vmem>>, vector<32x256xf32>
      %dot_general3A_2009 = arith.constant dense<0.000000e+00> : vector<32x32xf32>
      %dot_general3A_2010 = tpu.matmul %get3A_2008, %get3A_2008, %dot_general3A_2009 {dimension_numbers = #tpu.dot_dimension_numbers<[1], [1], [0], [0], [0, 0, 1, 0], [], []>, transpose_lhs_hint = false} : vector<32x256xf32>, vector<32x256xf32>, vector<32x32xf32> -> vector<32x32xf32>
      %abs3A_2011 = math.absf %dot_general3A_2010 : vector<32x32xf32>
      %reduce_max3A_2012 = vector.shape_cast %abs3A_2011 : vector<32x32xf32> to vector<1x32x32xf32>
      %reduce_max3A_2013 = arith.constant dense<0xFF800000> : vector<1xf32>
      %reduce_max3A_2014 = vector.multi_reduction <maximumf>, %reduce_max3A_2012, %reduce_max3A_2013 [1, 2] : vector<1x32x32xf32> to vector<1xf32>
      %reduce_max3A_2015 = vector.shape_cast %reduce_max3A_2014 : vector<1xf32> to vector<1x1x1xf32>
      %reduce_max3A_2016 = vector.extract %reduce_max3A_2015[0, 0, 0] : f32 from vector<1x1x1xf32>
      %div3A_2017 = arith.constant 1.000000e+00 : f32
      %div3A_2018 = arith.divf %div3A_2017, %reduce_max3A_2016 : f32
      %mul3A_2019 = vector.broadcast %div3A_2018 : f32 to vector<32x32xf32>
      %mul3A_2020 = arith.mulf %dot_general3A_2010, %mul3A_2019 : vector<32x32xf32>
      %scan3A_2021 = arith.constant 0 : i32
      %scan3A_2022 = arith.constant 12 : i32
      %scan3A_2023 = arith.addi %scan3A_2021, %scan3A_2022 : i32
      %scan3A_2024 = arith.constant 1 : i32
      %scan3A_2025 = scf.for %scan3A_2089 = %scan3A_2021 to %scan3A_2023 step %scan3A_2024 iter_args(%scan3A_2090 = %mul3A_2020) -> (vector<32x32xf32>)  : i32 {
        %dot_general3A_2091 = arith.constant dense<0.000000e+00> : vector<32x32xf32>
        %dot_general3A_2092 = tpu.matmul %scan3A_2090, %scan3A_2090, %dot_general3A_2091 {dimension_numbers = #tpu.dot_dimension_numbers<[1], [0], [0], [1], [0, 0, 1, 1], [], []>, transpose_lhs_hint = false} : vector<32x32xf32>, vector<32x32xf32>, vector<32x32xf32> -> vector<32x32xf32>
        %abs3A_2093 = math.absf %dot_general3A_2092 : vector<32x32xf32>
        %reduce_max3A_2094 = vector.shape_cast %abs3A_2093 : vector<32x32xf32> to vector<1x32x32xf32>
        %reduce_max3A_2095 = arith.constant dense<0xFF800000> : vector<1xf32>
        %reduce_max3A_2096 = vector.multi_reduction <maximumf>, %reduce_max3A_2094, %reduce_max3A_2095 [1, 2] : vector<1x32x32xf32> to vector<1xf32>
        %reduce_max3A_2097 = vector.shape_cast %reduce_max3A_2096 : vector<1xf32> to vector<1x1x1xf32>
        %reduce_max3A_2098 = vector.extract %reduce_max3A_2097[0, 0, 0] : f32 from vector<1x1x1xf32>
        %div3A_2099 = arith.constant 1.000000e+00 : f32
        %div3A_2100 = arith.divf %div3A_2099, %reduce_max3A_2098 : f32
        %mul3A_2101 = vector.broadcast %div3A_2100 : f32 to vector<32x32xf32>
        %mul3A_2102 = arith.mulf %dot_general3A_2092, %mul3A_2101 : vector<32x32xf32>
        scf.yield %mul3A_2102 : vector<32x32xf32>
      }
      %reduce_sum3A_2026 = arith.constant dense<0.000000e+00> : vector<32xf32>
      %reduce_sum3A_2027 = vector.multi_reduction <add>, %scan3A_2025, %reduce_sum3A_2026 [1] : vector<32x32xf32> to vector<32xf32>
      %broadcast_in_dim3A_2028 = vector.shape_cast %reduce_sum3A_2027 : vector<32xf32> to vector<32x1xf32>
      %dot_general3A_2029 = arith.constant dense<0.000000e+00> : vector<32x1xf32>
      %dot_general3A_2030 = tpu.matmul %dot_general3A_2010, %broadcast_in_dim3A_2028, %dot_general3A_2029 {dimension_numbers = #tpu.dot_dimension_numbers<[1], [0], [0], [1], [0, 0, 1, 1], [], []>, transpose_lhs_hint = false} : vector<32x32xf32>, vector<32x1xf32>, vector<32x1xf32> -> vector<32x1xf32>
      %mul3A_2031 = arith.mulf %broadcast_in_dim3A_2028, %dot_general3A_2030 : vector<32x1xf32>
      %reduce_sum3A_2032 = vector.shape_cast %mul3A_2031 : vector<32x1xf32> to vector<1x32x1xf32>
      %reduce_sum3A_2033 = arith.constant dense<0.000000e+00> : vector<1xf32>
      %reduce_sum3A_2034 = vector.multi_reduction <add>, %reduce_sum3A_2032, %reduce_sum3A_2033 [1, 2] : vector<1x32x1xf32> to vector<1xf32>
      %reduce_sum3A_2035 = vector.shape_cast %reduce_sum3A_2034 : vector<1xf32> to vector<1x1x1xf32>
      %reduce_sum3A_2036 = vector.extract %reduce_sum3A_2035[0, 0, 0] : f32 from vector<1x1x1xf32>
      %mul3A_2037 = arith.mulf %broadcast_in_dim3A_2028, %broadcast_in_dim3A_2028 : vector<32x1xf32>
      %reduce_sum3A_2038 = vector.shape_cast %mul3A_2037 : vector<32x1xf32> to vector<1x32x1xf32>
      %reduce_sum3A_2039 = arith.constant dense<0.000000e+00> : vector<1xf32>
      %reduce_sum3A_2040 = vector.multi_reduction <add>, %reduce_sum3A_2038, %reduce_sum3A_2039 [1, 2] : vector<1x32x1xf32> to vector<1xf32>
      %reduce_sum3A_2041 = vector.shape_cast %reduce_sum3A_2040 : vector<1xf32> to vector<1x1x1xf32>
      %reduce_sum3A_2042 = vector.extract %reduce_sum3A_2041[0, 0, 0] : f32 from vector<1x1x1xf32>
      %div3A_2043 = arith.divf %reduce_sum3A_2036, %reduce_sum3A_2042 : f32
      %rsqrt3A_2044 = math.rsqrt %div3A_2043 : f32
      %mul3A_2045 = arith.mulf %rsqrt3A_2005, %rsqrt3A_2044 : f32
      %swap3A_2046 = arith.constant 0 : index
      %swap3A_2047 = memref.load %arg31[%swap3A_2046] : memref<2xf32, #tpu.memory_space<smem>>
      memref.store %mul3A_2045, %arg31[%swap3A_2046] : memref<2xf32, #tpu.memory_space<smem>>
      %get3A_2048 = arith.constant 0 : index
      %get3A_2049 = arith.constant 0 : index
      %get3A_2050 = vector.load %arg21[%get3A_2048, %get3A_2049] : memref<256x256xf32, #tpu.memory_space<vmem>>, vector<256x256xf32>
      %dot_general3A_2051 = arith.constant dense<0.000000e+00> : vector<256x256xf32>
      %dot_general3A_2052 = tpu.matmul %get3A_2050, %get3A_2050, %dot_general3A_2051 {dimension_numbers = #tpu.dot_dimension_numbers<[1], [1], [0], [0], [0, 0, 1, 0], [], []>, transpose_lhs_hint = false} : vector<256x256xf32>, vector<256x256xf32>, vector<256x256xf32> -> vector<256x256xf32>
      %abs3A_2053 = math.absf %dot_general3A_2052 : vector<256x256xf32>
      %reduce_max3A_2054 = vector.shape_cast %abs3A_2053 : vector<256x256xf32> to vector<1x256x256xf32>
      %reduce_max3A_2055 = arith.constant dense<0xFF800000> : vector<1xf32>
      %reduce_max3A_2056 = vector.multi_reduction <maximumf>, %reduce_max3A_2054, %reduce_max3A_2055 [1, 2] : vector<1x256x256xf32> to vector<1xf32>
      %reduce_max3A_2057 = vector.shape_cast %reduce_max3A_2056 : vector<1xf32> to vector<1x1x1xf32>
      %reduce_max3A_2058 = vector.extract %reduce_max3A_2057[0, 0, 0] : f32 from vector<1x1x1xf32>
      %div3A_2059 = arith.constant 1.000000e+00 : f32
      %div3A_2060 = arith.divf %div3A_2059, %reduce_max3A_2058 : f32
      %mul3A_2061 = vector.broadcast %div3A_2060 : f32 to vector<256x256xf32>
      %mul3A_2062 = arith.mulf %dot_general3A_2052, %mul3A_2061 : vector<256x256xf32>
      %scan3A_2063 = arith.constant 0 : i32
      %scan3A_2064 = arith.constant 12 : i32
      %scan3A_2065 = arith.addi %scan3A_2063, %scan3A_2064 : i32
      %scan3A_2066 = arith.constant 1 : i32
      %scan3A_2067 = scf.for %scan3A_2089 = %scan3A_2063 to %scan3A_2065 step %scan3A_2066 iter_args(%scan3A_2090 = %mul3A_2062) -> (vector<256x256xf32>)  : i32 {
        %dot_general3A_2091 = arith.constant dense<0.000000e+00> : vector<256x256xf32>
        %dot_general3A_2092 = tpu.matmul %scan3A_2090, %scan3A_2090, %dot_general3A_2091 {dimension_numbers = #tpu.dot_dimension_numbers<[1], [0], [0], [1], [0, 0, 1, 1], [], []>, transpose_lhs_hint = false} : vector<256x256xf32>, vector<256x256xf32>, vector<256x256xf32> -> vector<256x256xf32>
        %abs3A_2093 = math.absf %dot_general3A_2092 : vector<256x256xf32>
        %reduce_max3A_2094 = vector.shape_cast %abs3A_2093 : vector<256x256xf32> to vector<1x256x256xf32>
        %reduce_max3A_2095 = arith.constant dense<0xFF800000> : vector<1xf32>
        %reduce_max3A_2096 = vector.multi_reduction <maximumf>, %reduce_max3A_2094, %reduce_max3A_2095 [1, 2] : vector<1x256x256xf32> to vector<1xf32>
        %reduce_max3A_2097 = vector.shape_cast %reduce_max3A_2096 : vector<1xf32> to vector<1x1x1xf32>
        %reduce_max3A_2098 = vector.extract %reduce_max3A_2097[0, 0, 0] : f32 from vector<1x1x1xf32>
        %div3A_2099 = arith.constant 1.000000e+00 : f32
        %div3A_2100 = arith.divf %div3A_2099, %reduce_max3A_2098 : f32
        %mul3A_2101 = vector.broadcast %div3A_2100 : f32 to vector<256x256xf32>
        %mul3A_2102 = arith.mulf %dot_general3A_2092, %mul3A_2101 : vector<256x256xf32>
        scf.yield %mul3A_2102 : vector<256x256xf32>
      }
      %reduce_sum3A_2068 = arith.constant dense<0.000000e+00> : vector<256xf32>
      %reduce_sum3A_2069 = vector.multi_reduction <add>, %scan3A_2067, %reduce_sum3A_2068 [1] : vector<256x256xf32> to vector<256xf32>
      %broadcast_in_dim3A_2070 = vector.shape_cast %reduce_sum3A_2069 : vector<256xf32> to vector<256x1xf32>
      %dot_general3A_2071 = arith.constant dense<0.000000e+00> : vector<256x1xf32>
      %dot_general3A_2072 = tpu.matmul %dot_general3A_2052, %broadcast_in_dim3A_2070, %dot_general3A_2071 {dimension_numbers = #tpu.dot_dimension_numbers<[1], [0], [0], [1], [0, 0, 1, 1], [], []>, transpose_lhs_hint = false} : vector<256x256xf32>, vector<256x1xf32>, vector<256x1xf32> -> vector<256x1xf32>
      %mul3A_2073 = arith.mulf %broadcast_in_dim3A_2070, %dot_general3A_2072 : vector<256x1xf32>
      %reduce_sum3A_2074 = vector.shape_cast %mul3A_2073 : vector<256x1xf32> to vector<1x256x1xf32>
      %reduce_sum3A_2075 = arith.constant dense<0.000000e+00> : vector<1xf32>
      %reduce_sum3A_2076 = vector.multi_reduction <add>, %reduce_sum3A_2074, %reduce_sum3A_2075 [1, 2] : vector<1x256x1xf32> to vector<1xf32>
      %reduce_sum3A_2077 = vector.shape_cast %reduce_sum3A_2076 : vector<1xf32> to vector<1x1x1xf32>
      %reduce_sum3A_2078 = vector.extract %reduce_sum3A_2077[0, 0, 0] : f32 from vector<1x1x1xf32>
      %mul3A_2079 = arith.mulf %broadcast_in_dim3A_2070, %broadcast_in_dim3A_2070 : vector<256x1xf32>
      %reduce_sum3A_2080 = vector.shape_cast %mul3A_2079 : vector<256x1xf32> to vector<1x256x1xf32>
      %reduce_sum3A_2081 = arith.constant dense<0.000000e+00> : vector<1xf32>
      %reduce_sum3A_2082 = vector.multi_reduction <add>, %reduce_sum3A_2080, %reduce_sum3A_2081 [1, 2] : vector<1x256x1xf32> to vector<1xf32>
      %reduce_sum3A_2083 = vector.shape_cast %reduce_sum3A_2082 : vector<1xf32> to vector<1x1x1xf32>
      %reduce_sum3A_2084 = vector.extract %reduce_sum3A_2083[0, 0, 0] : f32 from vector<1x1x1xf32>
      %div3A_2085 = arith.divf %reduce_sum3A_2078, %reduce_sum3A_2084 : f32
      %rsqrt3A_2086 = math.rsqrt %div3A_2085 : f32
      %swap3A_2087 = arith.constant 1 : index
      %swap3A_2088 = memref.load %arg31[%swap3A_2087] : memref<2xf32, #tpu.memory_space<smem>>
      memref.store %rsqrt3A_2086, %arg31[%swap3A_2087] : memref<2xf32, #tpu.memory_space<smem>>
    } else {
    }
    %get3A = arith.constant 0 : index
    %get3A_2 = memref.load %arg31[%get3A] : memref<2xf32, #tpu.memory_space<smem>>
    %get3A_3 = arith.constant 1 : index
    %get3A_4 = memref.load %arg31[%get3A_3] : memref<2xf32, #tpu.memory_space<smem>>
    %get3A_5 = arith.constant 0 : index
    %get3A_6 = memref.load %arg28[%get3A_5] : memref<1xf32, #tpu.memory_space<smem>>
    %get3A_7 = arith.constant 0 : index
    %get3A_8 = arith.constant 0 : index
    %get3A_9 = arith.constant 0 : index
    %get3A_10 = vector.load %arg1[%get3A_7, %get3A_8, %get3A_9] : memref<256x6x256xf32, #tpu.memory_space<vmem>>, vector<256x1x256xf32>
    %get3A_11 = vector.shape_cast %get3A_10 : vector<256x1x256xf32> to vector<256x256xf32>
    %get3A_12 = arith.constant 0 : index
    %get3A_13 = arith.constant 1 : index
    %get3A_14 = arith.constant 0 : index
    %get3A_15 = vector.load %arg1[%get3A_12, %get3A_13, %get3A_14] : memref<256x6x256xf32, #tpu.memory_space<vmem>>, vector<256x1x256xf32>
    %get3A_16 = vector.shape_cast %get3A_15 : vector<256x1x256xf32> to vector<256x256xf32>
    %get3A_17 = arith.constant 0 : index
    %get3A_18 = arith.constant 2 : index
    %get3A_19 = arith.constant 0 : index
    %get3A_20 = vector.load %arg1[%get3A_17, %get3A_18, %get3A_19] : memref<256x6x256xf32, #tpu.memory_space<vmem>>, vector<256x1x256xf32>
    %get3A_21 = vector.shape_cast %get3A_20 : vector<256x1x256xf32> to vector<256x256xf32>
    %get3A_22 = arith.constant 0 : index
    %get3A_23 = arith.constant 3 : index
    %get3A_24 = arith.constant 0 : index
    %get3A_25 = vector.load %arg1[%get3A_22, %get3A_23, %get3A_24] : memref<256x6x256xf32, #tpu.memory_space<vmem>>, vector<256x1x256xf32>
    %get3A_26 = vector.shape_cast %get3A_25 : vector<256x1x256xf32> to vector<256x256xf32>
    %get3A_27 = arith.constant 0 : index
    %get3A_28 = arith.constant 4 : index
    %get3A_29 = arith.constant 0 : index
    %get3A_30 = vector.load %arg1[%get3A_27, %get3A_28, %get3A_29] : memref<256x6x256xf32, #tpu.memory_space<vmem>>, vector<256x1x256xf32>
    %get3A_31 = vector.shape_cast %get3A_30 : vector<256x1x256xf32> to vector<256x256xf32>
    %get3A_32 = arith.constant 0 : index
    %get3A_33 = arith.constant 5 : index
    %get3A_34 = arith.constant 0 : index
    %get3A_35 = vector.load %arg1[%get3A_32, %get3A_33, %get3A_34] : memref<256x6x256xf32, #tpu.memory_space<vmem>>, vector<256x1x256xf32>
    %get3A_36 = vector.shape_cast %get3A_35 : vector<256x1x256xf32> to vector<256x256xf32>
    %get3A_37 = arith.constant 0 : index
    %get3A_38 = memref.load %arg24[%get3A_37] : memref<1xf32, #tpu.memory_space<smem>>
    %get3A_39 = arith.constant 0 : index
    %get3A_40 = arith.constant 0 : index
    %get3A_41 = arith.constant 0 : index
    %get3A_42 = vector.load %arg3[%get3A_39, %get3A_40, %get3A_41] : memref<6x256x256xf32, #tpu.memory_space<vmem>>, vector<1x256x256xf32>
    %get3A_43 = vector.shape_cast %get3A_42 : vector<1x256x256xf32> to vector<256x256xf32>
    %dot_general3A = arith.constant dense<0.000000e+00> : vector<256x256xf32>
    %dot_general3A_44 = tpu.matmul %get3A_11, %get3A_43, %dot_general3A {dimension_numbers = #tpu.dot_dimension_numbers<[1], [0], [0], [1], [0, 0, 1, 1], [], []>, transpose_lhs_hint = false} : vector<256x256xf32>, vector<256x256xf32>, vector<256x256xf32> -> vector<256x256xf32>
    %get3A_45 = arith.constant 0 : index
    %get3A_46 = arith.constant 0 : index
    %get3A_47 = vector.load %arg4[%get3A_45, %get3A_46] : memref<6x256xf32, #tpu.memory_space<vmem>>, vector<1x256xf32>
    %add3A = vector.broadcast %get3A_47 : vector<1x256xf32> to vector<256x256xf32>
    %add3A_48 = arith.addf %dot_general3A_44, %add3A : vector<256x256xf32>
    %get3A_49 = arith.constant 1 : index
    %get3A_50 = arith.constant 0 : index
    %get3A_51 = arith.constant 0 : index
    %get3A_52 = vector.load %arg3[%get3A_49, %get3A_50, %get3A_51] : memref<6x256x256xf32, #tpu.memory_space<vmem>>, vector<1x256x256xf32>
    %get3A_53 = vector.shape_cast %get3A_52 : vector<1x256x256xf32> to vector<256x256xf32>
    %dot_general3A_54 = arith.constant dense<0.000000e+00> : vector<256x256xf32>
    %dot_general3A_55 = tpu.matmul %get3A_16, %get3A_53, %dot_general3A_54 {dimension_numbers = #tpu.dot_dimension_numbers<[1], [0], [0], [1], [0, 0, 1, 1], [], []>, transpose_lhs_hint = false} : vector<256x256xf32>, vector<256x256xf32>, vector<256x256xf32> -> vector<256x256xf32>
    %get3A_56 = arith.constant 1 : index
    %get3A_57 = arith.constant 0 : index
    %get3A_58 = vector.load %arg4[%get3A_56, %get3A_57] : memref<6x256xf32, #tpu.memory_space<vmem>>, vector<1x256xf32>
    %add3A_59 = vector.broadcast %get3A_58 : vector<1x256xf32> to vector<256x256xf32>
    %add3A_60 = arith.addf %dot_general3A_55, %add3A_59 : vector<256x256xf32>
    %get3A_61 = arith.constant 2 : index
    %get3A_62 = arith.constant 0 : index
    %get3A_63 = arith.constant 0 : index
    %get3A_64 = vector.load %arg3[%get3A_61, %get3A_62, %get3A_63] : memref<6x256x256xf32, #tpu.memory_space<vmem>>, vector<1x256x256xf32>
    %get3A_65 = vector.shape_cast %get3A_64 : vector<1x256x256xf32> to vector<256x256xf32>
    %dot_general3A_66 = arith.constant dense<0.000000e+00> : vector<256x256xf32>
    %dot_general3A_67 = tpu.matmul %get3A_21, %get3A_65, %dot_general3A_66 {dimension_numbers = #tpu.dot_dimension_numbers<[1], [0], [0], [1], [0, 0, 1, 1], [], []>, transpose_lhs_hint = false} : vector<256x256xf32>, vector<256x256xf32>, vector<256x256xf32> -> vector<256x256xf32>
    %get3A_68 = arith.constant 2 : index
    %get3A_69 = arith.constant 0 : index
    %get3A_70 = vector.load %arg4[%get3A_68, %get3A_69] : memref<6x256xf32, #tpu.memory_space<vmem>>, vector<1x256xf32>
    %add3A_71 = vector.broadcast %get3A_70 : vector<1x256xf32> to vector<256x256xf32>
    %add3A_72 = arith.addf %dot_general3A_67, %add3A_71 : vector<256x256xf32>
    %get3A_73 = arith.constant 3 : index
    %get3A_74 = arith.constant 0 : index
    %get3A_75 = arith.constant 0 : index
    %get3A_76 = vector.load %arg3[%get3A_73, %get3A_74, %get3A_75] : memref<6x256x256xf32, #tpu.memory_space<vmem>>, vector<1x256x256xf32>
    %get3A_77 = vector.shape_cast %get3A_76 : vector<1x256x256xf32> to vector<256x256xf32>
    %dot_general3A_78 = arith.constant dense<0.000000e+00> : vector<256x256xf32>
    %dot_general3A_79 = tpu.matmul %get3A_26, %get3A_77, %dot_general3A_78 {dimension_numbers = #tpu.dot_dimension_numbers<[1], [0], [0], [1], [0, 0, 1, 1], [], []>, transpose_lhs_hint = false} : vector<256x256xf32>, vector<256x256xf32>, vector<256x256xf32> -> vector<256x256xf32>
    %get3A_80 = arith.constant 3 : index
    %get3A_81 = arith.constant 0 : index
    %get3A_82 = vector.load %arg4[%get3A_80, %get3A_81] : memref<6x256xf32, #tpu.memory_space<vmem>>, vector<1x256xf32>
    %add3A_83 = vector.broadcast %get3A_82 : vector<1x256xf32> to vector<256x256xf32>
    %add3A_84 = arith.addf %dot_general3A_79, %add3A_83 : vector<256x256xf32>
    %get3A_85 = arith.constant 4 : index
    %get3A_86 = arith.constant 0 : index
    %get3A_87 = arith.constant 0 : index
    %get3A_88 = vector.load %arg3[%get3A_85, %get3A_86, %get3A_87] : memref<6x256x256xf32, #tpu.memory_space<vmem>>, vector<1x256x256xf32>
    %get3A_89 = vector.shape_cast %get3A_88 : vector<1x256x256xf32> to vector<256x256xf32>
    %dot_general3A_90 = arith.constant dense<0.000000e+00> : vector<256x256xf32>
    %dot_general3A_91 = tpu.matmul %get3A_31, %get3A_89, %dot_general3A_90 {dimension_numbers = #tpu.dot_dimension_numbers<[1], [0], [0], [1], [0, 0, 1, 1], [], []>, transpose_lhs_hint = false} : vector<256x256xf32>, vector<256x256xf32>, vector<256x256xf32> -> vector<256x256xf32>
    %get3A_92 = arith.constant 4 : index
    %get3A_93 = arith.constant 0 : index
    %get3A_94 = vector.load %arg4[%get3A_92, %get3A_93] : memref<6x256xf32, #tpu.memory_space<vmem>>, vector<1x256xf32>
    %add3A_95 = vector.broadcast %get3A_94 : vector<1x256xf32> to vector<256x256xf32>
    %add3A_96 = arith.addf %dot_general3A_91, %add3A_95 : vector<256x256xf32>
    %get3A_97 = arith.constant 5 : index
    %get3A_98 = arith.constant 0 : index
    %get3A_99 = arith.constant 0 : index
    %get3A_100 = vector.load %arg3[%get3A_97, %get3A_98, %get3A_99] : memref<6x256x256xf32, #tpu.memory_space<vmem>>, vector<1x256x256xf32>
    %get3A_101 = vector.shape_cast %get3A_100 : vector<1x256x256xf32> to vector<256x256xf32>
    %dot_general3A_102 = arith.constant dense<0.000000e+00> : vector<256x256xf32>
    %dot_general3A_103 = tpu.matmul %get3A_36, %get3A_101, %dot_general3A_102 {dimension_numbers = #tpu.dot_dimension_numbers<[1], [0], [0], [1], [0, 0, 1, 1], [], []>, transpose_lhs_hint = false} : vector<256x256xf32>, vector<256x256xf32>, vector<256x256xf32> -> vector<256x256xf32>
    %get3A_104 = arith.constant 5 : index
    %get3A_105 = arith.constant 0 : index
    %get3A_106 = vector.load %arg4[%get3A_104, %get3A_105] : memref<6x256xf32, #tpu.memory_space<vmem>>, vector<1x256xf32>
    %add3A_107 = vector.broadcast %get3A_106 : vector<1x256xf32> to vector<256x256xf32>
    %add3A_108 = arith.addf %dot_general3A_103, %add3A_107 : vector<256x256xf32>
    %reduce_sum3A = arith.constant dense<0.000000e+00> : vector<256xf32>
    %reduce_sum3A_109 = vector.multi_reduction <add>, %add3A_48, %reduce_sum3A [1] : vector<256x256xf32> to vector<256xf32>
    %broadcast_in_dim3A = vector.shape_cast %reduce_sum3A_109 : vector<256xf32> to vector<256x1xf32>
    %add3A_110 = arith.constant 0.000000e+00 : f32
    %add3A_111 = vector.broadcast %add3A_110 : f32 to vector<256x1xf32>
    %add3A_112 = arith.addf %add3A_111, %broadcast_in_dim3A : vector<256x1xf32>
    %reduce_sum3A_113 = arith.constant dense<0.000000e+00> : vector<256xf32>
    %reduce_sum3A_114 = vector.multi_reduction <add>, %add3A_60, %reduce_sum3A_113 [1] : vector<256x256xf32> to vector<256xf32>
    %broadcast_in_dim3A_115 = vector.shape_cast %reduce_sum3A_114 : vector<256xf32> to vector<256x1xf32>
    %add3A_116 = arith.addf %add3A_112, %broadcast_in_dim3A_115 : vector<256x1xf32>
    %reduce_sum3A_117 = arith.constant dense<0.000000e+00> : vector<256xf32>
    %reduce_sum3A_118 = vector.multi_reduction <add>, %add3A_72, %reduce_sum3A_117 [1] : vector<256x256xf32> to vector<256xf32>
    %broadcast_in_dim3A_119 = vector.shape_cast %reduce_sum3A_118 : vector<256xf32> to vector<256x1xf32>
    %add3A_120 = arith.addf %add3A_116, %broadcast_in_dim3A_119 : vector<256x1xf32>
    %reduce_sum3A_121 = arith.constant dense<0.000000e+00> : vector<256xf32>
    %reduce_sum3A_122 = vector.multi_reduction <add>, %add3A_84, %reduce_sum3A_121 [1] : vector<256x256xf32> to vector<256xf32>
    %broadcast_in_dim3A_123 = vector.shape_cast %reduce_sum3A_122 : vector<256xf32> to vector<256x1xf32>
    %add3A_124 = arith.addf %add3A_120, %broadcast_in_dim3A_123 : vector<256x1xf32>
    %reduce_sum3A_125 = arith.constant dense<0.000000e+00> : vector<256xf32>
    %reduce_sum3A_126 = vector.multi_reduction <add>, %add3A_96, %reduce_sum3A_125 [1] : vector<256x256xf32> to vector<256xf32>
    %broadcast_in_dim3A_127 = vector.shape_cast %reduce_sum3A_126 : vector<256xf32> to vector<256x1xf32>
    %add3A_128 = arith.addf %add3A_124, %broadcast_in_dim3A_127 : vector<256x1xf32>
    %reduce_sum3A_129 = arith.constant dense<0.000000e+00> : vector<256xf32>
    %reduce_sum3A_130 = vector.multi_reduction <add>, %add3A_108, %reduce_sum3A_129 [1] : vector<256x256xf32> to vector<256xf32>
    %broadcast_in_dim3A_131 = vector.shape_cast %reduce_sum3A_130 : vector<256xf32> to vector<256x1xf32>
    %add3A_132 = arith.addf %add3A_128, %broadcast_in_dim3A_131 : vector<256x1xf32>
    %mul3A = arith.constant 6.51041686E-4 : f32
    %mul3A_133 = vector.broadcast %mul3A : f32 to vector<256x1xf32>
    %mul3A_134 = arith.mulf %add3A_132, %mul3A_133 : vector<256x1xf32>
    %mul3A_135 = arith.mulf %add3A_48, %add3A_48 : vector<256x256xf32>
    %reduce_sum3A_136 = arith.constant dense<0.000000e+00> : vector<256xf32>
    %reduce_sum3A_137 = vector.multi_reduction <add>, %mul3A_135, %reduce_sum3A_136 [1] : vector<256x256xf32> to vector<256xf32>
    %broadcast_in_dim3A_138 = vector.shape_cast %reduce_sum3A_137 : vector<256xf32> to vector<256x1xf32>
    %add3A_139 = arith.constant 0.000000e+00 : f32
    %add3A_140 = vector.broadcast %add3A_139 : f32 to vector<256x1xf32>
    %add3A_141 = arith.addf %add3A_140, %broadcast_in_dim3A_138 : vector<256x1xf32>
    %mul3A_142 = arith.mulf %add3A_60, %add3A_60 : vector<256x256xf32>
    %reduce_sum3A_143 = arith.constant dense<0.000000e+00> : vector<256xf32>
    %reduce_sum3A_144 = vector.multi_reduction <add>, %mul3A_142, %reduce_sum3A_143 [1] : vector<256x256xf32> to vector<256xf32>
    %broadcast_in_dim3A_145 = vector.shape_cast %reduce_sum3A_144 : vector<256xf32> to vector<256x1xf32>
    %add3A_146 = arith.addf %add3A_141, %broadcast_in_dim3A_145 : vector<256x1xf32>
    %mul3A_147 = arith.mulf %add3A_72, %add3A_72 : vector<256x256xf32>
    %reduce_sum3A_148 = arith.constant dense<0.000000e+00> : vector<256xf32>
    %reduce_sum3A_149 = vector.multi_reduction <add>, %mul3A_147, %reduce_sum3A_148 [1] : vector<256x256xf32> to vector<256xf32>
    %broadcast_in_dim3A_150 = vector.shape_cast %reduce_sum3A_149 : vector<256xf32> to vector<256x1xf32>
    %add3A_151 = arith.addf %add3A_146, %broadcast_in_dim3A_150 : vector<256x1xf32>
    %mul3A_152 = arith.mulf %add3A_84, %add3A_84 : vector<256x256xf32>
    %reduce_sum3A_153 = arith.constant dense<0.000000e+00> : vector<256xf32>
    %reduce_sum3A_154 = vector.multi_reduction <add>, %mul3A_152, %reduce_sum3A_153 [1] : vector<256x256xf32> to vector<256xf32>
    %broadcast_in_dim3A_155 = vector.shape_cast %reduce_sum3A_154 : vector<256xf32> to vector<256x1xf32>
    %add3A_156 = arith.addf %add3A_151, %broadcast_in_dim3A_155 : vector<256x1xf32>
    %mul3A_157 = arith.mulf %add3A_96, %add3A_96 : vector<256x256xf32>
    %reduce_sum3A_158 = arith.constant dense<0.000000e+00> : vector<256xf32>
    %reduce_sum3A_159 = vector.multi_reduction <add>, %mul3A_157, %reduce_sum3A_158 [1] : vector<256x256xf32> to vector<256xf32>
    %broadcast_in_dim3A_160 = vector.shape_cast %reduce_sum3A_159 : vector<256xf32> to vector<256x1xf32>
    %add3A_161 = arith.addf %add3A_156, %broadcast_in_dim3A_160 : vector<256x1xf32>
    %mul3A_162 = arith.mulf %add3A_108, %add3A_108 : vector<256x256xf32>
    %reduce_sum3A_163 = arith.constant dense<0.000000e+00> : vector<256xf32>
    %reduce_sum3A_164 = vector.multi_reduction <add>, %mul3A_162, %reduce_sum3A_163 [1] : vector<256x256xf32> to vector<256xf32>
    %broadcast_in_dim3A_165 = vector.shape_cast %reduce_sum3A_164 : vector<256xf32> to vector<256x1xf32>
    %add3A_166 = arith.addf %add3A_161, %broadcast_in_dim3A_165 : vector<256x1xf32>
    %mul3A_167 = arith.constant 6.51041686E-4 : f32
    %mul3A_168 = vector.broadcast %mul3A_167 : f32 to vector<256x1xf32>
    %mul3A_169 = arith.mulf %add3A_166, %mul3A_168 : vector<256x1xf32>
    %mul3A_170 = arith.mulf %mul3A_134, %mul3A_134 : vector<256x1xf32>
    %sub3A = arith.subf %mul3A_169, %mul3A_170 : vector<256x1xf32>
    %add3A_171 = arith.constant 9.99999974E-6 : f32
    %add3A_172 = vector.broadcast %add3A_171 : f32 to vector<256x1xf32>
    %add3A_173 = arith.addf %sub3A, %add3A_172 : vector<256x1xf32>
    %rsqrt3A = math.rsqrt %add3A_173 : vector<256x1xf32>
    %sub3A_174 = vector.broadcast %mul3A_134 : vector<256x1xf32> to vector<256x256xf32>
    %sub3A_175 = arith.subf %add3A_48, %sub3A_174 : vector<256x256xf32>
    %mul3A_176 = vector.broadcast %rsqrt3A : vector<256x1xf32> to vector<256x256xf32>
    %mul3A_177 = arith.mulf %sub3A_175, %mul3A_176 : vector<256x256xf32>
    %get3A_178 = arith.constant 0 : index
    %get3A_179 = arith.constant 0 : index
    %get3A_180 = vector.load %arg11[%get3A_178, %get3A_179] : memref<6x256xf32, #tpu.memory_space<vmem>>, vector<1x256xf32>
    %mul3A_181 = vector.broadcast %get3A_180 : vector<1x256xf32> to vector<256x256xf32>
    %mul3A_182 = arith.mulf %mul3A_177, %mul3A_181 : vector<256x256xf32>
    %get3A_183 = arith.constant 0 : index
    %get3A_184 = arith.constant 0 : index
    %get3A_185 = vector.load %arg12[%get3A_183, %get3A_184] : memref<6x256xf32, #tpu.memory_space<vmem>>, vector<1x256xf32>
    %add3A_186 = vector.broadcast %get3A_185 : vector<1x256xf32> to vector<256x256xf32>
    %add3A_187 = arith.addf %mul3A_182, %add3A_186 : vector<256x256xf32>
    %gt3A = arith.constant 0.000000e+00 : f32
    %gt3A_188 = vector.broadcast %gt3A : f32 to vector<256x256xf32>
    %gt3A_189 = arith.cmpf ogt, %add3A_187, %gt3A_188 : vector<256x256xf32>
    %mul3A_190 = vector.broadcast %get3A_38 : f32 to vector<256x256xf32>
    %mul3A_191 = arith.mulf %mul3A_190, %add3A_187 : vector<256x256xf32>
    %select_n3A = arith.select %gt3A_189, %add3A_187, %mul3A_191 : vector<256x256xi1>, vector<256x256xf32>
    %sub3A_192 = vector.broadcast %mul3A_134 : vector<256x1xf32> to vector<256x256xf32>
    %sub3A_193 = arith.subf %add3A_60, %sub3A_192 : vector<256x256xf32>
    %mul3A_194 = vector.broadcast %rsqrt3A : vector<256x1xf32> to vector<256x256xf32>
    %mul3A_195 = arith.mulf %sub3A_193, %mul3A_194 : vector<256x256xf32>
    %get3A_196 = arith.constant 1 : index
    %get3A_197 = arith.constant 0 : index
    %get3A_198 = vector.load %arg11[%get3A_196, %get3A_197] : memref<6x256xf32, #tpu.memory_space<vmem>>, vector<1x256xf32>
    %mul3A_199 = vector.broadcast %get3A_198 : vector<1x256xf32> to vector<256x256xf32>
    %mul3A_200 = arith.mulf %mul3A_195, %mul3A_199 : vector<256x256xf32>
    %get3A_201 = arith.constant 1 : index
    %get3A_202 = arith.constant 0 : index
    %get3A_203 = vector.load %arg12[%get3A_201, %get3A_202] : memref<6x256xf32, #tpu.memory_space<vmem>>, vector<1x256xf32>
    %add3A_204 = vector.broadcast %get3A_203 : vector<1x256xf32> to vector<256x256xf32>
    %add3A_205 = arith.addf %mul3A_200, %add3A_204 : vector<256x256xf32>
    %gt3A_206 = arith.constant 0.000000e+00 : f32
    %gt3A_207 = vector.broadcast %gt3A_206 : f32 to vector<256x256xf32>
    %gt3A_208 = arith.cmpf ogt, %add3A_205, %gt3A_207 : vector<256x256xf32>
    %mul3A_209 = vector.broadcast %get3A_38 : f32 to vector<256x256xf32>
    %mul3A_210 = arith.mulf %mul3A_209, %add3A_205 : vector<256x256xf32>
    %select_n3A_211 = arith.select %gt3A_208, %add3A_205, %mul3A_210 : vector<256x256xi1>, vector<256x256xf32>
    %sub3A_212 = vector.broadcast %mul3A_134 : vector<256x1xf32> to vector<256x256xf32>
    %sub3A_213 = arith.subf %add3A_72, %sub3A_212 : vector<256x256xf32>
    %mul3A_214 = vector.broadcast %rsqrt3A : vector<256x1xf32> to vector<256x256xf32>
    %mul3A_215 = arith.mulf %sub3A_213, %mul3A_214 : vector<256x256xf32>
    %get3A_216 = arith.constant 2 : index
    %get3A_217 = arith.constant 0 : index
    %get3A_218 = vector.load %arg11[%get3A_216, %get3A_217] : memref<6x256xf32, #tpu.memory_space<vmem>>, vector<1x256xf32>
    %mul3A_219 = vector.broadcast %get3A_218 : vector<1x256xf32> to vector<256x256xf32>
    %mul3A_220 = arith.mulf %mul3A_215, %mul3A_219 : vector<256x256xf32>
    %get3A_221 = arith.constant 2 : index
    %get3A_222 = arith.constant 0 : index
    %get3A_223 = vector.load %arg12[%get3A_221, %get3A_222] : memref<6x256xf32, #tpu.memory_space<vmem>>, vector<1x256xf32>
    %add3A_224 = vector.broadcast %get3A_223 : vector<1x256xf32> to vector<256x256xf32>
    %add3A_225 = arith.addf %mul3A_220, %add3A_224 : vector<256x256xf32>
    %gt3A_226 = arith.constant 0.000000e+00 : f32
    %gt3A_227 = vector.broadcast %gt3A_226 : f32 to vector<256x256xf32>
    %gt3A_228 = arith.cmpf ogt, %add3A_225, %gt3A_227 : vector<256x256xf32>
    %mul3A_229 = vector.broadcast %get3A_38 : f32 to vector<256x256xf32>
    %mul3A_230 = arith.mulf %mul3A_229, %add3A_225 : vector<256x256xf32>
    %select_n3A_231 = arith.select %gt3A_228, %add3A_225, %mul3A_230 : vector<256x256xi1>, vector<256x256xf32>
    %sub3A_232 = vector.broadcast %mul3A_134 : vector<256x1xf32> to vector<256x256xf32>
    %sub3A_233 = arith.subf %add3A_84, %sub3A_232 : vector<256x256xf32>
    %mul3A_234 = vector.broadcast %rsqrt3A : vector<256x1xf32> to vector<256x256xf32>
    %mul3A_235 = arith.mulf %sub3A_233, %mul3A_234 : vector<256x256xf32>
    %get3A_236 = arith.constant 3 : index
    %get3A_237 = arith.constant 0 : index
    %get3A_238 = vector.load %arg11[%get3A_236, %get3A_237] : memref<6x256xf32, #tpu.memory_space<vmem>>, vector<1x256xf32>
    %mul3A_239 = vector.broadcast %get3A_238 : vector<1x256xf32> to vector<256x256xf32>
    %mul3A_240 = arith.mulf %mul3A_235, %mul3A_239 : vector<256x256xf32>
    %get3A_241 = arith.constant 3 : index
    %get3A_242 = arith.constant 0 : index
    %get3A_243 = vector.load %arg12[%get3A_241, %get3A_242] : memref<6x256xf32, #tpu.memory_space<vmem>>, vector<1x256xf32>
    %add3A_244 = vector.broadcast %get3A_243 : vector<1x256xf32> to vector<256x256xf32>
    %add3A_245 = arith.addf %mul3A_240, %add3A_244 : vector<256x256xf32>
    %gt3A_246 = arith.constant 0.000000e+00 : f32
    %gt3A_247 = vector.broadcast %gt3A_246 : f32 to vector<256x256xf32>
    %gt3A_248 = arith.cmpf ogt, %add3A_245, %gt3A_247 : vector<256x256xf32>
    %mul3A_249 = vector.broadcast %get3A_38 : f32 to vector<256x256xf32>
    %mul3A_250 = arith.mulf %mul3A_249, %add3A_245 : vector<256x256xf32>
    %select_n3A_251 = arith.select %gt3A_248, %add3A_245, %mul3A_250 : vector<256x256xi1>, vector<256x256xf32>
    %sub3A_252 = vector.broadcast %mul3A_134 : vector<256x1xf32> to vector<256x256xf32>
    %sub3A_253 = arith.subf %add3A_96, %sub3A_252 : vector<256x256xf32>
    %mul3A_254 = vector.broadcast %rsqrt3A : vector<256x1xf32> to vector<256x256xf32>
    %mul3A_255 = arith.mulf %sub3A_253, %mul3A_254 : vector<256x256xf32>
    %get3A_256 = arith.constant 4 : index
    %get3A_257 = arith.constant 0 : index
    %get3A_258 = vector.load %arg11[%get3A_256, %get3A_257] : memref<6x256xf32, #tpu.memory_space<vmem>>, vector<1x256xf32>
    %mul3A_259 = vector.broadcast %get3A_258 : vector<1x256xf32> to vector<256x256xf32>
    %mul3A_260 = arith.mulf %mul3A_255, %mul3A_259 : vector<256x256xf32>
    %get3A_261 = arith.constant 4 : index
    %get3A_262 = arith.constant 0 : index
    %get3A_263 = vector.load %arg12[%get3A_261, %get3A_262] : memref<6x256xf32, #tpu.memory_space<vmem>>, vector<1x256xf32>
    %add3A_264 = vector.broadcast %get3A_263 : vector<1x256xf32> to vector<256x256xf32>
    %add3A_265 = arith.addf %mul3A_260, %add3A_264 : vector<256x256xf32>
    %gt3A_266 = arith.constant 0.000000e+00 : f32
    %gt3A_267 = vector.broadcast %gt3A_266 : f32 to vector<256x256xf32>
    %gt3A_268 = arith.cmpf ogt, %add3A_265, %gt3A_267 : vector<256x256xf32>
    %mul3A_269 = vector.broadcast %get3A_38 : f32 to vector<256x256xf32>
    %mul3A_270 = arith.mulf %mul3A_269, %add3A_265 : vector<256x256xf32>
    %select_n3A_271 = arith.select %gt3A_268, %add3A_265, %mul3A_270 : vector<256x256xi1>, vector<256x256xf32>
    %sub3A_272 = vector.broadcast %mul3A_134 : vector<256x1xf32> to vector<256x256xf32>
    %sub3A_273 = arith.subf %add3A_108, %sub3A_272 : vector<256x256xf32>
    %mul3A_274 = vector.broadcast %rsqrt3A : vector<256x1xf32> to vector<256x256xf32>
    %mul3A_275 = arith.mulf %sub3A_273, %mul3A_274 : vector<256x256xf32>
    %get3A_276 = arith.constant 5 : index
    %get3A_277 = arith.constant 0 : index
    %get3A_278 = vector.load %arg11[%get3A_276, %get3A_277] : memref<6x256xf32, #tpu.memory_space<vmem>>, vector<1x256xf32>
    %mul3A_279 = vector.broadcast %get3A_278 : vector<1x256xf32> to vector<256x256xf32>
    %mul3A_280 = arith.mulf %mul3A_275, %mul3A_279 : vector<256x256xf32>
    %get3A_281 = arith.constant 5 : index
    %get3A_282 = arith.constant 0 : index
    %get3A_283 = vector.load %arg12[%get3A_281, %get3A_282] : memref<6x256xf32, #tpu.memory_space<vmem>>, vector<1x256xf32>
    %add3A_284 = vector.broadcast %get3A_283 : vector<1x256xf32> to vector<256x256xf32>
    %add3A_285 = arith.addf %mul3A_280, %add3A_284 : vector<256x256xf32>
    %gt3A_286 = arith.constant 0.000000e+00 : f32
    %gt3A_287 = vector.broadcast %gt3A_286 : f32 to vector<256x256xf32>
    %gt3A_288 = arith.cmpf ogt, %add3A_285, %gt3A_287 : vector<256x256xf32>
    %mul3A_289 = vector.broadcast %get3A_38 : f32 to vector<256x256xf32>
    %mul3A_290 = arith.mulf %mul3A_289, %add3A_285 : vector<256x256xf32>
    %select_n3A_291 = arith.select %gt3A_288, %add3A_285, %mul3A_290 : vector<256x256xi1>, vector<256x256xf32>
    %get3A_292 = arith.constant 0 : index
    %get3A_293 = memref.load %arg25[%get3A_292] : memref<1xf32, #tpu.memory_space<smem>>
    %get3A_294 = arith.constant 0 : index
    %get3A_295 = arith.constant 0 : index
    %get3A_296 = arith.constant 0 : index
    %get3A_297 = vector.load %arg5[%get3A_294, %get3A_295, %get3A_296] : memref<6x256x256xf32, #tpu.memory_space<vmem>>, vector<1x256x256xf32>
    %get3A_298 = vector.shape_cast %get3A_297 : vector<1x256x256xf32> to vector<256x256xf32>
    %dot_general3A_299 = arith.constant dense<0.000000e+00> : vector<256x256xf32>
    %dot_general3A_300 = tpu.matmul %select_n3A, %get3A_298, %dot_general3A_299 {dimension_numbers = #tpu.dot_dimension_numbers<[1], [0], [0], [1], [0, 0, 1, 1], [], []>, transpose_lhs_hint = false} : vector<256x256xf32>, vector<256x256xf32>, vector<256x256xf32> -> vector<256x256xf32>
    %get3A_301 = arith.constant 0 : index
    %get3A_302 = arith.constant 0 : index
    %get3A_303 = vector.load %arg6[%get3A_301, %get3A_302] : memref<6x256xf32, #tpu.memory_space<vmem>>, vector<1x256xf32>
    %add3A_304 = vector.broadcast %get3A_303 : vector<1x256xf32> to vector<256x256xf32>
    %add3A_305 = arith.addf %dot_general3A_300, %add3A_304 : vector<256x256xf32>
    %get3A_306 = arith.constant 1 : index
    %get3A_307 = arith.constant 0 : index
    %get3A_308 = arith.constant 0 : index
    %get3A_309 = vector.load %arg5[%get3A_306, %get3A_307, %get3A_308] : memref<6x256x256xf32, #tpu.memory_space<vmem>>, vector<1x256x256xf32>
    %get3A_310 = vector.shape_cast %get3A_309 : vector<1x256x256xf32> to vector<256x256xf32>
    %dot_general3A_311 = arith.constant dense<0.000000e+00> : vector<256x256xf32>
    %dot_general3A_312 = tpu.matmul %select_n3A_211, %get3A_310, %dot_general3A_311 {dimension_numbers = #tpu.dot_dimension_numbers<[1], [0], [0], [1], [0, 0, 1, 1], [], []>, transpose_lhs_hint = false} : vector<256x256xf32>, vector<256x256xf32>, vector<256x256xf32> -> vector<256x256xf32>
    %get3A_313 = arith.constant 1 : index
    %get3A_314 = arith.constant 0 : index
    %get3A_315 = vector.load %arg6[%get3A_313, %get3A_314] : memref<6x256xf32, #tpu.memory_space<vmem>>, vector<1x256xf32>
    %add3A_316 = vector.broadcast %get3A_315 : vector<1x256xf32> to vector<256x256xf32>
    %add3A_317 = arith.addf %dot_general3A_312, %add3A_316 : vector<256x256xf32>
    %get3A_318 = arith.constant 2 : index
    %get3A_319 = arith.constant 0 : index
    %get3A_320 = arith.constant 0 : index
    %get3A_321 = vector.load %arg5[%get3A_318, %get3A_319, %get3A_320] : memref<6x256x256xf32, #tpu.memory_space<vmem>>, vector<1x256x256xf32>
    %get3A_322 = vector.shape_cast %get3A_321 : vector<1x256x256xf32> to vector<256x256xf32>
    %dot_general3A_323 = arith.constant dense<0.000000e+00> : vector<256x256xf32>
    %dot_general3A_324 = tpu.matmul %select_n3A_231, %get3A_322, %dot_general3A_323 {dimension_numbers = #tpu.dot_dimension_numbers<[1], [0], [0], [1], [0, 0, 1, 1], [], []>, transpose_lhs_hint = false} : vector<256x256xf32>, vector<256x256xf32>, vector<256x256xf32> -> vector<256x256xf32>
    %get3A_325 = arith.constant 2 : index
    %get3A_326 = arith.constant 0 : index
    %get3A_327 = vector.load %arg6[%get3A_325, %get3A_326] : memref<6x256xf32, #tpu.memory_space<vmem>>, vector<1x256xf32>
    %add3A_328 = vector.broadcast %get3A_327 : vector<1x256xf32> to vector<256x256xf32>
    %add3A_329 = arith.addf %dot_general3A_324, %add3A_328 : vector<256x256xf32>
    %get3A_330 = arith.constant 3 : index
    %get3A_331 = arith.constant 0 : index
    %get3A_332 = arith.constant 0 : index
    %get3A_333 = vector.load %arg5[%get3A_330, %get3A_331, %get3A_332] : memref<6x256x256xf32, #tpu.memory_space<vmem>>, vector<1x256x256xf32>
    %get3A_334 = vector.shape_cast %get3A_333 : vector<1x256x256xf32> to vector<256x256xf32>
    %dot_general3A_335 = arith.constant dense<0.000000e+00> : vector<256x256xf32>
    %dot_general3A_336 = tpu.matmul %select_n3A_251, %get3A_334, %dot_general3A_335 {dimension_numbers = #tpu.dot_dimension_numbers<[1], [0], [0], [1], [0, 0, 1, 1], [], []>, transpose_lhs_hint = false} : vector<256x256xf32>, vector<256x256xf32>, vector<256x256xf32> -> vector<256x256xf32>
    %get3A_337 = arith.constant 3 : index
    %get3A_338 = arith.constant 0 : index
    %get3A_339 = vector.load %arg6[%get3A_337, %get3A_338] : memref<6x256xf32, #tpu.memory_space<vmem>>, vector<1x256xf32>
    %add3A_340 = vector.broadcast %get3A_339 : vector<1x256xf32> to vector<256x256xf32>
    %add3A_341 = arith.addf %dot_general3A_336, %add3A_340 : vector<256x256xf32>
    %get3A_342 = arith.constant 4 : index
    %get3A_343 = arith.constant 0 : index
    %get3A_344 = arith.constant 0 : index
    %get3A_345 = vector.load %arg5[%get3A_342, %get3A_343, %get3A_344] : memref<6x256x256xf32, #tpu.memory_space<vmem>>, vector<1x256x256xf32>
    %get3A_346 = vector.shape_cast %get3A_345 : vector<1x256x256xf32> to vector<256x256xf32>
    %dot_general3A_347 = arith.constant dense<0.000000e+00> : vector<256x256xf32>
    %dot_general3A_348 = tpu.matmul %select_n3A_271, %get3A_346, %dot_general3A_347 {dimension_numbers = #tpu.dot_dimension_numbers<[1], [0], [0], [1], [0, 0, 1, 1], [], []>, transpose_lhs_hint = false} : vector<256x256xf32>, vector<256x256xf32>, vector<256x256xf32> -> vector<256x256xf32>
    %get3A_349 = arith.constant 4 : index
    %get3A_350 = arith.constant 0 : index
    %get3A_351 = vector.load %arg6[%get3A_349, %get3A_350] : memref<6x256xf32, #tpu.memory_space<vmem>>, vector<1x256xf32>
    %add3A_352 = vector.broadcast %get3A_351 : vector<1x256xf32> to vector<256x256xf32>
    %add3A_353 = arith.addf %dot_general3A_348, %add3A_352 : vector<256x256xf32>
    %get3A_354 = arith.constant 5 : index
    %get3A_355 = arith.constant 0 : index
    %get3A_356 = arith.constant 0 : index
    %get3A_357 = vector.load %arg5[%get3A_354, %get3A_355, %get3A_356] : memref<6x256x256xf32, #tpu.memory_space<vmem>>, vector<1x256x256xf32>
    %get3A_358 = vector.shape_cast %get3A_357 : vector<1x256x256xf32> to vector<256x256xf32>
    %dot_general3A_359 = arith.constant dense<0.000000e+00> : vector<256x256xf32>
    %dot_general3A_360 = tpu.matmul %select_n3A_291, %get3A_358, %dot_general3A_359 {dimension_numbers = #tpu.dot_dimension_numbers<[1], [0], [0], [1], [0, 0, 1, 1], [], []>, transpose_lhs_hint = false} : vector<256x256xf32>, vector<256x256xf32>, vector<256x256xf32> -> vector<256x256xf32>
    %get3A_361 = arith.constant 5 : index
    %get3A_362 = arith.constant 0 : index
    %get3A_363 = vector.load %arg6[%get3A_361, %get3A_362] : memref<6x256xf32, #tpu.memory_space<vmem>>, vector<1x256xf32>
    %add3A_364 = vector.broadcast %get3A_363 : vector<1x256xf32> to vector<256x256xf32>
    %add3A_365 = arith.addf %dot_general3A_360, %add3A_364 : vector<256x256xf32>
    %reduce_sum3A_366 = arith.constant dense<0.000000e+00> : vector<256xf32>
    %reduce_sum3A_367 = vector.multi_reduction <add>, %add3A_305, %reduce_sum3A_366 [1] : vector<256x256xf32> to vector<256xf32>
    %broadcast_in_dim3A_368 = vector.shape_cast %reduce_sum3A_367 : vector<256xf32> to vector<256x1xf32>
    %add3A_369 = arith.constant 0.000000e+00 : f32
    %add3A_370 = vector.broadcast %add3A_369 : f32 to vector<256x1xf32>
    %add3A_371 = arith.addf %add3A_370, %broadcast_in_dim3A_368 : vector<256x1xf32>
    %reduce_sum3A_372 = arith.constant dense<0.000000e+00> : vector<256xf32>
    %reduce_sum3A_373 = vector.multi_reduction <add>, %add3A_317, %reduce_sum3A_372 [1] : vector<256x256xf32> to vector<256xf32>
    %broadcast_in_dim3A_374 = vector.shape_cast %reduce_sum3A_373 : vector<256xf32> to vector<256x1xf32>
    %add3A_375 = arith.addf %add3A_371, %broadcast_in_dim3A_374 : vector<256x1xf32>
    %reduce_sum3A_376 = arith.constant dense<0.000000e+00> : vector<256xf32>
    %reduce_sum3A_377 = vector.multi_reduction <add>, %add3A_329, %reduce_sum3A_376 [1] : vector<256x256xf32> to vector<256xf32>
    %broadcast_in_dim3A_378 = vector.shape_cast %reduce_sum3A_377 : vector<256xf32> to vector<256x1xf32>
    %add3A_379 = arith.addf %add3A_375, %broadcast_in_dim3A_378 : vector<256x1xf32>
    %reduce_sum3A_380 = arith.constant dense<0.000000e+00> : vector<256xf32>
    %reduce_sum3A_381 = vector.multi_reduction <add>, %add3A_341, %reduce_sum3A_380 [1] : vector<256x256xf32> to vector<256xf32>
    %broadcast_in_dim3A_382 = vector.shape_cast %reduce_sum3A_381 : vector<256xf32> to vector<256x1xf32>
    %add3A_383 = arith.addf %add3A_379, %broadcast_in_dim3A_382 : vector<256x1xf32>
    %reduce_sum3A_384 = arith.constant dense<0.000000e+00> : vector<256xf32>
    %reduce_sum3A_385 = vector.multi_reduction <add>, %add3A_353, %reduce_sum3A_384 [1] : vector<256x256xf32> to vector<256xf32>
    %broadcast_in_dim3A_386 = vector.shape_cast %reduce_sum3A_385 : vector<256xf32> to vector<256x1xf32>
    %add3A_387 = arith.addf %add3A_383, %broadcast_in_dim3A_386 : vector<256x1xf32>
    %reduce_sum3A_388 = arith.constant dense<0.000000e+00> : vector<256xf32>
    %reduce_sum3A_389 = vector.multi_reduction <add>, %add3A_365, %reduce_sum3A_388 [1] : vector<256x256xf32> to vector<256xf32>
    %broadcast_in_dim3A_390 = vector.shape_cast %reduce_sum3A_389 : vector<256xf32> to vector<256x1xf32>
    %add3A_391 = arith.addf %add3A_387, %broadcast_in_dim3A_390 : vector<256x1xf32>
    %mul3A_392 = arith.constant 6.51041686E-4 : f32
    %mul3A_393 = vector.broadcast %mul3A_392 : f32 to vector<256x1xf32>
    %mul3A_394 = arith.mulf %add3A_391, %mul3A_393 : vector<256x1xf32>
    %mul3A_395 = arith.mulf %add3A_305, %add3A_305 : vector<256x256xf32>
    %reduce_sum3A_396 = arith.constant dense<0.000000e+00> : vector<256xf32>
    %reduce_sum3A_397 = vector.multi_reduction <add>, %mul3A_395, %reduce_sum3A_396 [1] : vector<256x256xf32> to vector<256xf32>
    %broadcast_in_dim3A_398 = vector.shape_cast %reduce_sum3A_397 : vector<256xf32> to vector<256x1xf32>
    %add3A_399 = arith.constant 0.000000e+00 : f32
    %add3A_400 = vector.broadcast %add3A_399 : f32 to vector<256x1xf32>
    %add3A_401 = arith.addf %add3A_400, %broadcast_in_dim3A_398 : vector<256x1xf32>
    %mul3A_402 = arith.mulf %add3A_317, %add3A_317 : vector<256x256xf32>
    %reduce_sum3A_403 = arith.constant dense<0.000000e+00> : vector<256xf32>
    %reduce_sum3A_404 = vector.multi_reduction <add>, %mul3A_402, %reduce_sum3A_403 [1] : vector<256x256xf32> to vector<256xf32>
    %broadcast_in_dim3A_405 = vector.shape_cast %reduce_sum3A_404 : vector<256xf32> to vector<256x1xf32>
    %add3A_406 = arith.addf %add3A_401, %broadcast_in_dim3A_405 : vector<256x1xf32>
    %mul3A_407 = arith.mulf %add3A_329, %add3A_329 : vector<256x256xf32>
    %reduce_sum3A_408 = arith.constant dense<0.000000e+00> : vector<256xf32>
    %reduce_sum3A_409 = vector.multi_reduction <add>, %mul3A_407, %reduce_sum3A_408 [1] : vector<256x256xf32> to vector<256xf32>
    %broadcast_in_dim3A_410 = vector.shape_cast %reduce_sum3A_409 : vector<256xf32> to vector<256x1xf32>
    %add3A_411 = arith.addf %add3A_406, %broadcast_in_dim3A_410 : vector<256x1xf32>
    %mul3A_412 = arith.mulf %add3A_341, %add3A_341 : vector<256x256xf32>
    %reduce_sum3A_413 = arith.constant dense<0.000000e+00> : vector<256xf32>
    %reduce_sum3A_414 = vector.multi_reduction <add>, %mul3A_412, %reduce_sum3A_413 [1] : vector<256x256xf32> to vector<256xf32>
    %broadcast_in_dim3A_415 = vector.shape_cast %reduce_sum3A_414 : vector<256xf32> to vector<256x1xf32>
    %add3A_416 = arith.addf %add3A_411, %broadcast_in_dim3A_415 : vector<256x1xf32>
    %mul3A_417 = arith.mulf %add3A_353, %add3A_353 : vector<256x256xf32>
    %reduce_sum3A_418 = arith.constant dense<0.000000e+00> : vector<256xf32>
    %reduce_sum3A_419 = vector.multi_reduction <add>, %mul3A_417, %reduce_sum3A_418 [1] : vector<256x256xf32> to vector<256xf32>
    %broadcast_in_dim3A_420 = vector.shape_cast %reduce_sum3A_419 : vector<256xf32> to vector<256x1xf32>
    %add3A_421 = arith.addf %add3A_416, %broadcast_in_dim3A_420 : vector<256x1xf32>
    %mul3A_422 = arith.mulf %add3A_365, %add3A_365 : vector<256x256xf32>
    %reduce_sum3A_423 = arith.constant dense<0.000000e+00> : vector<256xf32>
    %reduce_sum3A_424 = vector.multi_reduction <add>, %mul3A_422, %reduce_sum3A_423 [1] : vector<256x256xf32> to vector<256xf32>
    %broadcast_in_dim3A_425 = vector.shape_cast %reduce_sum3A_424 : vector<256xf32> to vector<256x1xf32>
    %add3A_426 = arith.addf %add3A_421, %broadcast_in_dim3A_425 : vector<256x1xf32>
    %mul3A_427 = arith.constant 6.51041686E-4 : f32
    %mul3A_428 = vector.broadcast %mul3A_427 : f32 to vector<256x1xf32>
    %mul3A_429 = arith.mulf %add3A_426, %mul3A_428 : vector<256x1xf32>
    %mul3A_430 = arith.mulf %mul3A_394, %mul3A_394 : vector<256x1xf32>
    %sub3A_431 = arith.subf %mul3A_429, %mul3A_430 : vector<256x1xf32>
    %add3A_432 = arith.constant 9.99999974E-6 : f32
    %add3A_433 = vector.broadcast %add3A_432 : f32 to vector<256x1xf32>
    %add3A_434 = arith.addf %sub3A_431, %add3A_433 : vector<256x1xf32>
    %rsqrt3A_435 = math.rsqrt %add3A_434 : vector<256x1xf32>
    %sub3A_436 = vector.broadcast %mul3A_394 : vector<256x1xf32> to vector<256x256xf32>
    %sub3A_437 = arith.subf %add3A_305, %sub3A_436 : vector<256x256xf32>
    %mul3A_438 = vector.broadcast %rsqrt3A_435 : vector<256x1xf32> to vector<256x256xf32>
    %mul3A_439 = arith.mulf %sub3A_437, %mul3A_438 : vector<256x256xf32>
    %get3A_440 = arith.constant 0 : index
    %get3A_441 = arith.constant 0 : index
    %get3A_442 = vector.load %arg13[%get3A_440, %get3A_441] : memref<6x256xf32, #tpu.memory_space<vmem>>, vector<1x256xf32>
    %mul3A_443 = vector.broadcast %get3A_442 : vector<1x256xf32> to vector<256x256xf32>
    %mul3A_444 = arith.mulf %mul3A_439, %mul3A_443 : vector<256x256xf32>
    %get3A_445 = arith.constant 0 : index
    %get3A_446 = arith.constant 0 : index
    %get3A_447 = vector.load %arg14[%get3A_445, %get3A_446] : memref<6x256xf32, #tpu.memory_space<vmem>>, vector<1x256xf32>
    %add3A_448 = vector.broadcast %get3A_447 : vector<1x256xf32> to vector<256x256xf32>
    %add3A_449 = arith.addf %mul3A_444, %add3A_448 : vector<256x256xf32>
    %gt3A_450 = arith.constant 0.000000e+00 : f32
    %gt3A_451 = vector.broadcast %gt3A_450 : f32 to vector<256x256xf32>
    %gt3A_452 = arith.cmpf ogt, %add3A_449, %gt3A_451 : vector<256x256xf32>
    %mul3A_453 = vector.broadcast %get3A_293 : f32 to vector<256x256xf32>
    %mul3A_454 = arith.mulf %mul3A_453, %add3A_449 : vector<256x256xf32>
    %select_n3A_455 = arith.select %gt3A_452, %add3A_449, %mul3A_454 : vector<256x256xi1>, vector<256x256xf32>
    %sub3A_456 = vector.broadcast %mul3A_394 : vector<256x1xf32> to vector<256x256xf32>
    %sub3A_457 = arith.subf %add3A_317, %sub3A_456 : vector<256x256xf32>
    %mul3A_458 = vector.broadcast %rsqrt3A_435 : vector<256x1xf32> to vector<256x256xf32>
    %mul3A_459 = arith.mulf %sub3A_457, %mul3A_458 : vector<256x256xf32>
    %get3A_460 = arith.constant 1 : index
    %get3A_461 = arith.constant 0 : index
    %get3A_462 = vector.load %arg13[%get3A_460, %get3A_461] : memref<6x256xf32, #tpu.memory_space<vmem>>, vector<1x256xf32>
    %mul3A_463 = vector.broadcast %get3A_462 : vector<1x256xf32> to vector<256x256xf32>
    %mul3A_464 = arith.mulf %mul3A_459, %mul3A_463 : vector<256x256xf32>
    %get3A_465 = arith.constant 1 : index
    %get3A_466 = arith.constant 0 : index
    %get3A_467 = vector.load %arg14[%get3A_465, %get3A_466] : memref<6x256xf32, #tpu.memory_space<vmem>>, vector<1x256xf32>
    %add3A_468 = vector.broadcast %get3A_467 : vector<1x256xf32> to vector<256x256xf32>
    %add3A_469 = arith.addf %mul3A_464, %add3A_468 : vector<256x256xf32>
    %gt3A_470 = arith.constant 0.000000e+00 : f32
    %gt3A_471 = vector.broadcast %gt3A_470 : f32 to vector<256x256xf32>
    %gt3A_472 = arith.cmpf ogt, %add3A_469, %gt3A_471 : vector<256x256xf32>
    %mul3A_473 = vector.broadcast %get3A_293 : f32 to vector<256x256xf32>
    %mul3A_474 = arith.mulf %mul3A_473, %add3A_469 : vector<256x256xf32>
    %select_n3A_475 = arith.select %gt3A_472, %add3A_469, %mul3A_474 : vector<256x256xi1>, vector<256x256xf32>
    %sub3A_476 = vector.broadcast %mul3A_394 : vector<256x1xf32> to vector<256x256xf32>
    %sub3A_477 = arith.subf %add3A_329, %sub3A_476 : vector<256x256xf32>
    %mul3A_478 = vector.broadcast %rsqrt3A_435 : vector<256x1xf32> to vector<256x256xf32>
    %mul3A_479 = arith.mulf %sub3A_477, %mul3A_478 : vector<256x256xf32>
    %get3A_480 = arith.constant 2 : index
    %get3A_481 = arith.constant 0 : index
    %get3A_482 = vector.load %arg13[%get3A_480, %get3A_481] : memref<6x256xf32, #tpu.memory_space<vmem>>, vector<1x256xf32>
    %mul3A_483 = vector.broadcast %get3A_482 : vector<1x256xf32> to vector<256x256xf32>
    %mul3A_484 = arith.mulf %mul3A_479, %mul3A_483 : vector<256x256xf32>
    %get3A_485 = arith.constant 2 : index
    %get3A_486 = arith.constant 0 : index
    %get3A_487 = vector.load %arg14[%get3A_485, %get3A_486] : memref<6x256xf32, #tpu.memory_space<vmem>>, vector<1x256xf32>
    %add3A_488 = vector.broadcast %get3A_487 : vector<1x256xf32> to vector<256x256xf32>
    %add3A_489 = arith.addf %mul3A_484, %add3A_488 : vector<256x256xf32>
    %gt3A_490 = arith.constant 0.000000e+00 : f32
    %gt3A_491 = vector.broadcast %gt3A_490 : f32 to vector<256x256xf32>
    %gt3A_492 = arith.cmpf ogt, %add3A_489, %gt3A_491 : vector<256x256xf32>
    %mul3A_493 = vector.broadcast %get3A_293 : f32 to vector<256x256xf32>
    %mul3A_494 = arith.mulf %mul3A_493, %add3A_489 : vector<256x256xf32>
    %select_n3A_495 = arith.select %gt3A_492, %add3A_489, %mul3A_494 : vector<256x256xi1>, vector<256x256xf32>
    %sub3A_496 = vector.broadcast %mul3A_394 : vector<256x1xf32> to vector<256x256xf32>
    %sub3A_497 = arith.subf %add3A_341, %sub3A_496 : vector<256x256xf32>
    %mul3A_498 = vector.broadcast %rsqrt3A_435 : vector<256x1xf32> to vector<256x256xf32>
    %mul3A_499 = arith.mulf %sub3A_497, %mul3A_498 : vector<256x256xf32>
    %get3A_500 = arith.constant 3 : index
    %get3A_501 = arith.constant 0 : index
    %get3A_502 = vector.load %arg13[%get3A_500, %get3A_501] : memref<6x256xf32, #tpu.memory_space<vmem>>, vector<1x256xf32>
    %mul3A_503 = vector.broadcast %get3A_502 : vector<1x256xf32> to vector<256x256xf32>
    %mul3A_504 = arith.mulf %mul3A_499, %mul3A_503 : vector<256x256xf32>
    %get3A_505 = arith.constant 3 : index
    %get3A_506 = arith.constant 0 : index
    %get3A_507 = vector.load %arg14[%get3A_505, %get3A_506] : memref<6x256xf32, #tpu.memory_space<vmem>>, vector<1x256xf32>
    %add3A_508 = vector.broadcast %get3A_507 : vector<1x256xf32> to vector<256x256xf32>
    %add3A_509 = arith.addf %mul3A_504, %add3A_508 : vector<256x256xf32>
    %gt3A_510 = arith.constant 0.000000e+00 : f32
    %gt3A_511 = vector.broadcast %gt3A_510 : f32 to vector<256x256xf32>
    %gt3A_512 = arith.cmpf ogt, %add3A_509, %gt3A_511 : vector<256x256xf32>
    %mul3A_513 = vector.broadcast %get3A_293 : f32 to vector<256x256xf32>
    %mul3A_514 = arith.mulf %mul3A_513, %add3A_509 : vector<256x256xf32>
    %select_n3A_515 = arith.select %gt3A_512, %add3A_509, %mul3A_514 : vector<256x256xi1>, vector<256x256xf32>
    %sub3A_516 = vector.broadcast %mul3A_394 : vector<256x1xf32> to vector<256x256xf32>
    %sub3A_517 = arith.subf %add3A_353, %sub3A_516 : vector<256x256xf32>
    %mul3A_518 = vector.broadcast %rsqrt3A_435 : vector<256x1xf32> to vector<256x256xf32>
    %mul3A_519 = arith.mulf %sub3A_517, %mul3A_518 : vector<256x256xf32>
    %get3A_520 = arith.constant 4 : index
    %get3A_521 = arith.constant 0 : index
    %get3A_522 = vector.load %arg13[%get3A_520, %get3A_521] : memref<6x256xf32, #tpu.memory_space<vmem>>, vector<1x256xf32>
    %mul3A_523 = vector.broadcast %get3A_522 : vector<1x256xf32> to vector<256x256xf32>
    %mul3A_524 = arith.mulf %mul3A_519, %mul3A_523 : vector<256x256xf32>
    %get3A_525 = arith.constant 4 : index
    %get3A_526 = arith.constant 0 : index
    %get3A_527 = vector.load %arg14[%get3A_525, %get3A_526] : memref<6x256xf32, #tpu.memory_space<vmem>>, vector<1x256xf32>
    %add3A_528 = vector.broadcast %get3A_527 : vector<1x256xf32> to vector<256x256xf32>
    %add3A_529 = arith.addf %mul3A_524, %add3A_528 : vector<256x256xf32>
    %gt3A_530 = arith.constant 0.000000e+00 : f32
    %gt3A_531 = vector.broadcast %gt3A_530 : f32 to vector<256x256xf32>
    %gt3A_532 = arith.cmpf ogt, %add3A_529, %gt3A_531 : vector<256x256xf32>
    %mul3A_533 = vector.broadcast %get3A_293 : f32 to vector<256x256xf32>
    %mul3A_534 = arith.mulf %mul3A_533, %add3A_529 : vector<256x256xf32>
    %select_n3A_535 = arith.select %gt3A_532, %add3A_529, %mul3A_534 : vector<256x256xi1>, vector<256x256xf32>
    %sub3A_536 = vector.broadcast %mul3A_394 : vector<256x1xf32> to vector<256x256xf32>
    %sub3A_537 = arith.subf %add3A_365, %sub3A_536 : vector<256x256xf32>
    %mul3A_538 = vector.broadcast %rsqrt3A_435 : vector<256x1xf32> to vector<256x256xf32>
    %mul3A_539 = arith.mulf %sub3A_537, %mul3A_538 : vector<256x256xf32>
    %get3A_540 = arith.constant 5 : index
    %get3A_541 = arith.constant 0 : index
    %get3A_542 = vector.load %arg13[%get3A_540, %get3A_541] : memref<6x256xf32, #tpu.memory_space<vmem>>, vector<1x256xf32>
    %mul3A_543 = vector.broadcast %get3A_542 : vector<1x256xf32> to vector<256x256xf32>
    %mul3A_544 = arith.mulf %mul3A_539, %mul3A_543 : vector<256x256xf32>
    %get3A_545 = arith.constant 5 : index
    %get3A_546 = arith.constant 0 : index
    %get3A_547 = vector.load %arg14[%get3A_545, %get3A_546] : memref<6x256xf32, #tpu.memory_space<vmem>>, vector<1x256xf32>
    %add3A_548 = vector.broadcast %get3A_547 : vector<1x256xf32> to vector<256x256xf32>
    %add3A_549 = arith.addf %mul3A_544, %add3A_548 : vector<256x256xf32>
    %gt3A_550 = arith.constant 0.000000e+00 : f32
    %gt3A_551 = vector.broadcast %gt3A_550 : f32 to vector<256x256xf32>
    %gt3A_552 = arith.cmpf ogt, %add3A_549, %gt3A_551 : vector<256x256xf32>
    %mul3A_553 = vector.broadcast %get3A_293 : f32 to vector<256x256xf32>
    %mul3A_554 = arith.mulf %mul3A_553, %add3A_549 : vector<256x256xf32>
    %select_n3A_555 = arith.select %gt3A_552, %add3A_549, %mul3A_554 : vector<256x256xi1>, vector<256x256xf32>
    %get3A_556 = arith.constant 0 : index
    %get3A_557 = arith.constant 0 : index
    %get3A_558 = arith.constant 0 : index
    %get3A_559 = vector.load %arg2[%get3A_556, %get3A_557, %get3A_558] : memref<256x3x349xf32, #tpu.memory_space<vmem>>, vector<256x1x349xf32>
    %get3A_560 = vector.shape_cast %get3A_559 : vector<256x1x349xf32> to vector<256x349xf32>
    %get3A_561 = arith.constant 0 : index
    %get3A_562 = arith.constant 1 : index
    %get3A_563 = arith.constant 0 : index
    %get3A_564 = vector.load %arg2[%get3A_561, %get3A_562, %get3A_563] : memref<256x3x349xf32, #tpu.memory_space<vmem>>, vector<256x1x349xf32>
    %get3A_565 = vector.shape_cast %get3A_564 : vector<256x1x349xf32> to vector<256x349xf32>
    %get3A_566 = arith.constant 0 : index
    %get3A_567 = arith.constant 2 : index
    %get3A_568 = arith.constant 0 : index
    %get3A_569 = vector.load %arg2[%get3A_566, %get3A_567, %get3A_568] : memref<256x3x349xf32, #tpu.memory_space<vmem>>, vector<256x1x349xf32>
    %get3A_570 = vector.shape_cast %get3A_569 : vector<256x1x349xf32> to vector<256x349xf32>
    %get3A_571 = arith.constant 0 : index
    %get3A_572 = memref.load %arg26[%get3A_571] : memref<1xf32, #tpu.memory_space<smem>>
    %get3A_573 = arith.constant 0 : index
    %get3A_574 = arith.constant 0 : index
    %get3A_575 = arith.constant 0 : index
    %get3A_576 = vector.load %arg7[%get3A_573, %get3A_574, %get3A_575] : memref<3x349x256xf32, #tpu.memory_space<vmem>>, vector<1x349x256xf32>
    %get3A_577 = vector.shape_cast %get3A_576 : vector<1x349x256xf32> to vector<349x256xf32>
    %dot_general3A_578 = arith.constant dense<0.000000e+00> : vector<256x256xf32>
    %dot_general3A_579 = tpu.matmul %get3A_560, %get3A_577, %dot_general3A_578 {dimension_numbers = #tpu.dot_dimension_numbers<[1], [0], [0], [1], [0, 0, 1, 1], [], []>, transpose_lhs_hint = false} : vector<256x349xf32>, vector<349x256xf32>, vector<256x256xf32> -> vector<256x256xf32>
    %get3A_580 = arith.constant 0 : index
    %get3A_581 = arith.constant 0 : index
    %get3A_582 = vector.load %arg8[%get3A_580, %get3A_581] : memref<3x256xf32, #tpu.memory_space<vmem>>, vector<1x256xf32>
    %add3A_583 = vector.broadcast %get3A_582 : vector<1x256xf32> to vector<256x256xf32>
    %add3A_584 = arith.addf %dot_general3A_579, %add3A_583 : vector<256x256xf32>
    %get3A_585 = arith.constant 1 : index
    %get3A_586 = arith.constant 0 : index
    %get3A_587 = arith.constant 0 : index
    %get3A_588 = vector.load %arg7[%get3A_585, %get3A_586, %get3A_587] : memref<3x349x256xf32, #tpu.memory_space<vmem>>, vector<1x349x256xf32>
    %get3A_589 = vector.shape_cast %get3A_588 : vector<1x349x256xf32> to vector<349x256xf32>
    %dot_general3A_590 = arith.constant dense<0.000000e+00> : vector<256x256xf32>
    %dot_general3A_591 = tpu.matmul %get3A_565, %get3A_589, %dot_general3A_590 {dimension_numbers = #tpu.dot_dimension_numbers<[1], [0], [0], [1], [0, 0, 1, 1], [], []>, transpose_lhs_hint = false} : vector<256x349xf32>, vector<349x256xf32>, vector<256x256xf32> -> vector<256x256xf32>
    %get3A_592 = arith.constant 1 : index
    %get3A_593 = arith.constant 0 : index
    %get3A_594 = vector.load %arg8[%get3A_592, %get3A_593] : memref<3x256xf32, #tpu.memory_space<vmem>>, vector<1x256xf32>
    %add3A_595 = vector.broadcast %get3A_594 : vector<1x256xf32> to vector<256x256xf32>
    %add3A_596 = arith.addf %dot_general3A_591, %add3A_595 : vector<256x256xf32>
    %get3A_597 = arith.constant 2 : index
    %get3A_598 = arith.constant 0 : index
    %get3A_599 = arith.constant 0 : index
    %get3A_600 = vector.load %arg7[%get3A_597, %get3A_598, %get3A_599] : memref<3x349x256xf32, #tpu.memory_space<vmem>>, vector<1x349x256xf32>
    %get3A_601 = vector.shape_cast %get3A_600 : vector<1x349x256xf32> to vector<349x256xf32>
    %dot_general3A_602 = arith.constant dense<0.000000e+00> : vector<256x256xf32>
    %dot_general3A_603 = tpu.matmul %get3A_570, %get3A_601, %dot_general3A_602 {dimension_numbers = #tpu.dot_dimension_numbers<[1], [0], [0], [1], [0, 0, 1, 1], [], []>, transpose_lhs_hint = false} : vector<256x349xf32>, vector<349x256xf32>, vector<256x256xf32> -> vector<256x256xf32>
    %get3A_604 = arith.constant 2 : index
    %get3A_605 = arith.constant 0 : index
    %get3A_606 = vector.load %arg8[%get3A_604, %get3A_605] : memref<3x256xf32, #tpu.memory_space<vmem>>, vector<1x256xf32>
    %add3A_607 = vector.broadcast %get3A_606 : vector<1x256xf32> to vector<256x256xf32>
    %add3A_608 = arith.addf %dot_general3A_603, %add3A_607 : vector<256x256xf32>
    %reduce_sum3A_609 = arith.constant dense<0.000000e+00> : vector<256xf32>
    %reduce_sum3A_610 = vector.multi_reduction <add>, %add3A_584, %reduce_sum3A_609 [1] : vector<256x256xf32> to vector<256xf32>
    %broadcast_in_dim3A_611 = vector.shape_cast %reduce_sum3A_610 : vector<256xf32> to vector<256x1xf32>
    %add3A_612 = arith.constant 0.000000e+00 : f32
    %add3A_613 = vector.broadcast %add3A_612 : f32 to vector<256x1xf32>
    %add3A_614 = arith.addf %add3A_613, %broadcast_in_dim3A_611 : vector<256x1xf32>
    %reduce_sum3A_615 = arith.constant dense<0.000000e+00> : vector<256xf32>
    %reduce_sum3A_616 = vector.multi_reduction <add>, %add3A_596, %reduce_sum3A_615 [1] : vector<256x256xf32> to vector<256xf32>
    %broadcast_in_dim3A_617 = vector.shape_cast %reduce_sum3A_616 : vector<256xf32> to vector<256x1xf32>
    %add3A_618 = arith.addf %add3A_614, %broadcast_in_dim3A_617 : vector<256x1xf32>
    %reduce_sum3A_619 = arith.constant dense<0.000000e+00> : vector<256xf32>
    %reduce_sum3A_620 = vector.multi_reduction <add>, %add3A_608, %reduce_sum3A_619 [1] : vector<256x256xf32> to vector<256xf32>
    %broadcast_in_dim3A_621 = vector.shape_cast %reduce_sum3A_620 : vector<256xf32> to vector<256x1xf32>
    %add3A_622 = arith.addf %add3A_618, %broadcast_in_dim3A_621 : vector<256x1xf32>
    %mul3A_623 = arith.constant 0.00130208337 : f32
    %mul3A_624 = vector.broadcast %mul3A_623 : f32 to vector<256x1xf32>
    %mul3A_625 = arith.mulf %add3A_622, %mul3A_624 : vector<256x1xf32>
    %mul3A_626 = arith.mulf %add3A_584, %add3A_584 : vector<256x256xf32>
    %reduce_sum3A_627 = arith.constant dense<0.000000e+00> : vector<256xf32>
    %reduce_sum3A_628 = vector.multi_reduction <add>, %mul3A_626, %reduce_sum3A_627 [1] : vector<256x256xf32> to vector<256xf32>
    %broadcast_in_dim3A_629 = vector.shape_cast %reduce_sum3A_628 : vector<256xf32> to vector<256x1xf32>
    %add3A_630 = arith.constant 0.000000e+00 : f32
    %add3A_631 = vector.broadcast %add3A_630 : f32 to vector<256x1xf32>
    %add3A_632 = arith.addf %add3A_631, %broadcast_in_dim3A_629 : vector<256x1xf32>
    %mul3A_633 = arith.mulf %add3A_596, %add3A_596 : vector<256x256xf32>
    %reduce_sum3A_634 = arith.constant dense<0.000000e+00> : vector<256xf32>
    %reduce_sum3A_635 = vector.multi_reduction <add>, %mul3A_633, %reduce_sum3A_634 [1] : vector<256x256xf32> to vector<256xf32>
    %broadcast_in_dim3A_636 = vector.shape_cast %reduce_sum3A_635 : vector<256xf32> to vector<256x1xf32>
    %add3A_637 = arith.addf %add3A_632, %broadcast_in_dim3A_636 : vector<256x1xf32>
    %mul3A_638 = arith.mulf %add3A_608, %add3A_608 : vector<256x256xf32>
    %reduce_sum3A_639 = arith.constant dense<0.000000e+00> : vector<256xf32>
    %reduce_sum3A_640 = vector.multi_reduction <add>, %mul3A_638, %reduce_sum3A_639 [1] : vector<256x256xf32> to vector<256xf32>
    %broadcast_in_dim3A_641 = vector.shape_cast %reduce_sum3A_640 : vector<256xf32> to vector<256x1xf32>
    %add3A_642 = arith.addf %add3A_637, %broadcast_in_dim3A_641 : vector<256x1xf32>
    %mul3A_643 = arith.constant 0.00130208337 : f32
    %mul3A_644 = vector.broadcast %mul3A_643 : f32 to vector<256x1xf32>
    %mul3A_645 = arith.mulf %add3A_642, %mul3A_644 : vector<256x1xf32>
    %mul3A_646 = arith.mulf %mul3A_625, %mul3A_625 : vector<256x1xf32>
    %sub3A_647 = arith.subf %mul3A_645, %mul3A_646 : vector<256x1xf32>
    %add3A_648 = arith.constant 9.99999974E-6 : f32
    %add3A_649 = vector.broadcast %add3A_648 : f32 to vector<256x1xf32>
    %add3A_650 = arith.addf %sub3A_647, %add3A_649 : vector<256x1xf32>
    %rsqrt3A_651 = math.rsqrt %add3A_650 : vector<256x1xf32>
    %sub3A_652 = vector.broadcast %mul3A_625 : vector<256x1xf32> to vector<256x256xf32>
    %sub3A_653 = arith.subf %add3A_584, %sub3A_652 : vector<256x256xf32>
    %mul3A_654 = vector.broadcast %rsqrt3A_651 : vector<256x1xf32> to vector<256x256xf32>
    %mul3A_655 = arith.mulf %sub3A_653, %mul3A_654 : vector<256x256xf32>
    %get3A_656 = arith.constant 0 : index
    %get3A_657 = arith.constant 0 : index
    %get3A_658 = vector.load %arg15[%get3A_656, %get3A_657] : memref<3x256xf32, #tpu.memory_space<vmem>>, vector<1x256xf32>
    %mul3A_659 = vector.broadcast %get3A_658 : vector<1x256xf32> to vector<256x256xf32>
    %mul3A_660 = arith.mulf %mul3A_655, %mul3A_659 : vector<256x256xf32>
    %get3A_661 = arith.constant 0 : index
    %get3A_662 = arith.constant 0 : index
    %get3A_663 = vector.load %arg16[%get3A_661, %get3A_662] : memref<3x256xf32, #tpu.memory_space<vmem>>, vector<1x256xf32>
    %add3A_664 = vector.broadcast %get3A_663 : vector<1x256xf32> to vector<256x256xf32>
    %add3A_665 = arith.addf %mul3A_660, %add3A_664 : vector<256x256xf32>
    %gt3A_666 = arith.constant 0.000000e+00 : f32
    %gt3A_667 = vector.broadcast %gt3A_666 : f32 to vector<256x256xf32>
    %gt3A_668 = arith.cmpf ogt, %add3A_665, %gt3A_667 : vector<256x256xf32>
    %mul3A_669 = vector.broadcast %get3A_572 : f32 to vector<256x256xf32>
    %mul3A_670 = arith.mulf %mul3A_669, %add3A_665 : vector<256x256xf32>
    %select_n3A_671 = arith.select %gt3A_668, %add3A_665, %mul3A_670 : vector<256x256xi1>, vector<256x256xf32>
    %sub3A_672 = vector.broadcast %mul3A_625 : vector<256x1xf32> to vector<256x256xf32>
    %sub3A_673 = arith.subf %add3A_596, %sub3A_672 : vector<256x256xf32>
    %mul3A_674 = vector.broadcast %rsqrt3A_651 : vector<256x1xf32> to vector<256x256xf32>
    %mul3A_675 = arith.mulf %sub3A_673, %mul3A_674 : vector<256x256xf32>
    %get3A_676 = arith.constant 1 : index
    %get3A_677 = arith.constant 0 : index
    %get3A_678 = vector.load %arg15[%get3A_676, %get3A_677] : memref<3x256xf32, #tpu.memory_space<vmem>>, vector<1x256xf32>
    %mul3A_679 = vector.broadcast %get3A_678 : vector<1x256xf32> to vector<256x256xf32>
    %mul3A_680 = arith.mulf %mul3A_675, %mul3A_679 : vector<256x256xf32>
    %get3A_681 = arith.constant 1 : index
    %get3A_682 = arith.constant 0 : index
    %get3A_683 = vector.load %arg16[%get3A_681, %get3A_682] : memref<3x256xf32, #tpu.memory_space<vmem>>, vector<1x256xf32>
    %add3A_684 = vector.broadcast %get3A_683 : vector<1x256xf32> to vector<256x256xf32>
    %add3A_685 = arith.addf %mul3A_680, %add3A_684 : vector<256x256xf32>
    %gt3A_686 = arith.constant 0.000000e+00 : f32
    %gt3A_687 = vector.broadcast %gt3A_686 : f32 to vector<256x256xf32>
    %gt3A_688 = arith.cmpf ogt, %add3A_685, %gt3A_687 : vector<256x256xf32>
    %mul3A_689 = vector.broadcast %get3A_572 : f32 to vector<256x256xf32>
    %mul3A_690 = arith.mulf %mul3A_689, %add3A_685 : vector<256x256xf32>
    %select_n3A_691 = arith.select %gt3A_688, %add3A_685, %mul3A_690 : vector<256x256xi1>, vector<256x256xf32>
    %sub3A_692 = vector.broadcast %mul3A_625 : vector<256x1xf32> to vector<256x256xf32>
    %sub3A_693 = arith.subf %add3A_608, %sub3A_692 : vector<256x256xf32>
    %mul3A_694 = vector.broadcast %rsqrt3A_651 : vector<256x1xf32> to vector<256x256xf32>
    %mul3A_695 = arith.mulf %sub3A_693, %mul3A_694 : vector<256x256xf32>
    %get3A_696 = arith.constant 2 : index
    %get3A_697 = arith.constant 0 : index
    %get3A_698 = vector.load %arg15[%get3A_696, %get3A_697] : memref<3x256xf32, #tpu.memory_space<vmem>>, vector<1x256xf32>
    %mul3A_699 = vector.broadcast %get3A_698 : vector<1x256xf32> to vector<256x256xf32>
    %mul3A_700 = arith.mulf %mul3A_695, %mul3A_699 : vector<256x256xf32>
    %get3A_701 = arith.constant 2 : index
    %get3A_702 = arith.constant 0 : index
    %get3A_703 = vector.load %arg16[%get3A_701, %get3A_702] : memref<3x256xf32, #tpu.memory_space<vmem>>, vector<1x256xf32>
    %add3A_704 = vector.broadcast %get3A_703 : vector<1x256xf32> to vector<256x256xf32>
    %add3A_705 = arith.addf %mul3A_700, %add3A_704 : vector<256x256xf32>
    %gt3A_706 = arith.constant 0.000000e+00 : f32
    %gt3A_707 = vector.broadcast %gt3A_706 : f32 to vector<256x256xf32>
    %gt3A_708 = arith.cmpf ogt, %add3A_705, %gt3A_707 : vector<256x256xf32>
    %mul3A_709 = vector.broadcast %get3A_572 : f32 to vector<256x256xf32>
    %mul3A_710 = arith.mulf %mul3A_709, %add3A_705 : vector<256x256xf32>
    %select_n3A_711 = arith.select %gt3A_708, %add3A_705, %mul3A_710 : vector<256x256xi1>, vector<256x256xf32>
    %get3A_712 = arith.constant 0 : index
    %get3A_713 = memref.load %arg27[%get3A_712] : memref<1xf32, #tpu.memory_space<smem>>
    %get3A_714 = arith.constant 0 : index
    %get3A_715 = arith.constant 0 : index
    %get3A_716 = arith.constant 0 : index
    %get3A_717 = vector.load %arg9[%get3A_714, %get3A_715, %get3A_716] : memref<3x256x256xf32, #tpu.memory_space<vmem>>, vector<1x256x256xf32>
    %get3A_718 = vector.shape_cast %get3A_717 : vector<1x256x256xf32> to vector<256x256xf32>
    %dot_general3A_719 = arith.constant dense<0.000000e+00> : vector<256x256xf32>
    %dot_general3A_720 = tpu.matmul %select_n3A_671, %get3A_718, %dot_general3A_719 {dimension_numbers = #tpu.dot_dimension_numbers<[1], [0], [0], [1], [0, 0, 1, 1], [], []>, transpose_lhs_hint = false} : vector<256x256xf32>, vector<256x256xf32>, vector<256x256xf32> -> vector<256x256xf32>
    %get3A_721 = arith.constant 0 : index
    %get3A_722 = arith.constant 0 : index
    %get3A_723 = vector.load %arg10[%get3A_721, %get3A_722] : memref<3x256xf32, #tpu.memory_space<vmem>>, vector<1x256xf32>
    %add3A_724 = vector.broadcast %get3A_723 : vector<1x256xf32> to vector<256x256xf32>
    %add3A_725 = arith.addf %dot_general3A_720, %add3A_724 : vector<256x256xf32>
    %get3A_726 = arith.constant 1 : index
    %get3A_727 = arith.constant 0 : index
    %get3A_728 = arith.constant 0 : index
    %get3A_729 = vector.load %arg9[%get3A_726, %get3A_727, %get3A_728] : memref<3x256x256xf32, #tpu.memory_space<vmem>>, vector<1x256x256xf32>
    %get3A_730 = vector.shape_cast %get3A_729 : vector<1x256x256xf32> to vector<256x256xf32>
    %dot_general3A_731 = arith.constant dense<0.000000e+00> : vector<256x256xf32>
    %dot_general3A_732 = tpu.matmul %select_n3A_691, %get3A_730, %dot_general3A_731 {dimension_numbers = #tpu.dot_dimension_numbers<[1], [0], [0], [1], [0, 0, 1, 1], [], []>, transpose_lhs_hint = false} : vector<256x256xf32>, vector<256x256xf32>, vector<256x256xf32> -> vector<256x256xf32>
    %get3A_733 = arith.constant 1 : index
    %get3A_734 = arith.constant 0 : index
    %get3A_735 = vector.load %arg10[%get3A_733, %get3A_734] : memref<3x256xf32, #tpu.memory_space<vmem>>, vector<1x256xf32>
    %add3A_736 = vector.broadcast %get3A_735 : vector<1x256xf32> to vector<256x256xf32>
    %add3A_737 = arith.addf %dot_general3A_732, %add3A_736 : vector<256x256xf32>
    %get3A_738 = arith.constant 2 : index
    %get3A_739 = arith.constant 0 : index
    %get3A_740 = arith.constant 0 : index
    %get3A_741 = vector.load %arg9[%get3A_738, %get3A_739, %get3A_740] : memref<3x256x256xf32, #tpu.memory_space<vmem>>, vector<1x256x256xf32>
    %get3A_742 = vector.shape_cast %get3A_741 : vector<1x256x256xf32> to vector<256x256xf32>
    %dot_general3A_743 = arith.constant dense<0.000000e+00> : vector<256x256xf32>
    %dot_general3A_744 = tpu.matmul %select_n3A_711, %get3A_742, %dot_general3A_743 {dimension_numbers = #tpu.dot_dimension_numbers<[1], [0], [0], [1], [0, 0, 1, 1], [], []>, transpose_lhs_hint = false} : vector<256x256xf32>, vector<256x256xf32>, vector<256x256xf32> -> vector<256x256xf32>
    %get3A_745 = arith.constant 2 : index
    %get3A_746 = arith.constant 0 : index
    %get3A_747 = vector.load %arg10[%get3A_745, %get3A_746] : memref<3x256xf32, #tpu.memory_space<vmem>>, vector<1x256xf32>
    %add3A_748 = vector.broadcast %get3A_747 : vector<1x256xf32> to vector<256x256xf32>
    %add3A_749 = arith.addf %dot_general3A_744, %add3A_748 : vector<256x256xf32>
    %reduce_sum3A_750 = arith.constant dense<0.000000e+00> : vector<256xf32>
    %reduce_sum3A_751 = vector.multi_reduction <add>, %add3A_725, %reduce_sum3A_750 [1] : vector<256x256xf32> to vector<256xf32>
    %broadcast_in_dim3A_752 = vector.shape_cast %reduce_sum3A_751 : vector<256xf32> to vector<256x1xf32>
    %add3A_753 = arith.constant 0.000000e+00 : f32
    %add3A_754 = vector.broadcast %add3A_753 : f32 to vector<256x1xf32>
    %add3A_755 = arith.addf %add3A_754, %broadcast_in_dim3A_752 : vector<256x1xf32>
    %reduce_sum3A_756 = arith.constant dense<0.000000e+00> : vector<256xf32>
    %reduce_sum3A_757 = vector.multi_reduction <add>, %add3A_737, %reduce_sum3A_756 [1] : vector<256x256xf32> to vector<256xf32>
    %broadcast_in_dim3A_758 = vector.shape_cast %reduce_sum3A_757 : vector<256xf32> to vector<256x1xf32>
    %add3A_759 = arith.addf %add3A_755, %broadcast_in_dim3A_758 : vector<256x1xf32>
    %reduce_sum3A_760 = arith.constant dense<0.000000e+00> : vector<256xf32>
    %reduce_sum3A_761 = vector.multi_reduction <add>, %add3A_749, %reduce_sum3A_760 [1] : vector<256x256xf32> to vector<256xf32>
    %broadcast_in_dim3A_762 = vector.shape_cast %reduce_sum3A_761 : vector<256xf32> to vector<256x1xf32>
    %add3A_763 = arith.addf %add3A_759, %broadcast_in_dim3A_762 : vector<256x1xf32>
    %mul3A_764 = arith.constant 0.00130208337 : f32
    %mul3A_765 = vector.broadcast %mul3A_764 : f32 to vector<256x1xf32>
    %mul3A_766 = arith.mulf %add3A_763, %mul3A_765 : vector<256x1xf32>
    %mul3A_767 = arith.mulf %add3A_725, %add3A_725 : vector<256x256xf32>
    %reduce_sum3A_768 = arith.constant dense<0.000000e+00> : vector<256xf32>
    %reduce_sum3A_769 = vector.multi_reduction <add>, %mul3A_767, %reduce_sum3A_768 [1] : vector<256x256xf32> to vector<256xf32>
    %broadcast_in_dim3A_770 = vector.shape_cast %reduce_sum3A_769 : vector<256xf32> to vector<256x1xf32>
    %add3A_771 = arith.constant 0.000000e+00 : f32
    %add3A_772 = vector.broadcast %add3A_771 : f32 to vector<256x1xf32>
    %add3A_773 = arith.addf %add3A_772, %broadcast_in_dim3A_770 : vector<256x1xf32>
    %mul3A_774 = arith.mulf %add3A_737, %add3A_737 : vector<256x256xf32>
    %reduce_sum3A_775 = arith.constant dense<0.000000e+00> : vector<256xf32>
    %reduce_sum3A_776 = vector.multi_reduction <add>, %mul3A_774, %reduce_sum3A_775 [1] : vector<256x256xf32> to vector<256xf32>
    %broadcast_in_dim3A_777 = vector.shape_cast %reduce_sum3A_776 : vector<256xf32> to vector<256x1xf32>
    %add3A_778 = arith.addf %add3A_773, %broadcast_in_dim3A_777 : vector<256x1xf32>
    %mul3A_779 = arith.mulf %add3A_749, %add3A_749 : vector<256x256xf32>
    %reduce_sum3A_780 = arith.constant dense<0.000000e+00> : vector<256xf32>
    %reduce_sum3A_781 = vector.multi_reduction <add>, %mul3A_779, %reduce_sum3A_780 [1] : vector<256x256xf32> to vector<256xf32>
    %broadcast_in_dim3A_782 = vector.shape_cast %reduce_sum3A_781 : vector<256xf32> to vector<256x1xf32>
    %add3A_783 = arith.addf %add3A_778, %broadcast_in_dim3A_782 : vector<256x1xf32>
    %mul3A_784 = arith.constant 0.00130208337 : f32
    %mul3A_785 = vector.broadcast %mul3A_784 : f32 to vector<256x1xf32>
    %mul3A_786 = arith.mulf %add3A_783, %mul3A_785 : vector<256x1xf32>
    %mul3A_787 = arith.mulf %mul3A_766, %mul3A_766 : vector<256x1xf32>
    %sub3A_788 = arith.subf %mul3A_786, %mul3A_787 : vector<256x1xf32>
    %add3A_789 = arith.constant 9.99999974E-6 : f32
    %add3A_790 = vector.broadcast %add3A_789 : f32 to vector<256x1xf32>
    %add3A_791 = arith.addf %sub3A_788, %add3A_790 : vector<256x1xf32>
    %rsqrt3A_792 = math.rsqrt %add3A_791 : vector<256x1xf32>
    %sub3A_793 = vector.broadcast %mul3A_766 : vector<256x1xf32> to vector<256x256xf32>
    %sub3A_794 = arith.subf %add3A_725, %sub3A_793 : vector<256x256xf32>
    %mul3A_795 = vector.broadcast %rsqrt3A_792 : vector<256x1xf32> to vector<256x256xf32>
    %mul3A_796 = arith.mulf %sub3A_794, %mul3A_795 : vector<256x256xf32>
    %get3A_797 = arith.constant 0 : index
    %get3A_798 = arith.constant 0 : index
    %get3A_799 = vector.load %arg17[%get3A_797, %get3A_798] : memref<3x256xf32, #tpu.memory_space<vmem>>, vector<1x256xf32>
    %mul3A_800 = vector.broadcast %get3A_799 : vector<1x256xf32> to vector<256x256xf32>
    %mul3A_801 = arith.mulf %mul3A_796, %mul3A_800 : vector<256x256xf32>
    %get3A_802 = arith.constant 0 : index
    %get3A_803 = arith.constant 0 : index
    %get3A_804 = vector.load %arg18[%get3A_802, %get3A_803] : memref<3x256xf32, #tpu.memory_space<vmem>>, vector<1x256xf32>
    %add3A_805 = vector.broadcast %get3A_804 : vector<1x256xf32> to vector<256x256xf32>
    %add3A_806 = arith.addf %mul3A_801, %add3A_805 : vector<256x256xf32>
    %gt3A_807 = arith.constant 0.000000e+00 : f32
    %gt3A_808 = vector.broadcast %gt3A_807 : f32 to vector<256x256xf32>
    %gt3A_809 = arith.cmpf ogt, %add3A_806, %gt3A_808 : vector<256x256xf32>
    %mul3A_810 = vector.broadcast %get3A_713 : f32 to vector<256x256xf32>
    %mul3A_811 = arith.mulf %mul3A_810, %add3A_806 : vector<256x256xf32>
    %select_n3A_812 = arith.select %gt3A_809, %add3A_806, %mul3A_811 : vector<256x256xi1>, vector<256x256xf32>
    %sub3A_813 = vector.broadcast %mul3A_766 : vector<256x1xf32> to vector<256x256xf32>
    %sub3A_814 = arith.subf %add3A_737, %sub3A_813 : vector<256x256xf32>
    %mul3A_815 = vector.broadcast %rsqrt3A_792 : vector<256x1xf32> to vector<256x256xf32>
    %mul3A_816 = arith.mulf %sub3A_814, %mul3A_815 : vector<256x256xf32>
    %get3A_817 = arith.constant 1 : index
    %get3A_818 = arith.constant 0 : index
    %get3A_819 = vector.load %arg17[%get3A_817, %get3A_818] : memref<3x256xf32, #tpu.memory_space<vmem>>, vector<1x256xf32>
    %mul3A_820 = vector.broadcast %get3A_819 : vector<1x256xf32> to vector<256x256xf32>
    %mul3A_821 = arith.mulf %mul3A_816, %mul3A_820 : vector<256x256xf32>
    %get3A_822 = arith.constant 1 : index
    %get3A_823 = arith.constant 0 : index
    %get3A_824 = vector.load %arg18[%get3A_822, %get3A_823] : memref<3x256xf32, #tpu.memory_space<vmem>>, vector<1x256xf32>
    %add3A_825 = vector.broadcast %get3A_824 : vector<1x256xf32> to vector<256x256xf32>
    %add3A_826 = arith.addf %mul3A_821, %add3A_825 : vector<256x256xf32>
    %gt3A_827 = arith.constant 0.000000e+00 : f32
    %gt3A_828 = vector.broadcast %gt3A_827 : f32 to vector<256x256xf32>
    %gt3A_829 = arith.cmpf ogt, %add3A_826, %gt3A_828 : vector<256x256xf32>
    %mul3A_830 = vector.broadcast %get3A_713 : f32 to vector<256x256xf32>
    %mul3A_831 = arith.mulf %mul3A_830, %add3A_826 : vector<256x256xf32>
    %select_n3A_832 = arith.select %gt3A_829, %add3A_826, %mul3A_831 : vector<256x256xi1>, vector<256x256xf32>
    %sub3A_833 = vector.broadcast %mul3A_766 : vector<256x1xf32> to vector<256x256xf32>
    %sub3A_834 = arith.subf %add3A_749, %sub3A_833 : vector<256x256xf32>
    %mul3A_835 = vector.broadcast %rsqrt3A_792 : vector<256x1xf32> to vector<256x256xf32>
    %mul3A_836 = arith.mulf %sub3A_834, %mul3A_835 : vector<256x256xf32>
    %get3A_837 = arith.constant 2 : index
    %get3A_838 = arith.constant 0 : index
    %get3A_839 = vector.load %arg17[%get3A_837, %get3A_838] : memref<3x256xf32, #tpu.memory_space<vmem>>, vector<1x256xf32>
    %mul3A_840 = vector.broadcast %get3A_839 : vector<1x256xf32> to vector<256x256xf32>
    %mul3A_841 = arith.mulf %mul3A_836, %mul3A_840 : vector<256x256xf32>
    %get3A_842 = arith.constant 2 : index
    %get3A_843 = arith.constant 0 : index
    %get3A_844 = vector.load %arg18[%get3A_842, %get3A_843] : memref<3x256xf32, #tpu.memory_space<vmem>>, vector<1x256xf32>
    %add3A_845 = vector.broadcast %get3A_844 : vector<1x256xf32> to vector<256x256xf32>
    %add3A_846 = arith.addf %mul3A_841, %add3A_845 : vector<256x256xf32>
    %gt3A_847 = arith.constant 0.000000e+00 : f32
    %gt3A_848 = vector.broadcast %gt3A_847 : f32 to vector<256x256xf32>
    %gt3A_849 = arith.cmpf ogt, %add3A_846, %gt3A_848 : vector<256x256xf32>
    %mul3A_850 = vector.broadcast %get3A_713 : f32 to vector<256x256xf32>
    %mul3A_851 = arith.mulf %mul3A_850, %add3A_846 : vector<256x256xf32>
    %select_n3A_852 = arith.select %gt3A_849, %add3A_846, %mul3A_851 : vector<256x256xi1>, vector<256x256xf32>
    %get3A_853 = arith.constant 0 : index
    %get3A_854 = arith.constant 0 : index
    %get3A_855 = vector.load %arg19[%get3A_853, %get3A_854] : memref<32x256xf32, #tpu.memory_space<vmem>>, vector<32x256xf32>
    %dot_general3A_856 = arith.constant dense<0.000000e+00> : vector<256x32xf32>
    %dot_general3A_857 = tpu.matmul %select_n3A_455, %get3A_855, %dot_general3A_856 {dimension_numbers = #tpu.dot_dimension_numbers<[1], [1], [0], [0], [0, 0, 1, 0], [], []>, transpose_lhs_hint = false} : vector<256x256xf32>, vector<32x256xf32>, vector<256x32xf32> -> vector<256x32xf32>
    %get3A_858 = arith.constant 0 : index
    %get3A_859 = arith.constant 0 : index
    %get3A_860 = vector.load %arg19[%get3A_858, %get3A_859] : memref<32x256xf32, #tpu.memory_space<vmem>>, vector<32x256xf32>
    %dot_general3A_861 = arith.constant dense<0.000000e+00> : vector<256x32xf32>
    %dot_general3A_862 = tpu.matmul %select_n3A_475, %get3A_860, %dot_general3A_861 {dimension_numbers = #tpu.dot_dimension_numbers<[1], [1], [0], [0], [0, 0, 1, 0], [], []>, transpose_lhs_hint = false} : vector<256x256xf32>, vector<32x256xf32>, vector<256x32xf32> -> vector<256x32xf32>
    %get3A_863 = arith.constant 0 : index
    %get3A_864 = arith.constant 0 : index
    %get3A_865 = vector.load %arg19[%get3A_863, %get3A_864] : memref<32x256xf32, #tpu.memory_space<vmem>>, vector<32x256xf32>
    %dot_general3A_866 = arith.constant dense<0.000000e+00> : vector<256x32xf32>
    %dot_general3A_867 = tpu.matmul %select_n3A_495, %get3A_865, %dot_general3A_866 {dimension_numbers = #tpu.dot_dimension_numbers<[1], [1], [0], [0], [0, 0, 1, 0], [], []>, transpose_lhs_hint = false} : vector<256x256xf32>, vector<32x256xf32>, vector<256x32xf32> -> vector<256x32xf32>
    %get3A_868 = arith.constant 0 : index
    %get3A_869 = arith.constant 0 : index
    %get3A_870 = vector.load %arg19[%get3A_868, %get3A_869] : memref<32x256xf32, #tpu.memory_space<vmem>>, vector<32x256xf32>
    %dot_general3A_871 = arith.constant dense<0.000000e+00> : vector<256x32xf32>
    %dot_general3A_872 = tpu.matmul %select_n3A_515, %get3A_870, %dot_general3A_871 {dimension_numbers = #tpu.dot_dimension_numbers<[1], [1], [0], [0], [0, 0, 1, 0], [], []>, transpose_lhs_hint = false} : vector<256x256xf32>, vector<32x256xf32>, vector<256x32xf32> -> vector<256x32xf32>
    %get3A_873 = arith.constant 0 : index
    %get3A_874 = arith.constant 0 : index
    %get3A_875 = vector.load %arg19[%get3A_873, %get3A_874] : memref<32x256xf32, #tpu.memory_space<vmem>>, vector<32x256xf32>
    %dot_general3A_876 = arith.constant dense<0.000000e+00> : vector<256x32xf32>
    %dot_general3A_877 = tpu.matmul %select_n3A_535, %get3A_875, %dot_general3A_876 {dimension_numbers = #tpu.dot_dimension_numbers<[1], [1], [0], [0], [0, 0, 1, 0], [], []>, transpose_lhs_hint = false} : vector<256x256xf32>, vector<32x256xf32>, vector<256x32xf32> -> vector<256x32xf32>
    %get3A_878 = arith.constant 0 : index
    %get3A_879 = arith.constant 0 : index
    %get3A_880 = vector.load %arg19[%get3A_878, %get3A_879] : memref<32x256xf32, #tpu.memory_space<vmem>>, vector<32x256xf32>
    %dot_general3A_881 = arith.constant dense<0.000000e+00> : vector<256x32xf32>
    %dot_general3A_882 = tpu.matmul %select_n3A_555, %get3A_880, %dot_general3A_881 {dimension_numbers = #tpu.dot_dimension_numbers<[1], [1], [0], [0], [0, 0, 1, 0], [], []>, transpose_lhs_hint = false} : vector<256x256xf32>, vector<32x256xf32>, vector<256x32xf32> -> vector<256x32xf32>
    %get3A_883 = arith.constant 0 : index
    %get3A_884 = arith.constant 0 : index
    %get3A_885 = vector.load %arg19[%get3A_883, %get3A_884] : memref<32x256xf32, #tpu.memory_space<vmem>>, vector<32x256xf32>
    %dot_general3A_886 = arith.constant dense<0.000000e+00> : vector<256x32xf32>
    %dot_general3A_887 = tpu.matmul %select_n3A_812, %get3A_885, %dot_general3A_886 {dimension_numbers = #tpu.dot_dimension_numbers<[1], [1], [0], [0], [0, 0, 1, 0], [], []>, transpose_lhs_hint = false} : vector<256x256xf32>, vector<32x256xf32>, vector<256x32xf32> -> vector<256x32xf32>
    %get3A_888 = arith.constant 0 : index
    %get3A_889 = arith.constant 0 : index
    %get3A_890 = vector.load %arg19[%get3A_888, %get3A_889] : memref<32x256xf32, #tpu.memory_space<vmem>>, vector<32x256xf32>
    %dot_general3A_891 = arith.constant dense<0.000000e+00> : vector<256x32xf32>
    %dot_general3A_892 = tpu.matmul %select_n3A_832, %get3A_890, %dot_general3A_891 {dimension_numbers = #tpu.dot_dimension_numbers<[1], [1], [0], [0], [0, 0, 1, 0], [], []>, transpose_lhs_hint = false} : vector<256x256xf32>, vector<32x256xf32>, vector<256x32xf32> -> vector<256x32xf32>
    %get3A_893 = arith.constant 0 : index
    %get3A_894 = arith.constant 0 : index
    %get3A_895 = vector.load %arg19[%get3A_893, %get3A_894] : memref<32x256xf32, #tpu.memory_space<vmem>>, vector<32x256xf32>
    %dot_general3A_896 = arith.constant dense<0.000000e+00> : vector<256x32xf32>
    %dot_general3A_897 = tpu.matmul %select_n3A_852, %get3A_895, %dot_general3A_896 {dimension_numbers = #tpu.dot_dimension_numbers<[1], [1], [0], [0], [0, 0, 1, 0], [], []>, transpose_lhs_hint = false} : vector<256x256xf32>, vector<32x256xf32>, vector<256x32xf32> -> vector<256x32xf32>
    %get3A_898 = arith.constant 0 : index
    %get3A_899 = arith.constant 0 : index
    %get3A_900 = vector.load %arg20[%get3A_898, %get3A_899] : memref<32x256xf32, #tpu.memory_space<vmem>>, vector<32x256xf32>
    %dot_general3A_901 = arith.constant dense<0.000000e+00> : vector<256x32xf32>
    %dot_general3A_902 = tpu.matmul %select_n3A_455, %get3A_900, %dot_general3A_901 {dimension_numbers = #tpu.dot_dimension_numbers<[1], [1], [0], [0], [0, 0, 1, 0], [], []>, transpose_lhs_hint = false} : vector<256x256xf32>, vector<32x256xf32>, vector<256x32xf32> -> vector<256x32xf32>
    %get3A_903 = arith.constant 0 : index
    %get3A_904 = arith.constant 0 : index
    %get3A_905 = vector.load %arg20[%get3A_903, %get3A_904] : memref<32x256xf32, #tpu.memory_space<vmem>>, vector<32x256xf32>
    %dot_general3A_906 = arith.constant dense<0.000000e+00> : vector<256x32xf32>
    %dot_general3A_907 = tpu.matmul %select_n3A_475, %get3A_905, %dot_general3A_906 {dimension_numbers = #tpu.dot_dimension_numbers<[1], [1], [0], [0], [0, 0, 1, 0], [], []>, transpose_lhs_hint = false} : vector<256x256xf32>, vector<32x256xf32>, vector<256x32xf32> -> vector<256x32xf32>
    %get3A_908 = arith.constant 0 : index
    %get3A_909 = arith.constant 0 : index
    %get3A_910 = vector.load %arg20[%get3A_908, %get3A_909] : memref<32x256xf32, #tpu.memory_space<vmem>>, vector<32x256xf32>
    %dot_general3A_911 = arith.constant dense<0.000000e+00> : vector<256x32xf32>
    %dot_general3A_912 = tpu.matmul %select_n3A_495, %get3A_910, %dot_general3A_911 {dimension_numbers = #tpu.dot_dimension_numbers<[1], [1], [0], [0], [0, 0, 1, 0], [], []>, transpose_lhs_hint = false} : vector<256x256xf32>, vector<32x256xf32>, vector<256x32xf32> -> vector<256x32xf32>
    %get3A_913 = arith.constant 0 : index
    %get3A_914 = arith.constant 0 : index
    %get3A_915 = vector.load %arg20[%get3A_913, %get3A_914] : memref<32x256xf32, #tpu.memory_space<vmem>>, vector<32x256xf32>
    %dot_general3A_916 = arith.constant dense<0.000000e+00> : vector<256x32xf32>
    %dot_general3A_917 = tpu.matmul %select_n3A_515, %get3A_915, %dot_general3A_916 {dimension_numbers = #tpu.dot_dimension_numbers<[1], [1], [0], [0], [0, 0, 1, 0], [], []>, transpose_lhs_hint = false} : vector<256x256xf32>, vector<32x256xf32>, vector<256x32xf32> -> vector<256x32xf32>
    %get3A_918 = arith.constant 0 : index
    %get3A_919 = arith.constant 0 : index
    %get3A_920 = vector.load %arg20[%get3A_918, %get3A_919] : memref<32x256xf32, #tpu.memory_space<vmem>>, vector<32x256xf32>
    %dot_general3A_921 = arith.constant dense<0.000000e+00> : vector<256x32xf32>
    %dot_general3A_922 = tpu.matmul %select_n3A_535, %get3A_920, %dot_general3A_921 {dimension_numbers = #tpu.dot_dimension_numbers<[1], [1], [0], [0], [0, 0, 1, 0], [], []>, transpose_lhs_hint = false} : vector<256x256xf32>, vector<32x256xf32>, vector<256x32xf32> -> vector<256x32xf32>
    %get3A_923 = arith.constant 0 : index
    %get3A_924 = arith.constant 0 : index
    %get3A_925 = vector.load %arg20[%get3A_923, %get3A_924] : memref<32x256xf32, #tpu.memory_space<vmem>>, vector<32x256xf32>
    %dot_general3A_926 = arith.constant dense<0.000000e+00> : vector<256x32xf32>
    %dot_general3A_927 = tpu.matmul %select_n3A_555, %get3A_925, %dot_general3A_926 {dimension_numbers = #tpu.dot_dimension_numbers<[1], [1], [0], [0], [0, 0, 1, 0], [], []>, transpose_lhs_hint = false} : vector<256x256xf32>, vector<32x256xf32>, vector<256x32xf32> -> vector<256x32xf32>
    %get3A_928 = arith.constant 0 : index
    %get3A_929 = arith.constant 0 : index
    %get3A_930 = vector.load %arg20[%get3A_928, %get3A_929] : memref<32x256xf32, #tpu.memory_space<vmem>>, vector<32x256xf32>
    %dot_general3A_931 = arith.constant dense<0.000000e+00> : vector<256x32xf32>
    %dot_general3A_932 = tpu.matmul %select_n3A_812, %get3A_930, %dot_general3A_931 {dimension_numbers = #tpu.dot_dimension_numbers<[1], [1], [0], [0], [0, 0, 1, 0], [], []>, transpose_lhs_hint = false} : vector<256x256xf32>, vector<32x256xf32>, vector<256x32xf32> -> vector<256x32xf32>
    %get3A_933 = arith.constant 0 : index
    %get3A_934 = arith.constant 0 : index
    %get3A_935 = vector.load %arg20[%get3A_933, %get3A_934] : memref<32x256xf32, #tpu.memory_space<vmem>>, vector<32x256xf32>
    %dot_general3A_936 = arith.constant dense<0.000000e+00> : vector<256x32xf32>
    %dot_general3A_937 = tpu.matmul %select_n3A_832, %get3A_935, %dot_general3A_936 {dimension_numbers = #tpu.dot_dimension_numbers<[1], [1], [0], [0], [0, 0, 1, 0], [], []>, transpose_lhs_hint = false} : vector<256x256xf32>, vector<32x256xf32>, vector<256x32xf32> -> vector<256x32xf32>
    %get3A_938 = arith.constant 0 : index
    %get3A_939 = arith.constant 0 : index
    %get3A_940 = vector.load %arg20[%get3A_938, %get3A_939] : memref<32x256xf32, #tpu.memory_space<vmem>>, vector<32x256xf32>
    %dot_general3A_941 = arith.constant dense<0.000000e+00> : vector<256x32xf32>
    %dot_general3A_942 = tpu.matmul %select_n3A_852, %get3A_940, %dot_general3A_941 {dimension_numbers = #tpu.dot_dimension_numbers<[1], [1], [0], [0], [0, 0, 1, 0], [], []>, transpose_lhs_hint = false} : vector<256x256xf32>, vector<32x256xf32>, vector<256x32xf32> -> vector<256x32xf32>
    %get3A_943 = arith.constant 0 : index
    %get3A_944 = arith.constant 0 : index
    %get3A_945 = vector.load %arg21[%get3A_943, %get3A_944] : memref<256x256xf32, #tpu.memory_space<vmem>>, vector<256x256xf32>
    %dot_general3A_946 = arith.constant dense<0.000000e+00> : vector<256x256xf32>
    %dot_general3A_947 = tpu.matmul %select_n3A_455, %get3A_945, %dot_general3A_946 {dimension_numbers = #tpu.dot_dimension_numbers<[1], [1], [0], [0], [0, 0, 1, 0], [], []>, transpose_lhs_hint = false} : vector<256x256xf32>, vector<256x256xf32>, vector<256x256xf32> -> vector<256x256xf32>
    %get3A_948 = arith.constant 0 : index
    %get3A_949 = arith.constant 0 : index
    %get3A_950 = vector.load %arg21[%get3A_948, %get3A_949] : memref<256x256xf32, #tpu.memory_space<vmem>>, vector<256x256xf32>
    %dot_general3A_951 = arith.constant dense<0.000000e+00> : vector<256x256xf32>
    %dot_general3A_952 = tpu.matmul %select_n3A_475, %get3A_950, %dot_general3A_951 {dimension_numbers = #tpu.dot_dimension_numbers<[1], [1], [0], [0], [0, 0, 1, 0], [], []>, transpose_lhs_hint = false} : vector<256x256xf32>, vector<256x256xf32>, vector<256x256xf32> -> vector<256x256xf32>
    %get3A_953 = arith.constant 0 : index
    %get3A_954 = arith.constant 0 : index
    %get3A_955 = vector.load %arg21[%get3A_953, %get3A_954] : memref<256x256xf32, #tpu.memory_space<vmem>>, vector<256x256xf32>
    %dot_general3A_956 = arith.constant dense<0.000000e+00> : vector<256x256xf32>
    %dot_general3A_957 = tpu.matmul %select_n3A_495, %get3A_955, %dot_general3A_956 {dimension_numbers = #tpu.dot_dimension_numbers<[1], [1], [0], [0], [0, 0, 1, 0], [], []>, transpose_lhs_hint = false} : vector<256x256xf32>, vector<256x256xf32>, vector<256x256xf32> -> vector<256x256xf32>
    %get3A_958 = arith.constant 0 : index
    %get3A_959 = arith.constant 0 : index
    %get3A_960 = vector.load %arg21[%get3A_958, %get3A_959] : memref<256x256xf32, #tpu.memory_space<vmem>>, vector<256x256xf32>
    %dot_general3A_961 = arith.constant dense<0.000000e+00> : vector<256x256xf32>
    %dot_general3A_962 = tpu.matmul %select_n3A_515, %get3A_960, %dot_general3A_961 {dimension_numbers = #tpu.dot_dimension_numbers<[1], [1], [0], [0], [0, 0, 1, 0], [], []>, transpose_lhs_hint = false} : vector<256x256xf32>, vector<256x256xf32>, vector<256x256xf32> -> vector<256x256xf32>
    %get3A_963 = arith.constant 0 : index
    %get3A_964 = arith.constant 0 : index
    %get3A_965 = vector.load %arg21[%get3A_963, %get3A_964] : memref<256x256xf32, #tpu.memory_space<vmem>>, vector<256x256xf32>
    %dot_general3A_966 = arith.constant dense<0.000000e+00> : vector<256x256xf32>
    %dot_general3A_967 = tpu.matmul %select_n3A_535, %get3A_965, %dot_general3A_966 {dimension_numbers = #tpu.dot_dimension_numbers<[1], [1], [0], [0], [0, 0, 1, 0], [], []>, transpose_lhs_hint = false} : vector<256x256xf32>, vector<256x256xf32>, vector<256x256xf32> -> vector<256x256xf32>
    %get3A_968 = arith.constant 0 : index
    %get3A_969 = arith.constant 0 : index
    %get3A_970 = vector.load %arg21[%get3A_968, %get3A_969] : memref<256x256xf32, #tpu.memory_space<vmem>>, vector<256x256xf32>
    %dot_general3A_971 = arith.constant dense<0.000000e+00> : vector<256x256xf32>
    %dot_general3A_972 = tpu.matmul %select_n3A_555, %get3A_970, %dot_general3A_971 {dimension_numbers = #tpu.dot_dimension_numbers<[1], [1], [0], [0], [0, 0, 1, 0], [], []>, transpose_lhs_hint = false} : vector<256x256xf32>, vector<256x256xf32>, vector<256x256xf32> -> vector<256x256xf32>
    %get3A_973 = arith.constant 0 : index
    %get3A_974 = arith.constant 0 : index
    %get3A_975 = vector.load %arg21[%get3A_973, %get3A_974] : memref<256x256xf32, #tpu.memory_space<vmem>>, vector<256x256xf32>
    %dot_general3A_976 = arith.constant dense<0.000000e+00> : vector<256x256xf32>
    %dot_general3A_977 = tpu.matmul %select_n3A_812, %get3A_975, %dot_general3A_976 {dimension_numbers = #tpu.dot_dimension_numbers<[1], [1], [0], [0], [0, 0, 1, 0], [], []>, transpose_lhs_hint = false} : vector<256x256xf32>, vector<256x256xf32>, vector<256x256xf32> -> vector<256x256xf32>
    %get3A_978 = arith.constant 0 : index
    %get3A_979 = arith.constant 0 : index
    %get3A_980 = vector.load %arg21[%get3A_978, %get3A_979] : memref<256x256xf32, #tpu.memory_space<vmem>>, vector<256x256xf32>
    %dot_general3A_981 = arith.constant dense<0.000000e+00> : vector<256x256xf32>
    %dot_general3A_982 = tpu.matmul %select_n3A_832, %get3A_980, %dot_general3A_981 {dimension_numbers = #tpu.dot_dimension_numbers<[1], [1], [0], [0], [0, 0, 1, 0], [], []>, transpose_lhs_hint = false} : vector<256x256xf32>, vector<256x256xf32>, vector<256x256xf32> -> vector<256x256xf32>
    %get3A_983 = arith.constant 0 : index
    %get3A_984 = arith.constant 0 : index
    %get3A_985 = vector.load %arg21[%get3A_983, %get3A_984] : memref<256x256xf32, #tpu.memory_space<vmem>>, vector<256x256xf32>
    %dot_general3A_986 = arith.constant dense<0.000000e+00> : vector<256x256xf32>
    %dot_general3A_987 = tpu.matmul %select_n3A_852, %get3A_985, %dot_general3A_986 {dimension_numbers = #tpu.dot_dimension_numbers<[1], [1], [0], [0], [0, 0, 1, 0], [], []>, transpose_lhs_hint = false} : vector<256x256xf32>, vector<256x256xf32>, vector<256x256xf32> -> vector<256x256xf32>
    %get3A_988 = arith.constant 0 : index
    %get3A_989 = arith.constant 0 : index
    %get3A_990 = vector.load %arg23[%get3A_988, %get3A_989] : memref<1x8xf32, #tpu.memory_space<vmem>>, vector<1x8xf32>
    %mul3A_991 = arith.mulf %dot_general3A_857, %dot_general3A_902 : vector<256x32xf32>
    %reduce_sum3A_992 = arith.constant dense<0.000000e+00> : vector<256xf32>
    %reduce_sum3A_993 = vector.multi_reduction <add>, %mul3A_991, %reduce_sum3A_992 [1] : vector<256x32xf32> to vector<256xf32>
    %broadcast_in_dim3A_994 = vector.shape_cast %reduce_sum3A_993 : vector<256xf32> to vector<256x1xf32>
    %mul3A_995 = arith.mulf %dot_general3A_862, %dot_general3A_902 : vector<256x32xf32>
    %reduce_sum3A_996 = arith.constant dense<0.000000e+00> : vector<256xf32>
    %reduce_sum3A_997 = vector.multi_reduction <add>, %mul3A_995, %reduce_sum3A_996 [1] : vector<256x32xf32> to vector<256xf32>
    %broadcast_in_dim3A_998 = vector.shape_cast %reduce_sum3A_997 : vector<256xf32> to vector<256x1xf32>
    %mul3A_999 = arith.mulf %dot_general3A_867, %dot_general3A_902 : vector<256x32xf32>
    %reduce_sum3A_1000 = arith.constant dense<0.000000e+00> : vector<256xf32>
    %reduce_sum3A_1001 = vector.multi_reduction <add>, %mul3A_999, %reduce_sum3A_1000 [1] : vector<256x32xf32> to vector<256xf32>
    %broadcast_in_dim3A_1002 = vector.shape_cast %reduce_sum3A_1001 : vector<256xf32> to vector<256x1xf32>
    %mul3A_1003 = arith.mulf %dot_general3A_872, %dot_general3A_902 : vector<256x32xf32>
    %reduce_sum3A_1004 = arith.constant dense<0.000000e+00> : vector<256xf32>
    %reduce_sum3A_1005 = vector.multi_reduction <add>, %mul3A_1003, %reduce_sum3A_1004 [1] : vector<256x32xf32> to vector<256xf32>
    %broadcast_in_dim3A_1006 = vector.shape_cast %reduce_sum3A_1005 : vector<256xf32> to vector<256x1xf32>
    %mul3A_1007 = arith.mulf %dot_general3A_877, %dot_general3A_902 : vector<256x32xf32>
    %reduce_sum3A_1008 = arith.constant dense<0.000000e+00> : vector<256xf32>
    %reduce_sum3A_1009 = vector.multi_reduction <add>, %mul3A_1007, %reduce_sum3A_1008 [1] : vector<256x32xf32> to vector<256xf32>
    %broadcast_in_dim3A_1010 = vector.shape_cast %reduce_sum3A_1009 : vector<256xf32> to vector<256x1xf32>
    %mul3A_1011 = arith.mulf %dot_general3A_882, %dot_general3A_902 : vector<256x32xf32>
    %reduce_sum3A_1012 = arith.constant dense<0.000000e+00> : vector<256xf32>
    %reduce_sum3A_1013 = vector.multi_reduction <add>, %mul3A_1011, %reduce_sum3A_1012 [1] : vector<256x32xf32> to vector<256xf32>
    %broadcast_in_dim3A_1014 = vector.shape_cast %reduce_sum3A_1013 : vector<256xf32> to vector<256x1xf32>
    %mul3A_1015 = arith.mulf %dot_general3A_887, %dot_general3A_902 : vector<256x32xf32>
    %reduce_sum3A_1016 = arith.constant dense<0.000000e+00> : vector<256xf32>
    %reduce_sum3A_1017 = vector.multi_reduction <add>, %mul3A_1015, %reduce_sum3A_1016 [1] : vector<256x32xf32> to vector<256xf32>
    %broadcast_in_dim3A_1018 = vector.shape_cast %reduce_sum3A_1017 : vector<256xf32> to vector<256x1xf32>
    %mul3A_1019 = arith.mulf %dot_general3A_892, %dot_general3A_902 : vector<256x32xf32>
    %reduce_sum3A_1020 = arith.constant dense<0.000000e+00> : vector<256xf32>
    %reduce_sum3A_1021 = vector.multi_reduction <add>, %mul3A_1019, %reduce_sum3A_1020 [1] : vector<256x32xf32> to vector<256xf32>
    %broadcast_in_dim3A_1022 = vector.shape_cast %reduce_sum3A_1021 : vector<256xf32> to vector<256x1xf32>
    %mul3A_1023 = arith.mulf %dot_general3A_897, %dot_general3A_902 : vector<256x32xf32>
    %reduce_sum3A_1024 = arith.constant dense<0.000000e+00> : vector<256xf32>
    %reduce_sum3A_1025 = vector.multi_reduction <add>, %mul3A_1023, %reduce_sum3A_1024 [1] : vector<256x32xf32> to vector<256xf32>
    %broadcast_in_dim3A_1026 = vector.shape_cast %reduce_sum3A_1025 : vector<256xf32> to vector<256x1xf32>
    %concatenate3A = tpu.concatenate %broadcast_in_dim3A_994, %broadcast_in_dim3A_998, %broadcast_in_dim3A_1002, %broadcast_in_dim3A_1006, %broadcast_in_dim3A_1010, %broadcast_in_dim3A_1014, %broadcast_in_dim3A_1018, %broadcast_in_dim3A_1022, %broadcast_in_dim3A_1026 in 1 : vector<256x1xf32>, vector<256x1xf32>, vector<256x1xf32>, vector<256x1xf32>, vector<256x1xf32>, vector<256x1xf32>, vector<256x1xf32>, vector<256x1xf32>, vector<256x1xf32> -> vector<256x9xf32>
    %mul3A_1027 = vector.broadcast %get3A_2 : f32 to vector<256x9xf32>
    %mul3A_1028 = arith.mulf %concatenate3A, %mul3A_1027 : vector<256x9xf32>
    %max3A = arith.constant 0.000000e+00 : f32
    %max3A_1029 = vector.broadcast %max3A : f32 to vector<256x9xf32>
    %max3A_1030 = arith.maximumf %mul3A_1028, %max3A_1029 : vector<256x9xf32>
    %reduce_max3A = arith.constant dense<0xFF800000> : vector<256xf32>
    %reduce_max3A_1031 = vector.multi_reduction <maximumf>, %max3A_1030, %reduce_max3A [1] : vector<256x9xf32> to vector<256xf32>
    %broadcast_in_dim3A_1032 = vector.shape_cast %reduce_max3A_1031 : vector<256xf32> to vector<256x1xf32>
    %sub3A_1033 = vector.broadcast %broadcast_in_dim3A_1032 : vector<256x1xf32> to vector<256x9xf32>
    %sub3A_1034 = arith.subf %max3A_1030, %sub3A_1033 : vector<256x9xf32>
    %exp3A = math.exp %sub3A_1034 : vector<256x9xf32>
    %reduce_sum3A_1035 = arith.constant dense<0.000000e+00> : vector<256xf32>
    %reduce_sum3A_1036 = vector.multi_reduction <add>, %exp3A, %reduce_sum3A_1035 [1] : vector<256x9xf32> to vector<256xf32>
    %broadcast_in_dim3A_1037 = vector.shape_cast %reduce_sum3A_1036 : vector<256xf32> to vector<256x1xf32>
    %div3A = arith.constant 1.000000e+00 : f32
    %div3A_1038 = vector.broadcast %div3A : f32 to vector<256x1xf32>
    %div3A_1039 = arith.divf %div3A_1038, %broadcast_in_dim3A_1037 : vector<256x1xf32>
    %mul3A_1040 = vector.broadcast %div3A_1039 : vector<256x1xf32> to vector<256x9xf32>
    %mul3A_1041 = arith.mulf %exp3A, %mul3A_1040 : vector<256x9xf32>
    %broadcast_in_dim3A_1042 = arith.constant 0.000000e+00 : f32
    %broadcast_in_dim3A_1043 = vector.broadcast %broadcast_in_dim3A_1042 : f32 to vector<256x256xf32>
    %slice3A = vector.extract_strided_slice %mul3A_1041 {offsets = [0, 0], sizes = [256, 1], strides = [1, 1]} : vector<256x9xf32> to vector<256x1xf32>
    %mul3A_1044 = vector.broadcast %slice3A : vector<256x1xf32> to vector<256x256xf32>
    %mul3A_1045 = arith.mulf %mul3A_1044, %dot_general3A_947 : vector<256x256xf32>
    %add3A_1046 = arith.addf %broadcast_in_dim3A_1043, %mul3A_1045 : vector<256x256xf32>
    %slice3A_1047 = vector.extract_strided_slice %mul3A_1041 {offsets = [0, 1], sizes = [256, 1], strides = [1, 1]} : vector<256x9xf32> to vector<256x1xf32>
    %mul3A_1048 = vector.broadcast %slice3A_1047 : vector<256x1xf32> to vector<256x256xf32>
    %mul3A_1049 = arith.mulf %mul3A_1048, %dot_general3A_952 : vector<256x256xf32>
    %add3A_1050 = arith.addf %add3A_1046, %mul3A_1049 : vector<256x256xf32>
    %slice3A_1051 = vector.extract_strided_slice %mul3A_1041 {offsets = [0, 2], sizes = [256, 1], strides = [1, 1]} : vector<256x9xf32> to vector<256x1xf32>
    %mul3A_1052 = vector.broadcast %slice3A_1051 : vector<256x1xf32> to vector<256x256xf32>
    %mul3A_1053 = arith.mulf %mul3A_1052, %dot_general3A_957 : vector<256x256xf32>
    %add3A_1054 = arith.addf %add3A_1050, %mul3A_1053 : vector<256x256xf32>
    %slice3A_1055 = vector.extract_strided_slice %mul3A_1041 {offsets = [0, 3], sizes = [256, 1], strides = [1, 1]} : vector<256x9xf32> to vector<256x1xf32>
    %mul3A_1056 = vector.broadcast %slice3A_1055 : vector<256x1xf32> to vector<256x256xf32>
    %mul3A_1057 = arith.mulf %mul3A_1056, %dot_general3A_962 : vector<256x256xf32>
    %add3A_1058 = arith.addf %add3A_1054, %mul3A_1057 : vector<256x256xf32>
    %slice3A_1059 = vector.extract_strided_slice %mul3A_1041 {offsets = [0, 4], sizes = [256, 1], strides = [1, 1]} : vector<256x9xf32> to vector<256x1xf32>
    %mul3A_1060 = vector.broadcast %slice3A_1059 : vector<256x1xf32> to vector<256x256xf32>
    %mul3A_1061 = arith.mulf %mul3A_1060, %dot_general3A_967 : vector<256x256xf32>
    %add3A_1062 = arith.addf %add3A_1058, %mul3A_1061 : vector<256x256xf32>
    %slice3A_1063 = vector.extract_strided_slice %mul3A_1041 {offsets = [0, 5], sizes = [256, 1], strides = [1, 1]} : vector<256x9xf32> to vector<256x1xf32>
    %mul3A_1064 = vector.broadcast %slice3A_1063 : vector<256x1xf32> to vector<256x256xf32>
    %mul3A_1065 = arith.mulf %mul3A_1064, %dot_general3A_972 : vector<256x256xf32>
    %add3A_1066 = arith.addf %add3A_1062, %mul3A_1065 : vector<256x256xf32>
    %slice3A_1067 = vector.extract_strided_slice %mul3A_1041 {offsets = [0, 6], sizes = [256, 1], strides = [1, 1]} : vector<256x9xf32> to vector<256x1xf32>
    %mul3A_1068 = vector.broadcast %slice3A_1067 : vector<256x1xf32> to vector<256x256xf32>
    %mul3A_1069 = arith.mulf %mul3A_1068, %dot_general3A_977 : vector<256x256xf32>
    %add3A_1070 = arith.addf %add3A_1066, %mul3A_1069 : vector<256x256xf32>
    %slice3A_1071 = vector.extract_strided_slice %mul3A_1041 {offsets = [0, 7], sizes = [256, 1], strides = [1, 1]} : vector<256x9xf32> to vector<256x1xf32>
    %mul3A_1072 = vector.broadcast %slice3A_1071 : vector<256x1xf32> to vector<256x256xf32>
    %mul3A_1073 = arith.mulf %mul3A_1072, %dot_general3A_982 : vector<256x256xf32>
    %add3A_1074 = arith.addf %add3A_1070, %mul3A_1073 : vector<256x256xf32>
    %slice3A_1075 = vector.extract_strided_slice %mul3A_1041 {offsets = [0, 8], sizes = [256, 1], strides = [1, 1]} : vector<256x9xf32> to vector<256x1xf32>
    %mul3A_1076 = vector.broadcast %slice3A_1075 : vector<256x1xf32> to vector<256x256xf32>
    %mul3A_1077 = arith.mulf %mul3A_1076, %dot_general3A_987 : vector<256x256xf32>
    %add3A_1078 = arith.addf %add3A_1074, %mul3A_1077 : vector<256x256xf32>
    %mul3A_1079 = arith.mulf %get3A_6, %get3A_4 : f32
    %mul3A_1080 = vector.broadcast %mul3A_1079 : f32 to vector<256x256xf32>
    %mul3A_1081 = arith.mulf %mul3A_1080, %add3A_1078 : vector<256x256xf32>
    %add3A_1082 = arith.addf %mul3A_1081, %select_n3A_455 : vector<256x256xf32>
    %swap3A = arith.constant 0 : index
    %swap3A_1083 = arith.constant 0 : index
    %swap3A_1084 = vector.load %arg29[%swap3A, %swap3A_1083] : memref<256x2304xf32, #tpu.memory_space<vmem>>, vector<256x256xf32>
    tpu.vector_store %arg29[%swap3A, %swap3A_1083], %add3A_1082 {strides = array<i32>} : memref<256x2304xf32, #tpu.memory_space<vmem>>, vector<256x256xf32>,
    %get3A_1085 = arith.constant 0 : index
    %get3A_1086 = arith.constant 0 : index
    %get3A_1087 = arith.constant 0 : index
    %get3A_1088 = vector.load %arg22[%get3A_1085, %get3A_1086, %get3A_1087] : memref<9x256x8xf32, #tpu.memory_space<vmem>>, vector<1x256x8xf32>
    %get3A_1089 = vector.shape_cast %get3A_1088 : vector<1x256x8xf32> to vector<256x8xf32>
    %dot_general3A_1090 = arith.constant dense<0.000000e+00> : vector<256x8xf32>
    %dot_general3A_1091 = tpu.matmul %add3A_1082, %get3A_1089, %dot_general3A_1090 {dimension_numbers = #tpu.dot_dimension_numbers<[1], [0], [0], [1], [0, 0, 1, 1], [], []>, transpose_lhs_hint = false} : vector<256x256xf32>, vector<256x8xf32>, vector<256x8xf32> -> vector<256x8xf32>
    %add3A_1092 = vector.broadcast %get3A_990 : vector<1x8xf32> to vector<256x8xf32>
    %add3A_1093 = arith.addf %add3A_1092, %dot_general3A_1091 : vector<256x8xf32>
    %mul3A_1094 = arith.mulf %dot_general3A_857, %dot_general3A_907 : vector<256x32xf32>
    %reduce_sum3A_1095 = arith.constant dense<0.000000e+00> : vector<256xf32>
    %reduce_sum3A_1096 = vector.multi_reduction <add>, %mul3A_1094, %reduce_sum3A_1095 [1] : vector<256x32xf32> to vector<256xf32>
    %broadcast_in_dim3A_1097 = vector.shape_cast %reduce_sum3A_1096 : vector<256xf32> to vector<256x1xf32>
    %mul3A_1098 = arith.mulf %dot_general3A_862, %dot_general3A_907 : vector<256x32xf32>
    %reduce_sum3A_1099 = arith.constant dense<0.000000e+00> : vector<256xf32>
    %reduce_sum3A_1100 = vector.multi_reduction <add>, %mul3A_1098, %reduce_sum3A_1099 [1] : vector<256x32xf32> to vector<256xf32>
    %broadcast_in_dim3A_1101 = vector.shape_cast %reduce_sum3A_1100 : vector<256xf32> to vector<256x1xf32>
    %mul3A_1102 = arith.mulf %dot_general3A_867, %dot_general3A_907 : vector<256x32xf32>
    %reduce_sum3A_1103 = arith.constant dense<0.000000e+00> : vector<256xf32>
    %reduce_sum3A_1104 = vector.multi_reduction <add>, %mul3A_1102, %reduce_sum3A_1103 [1] : vector<256x32xf32> to vector<256xf32>
    %broadcast_in_dim3A_1105 = vector.shape_cast %reduce_sum3A_1104 : vector<256xf32> to vector<256x1xf32>
    %mul3A_1106 = arith.mulf %dot_general3A_872, %dot_general3A_907 : vector<256x32xf32>
    %reduce_sum3A_1107 = arith.constant dense<0.000000e+00> : vector<256xf32>
    %reduce_sum3A_1108 = vector.multi_reduction <add>, %mul3A_1106, %reduce_sum3A_1107 [1] : vector<256x32xf32> to vector<256xf32>
    %broadcast_in_dim3A_1109 = vector.shape_cast %reduce_sum3A_1108 : vector<256xf32> to vector<256x1xf32>
    %mul3A_1110 = arith.mulf %dot_general3A_877, %dot_general3A_907 : vector<256x32xf32>
    %reduce_sum3A_1111 = arith.constant dense<0.000000e+00> : vector<256xf32>
    %reduce_sum3A_1112 = vector.multi_reduction <add>, %mul3A_1110, %reduce_sum3A_1111 [1] : vector<256x32xf32> to vector<256xf32>
    %broadcast_in_dim3A_1113 = vector.shape_cast %reduce_sum3A_1112 : vector<256xf32> to vector<256x1xf32>
    %mul3A_1114 = arith.mulf %dot_general3A_882, %dot_general3A_907 : vector<256x32xf32>
    %reduce_sum3A_1115 = arith.constant dense<0.000000e+00> : vector<256xf32>
    %reduce_sum3A_1116 = vector.multi_reduction <add>, %mul3A_1114, %reduce_sum3A_1115 [1] : vector<256x32xf32> to vector<256xf32>
    %broadcast_in_dim3A_1117 = vector.shape_cast %reduce_sum3A_1116 : vector<256xf32> to vector<256x1xf32>
    %mul3A_1118 = arith.mulf %dot_general3A_887, %dot_general3A_907 : vector<256x32xf32>
    %reduce_sum3A_1119 = arith.constant dense<0.000000e+00> : vector<256xf32>
    %reduce_sum3A_1120 = vector.multi_reduction <add>, %mul3A_1118, %reduce_sum3A_1119 [1] : vector<256x32xf32> to vector<256xf32>
    %broadcast_in_dim3A_1121 = vector.shape_cast %reduce_sum3A_1120 : vector<256xf32> to vector<256x1xf32>
    %mul3A_1122 = arith.mulf %dot_general3A_892, %dot_general3A_907 : vector<256x32xf32>
    %reduce_sum3A_1123 = arith.constant dense<0.000000e+00> : vector<256xf32>
    %reduce_sum3A_1124 = vector.multi_reduction <add>, %mul3A_1122, %reduce_sum3A_1123 [1] : vector<256x32xf32> to vector<256xf32>
    %broadcast_in_dim3A_1125 = vector.shape_cast %reduce_sum3A_1124 : vector<256xf32> to vector<256x1xf32>
    %mul3A_1126 = arith.mulf %dot_general3A_897, %dot_general3A_907 : vector<256x32xf32>
    %reduce_sum3A_1127 = arith.constant dense<0.000000e+00> : vector<256xf32>
    %reduce_sum3A_1128 = vector.multi_reduction <add>, %mul3A_1126, %reduce_sum3A_1127 [1] : vector<256x32xf32> to vector<256xf32>
    %broadcast_in_dim3A_1129 = vector.shape_cast %reduce_sum3A_1128 : vector<256xf32> to vector<256x1xf32>
    %concatenate3A_1130 = tpu.concatenate %broadcast_in_dim3A_1097, %broadcast_in_dim3A_1101, %broadcast_in_dim3A_1105, %broadcast_in_dim3A_1109, %broadcast_in_dim3A_1113, %broadcast_in_dim3A_1117, %broadcast_in_dim3A_1121, %broadcast_in_dim3A_1125, %broadcast_in_dim3A_1129 in 1 : vector<256x1xf32>, vector<256x1xf32>, vector<256x1xf32>, vector<256x1xf32>, vector<256x1xf32>, vector<256x1xf32>, vector<256x1xf32>, vector<256x1xf32>, vector<256x1xf32> -> vector<256x9xf32>
    %mul3A_1131 = vector.broadcast %get3A_2 : f32 to vector<256x9xf32>
    %mul3A_1132 = arith.mulf %concatenate3A_1130, %mul3A_1131 : vector<256x9xf32>
    %max3A_1133 = arith.constant 0.000000e+00 : f32
    %max3A_1134 = vector.broadcast %max3A_1133 : f32 to vector<256x9xf32>
    %max3A_1135 = arith.maximumf %mul3A_1132, %max3A_1134 : vector<256x9xf32>
    %reduce_max3A_1136 = arith.constant dense<0xFF800000> : vector<256xf32>
    %reduce_max3A_1137 = vector.multi_reduction <maximumf>, %max3A_1135, %reduce_max3A_1136 [1] : vector<256x9xf32> to vector<256xf32>
    %broadcast_in_dim3A_1138 = vector.shape_cast %reduce_max3A_1137 : vector<256xf32> to vector<256x1xf32>
    %sub3A_1139 = vector.broadcast %broadcast_in_dim3A_1138 : vector<256x1xf32> to vector<256x9xf32>
    %sub3A_1140 = arith.subf %max3A_1135, %sub3A_1139 : vector<256x9xf32>
    %exp3A_1141 = math.exp %sub3A_1140 : vector<256x9xf32>
    %reduce_sum3A_1142 = arith.constant dense<0.000000e+00> : vector<256xf32>
    %reduce_sum3A_1143 = vector.multi_reduction <add>, %exp3A_1141, %reduce_sum3A_1142 [1] : vector<256x9xf32> to vector<256xf32>
    %broadcast_in_dim3A_1144 = vector.shape_cast %reduce_sum3A_1143 : vector<256xf32> to vector<256x1xf32>
    %div3A_1145 = arith.constant 1.000000e+00 : f32
    %div3A_1146 = vector.broadcast %div3A_1145 : f32 to vector<256x1xf32>
    %div3A_1147 = arith.divf %div3A_1146, %broadcast_in_dim3A_1144 : vector<256x1xf32>
    %mul3A_1148 = vector.broadcast %div3A_1147 : vector<256x1xf32> to vector<256x9xf32>
    %mul3A_1149 = arith.mulf %exp3A_1141, %mul3A_1148 : vector<256x9xf32>
    %broadcast_in_dim3A_1150 = arith.constant 0.000000e+00 : f32
    %broadcast_in_dim3A_1151 = vector.broadcast %broadcast_in_dim3A_1150 : f32 to vector<256x256xf32>
    %slice3A_1152 = vector.extract_strided_slice %mul3A_1149 {offsets = [0, 0], sizes = [256, 1], strides = [1, 1]} : vector<256x9xf32> to vector<256x1xf32>
    %mul3A_1153 = vector.broadcast %slice3A_1152 : vector<256x1xf32> to vector<256x256xf32>
    %mul3A_1154 = arith.mulf %mul3A_1153, %dot_general3A_947 : vector<256x256xf32>
    %add3A_1155 = arith.addf %broadcast_in_dim3A_1151, %mul3A_1154 : vector<256x256xf32>
    %slice3A_1156 = vector.extract_strided_slice %mul3A_1149 {offsets = [0, 1], sizes = [256, 1], strides = [1, 1]} : vector<256x9xf32> to vector<256x1xf32>
    %mul3A_1157 = vector.broadcast %slice3A_1156 : vector<256x1xf32> to vector<256x256xf32>
    %mul3A_1158 = arith.mulf %mul3A_1157, %dot_general3A_952 : vector<256x256xf32>
    %add3A_1159 = arith.addf %add3A_1155, %mul3A_1158 : vector<256x256xf32>
    %slice3A_1160 = vector.extract_strided_slice %mul3A_1149 {offsets = [0, 2], sizes = [256, 1], strides = [1, 1]} : vector<256x9xf32> to vector<256x1xf32>
    %mul3A_1161 = vector.broadcast %slice3A_1160 : vector<256x1xf32> to vector<256x256xf32>
    %mul3A_1162 = arith.mulf %mul3A_1161, %dot_general3A_957 : vector<256x256xf32>
    %add3A_1163 = arith.addf %add3A_1159, %mul3A_1162 : vector<256x256xf32>
    %slice3A_1164 = vector.extract_strided_slice %mul3A_1149 {offsets = [0, 3], sizes = [256, 1], strides = [1, 1]} : vector<256x9xf32> to vector<256x1xf32>
    %mul3A_1165 = vector.broadcast %slice3A_1164 : vector<256x1xf32> to vector<256x256xf32>
    %mul3A_1166 = arith.mulf %mul3A_1165, %dot_general3A_962 : vector<256x256xf32>
    %add3A_1167 = arith.addf %add3A_1163, %mul3A_1166 : vector<256x256xf32>
    %slice3A_1168 = vector.extract_strided_slice %mul3A_1149 {offsets = [0, 4], sizes = [256, 1], strides = [1, 1]} : vector<256x9xf32> to vector<256x1xf32>
    %mul3A_1169 = vector.broadcast %slice3A_1168 : vector<256x1xf32> to vector<256x256xf32>
    %mul3A_1170 = arith.mulf %mul3A_1169, %dot_general3A_967 : vector<256x256xf32>
    %add3A_1171 = arith.addf %add3A_1167, %mul3A_1170 : vector<256x256xf32>
    %slice3A_1172 = vector.extract_strided_slice %mul3A_1149 {offsets = [0, 5], sizes = [256, 1], strides = [1, 1]} : vector<256x9xf32> to vector<256x1xf32>
    %mul3A_1173 = vector.broadcast %slice3A_1172 : vector<256x1xf32> to vector<256x256xf32>
    %mul3A_1174 = arith.mulf %mul3A_1173, %dot_general3A_972 : vector<256x256xf32>
    %add3A_1175 = arith.addf %add3A_1171, %mul3A_1174 : vector<256x256xf32>
    %slice3A_1176 = vector.extract_strided_slice %mul3A_1149 {offsets = [0, 6], sizes = [256, 1], strides = [1, 1]} : vector<256x9xf32> to vector<256x1xf32>
    %mul3A_1177 = vector.broadcast %slice3A_1176 : vector<256x1xf32> to vector<256x256xf32>
    %mul3A_1178 = arith.mulf %mul3A_1177, %dot_general3A_977 : vector<256x256xf32>
    %add3A_1179 = arith.addf %add3A_1175, %mul3A_1178 : vector<256x256xf32>
    %slice3A_1180 = vector.extract_strided_slice %mul3A_1149 {offsets = [0, 7], sizes = [256, 1], strides = [1, 1]} : vector<256x9xf32> to vector<256x1xf32>
    %mul3A_1181 = vector.broadcast %slice3A_1180 : vector<256x1xf32> to vector<256x256xf32>
    %mul3A_1182 = arith.mulf %mul3A_1181, %dot_general3A_982 : vector<256x256xf32>
    %add3A_1183 = arith.addf %add3A_1179, %mul3A_1182 : vector<256x256xf32>
    %slice3A_1184 = vector.extract_strided_slice %mul3A_1149 {offsets = [0, 8], sizes = [256, 1], strides = [1, 1]} : vector<256x9xf32> to vector<256x1xf32>
    %mul3A_1185 = vector.broadcast %slice3A_1184 : vector<256x1xf32> to vector<256x256xf32>
    %mul3A_1186 = arith.mulf %mul3A_1185, %dot_general3A_987 : vector<256x256xf32>
    %add3A_1187 = arith.addf %add3A_1183, %mul3A_1186 : vector<256x256xf32>
    %mul3A_1188 = arith.mulf %get3A_6, %get3A_4 : f32
    %mul3A_1189 = vector.broadcast %mul3A_1188 : f32 to vector<256x256xf32>
    %mul3A_1190 = arith.mulf %mul3A_1189, %add3A_1187 : vector<256x256xf32>
    %add3A_1191 = arith.addf %mul3A_1190, %select_n3A_475 : vector<256x256xf32>
    %swap3A_1192 = arith.constant 0 : index
    %swap3A_1193 = arith.constant 256 : index
    %swap3A_1194 = vector.load %arg29[%swap3A_1192, %swap3A_1193] : memref<256x2304xf32, #tpu.memory_space<vmem>>, vector<256x256xf32>
    tpu.vector_store %arg29[%swap3A_1192, %swap3A_1193], %add3A_1191 {strides = array<i32>} : memref<256x2304xf32, #tpu.memory_space<vmem>>, vector<256x256xf32>,
    %get3A_1195 = arith.constant 1 : index
    %get3A_1196 = arith.constant 0 : index
    %get3A_1197 = arith.constant 0 : index
    %get3A_1198 = vector.load %arg22[%get3A_1195, %get3A_1196, %get3A_1197] : memref<9x256x8xf32, #tpu.memory_space<vmem>>, vector<1x256x8xf32>
    %get3A_1199 = vector.shape_cast %get3A_1198 : vector<1x256x8xf32> to vector<256x8xf32>
    %dot_general3A_1200 = arith.constant dense<0.000000e+00> : vector<256x8xf32>
    %dot_general3A_1201 = tpu.matmul %add3A_1191, %get3A_1199, %dot_general3A_1200 {dimension_numbers = #tpu.dot_dimension_numbers<[1], [0], [0], [1], [0, 0, 1, 1], [], []>, transpose_lhs_hint = false} : vector<256x256xf32>, vector<256x8xf32>, vector<256x8xf32> -> vector<256x8xf32>
    %add3A_1202 = arith.addf %add3A_1093, %dot_general3A_1201 : vector<256x8xf32>
    %mul3A_1203 = arith.mulf %dot_general3A_857, %dot_general3A_912 : vector<256x32xf32>
    %reduce_sum3A_1204 = arith.constant dense<0.000000e+00> : vector<256xf32>
    %reduce_sum3A_1205 = vector.multi_reduction <add>, %mul3A_1203, %reduce_sum3A_1204 [1] : vector<256x32xf32> to vector<256xf32>
    %broadcast_in_dim3A_1206 = vector.shape_cast %reduce_sum3A_1205 : vector<256xf32> to vector<256x1xf32>
    %mul3A_1207 = arith.mulf %dot_general3A_862, %dot_general3A_912 : vector<256x32xf32>
    %reduce_sum3A_1208 = arith.constant dense<0.000000e+00> : vector<256xf32>
    %reduce_sum3A_1209 = vector.multi_reduction <add>, %mul3A_1207, %reduce_sum3A_1208 [1] : vector<256x32xf32> to vector<256xf32>
    %broadcast_in_dim3A_1210 = vector.shape_cast %reduce_sum3A_1209 : vector<256xf32> to vector<256x1xf32>
    %mul3A_1211 = arith.mulf %dot_general3A_867, %dot_general3A_912 : vector<256x32xf32>
    %reduce_sum3A_1212 = arith.constant dense<0.000000e+00> : vector<256xf32>
    %reduce_sum3A_1213 = vector.multi_reduction <add>, %mul3A_1211, %reduce_sum3A_1212 [1] : vector<256x32xf32> to vector<256xf32>
    %broadcast_in_dim3A_1214 = vector.shape_cast %reduce_sum3A_1213 : vector<256xf32> to vector<256x1xf32>
    %mul3A_1215 = arith.mulf %dot_general3A_872, %dot_general3A_912 : vector<256x32xf32>
    %reduce_sum3A_1216 = arith.constant dense<0.000000e+00> : vector<256xf32>
    %reduce_sum3A_1217 = vector.multi_reduction <add>, %mul3A_1215, %reduce_sum3A_1216 [1] : vector<256x32xf32> to vector<256xf32>
    %broadcast_in_dim3A_1218 = vector.shape_cast %reduce_sum3A_1217 : vector<256xf32> to vector<256x1xf32>
    %mul3A_1219 = arith.mulf %dot_general3A_877, %dot_general3A_912 : vector<256x32xf32>
    %reduce_sum3A_1220 = arith.constant dense<0.000000e+00> : vector<256xf32>
    %reduce_sum3A_1221 = vector.multi_reduction <add>, %mul3A_1219, %reduce_sum3A_1220 [1] : vector<256x32xf32> to vector<256xf32>
    %broadcast_in_dim3A_1222 = vector.shape_cast %reduce_sum3A_1221 : vector<256xf32> to vector<256x1xf32>
    %mul3A_1223 = arith.mulf %dot_general3A_882, %dot_general3A_912 : vector<256x32xf32>
    %reduce_sum3A_1224 = arith.constant dense<0.000000e+00> : vector<256xf32>
    %reduce_sum3A_1225 = vector.multi_reduction <add>, %mul3A_1223, %reduce_sum3A_1224 [1] : vector<256x32xf32> to vector<256xf32>
    %broadcast_in_dim3A_1226 = vector.shape_cast %reduce_sum3A_1225 : vector<256xf32> to vector<256x1xf32>
    %mul3A_1227 = arith.mulf %dot_general3A_887, %dot_general3A_912 : vector<256x32xf32>
    %reduce_sum3A_1228 = arith.constant dense<0.000000e+00> : vector<256xf32>
    %reduce_sum3A_1229 = vector.multi_reduction <add>, %mul3A_1227, %reduce_sum3A_1228 [1] : vector<256x32xf32> to vector<256xf32>
    %broadcast_in_dim3A_1230 = vector.shape_cast %reduce_sum3A_1229 : vector<256xf32> to vector<256x1xf32>
    %mul3A_1231 = arith.mulf %dot_general3A_892, %dot_general3A_912 : vector<256x32xf32>
    %reduce_sum3A_1232 = arith.constant dense<0.000000e+00> : vector<256xf32>
    %reduce_sum3A_1233 = vector.multi_reduction <add>, %mul3A_1231, %reduce_sum3A_1232 [1] : vector<256x32xf32> to vector<256xf32>
    %broadcast_in_dim3A_1234 = vector.shape_cast %reduce_sum3A_1233 : vector<256xf32> to vector<256x1xf32>
    %mul3A_1235 = arith.mulf %dot_general3A_897, %dot_general3A_912 : vector<256x32xf32>
    %reduce_sum3A_1236 = arith.constant dense<0.000000e+00> : vector<256xf32>
    %reduce_sum3A_1237 = vector.multi_reduction <add>, %mul3A_1235, %reduce_sum3A_1236 [1] : vector<256x32xf32> to vector<256xf32>
    %broadcast_in_dim3A_1238 = vector.shape_cast %reduce_sum3A_1237 : vector<256xf32> to vector<256x1xf32>
    %concatenate3A_1239 = tpu.concatenate %broadcast_in_dim3A_1206, %broadcast_in_dim3A_1210, %broadcast_in_dim3A_1214, %broadcast_in_dim3A_1218, %broadcast_in_dim3A_1222, %broadcast_in_dim3A_1226, %broadcast_in_dim3A_1230, %broadcast_in_dim3A_1234, %broadcast_in_dim3A_1238 in 1 : vector<256x1xf32>, vector<256x1xf32>, vector<256x1xf32>, vector<256x1xf32>, vector<256x1xf32>, vector<256x1xf32>, vector<256x1xf32>, vector<256x1xf32>, vector<256x1xf32> -> vector<256x9xf32>
    %mul3A_1240 = vector.broadcast %get3A_2 : f32 to vector<256x9xf32>
    %mul3A_1241 = arith.mulf %concatenate3A_1239, %mul3A_1240 : vector<256x9xf32>
    %max3A_1242 = arith.constant 0.000000e+00 : f32
    %max3A_1243 = vector.broadcast %max3A_1242 : f32 to vector<256x9xf32>
    %max3A_1244 = arith.maximumf %mul3A_1241, %max3A_1243 : vector<256x9xf32>
    %reduce_max3A_1245 = arith.constant dense<0xFF800000> : vector<256xf32>
    %reduce_max3A_1246 = vector.multi_reduction <maximumf>, %max3A_1244, %reduce_max3A_1245 [1] : vector<256x9xf32> to vector<256xf32>
    %broadcast_in_dim3A_1247 = vector.shape_cast %reduce_max3A_1246 : vector<256xf32> to vector<256x1xf32>
    %sub3A_1248 = vector.broadcast %broadcast_in_dim3A_1247 : vector<256x1xf32> to vector<256x9xf32>
    %sub3A_1249 = arith.subf %max3A_1244, %sub3A_1248 : vector<256x9xf32>
    %exp3A_1250 = math.exp %sub3A_1249 : vector<256x9xf32>
    %reduce_sum3A_1251 = arith.constant dense<0.000000e+00> : vector<256xf32>
    %reduce_sum3A_1252 = vector.multi_reduction <add>, %exp3A_1250, %reduce_sum3A_1251 [1] : vector<256x9xf32> to vector<256xf32>
    %broadcast_in_dim3A_1253 = vector.shape_cast %reduce_sum3A_1252 : vector<256xf32> to vector<256x1xf32>
    %div3A_1254 = arith.constant 1.000000e+00 : f32
    %div3A_1255 = vector.broadcast %div3A_1254 : f32 to vector<256x1xf32>
    %div3A_1256 = arith.divf %div3A_1255, %broadcast_in_dim3A_1253 : vector<256x1xf32>
    %mul3A_1257 = vector.broadcast %div3A_1256 : vector<256x1xf32> to vector<256x9xf32>
    %mul3A_1258 = arith.mulf %exp3A_1250, %mul3A_1257 : vector<256x9xf32>
    %broadcast_in_dim3A_1259 = arith.constant 0.000000e+00 : f32
    %broadcast_in_dim3A_1260 = vector.broadcast %broadcast_in_dim3A_1259 : f32 to vector<256x256xf32>
    %slice3A_1261 = vector.extract_strided_slice %mul3A_1258 {offsets = [0, 0], sizes = [256, 1], strides = [1, 1]} : vector<256x9xf32> to vector<256x1xf32>
    %mul3A_1262 = vector.broadcast %slice3A_1261 : vector<256x1xf32> to vector<256x256xf32>
    %mul3A_1263 = arith.mulf %mul3A_1262, %dot_general3A_947 : vector<256x256xf32>
    %add3A_1264 = arith.addf %broadcast_in_dim3A_1260, %mul3A_1263 : vector<256x256xf32>
    %slice3A_1265 = vector.extract_strided_slice %mul3A_1258 {offsets = [0, 1], sizes = [256, 1], strides = [1, 1]} : vector<256x9xf32> to vector<256x1xf32>
    %mul3A_1266 = vector.broadcast %slice3A_1265 : vector<256x1xf32> to vector<256x256xf32>
    %mul3A_1267 = arith.mulf %mul3A_1266, %dot_general3A_952 : vector<256x256xf32>
    %add3A_1268 = arith.addf %add3A_1264, %mul3A_1267 : vector<256x256xf32>
    %slice3A_1269 = vector.extract_strided_slice %mul3A_1258 {offsets = [0, 2], sizes = [256, 1], strides = [1, 1]} : vector<256x9xf32> to vector<256x1xf32>
    %mul3A_1270 = vector.broadcast %slice3A_1269 : vector<256x1xf32> to vector<256x256xf32>
    %mul3A_1271 = arith.mulf %mul3A_1270, %dot_general3A_957 : vector<256x256xf32>
    %add3A_1272 = arith.addf %add3A_1268, %mul3A_1271 : vector<256x256xf32>
    %slice3A_1273 = vector.extract_strided_slice %mul3A_1258 {offsets = [0, 3], sizes = [256, 1], strides = [1, 1]} : vector<256x9xf32> to vector<256x1xf32>
    %mul3A_1274 = vector.broadcast %slice3A_1273 : vector<256x1xf32> to vector<256x256xf32>
    %mul3A_1275 = arith.mulf %mul3A_1274, %dot_general3A_962 : vector<256x256xf32>
    %add3A_1276 = arith.addf %add3A_1272, %mul3A_1275 : vector<256x256xf32>
    %slice3A_1277 = vector.extract_strided_slice %mul3A_1258 {offsets = [0, 4], sizes = [256, 1], strides = [1, 1]} : vector<256x9xf32> to vector<256x1xf32>
    %mul3A_1278 = vector.broadcast %slice3A_1277 : vector<256x1xf32> to vector<256x256xf32>
    %mul3A_1279 = arith.mulf %mul3A_1278, %dot_general3A_967 : vector<256x256xf32>
    %add3A_1280 = arith.addf %add3A_1276, %mul3A_1279 : vector<256x256xf32>
    %slice3A_1281 = vector.extract_strided_slice %mul3A_1258 {offsets = [0, 5], sizes = [256, 1], strides = [1, 1]} : vector<256x9xf32> to vector<256x1xf32>
    %mul3A_1282 = vector.broadcast %slice3A_1281 : vector<256x1xf32> to vector<256x256xf32>
    %mul3A_1283 = arith.mulf %mul3A_1282, %dot_general3A_972 : vector<256x256xf32>
    %add3A_1284 = arith.addf %add3A_1280, %mul3A_1283 : vector<256x256xf32>
    %slice3A_1285 = vector.extract_strided_slice %mul3A_1258 {offsets = [0, 6], sizes = [256, 1], strides = [1, 1]} : vector<256x9xf32> to vector<256x1xf32>
    %mul3A_1286 = vector.broadcast %slice3A_1285 : vector<256x1xf32> to vector<256x256xf32>
    %mul3A_1287 = arith.mulf %mul3A_1286, %dot_general3A_977 : vector<256x256xf32>
    %add3A_1288 = arith.addf %add3A_1284, %mul3A_1287 : vector<256x256xf32>
    %slice3A_1289 = vector.extract_strided_slice %mul3A_1258 {offsets = [0, 7], sizes = [256, 1], strides = [1, 1]} : vector<256x9xf32> to vector<256x1xf32>
    %mul3A_1290 = vector.broadcast %slice3A_1289 : vector<256x1xf32> to vector<256x256xf32>
    %mul3A_1291 = arith.mulf %mul3A_1290, %dot_general3A_982 : vector<256x256xf32>
    %add3A_1292 = arith.addf %add3A_1288, %mul3A_1291 : vector<256x256xf32>
    %slice3A_1293 = vector.extract_strided_slice %mul3A_1258 {offsets = [0, 8], sizes = [256, 1], strides = [1, 1]} : vector<256x9xf32> to vector<256x1xf32>
    %mul3A_1294 = vector.broadcast %slice3A_1293 : vector<256x1xf32> to vector<256x256xf32>
    %mul3A_1295 = arith.mulf %mul3A_1294, %dot_general3A_987 : vector<256x256xf32>
    %add3A_1296 = arith.addf %add3A_1292, %mul3A_1295 : vector<256x256xf32>
    %mul3A_1297 = arith.mulf %get3A_6, %get3A_4 : f32
    %mul3A_1298 = vector.broadcast %mul3A_1297 : f32 to vector<256x256xf32>
    %mul3A_1299 = arith.mulf %mul3A_1298, %add3A_1296 : vector<256x256xf32>
    %add3A_1300 = arith.addf %mul3A_1299, %select_n3A_495 : vector<256x256xf32>
    %swap3A_1301 = arith.constant 0 : index
    %swap3A_1302 = arith.constant 512 : index
    %swap3A_1303 = vector.load %arg29[%swap3A_1301, %swap3A_1302] : memref<256x2304xf32, #tpu.memory_space<vmem>>, vector<256x256xf32>
    tpu.vector_store %arg29[%swap3A_1301, %swap3A_1302], %add3A_1300 {strides = array<i32>} : memref<256x2304xf32, #tpu.memory_space<vmem>>, vector<256x256xf32>,
    %get3A_1304 = arith.constant 2 : index
    %get3A_1305 = arith.constant 0 : index
    %get3A_1306 = arith.constant 0 : index
    %get3A_1307 = vector.load %arg22[%get3A_1304, %get3A_1305, %get3A_1306] : memref<9x256x8xf32, #tpu.memory_space<vmem>>, vector<1x256x8xf32>
    %get3A_1308 = vector.shape_cast %get3A_1307 : vector<1x256x8xf32> to vector<256x8xf32>
    %dot_general3A_1309 = arith.constant dense<0.000000e+00> : vector<256x8xf32>
    %dot_general3A_1310 = tpu.matmul %add3A_1300, %get3A_1308, %dot_general3A_1309 {dimension_numbers = #tpu.dot_dimension_numbers<[1], [0], [0], [1], [0, 0, 1, 1], [], []>, transpose_lhs_hint = false} : vector<256x256xf32>, vector<256x8xf32>, vector<256x8xf32> -> vector<256x8xf32>
    %add3A_1311 = arith.addf %add3A_1202, %dot_general3A_1310 : vector<256x8xf32>
    %mul3A_1312 = arith.mulf %dot_general3A_857, %dot_general3A_917 : vector<256x32xf32>
    %reduce_sum3A_1313 = arith.constant dense<0.000000e+00> : vector<256xf32>
    %reduce_sum3A_1314 = vector.multi_reduction <add>, %mul3A_1312, %reduce_sum3A_1313 [1] : vector<256x32xf32> to vector<256xf32>
    %broadcast_in_dim3A_1315 = vector.shape_cast %reduce_sum3A_1314 : vector<256xf32> to vector<256x1xf32>
    %mul3A_1316 = arith.mulf %dot_general3A_862, %dot_general3A_917 : vector<256x32xf32>
    %reduce_sum3A_1317 = arith.constant dense<0.000000e+00> : vector<256xf32>
    %reduce_sum3A_1318 = vector.multi_reduction <add>, %mul3A_1316, %reduce_sum3A_1317 [1] : vector<256x32xf32> to vector<256xf32>
    %broadcast_in_dim3A_1319 = vector.shape_cast %reduce_sum3A_1318 : vector<256xf32> to vector<256x1xf32>
    %mul3A_1320 = arith.mulf %dot_general3A_867, %dot_general3A_917 : vector<256x32xf32>
    %reduce_sum3A_1321 = arith.constant dense<0.000000e+00> : vector<256xf32>
    %reduce_sum3A_1322 = vector.multi_reduction <add>, %mul3A_1320, %reduce_sum3A_1321 [1] : vector<256x32xf32> to vector<256xf32>
    %broadcast_in_dim3A_1323 = vector.shape_cast %reduce_sum3A_1322 : vector<256xf32> to vector<256x1xf32>
    %mul3A_1324 = arith.mulf %dot_general3A_872, %dot_general3A_917 : vector<256x32xf32>
    %reduce_sum3A_1325 = arith.constant dense<0.000000e+00> : vector<256xf32>
    %reduce_sum3A_1326 = vector.multi_reduction <add>, %mul3A_1324, %reduce_sum3A_1325 [1] : vector<256x32xf32> to vector<256xf32>
    %broadcast_in_dim3A_1327 = vector.shape_cast %reduce_sum3A_1326 : vector<256xf32> to vector<256x1xf32>
    %mul3A_1328 = arith.mulf %dot_general3A_877, %dot_general3A_917 : vector<256x32xf32>
    %reduce_sum3A_1329 = arith.constant dense<0.000000e+00> : vector<256xf32>
    %reduce_sum3A_1330 = vector.multi_reduction <add>, %mul3A_1328, %reduce_sum3A_1329 [1] : vector<256x32xf32> to vector<256xf32>
    %broadcast_in_dim3A_1331 = vector.shape_cast %reduce_sum3A_1330 : vector<256xf32> to vector<256x1xf32>
    %mul3A_1332 = arith.mulf %dot_general3A_882, %dot_general3A_917 : vector<256x32xf32>
    %reduce_sum3A_1333 = arith.constant dense<0.000000e+00> : vector<256xf32>
    %reduce_sum3A_1334 = vector.multi_reduction <add>, %mul3A_1332, %reduce_sum3A_1333 [1] : vector<256x32xf32> to vector<256xf32>
    %broadcast_in_dim3A_1335 = vector.shape_cast %reduce_sum3A_1334 : vector<256xf32> to vector<256x1xf32>
    %mul3A_1336 = arith.mulf %dot_general3A_887, %dot_general3A_917 : vector<256x32xf32>
    %reduce_sum3A_1337 = arith.constant dense<0.000000e+00> : vector<256xf32>
    %reduce_sum3A_1338 = vector.multi_reduction <add>, %mul3A_1336, %reduce_sum3A_1337 [1] : vector<256x32xf32> to vector<256xf32>
    %broadcast_in_dim3A_1339 = vector.shape_cast %reduce_sum3A_1338 : vector<256xf32> to vector<256x1xf32>
    %mul3A_1340 = arith.mulf %dot_general3A_892, %dot_general3A_917 : vector<256x32xf32>
    %reduce_sum3A_1341 = arith.constant dense<0.000000e+00> : vector<256xf32>
    %reduce_sum3A_1342 = vector.multi_reduction <add>, %mul3A_1340, %reduce_sum3A_1341 [1] : vector<256x32xf32> to vector<256xf32>
    %broadcast_in_dim3A_1343 = vector.shape_cast %reduce_sum3A_1342 : vector<256xf32> to vector<256x1xf32>
    %mul3A_1344 = arith.mulf %dot_general3A_897, %dot_general3A_917 : vector<256x32xf32>
    %reduce_sum3A_1345 = arith.constant dense<0.000000e+00> : vector<256xf32>
    %reduce_sum3A_1346 = vector.multi_reduction <add>, %mul3A_1344, %reduce_sum3A_1345 [1] : vector<256x32xf32> to vector<256xf32>
    %broadcast_in_dim3A_1347 = vector.shape_cast %reduce_sum3A_1346 : vector<256xf32> to vector<256x1xf32>
    %concatenate3A_1348 = tpu.concatenate %broadcast_in_dim3A_1315, %broadcast_in_dim3A_1319, %broadcast_in_dim3A_1323, %broadcast_in_dim3A_1327, %broadcast_in_dim3A_1331, %broadcast_in_dim3A_1335, %broadcast_in_dim3A_1339, %broadcast_in_dim3A_1343, %broadcast_in_dim3A_1347 in 1 : vector<256x1xf32>, vector<256x1xf32>, vector<256x1xf32>, vector<256x1xf32>, vector<256x1xf32>, vector<256x1xf32>, vector<256x1xf32>, vector<256x1xf32>, vector<256x1xf32> -> vector<256x9xf32>
    %mul3A_1349 = vector.broadcast %get3A_2 : f32 to vector<256x9xf32>
    %mul3A_1350 = arith.mulf %concatenate3A_1348, %mul3A_1349 : vector<256x9xf32>
    %max3A_1351 = arith.constant 0.000000e+00 : f32
    %max3A_1352 = vector.broadcast %max3A_1351 : f32 to vector<256x9xf32>
    %max3A_1353 = arith.maximumf %mul3A_1350, %max3A_1352 : vector<256x9xf32>
    %reduce_max3A_1354 = arith.constant dense<0xFF800000> : vector<256xf32>
    %reduce_max3A_1355 = vector.multi_reduction <maximumf>, %max3A_1353, %reduce_max3A_1354 [1] : vector<256x9xf32> to vector<256xf32>
    %broadcast_in_dim3A_1356 = vector.shape_cast %reduce_max3A_1355 : vector<256xf32> to vector<256x1xf32>
    %sub3A_1357 = vector.broadcast %broadcast_in_dim3A_1356 : vector<256x1xf32> to vector<256x9xf32>
    %sub3A_1358 = arith.subf %max3A_1353, %sub3A_1357 : vector<256x9xf32>
    %exp3A_1359 = math.exp %sub3A_1358 : vector<256x9xf32>
    %reduce_sum3A_1360 = arith.constant dense<0.000000e+00> : vector<256xf32>
    %reduce_sum3A_1361 = vector.multi_reduction <add>, %exp3A_1359, %reduce_sum3A_1360 [1] : vector<256x9xf32> to vector<256xf32>
    %broadcast_in_dim3A_1362 = vector.shape_cast %reduce_sum3A_1361 : vector<256xf32> to vector<256x1xf32>
    %div3A_1363 = arith.constant 1.000000e+00 : f32
    %div3A_1364 = vector.broadcast %div3A_1363 : f32 to vector<256x1xf32>
    %div3A_1365 = arith.divf %div3A_1364, %broadcast_in_dim3A_1362 : vector<256x1xf32>
    %mul3A_1366 = vector.broadcast %div3A_1365 : vector<256x1xf32> to vector<256x9xf32>
    %mul3A_1367 = arith.mulf %exp3A_1359, %mul3A_1366 : vector<256x9xf32>
    %broadcast_in_dim3A_1368 = arith.constant 0.000000e+00 : f32
    %broadcast_in_dim3A_1369 = vector.broadcast %broadcast_in_dim3A_1368 : f32 to vector<256x256xf32>
    %slice3A_1370 = vector.extract_strided_slice %mul3A_1367 {offsets = [0, 0], sizes = [256, 1], strides = [1, 1]} : vector<256x9xf32> to vector<256x1xf32>
    %mul3A_1371 = vector.broadcast %slice3A_1370 : vector<256x1xf32> to vector<256x256xf32>
    %mul3A_1372 = arith.mulf %mul3A_1371, %dot_general3A_947 : vector<256x256xf32>
    %add3A_1373 = arith.addf %broadcast_in_dim3A_1369, %mul3A_1372 : vector<256x256xf32>
    %slice3A_1374 = vector.extract_strided_slice %mul3A_1367 {offsets = [0, 1], sizes = [256, 1], strides = [1, 1]} : vector<256x9xf32> to vector<256x1xf32>
    %mul3A_1375 = vector.broadcast %slice3A_1374 : vector<256x1xf32> to vector<256x256xf32>
    %mul3A_1376 = arith.mulf %mul3A_1375, %dot_general3A_952 : vector<256x256xf32>
    %add3A_1377 = arith.addf %add3A_1373, %mul3A_1376 : vector<256x256xf32>
    %slice3A_1378 = vector.extract_strided_slice %mul3A_1367 {offsets = [0, 2], sizes = [256, 1], strides = [1, 1]} : vector<256x9xf32> to vector<256x1xf32>
    %mul3A_1379 = vector.broadcast %slice3A_1378 : vector<256x1xf32> to vector<256x256xf32>
    %mul3A_1380 = arith.mulf %mul3A_1379, %dot_general3A_957 : vector<256x256xf32>
    %add3A_1381 = arith.addf %add3A_1377, %mul3A_1380 : vector<256x256xf32>
    %slice3A_1382 = vector.extract_strided_slice %mul3A_1367 {offsets = [0, 3], sizes = [256, 1], strides = [1, 1]} : vector<256x9xf32> to vector<256x1xf32>
    %mul3A_1383 = vector.broadcast %slice3A_1382 : vector<256x1xf32> to vector<256x256xf32>
    %mul3A_1384 = arith.mulf %mul3A_1383, %dot_general3A_962 : vector<256x256xf32>
    %add3A_1385 = arith.addf %add3A_1381, %mul3A_1384 : vector<256x256xf32>
    %slice3A_1386 = vector.extract_strided_slice %mul3A_1367 {offsets = [0, 4], sizes = [256, 1], strides = [1, 1]} : vector<256x9xf32> to vector<256x1xf32>
    %mul3A_1387 = vector.broadcast %slice3A_1386 : vector<256x1xf32> to vector<256x256xf32>
    %mul3A_1388 = arith.mulf %mul3A_1387, %dot_general3A_967 : vector<256x256xf32>
    %add3A_1389 = arith.addf %add3A_1385, %mul3A_1388 : vector<256x256xf32>
    %slice3A_1390 = vector.extract_strided_slice %mul3A_1367 {offsets = [0, 5], sizes = [256, 1], strides = [1, 1]} : vector<256x9xf32> to vector<256x1xf32>
    %mul3A_1391 = vector.broadcast %slice3A_1390 : vector<256x1xf32> to vector<256x256xf32>
    %mul3A_1392 = arith.mulf %mul3A_1391, %dot_general3A_972 : vector<256x256xf32>
    %add3A_1393 = arith.addf %add3A_1389, %mul3A_1392 : vector<256x256xf32>
    %slice3A_1394 = vector.extract_strided_slice %mul3A_1367 {offsets = [0, 6], sizes = [256, 1], strides = [1, 1]} : vector<256x9xf32> to vector<256x1xf32>
    %mul3A_1395 = vector.broadcast %slice3A_1394 : vector<256x1xf32> to vector<256x256xf32>
    %mul3A_1396 = arith.mulf %mul3A_1395, %dot_general3A_977 : vector<256x256xf32>
    %add3A_1397 = arith.addf %add3A_1393, %mul3A_1396 : vector<256x256xf32>
    %slice3A_1398 = vector.extract_strided_slice %mul3A_1367 {offsets = [0, 7], sizes = [256, 1], strides = [1, 1]} : vector<256x9xf32> to vector<256x1xf32>
    %mul3A_1399 = vector.broadcast %slice3A_1398 : vector<256x1xf32> to vector<256x256xf32>
    %mul3A_1400 = arith.mulf %mul3A_1399, %dot_general3A_982 : vector<256x256xf32>
    %add3A_1401 = arith.addf %add3A_1397, %mul3A_1400 : vector<256x256xf32>
    %slice3A_1402 = vector.extract_strided_slice %mul3A_1367 {offsets = [0, 8], sizes = [256, 1], strides = [1, 1]} : vector<256x9xf32> to vector<256x1xf32>
    %mul3A_1403 = vector.broadcast %slice3A_1402 : vector<256x1xf32> to vector<256x256xf32>
    %mul3A_1404 = arith.mulf %mul3A_1403, %dot_general3A_987 : vector<256x256xf32>
    %add3A_1405 = arith.addf %add3A_1401, %mul3A_1404 : vector<256x256xf32>
    %mul3A_1406 = arith.mulf %get3A_6, %get3A_4 : f32
    %mul3A_1407 = vector.broadcast %mul3A_1406 : f32 to vector<256x256xf32>
    %mul3A_1408 = arith.mulf %mul3A_1407, %add3A_1405 : vector<256x256xf32>
    %add3A_1409 = arith.addf %mul3A_1408, %select_n3A_515 : vector<256x256xf32>
    %swap3A_1410 = arith.constant 0 : index
    %swap3A_1411 = arith.constant 768 : index
    %swap3A_1412 = vector.load %arg29[%swap3A_1410, %swap3A_1411] : memref<256x2304xf32, #tpu.memory_space<vmem>>, vector<256x256xf32>
    tpu.vector_store %arg29[%swap3A_1410, %swap3A_1411], %add3A_1409 {strides = array<i32>} : memref<256x2304xf32, #tpu.memory_space<vmem>>, vector<256x256xf32>,
    %get3A_1413 = arith.constant 3 : index
    %get3A_1414 = arith.constant 0 : index
    %get3A_1415 = arith.constant 0 : index
    %get3A_1416 = vector.load %arg22[%get3A_1413, %get3A_1414, %get3A_1415] : memref<9x256x8xf32, #tpu.memory_space<vmem>>, vector<1x256x8xf32>
    %get3A_1417 = vector.shape_cast %get3A_1416 : vector<1x256x8xf32> to vector<256x8xf32>
    %dot_general3A_1418 = arith.constant dense<0.000000e+00> : vector<256x8xf32>
    %dot_general3A_1419 = tpu.matmul %add3A_1409, %get3A_1417, %dot_general3A_1418 {dimension_numbers = #tpu.dot_dimension_numbers<[1], [0], [0], [1], [0, 0, 1, 1], [], []>, transpose_lhs_hint = false} : vector<256x256xf32>, vector<256x8xf32>, vector<256x8xf32> -> vector<256x8xf32>
    %add3A_1420 = arith.addf %add3A_1311, %dot_general3A_1419 : vector<256x8xf32>
    %mul3A_1421 = arith.mulf %dot_general3A_857, %dot_general3A_922 : vector<256x32xf32>
    %reduce_sum3A_1422 = arith.constant dense<0.000000e+00> : vector<256xf32>
    %reduce_sum3A_1423 = vector.multi_reduction <add>, %mul3A_1421, %reduce_sum3A_1422 [1] : vector<256x32xf32> to vector<256xf32>
    %broadcast_in_dim3A_1424 = vector.shape_cast %reduce_sum3A_1423 : vector<256xf32> to vector<256x1xf32>
    %mul3A_1425 = arith.mulf %dot_general3A_862, %dot_general3A_922 : vector<256x32xf32>
    %reduce_sum3A_1426 = arith.constant dense<0.000000e+00> : vector<256xf32>
    %reduce_sum3A_1427 = vector.multi_reduction <add>, %mul3A_1425, %reduce_sum3A_1426 [1] : vector<256x32xf32> to vector<256xf32>
    %broadcast_in_dim3A_1428 = vector.shape_cast %reduce_sum3A_1427 : vector<256xf32> to vector<256x1xf32>
    %mul3A_1429 = arith.mulf %dot_general3A_867, %dot_general3A_922 : vector<256x32xf32>
    %reduce_sum3A_1430 = arith.constant dense<0.000000e+00> : vector<256xf32>
    %reduce_sum3A_1431 = vector.multi_reduction <add>, %mul3A_1429, %reduce_sum3A_1430 [1] : vector<256x32xf32> to vector<256xf32>
    %broadcast_in_dim3A_1432 = vector.shape_cast %reduce_sum3A_1431 : vector<256xf32> to vector<256x1xf32>
    %mul3A_1433 = arith.mulf %dot_general3A_872, %dot_general3A_922 : vector<256x32xf32>
    %reduce_sum3A_1434 = arith.constant dense<0.000000e+00> : vector<256xf32>
    %reduce_sum3A_1435 = vector.multi_reduction <add>, %mul3A_1433, %reduce_sum3A_1434 [1] : vector<256x32xf32> to vector<256xf32>
    %broadcast_in_dim3A_1436 = vector.shape_cast %reduce_sum3A_1435 : vector<256xf32> to vector<256x1xf32>
    %mul3A_1437 = arith.mulf %dot_general3A_877, %dot_general3A_922 : vector<256x32xf32>
    %reduce_sum3A_1438 = arith.constant dense<0.000000e+00> : vector<256xf32>
    %reduce_sum3A_1439 = vector.multi_reduction <add>, %mul3A_1437, %reduce_sum3A_1438 [1] : vector<256x32xf32> to vector<256xf32>
    %broadcast_in_dim3A_1440 = vector.shape_cast %reduce_sum3A_1439 : vector<256xf32> to vector<256x1xf32>
    %mul3A_1441 = arith.mulf %dot_general3A_882, %dot_general3A_922 : vector<256x32xf32>
    %reduce_sum3A_1442 = arith.constant dense<0.000000e+00> : vector<256xf32>
    %reduce_sum3A_1443 = vector.multi_reduction <add>, %mul3A_1441, %reduce_sum3A_1442 [1] : vector<256x32xf32> to vector<256xf32>
    %broadcast_in_dim3A_1444 = vector.shape_cast %reduce_sum3A_1443 : vector<256xf32> to vector<256x1xf32>
    %mul3A_1445 = arith.mulf %dot_general3A_887, %dot_general3A_922 : vector<256x32xf32>
    %reduce_sum3A_1446 = arith.constant dense<0.000000e+00> : vector<256xf32>
    %reduce_sum3A_1447 = vector.multi_reduction <add>, %mul3A_1445, %reduce_sum3A_1446 [1] : vector<256x32xf32> to vector<256xf32>
    %broadcast_in_dim3A_1448 = vector.shape_cast %reduce_sum3A_1447 : vector<256xf32> to vector<256x1xf32>
    %mul3A_1449 = arith.mulf %dot_general3A_892, %dot_general3A_922 : vector<256x32xf32>
    %reduce_sum3A_1450 = arith.constant dense<0.000000e+00> : vector<256xf32>
    %reduce_sum3A_1451 = vector.multi_reduction <add>, %mul3A_1449, %reduce_sum3A_1450 [1] : vector<256x32xf32> to vector<256xf32>
    %broadcast_in_dim3A_1452 = vector.shape_cast %reduce_sum3A_1451 : vector<256xf32> to vector<256x1xf32>
    %mul3A_1453 = arith.mulf %dot_general3A_897, %dot_general3A_922 : vector<256x32xf32>
    %reduce_sum3A_1454 = arith.constant dense<0.000000e+00> : vector<256xf32>
    %reduce_sum3A_1455 = vector.multi_reduction <add>, %mul3A_1453, %reduce_sum3A_1454 [1] : vector<256x32xf32> to vector<256xf32>
    %broadcast_in_dim3A_1456 = vector.shape_cast %reduce_sum3A_1455 : vector<256xf32> to vector<256x1xf32>
    %concatenate3A_1457 = tpu.concatenate %broadcast_in_dim3A_1424, %broadcast_in_dim3A_1428, %broadcast_in_dim3A_1432, %broadcast_in_dim3A_1436, %broadcast_in_dim3A_1440, %broadcast_in_dim3A_1444, %broadcast_in_dim3A_1448, %broadcast_in_dim3A_1452, %broadcast_in_dim3A_1456 in 1 : vector<256x1xf32>, vector<256x1xf32>, vector<256x1xf32>, vector<256x1xf32>, vector<256x1xf32>, vector<256x1xf32>, vector<256x1xf32>, vector<256x1xf32>, vector<256x1xf32> -> vector<256x9xf32>
    %mul3A_1458 = vector.broadcast %get3A_2 : f32 to vector<256x9xf32>
    %mul3A_1459 = arith.mulf %concatenate3A_1457, %mul3A_1458 : vector<256x9xf32>
    %max3A_1460 = arith.constant 0.000000e+00 : f32
    %max3A_1461 = vector.broadcast %max3A_1460 : f32 to vector<256x9xf32>
    %max3A_1462 = arith.maximumf %mul3A_1459, %max3A_1461 : vector<256x9xf32>
    %reduce_max3A_1463 = arith.constant dense<0xFF800000> : vector<256xf32>
    %reduce_max3A_1464 = vector.multi_reduction <maximumf>, %max3A_1462, %reduce_max3A_1463 [1] : vector<256x9xf32> to vector<256xf32>
    %broadcast_in_dim3A_1465 = vector.shape_cast %reduce_max3A_1464 : vector<256xf32> to vector<256x1xf32>
    %sub3A_1466 = vector.broadcast %broadcast_in_dim3A_1465 : vector<256x1xf32> to vector<256x9xf32>
    %sub3A_1467 = arith.subf %max3A_1462, %sub3A_1466 : vector<256x9xf32>
    %exp3A_1468 = math.exp %sub3A_1467 : vector<256x9xf32>
    %reduce_sum3A_1469 = arith.constant dense<0.000000e+00> : vector<256xf32>
    %reduce_sum3A_1470 = vector.multi_reduction <add>, %exp3A_1468, %reduce_sum3A_1469 [1] : vector<256x9xf32> to vector<256xf32>
    %broadcast_in_dim3A_1471 = vector.shape_cast %reduce_sum3A_1470 : vector<256xf32> to vector<256x1xf32>
    %div3A_1472 = arith.constant 1.000000e+00 : f32
    %div3A_1473 = vector.broadcast %div3A_1472 : f32 to vector<256x1xf32>
    %div3A_1474 = arith.divf %div3A_1473, %broadcast_in_dim3A_1471 : vector<256x1xf32>
    %mul3A_1475 = vector.broadcast %div3A_1474 : vector<256x1xf32> to vector<256x9xf32>
    %mul3A_1476 = arith.mulf %exp3A_1468, %mul3A_1475 : vector<256x9xf32>
    %broadcast_in_dim3A_1477 = arith.constant 0.000000e+00 : f32
    %broadcast_in_dim3A_1478 = vector.broadcast %broadcast_in_dim3A_1477 : f32 to vector<256x256xf32>
    %slice3A_1479 = vector.extract_strided_slice %mul3A_1476 {offsets = [0, 0], sizes = [256, 1], strides = [1, 1]} : vector<256x9xf32> to vector<256x1xf32>
    %mul3A_1480 = vector.broadcast %slice3A_1479 : vector<256x1xf32> to vector<256x256xf32>
    %mul3A_1481 = arith.mulf %mul3A_1480, %dot_general3A_947 : vector<256x256xf32>
    %add3A_1482 = arith.addf %broadcast_in_dim3A_1478, %mul3A_1481 : vector<256x256xf32>
    %slice3A_1483 = vector.extract_strided_slice %mul3A_1476 {offsets = [0, 1], sizes = [256, 1], strides = [1, 1]} : vector<256x9xf32> to vector<256x1xf32>
    %mul3A_1484 = vector.broadcast %slice3A_1483 : vector<256x1xf32> to vector<256x256xf32>
    %mul3A_1485 = arith.mulf %mul3A_1484, %dot_general3A_952 : vector<256x256xf32>
    %add3A_1486 = arith.addf %add3A_1482, %mul3A_1485 : vector<256x256xf32>
    %slice3A_1487 = vector.extract_strided_slice %mul3A_1476 {offsets = [0, 2], sizes = [256, 1], strides = [1, 1]} : vector<256x9xf32> to vector<256x1xf32>
    %mul3A_1488 = vector.broadcast %slice3A_1487 : vector<256x1xf32> to vector<256x256xf32>
    %mul3A_1489 = arith.mulf %mul3A_1488, %dot_general3A_957 : vector<256x256xf32>
    %add3A_1490 = arith.addf %add3A_1486, %mul3A_1489 : vector<256x256xf32>
    %slice3A_1491 = vector.extract_strided_slice %mul3A_1476 {offsets = [0, 3], sizes = [256, 1], strides = [1, 1]} : vector<256x9xf32> to vector<256x1xf32>
    %mul3A_1492 = vector.broadcast %slice3A_1491 : vector<256x1xf32> to vector<256x256xf32>
    %mul3A_1493 = arith.mulf %mul3A_1492, %dot_general3A_962 : vector<256x256xf32>
    %add3A_1494 = arith.addf %add3A_1490, %mul3A_1493 : vector<256x256xf32>
    %slice3A_1495 = vector.extract_strided_slice %mul3A_1476 {offsets = [0, 4], sizes = [256, 1], strides = [1, 1]} : vector<256x9xf32> to vector<256x1xf32>
    %mul3A_1496 = vector.broadcast %slice3A_1495 : vector<256x1xf32> to vector<256x256xf32>
    %mul3A_1497 = arith.mulf %mul3A_1496, %dot_general3A_967 : vector<256x256xf32>
    %add3A_1498 = arith.addf %add3A_1494, %mul3A_1497 : vector<256x256xf32>
    %slice3A_1499 = vector.extract_strided_slice %mul3A_1476 {offsets = [0, 5], sizes = [256, 1], strides = [1, 1]} : vector<256x9xf32> to vector<256x1xf32>
    %mul3A_1500 = vector.broadcast %slice3A_1499 : vector<256x1xf32> to vector<256x256xf32>
    %mul3A_1501 = arith.mulf %mul3A_1500, %dot_general3A_972 : vector<256x256xf32>
    %add3A_1502 = arith.addf %add3A_1498, %mul3A_1501 : vector<256x256xf32>
    %slice3A_1503 = vector.extract_strided_slice %mul3A_1476 {offsets = [0, 6], sizes = [256, 1], strides = [1, 1]} : vector<256x9xf32> to vector<256x1xf32>
    %mul3A_1504 = vector.broadcast %slice3A_1503 : vector<256x1xf32> to vector<256x256xf32>
    %mul3A_1505 = arith.mulf %mul3A_1504, %dot_general3A_977 : vector<256x256xf32>
    %add3A_1506 = arith.addf %add3A_1502, %mul3A_1505 : vector<256x256xf32>
    %slice3A_1507 = vector.extract_strided_slice %mul3A_1476 {offsets = [0, 7], sizes = [256, 1], strides = [1, 1]} : vector<256x9xf32> to vector<256x1xf32>
    %mul3A_1508 = vector.broadcast %slice3A_1507 : vector<256x1xf32> to vector<256x256xf32>
    %mul3A_1509 = arith.mulf %mul3A_1508, %dot_general3A_982 : vector<256x256xf32>
    %add3A_1510 = arith.addf %add3A_1506, %mul3A_1509 : vector<256x256xf32>
    %slice3A_1511 = vector.extract_strided_slice %mul3A_1476 {offsets = [0, 8], sizes = [256, 1], strides = [1, 1]} : vector<256x9xf32> to vector<256x1xf32>
    %mul3A_1512 = vector.broadcast %slice3A_1511 : vector<256x1xf32> to vector<256x256xf32>
    %mul3A_1513 = arith.mulf %mul3A_1512, %dot_general3A_987 : vector<256x256xf32>
    %add3A_1514 = arith.addf %add3A_1510, %mul3A_1513 : vector<256x256xf32>
    %mul3A_1515 = arith.mulf %get3A_6, %get3A_4 : f32
    %mul3A_1516 = vector.broadcast %mul3A_1515 : f32 to vector<256x256xf32>
    %mul3A_1517 = arith.mulf %mul3A_1516, %add3A_1514 : vector<256x256xf32>
    %add3A_1518 = arith.addf %mul3A_1517, %select_n3A_535 : vector<256x256xf32>
    %swap3A_1519 = arith.constant 0 : index
    %swap3A_1520 = arith.constant 1024 : index
    %swap3A_1521 = vector.load %arg29[%swap3A_1519, %swap3A_1520] : memref<256x2304xf32, #tpu.memory_space<vmem>>, vector<256x256xf32>
    tpu.vector_store %arg29[%swap3A_1519, %swap3A_1520], %add3A_1518 {strides = array<i32>} : memref<256x2304xf32, #tpu.memory_space<vmem>>, vector<256x256xf32>,
    %get3A_1522 = arith.constant 4 : index
    %get3A_1523 = arith.constant 0 : index
    %get3A_1524 = arith.constant 0 : index
    %get3A_1525 = vector.load %arg22[%get3A_1522, %get3A_1523, %get3A_1524] : memref<9x256x8xf32, #tpu.memory_space<vmem>>, vector<1x256x8xf32>
    %get3A_1526 = vector.shape_cast %get3A_1525 : vector<1x256x8xf32> to vector<256x8xf32>
    %dot_general3A_1527 = arith.constant dense<0.000000e+00> : vector<256x8xf32>
    %dot_general3A_1528 = tpu.matmul %add3A_1518, %get3A_1526, %dot_general3A_1527 {dimension_numbers = #tpu.dot_dimension_numbers<[1], [0], [0], [1], [0, 0, 1, 1], [], []>, transpose_lhs_hint = false} : vector<256x256xf32>, vector<256x8xf32>, vector<256x8xf32> -> vector<256x8xf32>
    %add3A_1529 = arith.addf %add3A_1420, %dot_general3A_1528 : vector<256x8xf32>
    %mul3A_1530 = arith.mulf %dot_general3A_857, %dot_general3A_927 : vector<256x32xf32>
    %reduce_sum3A_1531 = arith.constant dense<0.000000e+00> : vector<256xf32>
    %reduce_sum3A_1532 = vector.multi_reduction <add>, %mul3A_1530, %reduce_sum3A_1531 [1] : vector<256x32xf32> to vector<256xf32>
    %broadcast_in_dim3A_1533 = vector.shape_cast %reduce_sum3A_1532 : vector<256xf32> to vector<256x1xf32>
    %mul3A_1534 = arith.mulf %dot_general3A_862, %dot_general3A_927 : vector<256x32xf32>
    %reduce_sum3A_1535 = arith.constant dense<0.000000e+00> : vector<256xf32>
    %reduce_sum3A_1536 = vector.multi_reduction <add>, %mul3A_1534, %reduce_sum3A_1535 [1] : vector<256x32xf32> to vector<256xf32>
    %broadcast_in_dim3A_1537 = vector.shape_cast %reduce_sum3A_1536 : vector<256xf32> to vector<256x1xf32>
    %mul3A_1538 = arith.mulf %dot_general3A_867, %dot_general3A_927 : vector<256x32xf32>
    %reduce_sum3A_1539 = arith.constant dense<0.000000e+00> : vector<256xf32>
    %reduce_sum3A_1540 = vector.multi_reduction <add>, %mul3A_1538, %reduce_sum3A_1539 [1] : vector<256x32xf32> to vector<256xf32>
    %broadcast_in_dim3A_1541 = vector.shape_cast %reduce_sum3A_1540 : vector<256xf32> to vector<256x1xf32>
    %mul3A_1542 = arith.mulf %dot_general3A_872, %dot_general3A_927 : vector<256x32xf32>
    %reduce_sum3A_1543 = arith.constant dense<0.000000e+00> : vector<256xf32>
    %reduce_sum3A_1544 = vector.multi_reduction <add>, %mul3A_1542, %reduce_sum3A_1543 [1] : vector<256x32xf32> to vector<256xf32>
    %broadcast_in_dim3A_1545 = vector.shape_cast %reduce_sum3A_1544 : vector<256xf32> to vector<256x1xf32>
    %mul3A_1546 = arith.mulf %dot_general3A_877, %dot_general3A_927 : vector<256x32xf32>
    %reduce_sum3A_1547 = arith.constant dense<0.000000e+00> : vector<256xf32>
    %reduce_sum3A_1548 = vector.multi_reduction <add>, %mul3A_1546, %reduce_sum3A_1547 [1] : vector<256x32xf32> to vector<256xf32>
    %broadcast_in_dim3A_1549 = vector.shape_cast %reduce_sum3A_1548 : vector<256xf32> to vector<256x1xf32>
    %mul3A_1550 = arith.mulf %dot_general3A_882, %dot_general3A_927 : vector<256x32xf32>
    %reduce_sum3A_1551 = arith.constant dense<0.000000e+00> : vector<256xf32>
    %reduce_sum3A_1552 = vector.multi_reduction <add>, %mul3A_1550, %reduce_sum3A_1551 [1] : vector<256x32xf32> to vector<256xf32>
    %broadcast_in_dim3A_1553 = vector.shape_cast %reduce_sum3A_1552 : vector<256xf32> to vector<256x1xf32>
    %mul3A_1554 = arith.mulf %dot_general3A_887, %dot_general3A_927 : vector<256x32xf32>
    %reduce_sum3A_1555 = arith.constant dense<0.000000e+00> : vector<256xf32>
    %reduce_sum3A_1556 = vector.multi_reduction <add>, %mul3A_1554, %reduce_sum3A_1555 [1] : vector<256x32xf32> to vector<256xf32>
    %broadcast_in_dim3A_1557 = vector.shape_cast %reduce_sum3A_1556 : vector<256xf32> to vector<256x1xf32>
    %mul3A_1558 = arith.mulf %dot_general3A_892, %dot_general3A_927 : vector<256x32xf32>
    %reduce_sum3A_1559 = arith.constant dense<0.000000e+00> : vector<256xf32>
    %reduce_sum3A_1560 = vector.multi_reduction <add>, %mul3A_1558, %reduce_sum3A_1559 [1] : vector<256x32xf32> to vector<256xf32>
    %broadcast_in_dim3A_1561 = vector.shape_cast %reduce_sum3A_1560 : vector<256xf32> to vector<256x1xf32>
    %mul3A_1562 = arith.mulf %dot_general3A_897, %dot_general3A_927 : vector<256x32xf32>
    %reduce_sum3A_1563 = arith.constant dense<0.000000e+00> : vector<256xf32>
    %reduce_sum3A_1564 = vector.multi_reduction <add>, %mul3A_1562, %reduce_sum3A_1563 [1] : vector<256x32xf32> to vector<256xf32>
    %broadcast_in_dim3A_1565 = vector.shape_cast %reduce_sum3A_1564 : vector<256xf32> to vector<256x1xf32>
    %concatenate3A_1566 = tpu.concatenate %broadcast_in_dim3A_1533, %broadcast_in_dim3A_1537, %broadcast_in_dim3A_1541, %broadcast_in_dim3A_1545, %broadcast_in_dim3A_1549, %broadcast_in_dim3A_1553, %broadcast_in_dim3A_1557, %broadcast_in_dim3A_1561, %broadcast_in_dim3A_1565 in 1 : vector<256x1xf32>, vector<256x1xf32>, vector<256x1xf32>, vector<256x1xf32>, vector<256x1xf32>, vector<256x1xf32>, vector<256x1xf32>, vector<256x1xf32>, vector<256x1xf32> -> vector<256x9xf32>
    %mul3A_1567 = vector.broadcast %get3A_2 : f32 to vector<256x9xf32>
    %mul3A_1568 = arith.mulf %concatenate3A_1566, %mul3A_1567 : vector<256x9xf32>
    %max3A_1569 = arith.constant 0.000000e+00 : f32
    %max3A_1570 = vector.broadcast %max3A_1569 : f32 to vector<256x9xf32>
    %max3A_1571 = arith.maximumf %mul3A_1568, %max3A_1570 : vector<256x9xf32>
    %reduce_max3A_1572 = arith.constant dense<0xFF800000> : vector<256xf32>
    %reduce_max3A_1573 = vector.multi_reduction <maximumf>, %max3A_1571, %reduce_max3A_1572 [1] : vector<256x9xf32> to vector<256xf32>
    %broadcast_in_dim3A_1574 = vector.shape_cast %reduce_max3A_1573 : vector<256xf32> to vector<256x1xf32>
    %sub3A_1575 = vector.broadcast %broadcast_in_dim3A_1574 : vector<256x1xf32> to vector<256x9xf32>
    %sub3A_1576 = arith.subf %max3A_1571, %sub3A_1575 : vector<256x9xf32>
    %exp3A_1577 = math.exp %sub3A_1576 : vector<256x9xf32>
    %reduce_sum3A_1578 = arith.constant dense<0.000000e+00> : vector<256xf32>
    %reduce_sum3A_1579 = vector.multi_reduction <add>, %exp3A_1577, %reduce_sum3A_1578 [1] : vector<256x9xf32> to vector<256xf32>
    %broadcast_in_dim3A_1580 = vector.shape_cast %reduce_sum3A_1579 : vector<256xf32> to vector<256x1xf32>
    %div3A_1581 = arith.constant 1.000000e+00 : f32
    %div3A_1582 = vector.broadcast %div3A_1581 : f32 to vector<256x1xf32>
    %div3A_1583 = arith.divf %div3A_1582, %broadcast_in_dim3A_1580 : vector<256x1xf32>
    %mul3A_1584 = vector.broadcast %div3A_1583 : vector<256x1xf32> to vector<256x9xf32>
    %mul3A_1585 = arith.mulf %exp3A_1577, %mul3A_1584 : vector<256x9xf32>
    %broadcast_in_dim3A_1586 = arith.constant 0.000000e+00 : f32
    %broadcast_in_dim3A_1587 = vector.broadcast %broadcast_in_dim3A_1586 : f32 to vector<256x256xf32>
    %slice3A_1588 = vector.extract_strided_slice %mul3A_1585 {offsets = [0, 0], sizes = [256, 1], strides = [1, 1]} : vector<256x9xf32> to vector<256x1xf32>
    %mul3A_1589 = vector.broadcast %slice3A_1588 : vector<256x1xf32> to vector<256x256xf32>
    %mul3A_1590 = arith.mulf %mul3A_1589, %dot_general3A_947 : vector<256x256xf32>
    %add3A_1591 = arith.addf %broadcast_in_dim3A_1587, %mul3A_1590 : vector<256x256xf32>
    %slice3A_1592 = vector.extract_strided_slice %mul3A_1585 {offsets = [0, 1], sizes = [256, 1], strides = [1, 1]} : vector<256x9xf32> to vector<256x1xf32>
    %mul3A_1593 = vector.broadcast %slice3A_1592 : vector<256x1xf32> to vector<256x256xf32>
    %mul3A_1594 = arith.mulf %mul3A_1593, %dot_general3A_952 : vector<256x256xf32>
    %add3A_1595 = arith.addf %add3A_1591, %mul3A_1594 : vector<256x256xf32>
    %slice3A_1596 = vector.extract_strided_slice %mul3A_1585 {offsets = [0, 2], sizes = [256, 1], strides = [1, 1]} : vector<256x9xf32> to vector<256x1xf32>
    %mul3A_1597 = vector.broadcast %slice3A_1596 : vector<256x1xf32> to vector<256x256xf32>
    %mul3A_1598 = arith.mulf %mul3A_1597, %dot_general3A_957 : vector<256x256xf32>
    %add3A_1599 = arith.addf %add3A_1595, %mul3A_1598 : vector<256x256xf32>
    %slice3A_1600 = vector.extract_strided_slice %mul3A_1585 {offsets = [0, 3], sizes = [256, 1], strides = [1, 1]} : vector<256x9xf32> to vector<256x1xf32>
    %mul3A_1601 = vector.broadcast %slice3A_1600 : vector<256x1xf32> to vector<256x256xf32>
    %mul3A_1602 = arith.mulf %mul3A_1601, %dot_general3A_962 : vector<256x256xf32>
    %add3A_1603 = arith.addf %add3A_1599, %mul3A_1602 : vector<256x256xf32>
    %slice3A_1604 = vector.extract_strided_slice %mul3A_1585 {offsets = [0, 4], sizes = [256, 1], strides = [1, 1]} : vector<256x9xf32> to vector<256x1xf32>
    %mul3A_1605 = vector.broadcast %slice3A_1604 : vector<256x1xf32> to vector<256x256xf32>
    %mul3A_1606 = arith.mulf %mul3A_1605, %dot_general3A_967 : vector<256x256xf32>
    %add3A_1607 = arith.addf %add3A_1603, %mul3A_1606 : vector<256x256xf32>
    %slice3A_1608 = vector.extract_strided_slice %mul3A_1585 {offsets = [0, 5], sizes = [256, 1], strides = [1, 1]} : vector<256x9xf32> to vector<256x1xf32>
    %mul3A_1609 = vector.broadcast %slice3A_1608 : vector<256x1xf32> to vector<256x256xf32>
    %mul3A_1610 = arith.mulf %mul3A_1609, %dot_general3A_972 : vector<256x256xf32>
    %add3A_1611 = arith.addf %add3A_1607, %mul3A_1610 : vector<256x256xf32>
    %slice3A_1612 = vector.extract_strided_slice %mul3A_1585 {offsets = [0, 6], sizes = [256, 1], strides = [1, 1]} : vector<256x9xf32> to vector<256x1xf32>
    %mul3A_1613 = vector.broadcast %slice3A_1612 : vector<256x1xf32> to vector<256x256xf32>
    %mul3A_1614 = arith.mulf %mul3A_1613, %dot_general3A_977 : vector<256x256xf32>
    %add3A_1615 = arith.addf %add3A_1611, %mul3A_1614 : vector<256x256xf32>
    %slice3A_1616 = vector.extract_strided_slice %mul3A_1585 {offsets = [0, 7], sizes = [256, 1], strides = [1, 1]} : vector<256x9xf32> to vector<256x1xf32>
    %mul3A_1617 = vector.broadcast %slice3A_1616 : vector<256x1xf32> to vector<256x256xf32>
    %mul3A_1618 = arith.mulf %mul3A_1617, %dot_general3A_982 : vector<256x256xf32>
    %add3A_1619 = arith.addf %add3A_1615, %mul3A_1618 : vector<256x256xf32>
    %slice3A_1620 = vector.extract_strided_slice %mul3A_1585 {offsets = [0, 8], sizes = [256, 1], strides = [1, 1]} : vector<256x9xf32> to vector<256x1xf32>
    %mul3A_1621 = vector.broadcast %slice3A_1620 : vector<256x1xf32> to vector<256x256xf32>
    %mul3A_1622 = arith.mulf %mul3A_1621, %dot_general3A_987 : vector<256x256xf32>
    %add3A_1623 = arith.addf %add3A_1619, %mul3A_1622 : vector<256x256xf32>
    %mul3A_1624 = arith.mulf %get3A_6, %get3A_4 : f32
    %mul3A_1625 = vector.broadcast %mul3A_1624 : f32 to vector<256x256xf32>
    %mul3A_1626 = arith.mulf %mul3A_1625, %add3A_1623 : vector<256x256xf32>
    %add3A_1627 = arith.addf %mul3A_1626, %select_n3A_555 : vector<256x256xf32>
    %swap3A_1628 = arith.constant 0 : index
    %swap3A_1629 = arith.constant 1280 : index
    %swap3A_1630 = vector.load %arg29[%swap3A_1628, %swap3A_1629] : memref<256x2304xf32, #tpu.memory_space<vmem>>, vector<256x256xf32>
    tpu.vector_store %arg29[%swap3A_1628, %swap3A_1629], %add3A_1627 {strides = array<i32>} : memref<256x2304xf32, #tpu.memory_space<vmem>>, vector<256x256xf32>,
    %get3A_1631 = arith.constant 5 : index
    %get3A_1632 = arith.constant 0 : index
    %get3A_1633 = arith.constant 0 : index
    %get3A_1634 = vector.load %arg22[%get3A_1631, %get3A_1632, %get3A_1633] : memref<9x256x8xf32, #tpu.memory_space<vmem>>, vector<1x256x8xf32>
    %get3A_1635 = vector.shape_cast %get3A_1634 : vector<1x256x8xf32> to vector<256x8xf32>
    %dot_general3A_1636 = arith.constant dense<0.000000e+00> : vector<256x8xf32>
    %dot_general3A_1637 = tpu.matmul %add3A_1627, %get3A_1635, %dot_general3A_1636 {dimension_numbers = #tpu.dot_dimension_numbers<[1], [0], [0], [1], [0, 0, 1, 1], [], []>, transpose_lhs_hint = false} : vector<256x256xf32>, vector<256x8xf32>, vector<256x8xf32> -> vector<256x8xf32>
    %add3A_1638 = arith.addf %add3A_1529, %dot_general3A_1637 : vector<256x8xf32>
    %mul3A_1639 = arith.mulf %dot_general3A_857, %dot_general3A_932 : vector<256x32xf32>
    %reduce_sum3A_1640 = arith.constant dense<0.000000e+00> : vector<256xf32>
    %reduce_sum3A_1641 = vector.multi_reduction <add>, %mul3A_1639, %reduce_sum3A_1640 [1] : vector<256x32xf32> to vector<256xf32>
    %broadcast_in_dim3A_1642 = vector.shape_cast %reduce_sum3A_1641 : vector<256xf32> to vector<256x1xf32>
    %mul3A_1643 = arith.mulf %dot_general3A_862, %dot_general3A_932 : vector<256x32xf32>
    %reduce_sum3A_1644 = arith.constant dense<0.000000e+00> : vector<256xf32>
    %reduce_sum3A_1645 = vector.multi_reduction <add>, %mul3A_1643, %reduce_sum3A_1644 [1] : vector<256x32xf32> to vector<256xf32>
    %broadcast_in_dim3A_1646 = vector.shape_cast %reduce_sum3A_1645 : vector<256xf32> to vector<256x1xf32>
    %mul3A_1647 = arith.mulf %dot_general3A_867, %dot_general3A_932 : vector<256x32xf32>
    %reduce_sum3A_1648 = arith.constant dense<0.000000e+00> : vector<256xf32>
    %reduce_sum3A_1649 = vector.multi_reduction <add>, %mul3A_1647, %reduce_sum3A_1648 [1] : vector<256x32xf32> to vector<256xf32>
    %broadcast_in_dim3A_1650 = vector.shape_cast %reduce_sum3A_1649 : vector<256xf32> to vector<256x1xf32>
    %mul3A_1651 = arith.mulf %dot_general3A_872, %dot_general3A_932 : vector<256x32xf32>
    %reduce_sum3A_1652 = arith.constant dense<0.000000e+00> : vector<256xf32>
    %reduce_sum3A_1653 = vector.multi_reduction <add>, %mul3A_1651, %reduce_sum3A_1652 [1] : vector<256x32xf32> to vector<256xf32>
    %broadcast_in_dim3A_1654 = vector.shape_cast %reduce_sum3A_1653 : vector<256xf32> to vector<256x1xf32>
    %mul3A_1655 = arith.mulf %dot_general3A_877, %dot_general3A_932 : vector<256x32xf32>
    %reduce_sum3A_1656 = arith.constant dense<0.000000e+00> : vector<256xf32>
    %reduce_sum3A_1657 = vector.multi_reduction <add>, %mul3A_1655, %reduce_sum3A_1656 [1] : vector<256x32xf32> to vector<256xf32>
    %broadcast_in_dim3A_1658 = vector.shape_cast %reduce_sum3A_1657 : vector<256xf32> to vector<256x1xf32>
    %mul3A_1659 = arith.mulf %dot_general3A_882, %dot_general3A_932 : vector<256x32xf32>
    %reduce_sum3A_1660 = arith.constant dense<0.000000e+00> : vector<256xf32>
    %reduce_sum3A_1661 = vector.multi_reduction <add>, %mul3A_1659, %reduce_sum3A_1660 [1] : vector<256x32xf32> to vector<256xf32>
    %broadcast_in_dim3A_1662 = vector.shape_cast %reduce_sum3A_1661 : vector<256xf32> to vector<256x1xf32>
    %mul3A_1663 = arith.mulf %dot_general3A_887, %dot_general3A_932 : vector<256x32xf32>
    %reduce_sum3A_1664 = arith.constant dense<0.000000e+00> : vector<256xf32>
    %reduce_sum3A_1665 = vector.multi_reduction <add>, %mul3A_1663, %reduce_sum3A_1664 [1] : vector<256x32xf32> to vector<256xf32>
    %broadcast_in_dim3A_1666 = vector.shape_cast %reduce_sum3A_1665 : vector<256xf32> to vector<256x1xf32>
    %mul3A_1667 = arith.mulf %dot_general3A_892, %dot_general3A_932 : vector<256x32xf32>
    %reduce_sum3A_1668 = arith.constant dense<0.000000e+00> : vector<256xf32>
    %reduce_sum3A_1669 = vector.multi_reduction <add>, %mul3A_1667, %reduce_sum3A_1668 [1] : vector<256x32xf32> to vector<256xf32>
    %broadcast_in_dim3A_1670 = vector.shape_cast %reduce_sum3A_1669 : vector<256xf32> to vector<256x1xf32>
    %mul3A_1671 = arith.mulf %dot_general3A_897, %dot_general3A_932 : vector<256x32xf32>
    %reduce_sum3A_1672 = arith.constant dense<0.000000e+00> : vector<256xf32>
    %reduce_sum3A_1673 = vector.multi_reduction <add>, %mul3A_1671, %reduce_sum3A_1672 [1] : vector<256x32xf32> to vector<256xf32>
    %broadcast_in_dim3A_1674 = vector.shape_cast %reduce_sum3A_1673 : vector<256xf32> to vector<256x1xf32>
    %concatenate3A_1675 = tpu.concatenate %broadcast_in_dim3A_1642, %broadcast_in_dim3A_1646, %broadcast_in_dim3A_1650, %broadcast_in_dim3A_1654, %broadcast_in_dim3A_1658, %broadcast_in_dim3A_1662, %broadcast_in_dim3A_1666, %broadcast_in_dim3A_1670, %broadcast_in_dim3A_1674 in 1 : vector<256x1xf32>, vector<256x1xf32>, vector<256x1xf32>, vector<256x1xf32>, vector<256x1xf32>, vector<256x1xf32>, vector<256x1xf32>, vector<256x1xf32>, vector<256x1xf32> -> vector<256x9xf32>
    %mul3A_1676 = vector.broadcast %get3A_2 : f32 to vector<256x9xf32>
    %mul3A_1677 = arith.mulf %concatenate3A_1675, %mul3A_1676 : vector<256x9xf32>
    %max3A_1678 = arith.constant 0.000000e+00 : f32
    %max3A_1679 = vector.broadcast %max3A_1678 : f32 to vector<256x9xf32>
    %max3A_1680 = arith.maximumf %mul3A_1677, %max3A_1679 : vector<256x9xf32>
    %reduce_max3A_1681 = arith.constant dense<0xFF800000> : vector<256xf32>
    %reduce_max3A_1682 = vector.multi_reduction <maximumf>, %max3A_1680, %reduce_max3A_1681 [1] : vector<256x9xf32> to vector<256xf32>
    %broadcast_in_dim3A_1683 = vector.shape_cast %reduce_max3A_1682 : vector<256xf32> to vector<256x1xf32>
    %sub3A_1684 = vector.broadcast %broadcast_in_dim3A_1683 : vector<256x1xf32> to vector<256x9xf32>
    %sub3A_1685 = arith.subf %max3A_1680, %sub3A_1684 : vector<256x9xf32>
    %exp3A_1686 = math.exp %sub3A_1685 : vector<256x9xf32>
    %reduce_sum3A_1687 = arith.constant dense<0.000000e+00> : vector<256xf32>
    %reduce_sum3A_1688 = vector.multi_reduction <add>, %exp3A_1686, %reduce_sum3A_1687 [1] : vector<256x9xf32> to vector<256xf32>
    %broadcast_in_dim3A_1689 = vector.shape_cast %reduce_sum3A_1688 : vector<256xf32> to vector<256x1xf32>
    %div3A_1690 = arith.constant 1.000000e+00 : f32
    %div3A_1691 = vector.broadcast %div3A_1690 : f32 to vector<256x1xf32>
    %div3A_1692 = arith.divf %div3A_1691, %broadcast_in_dim3A_1689 : vector<256x1xf32>
    %mul3A_1693 = vector.broadcast %div3A_1692 : vector<256x1xf32> to vector<256x9xf32>
    %mul3A_1694 = arith.mulf %exp3A_1686, %mul3A_1693 : vector<256x9xf32>
    %broadcast_in_dim3A_1695 = arith.constant 0.000000e+00 : f32
    %broadcast_in_dim3A_1696 = vector.broadcast %broadcast_in_dim3A_1695 : f32 to vector<256x256xf32>
    %slice3A_1697 = vector.extract_strided_slice %mul3A_1694 {offsets = [0, 0], sizes = [256, 1], strides = [1, 1]} : vector<256x9xf32> to vector<256x1xf32>
    %mul3A_1698 = vector.broadcast %slice3A_1697 : vector<256x1xf32> to vector<256x256xf32>
    %mul3A_1699 = arith.mulf %mul3A_1698, %dot_general3A_947 : vector<256x256xf32>
    %add3A_1700 = arith.addf %broadcast_in_dim3A_1696, %mul3A_1699 : vector<256x256xf32>
    %slice3A_1701 = vector.extract_strided_slice %mul3A_1694 {offsets = [0, 1], sizes = [256, 1], strides = [1, 1]} : vector<256x9xf32> to vector<256x1xf32>
    %mul3A_1702 = vector.broadcast %slice3A_1701 : vector<256x1xf32> to vector<256x256xf32>
    %mul3A_1703 = arith.mulf %mul3A_1702, %dot_general3A_952 : vector<256x256xf32>
    %add3A_1704 = arith.addf %add3A_1700, %mul3A_1703 : vector<256x256xf32>
    %slice3A_1705 = vector.extract_strided_slice %mul3A_1694 {offsets = [0, 2], sizes = [256, 1], strides = [1, 1]} : vector<256x9xf32> to vector<256x1xf32>
    %mul3A_1706 = vector.broadcast %slice3A_1705 : vector<256x1xf32> to vector<256x256xf32>
    %mul3A_1707 = arith.mulf %mul3A_1706, %dot_general3A_957 : vector<256x256xf32>
    %add3A_1708 = arith.addf %add3A_1704, %mul3A_1707 : vector<256x256xf32>
    %slice3A_1709 = vector.extract_strided_slice %mul3A_1694 {offsets = [0, 3], sizes = [256, 1], strides = [1, 1]} : vector<256x9xf32> to vector<256x1xf32>
    %mul3A_1710 = vector.broadcast %slice3A_1709 : vector<256x1xf32> to vector<256x256xf32>
    %mul3A_1711 = arith.mulf %mul3A_1710, %dot_general3A_962 : vector<256x256xf32>
    %add3A_1712 = arith.addf %add3A_1708, %mul3A_1711 : vector<256x256xf32>
    %slice3A_1713 = vector.extract_strided_slice %mul3A_1694 {offsets = [0, 4], sizes = [256, 1], strides = [1, 1]} : vector<256x9xf32> to vector<256x1xf32>
    %mul3A_1714 = vector.broadcast %slice3A_1713 : vector<256x1xf32> to vector<256x256xf32>
    %mul3A_1715 = arith.mulf %mul3A_1714, %dot_general3A_967 : vector<256x256xf32>
    %add3A_1716 = arith.addf %add3A_1712, %mul3A_1715 : vector<256x256xf32>
    %slice3A_1717 = vector.extract_strided_slice %mul3A_1694 {offsets = [0, 5], sizes = [256, 1], strides = [1, 1]} : vector<256x9xf32> to vector<256x1xf32>
    %mul3A_1718 = vector.broadcast %slice3A_1717 : vector<256x1xf32> to vector<256x256xf32>
    %mul3A_1719 = arith.mulf %mul3A_1718, %dot_general3A_972 : vector<256x256xf32>
    %add3A_1720 = arith.addf %add3A_1716, %mul3A_1719 : vector<256x256xf32>
    %slice3A_1721 = vector.extract_strided_slice %mul3A_1694 {offsets = [0, 6], sizes = [256, 1], strides = [1, 1]} : vector<256x9xf32> to vector<256x1xf32>
    %mul3A_1722 = vector.broadcast %slice3A_1721 : vector<256x1xf32> to vector<256x256xf32>
    %mul3A_1723 = arith.mulf %mul3A_1722, %dot_general3A_977 : vector<256x256xf32>
    %add3A_1724 = arith.addf %add3A_1720, %mul3A_1723 : vector<256x256xf32>
    %slice3A_1725 = vector.extract_strided_slice %mul3A_1694 {offsets = [0, 7], sizes = [256, 1], strides = [1, 1]} : vector<256x9xf32> to vector<256x1xf32>
    %mul3A_1726 = vector.broadcast %slice3A_1725 : vector<256x1xf32> to vector<256x256xf32>
    %mul3A_1727 = arith.mulf %mul3A_1726, %dot_general3A_982 : vector<256x256xf32>
    %add3A_1728 = arith.addf %add3A_1724, %mul3A_1727 : vector<256x256xf32>
    %slice3A_1729 = vector.extract_strided_slice %mul3A_1694 {offsets = [0, 8], sizes = [256, 1], strides = [1, 1]} : vector<256x9xf32> to vector<256x1xf32>
    %mul3A_1730 = vector.broadcast %slice3A_1729 : vector<256x1xf32> to vector<256x256xf32>
    %mul3A_1731 = arith.mulf %mul3A_1730, %dot_general3A_987 : vector<256x256xf32>
    %add3A_1732 = arith.addf %add3A_1728, %mul3A_1731 : vector<256x256xf32>
    %mul3A_1733 = arith.mulf %get3A_6, %get3A_4 : f32
    %mul3A_1734 = vector.broadcast %mul3A_1733 : f32 to vector<256x256xf32>
    %mul3A_1735 = arith.mulf %mul3A_1734, %add3A_1732 : vector<256x256xf32>
    %add3A_1736 = arith.addf %mul3A_1735, %select_n3A_812 : vector<256x256xf32>
    %swap3A_1737 = arith.constant 0 : index
    %swap3A_1738 = arith.constant 1536 : index
    %swap3A_1739 = vector.load %arg29[%swap3A_1737, %swap3A_1738] : memref<256x2304xf32, #tpu.memory_space<vmem>>, vector<256x256xf32>
    tpu.vector_store %arg29[%swap3A_1737, %swap3A_1738], %add3A_1736 {strides = array<i32>} : memref<256x2304xf32, #tpu.memory_space<vmem>>, vector<256x256xf32>,
    %get3A_1740 = arith.constant 6 : index
    %get3A_1741 = arith.constant 0 : index
    %get3A_1742 = arith.constant 0 : index
    %get3A_1743 = vector.load %arg22[%get3A_1740, %get3A_1741, %get3A_1742] : memref<9x256x8xf32, #tpu.memory_space<vmem>>, vector<1x256x8xf32>
    %get3A_1744 = vector.shape_cast %get3A_1743 : vector<1x256x8xf32> to vector<256x8xf32>
    %dot_general3A_1745 = arith.constant dense<0.000000e+00> : vector<256x8xf32>
    %dot_general3A_1746 = tpu.matmul %add3A_1736, %get3A_1744, %dot_general3A_1745 {dimension_numbers = #tpu.dot_dimension_numbers<[1], [0], [0], [1], [0, 0, 1, 1], [], []>, transpose_lhs_hint = false} : vector<256x256xf32>, vector<256x8xf32>, vector<256x8xf32> -> vector<256x8xf32>
    %add3A_1747 = arith.addf %add3A_1638, %dot_general3A_1746 : vector<256x8xf32>
    %mul3A_1748 = arith.mulf %dot_general3A_857, %dot_general3A_937 : vector<256x32xf32>
    %reduce_sum3A_1749 = arith.constant dense<0.000000e+00> : vector<256xf32>
    %reduce_sum3A_1750 = vector.multi_reduction <add>, %mul3A_1748, %reduce_sum3A_1749 [1] : vector<256x32xf32> to vector<256xf32>
    %broadcast_in_dim3A_1751 = vector.shape_cast %reduce_sum3A_1750 : vector<256xf32> to vector<256x1xf32>
    %mul3A_1752 = arith.mulf %dot_general3A_862, %dot_general3A_937 : vector<256x32xf32>
    %reduce_sum3A_1753 = arith.constant dense<0.000000e+00> : vector<256xf32>
    %reduce_sum3A_1754 = vector.multi_reduction <add>, %mul3A_1752, %reduce_sum3A_1753 [1] : vector<256x32xf32> to vector<256xf32>
    %broadcast_in_dim3A_1755 = vector.shape_cast %reduce_sum3A_1754 : vector<256xf32> to vector<256x1xf32>
    %mul3A_1756 = arith.mulf %dot_general3A_867, %dot_general3A_937 : vector<256x32xf32>
    %reduce_sum3A_1757 = arith.constant dense<0.000000e+00> : vector<256xf32>
    %reduce_sum3A_1758 = vector.multi_reduction <add>, %mul3A_1756, %reduce_sum3A_1757 [1] : vector<256x32xf32> to vector<256xf32>
    %broadcast_in_dim3A_1759 = vector.shape_cast %reduce_sum3A_1758 : vector<256xf32> to vector<256x1xf32>
    %mul3A_1760 = arith.mulf %dot_general3A_872, %dot_general3A_937 : vector<256x32xf32>
    %reduce_sum3A_1761 = arith.constant dense<0.000000e+00> : vector<256xf32>
    %reduce_sum3A_1762 = vector.multi_reduction <add>, %mul3A_1760, %reduce_sum3A_1761 [1] : vector<256x32xf32> to vector<256xf32>
    %broadcast_in_dim3A_1763 = vector.shape_cast %reduce_sum3A_1762 : vector<256xf32> to vector<256x1xf32>
    %mul3A_1764 = arith.mulf %dot_general3A_877, %dot_general3A_937 : vector<256x32xf32>
    %reduce_sum3A_1765 = arith.constant dense<0.000000e+00> : vector<256xf32>
    %reduce_sum3A_1766 = vector.multi_reduction <add>, %mul3A_1764, %reduce_sum3A_1765 [1] : vector<256x32xf32> to vector<256xf32>
    %broadcast_in_dim3A_1767 = vector.shape_cast %reduce_sum3A_1766 : vector<256xf32> to vector<256x1xf32>
    %mul3A_1768 = arith.mulf %dot_general3A_882, %dot_general3A_937 : vector<256x32xf32>
    %reduce_sum3A_1769 = arith.constant dense<0.000000e+00> : vector<256xf32>
    %reduce_sum3A_1770 = vector.multi_reduction <add>, %mul3A_1768, %reduce_sum3A_1769 [1] : vector<256x32xf32> to vector<256xf32>
    %broadcast_in_dim3A_1771 = vector.shape_cast %reduce_sum3A_1770 : vector<256xf32> to vector<256x1xf32>
    %mul3A_1772 = arith.mulf %dot_general3A_887, %dot_general3A_937 : vector<256x32xf32>
    %reduce_sum3A_1773 = arith.constant dense<0.000000e+00> : vector<256xf32>
    %reduce_sum3A_1774 = vector.multi_reduction <add>, %mul3A_1772, %reduce_sum3A_1773 [1] : vector<256x32xf32> to vector<256xf32>
    %broadcast_in_dim3A_1775 = vector.shape_cast %reduce_sum3A_1774 : vector<256xf32> to vector<256x1xf32>
    %mul3A_1776 = arith.mulf %dot_general3A_892, %dot_general3A_937 : vector<256x32xf32>
    %reduce_sum3A_1777 = arith.constant dense<0.000000e+00> : vector<256xf32>
    %reduce_sum3A_1778 = vector.multi_reduction <add>, %mul3A_1776, %reduce_sum3A_1777 [1] : vector<256x32xf32> to vector<256xf32>
    %broadcast_in_dim3A_1779 = vector.shape_cast %reduce_sum3A_1778 : vector<256xf32> to vector<256x1xf32>
    %mul3A_1780 = arith.mulf %dot_general3A_897, %dot_general3A_937 : vector<256x32xf32>
    %reduce_sum3A_1781 = arith.constant dense<0.000000e+00> : vector<256xf32>
    %reduce_sum3A_1782 = vector.multi_reduction <add>, %mul3A_1780, %reduce_sum3A_1781 [1] : vector<256x32xf32> to vector<256xf32>
    %broadcast_in_dim3A_1783 = vector.shape_cast %reduce_sum3A_1782 : vector<256xf32> to vector<256x1xf32>
    %concatenate3A_1784 = tpu.concatenate %broadcast_in_dim3A_1751, %broadcast_in_dim3A_1755, %broadcast_in_dim3A_1759, %broadcast_in_dim3A_1763, %broadcast_in_dim3A_1767, %broadcast_in_dim3A_1771, %broadcast_in_dim3A_1775, %broadcast_in_dim3A_1779, %broadcast_in_dim3A_1783 in 1 : vector<256x1xf32>, vector<256x1xf32>, vector<256x1xf32>, vector<256x1xf32>, vector<256x1xf32>, vector<256x1xf32>, vector<256x1xf32>, vector<256x1xf32>, vector<256x1xf32> -> vector<256x9xf32>
    %mul3A_1785 = vector.broadcast %get3A_2 : f32 to vector<256x9xf32>
    %mul3A_1786 = arith.mulf %concatenate3A_1784, %mul3A_1785 : vector<256x9xf32>
    %max3A_1787 = arith.constant 0.000000e+00 : f32
    %max3A_1788 = vector.broadcast %max3A_1787 : f32 to vector<256x9xf32>
    %max3A_1789 = arith.maximumf %mul3A_1786, %max3A_1788 : vector<256x9xf32>
    %reduce_max3A_1790 = arith.constant dense<0xFF800000> : vector<256xf32>
    %reduce_max3A_1791 = vector.multi_reduction <maximumf>, %max3A_1789, %reduce_max3A_1790 [1] : vector<256x9xf32> to vector<256xf32>
    %broadcast_in_dim3A_1792 = vector.shape_cast %reduce_max3A_1791 : vector<256xf32> to vector<256x1xf32>
    %sub3A_1793 = vector.broadcast %broadcast_in_dim3A_1792 : vector<256x1xf32> to vector<256x9xf32>
    %sub3A_1794 = arith.subf %max3A_1789, %sub3A_1793 : vector<256x9xf32>
    %exp3A_1795 = math.exp %sub3A_1794 : vector<256x9xf32>
    %reduce_sum3A_1796 = arith.constant dense<0.000000e+00> : vector<256xf32>
    %reduce_sum3A_1797 = vector.multi_reduction <add>, %exp3A_1795, %reduce_sum3A_1796 [1] : vector<256x9xf32> to vector<256xf32>
    %broadcast_in_dim3A_1798 = vector.shape_cast %reduce_sum3A_1797 : vector<256xf32> to vector<256x1xf32>
    %div3A_1799 = arith.constant 1.000000e+00 : f32
    %div3A_1800 = vector.broadcast %div3A_1799 : f32 to vector<256x1xf32>
    %div3A_1801 = arith.divf %div3A_1800, %broadcast_in_dim3A_1798 : vector<256x1xf32>
    %mul3A_1802 = vector.broadcast %div3A_1801 : vector<256x1xf32> to vector<256x9xf32>
    %mul3A_1803 = arith.mulf %exp3A_1795, %mul3A_1802 : vector<256x9xf32>
    %broadcast_in_dim3A_1804 = arith.constant 0.000000e+00 : f32
    %broadcast_in_dim3A_1805 = vector.broadcast %broadcast_in_dim3A_1804 : f32 to vector<256x256xf32>
    %slice3A_1806 = vector.extract_strided_slice %mul3A_1803 {offsets = [0, 0], sizes = [256, 1], strides = [1, 1]} : vector<256x9xf32> to vector<256x1xf32>
    %mul3A_1807 = vector.broadcast %slice3A_1806 : vector<256x1xf32> to vector<256x256xf32>
    %mul3A_1808 = arith.mulf %mul3A_1807, %dot_general3A_947 : vector<256x256xf32>
    %add3A_1809 = arith.addf %broadcast_in_dim3A_1805, %mul3A_1808 : vector<256x256xf32>
    %slice3A_1810 = vector.extract_strided_slice %mul3A_1803 {offsets = [0, 1], sizes = [256, 1], strides = [1, 1]} : vector<256x9xf32> to vector<256x1xf32>
    %mul3A_1811 = vector.broadcast %slice3A_1810 : vector<256x1xf32> to vector<256x256xf32>
    %mul3A_1812 = arith.mulf %mul3A_1811, %dot_general3A_952 : vector<256x256xf32>
    %add3A_1813 = arith.addf %add3A_1809, %mul3A_1812 : vector<256x256xf32>
    %slice3A_1814 = vector.extract_strided_slice %mul3A_1803 {offsets = [0, 2], sizes = [256, 1], strides = [1, 1]} : vector<256x9xf32> to vector<256x1xf32>
    %mul3A_1815 = vector.broadcast %slice3A_1814 : vector<256x1xf32> to vector<256x256xf32>
    %mul3A_1816 = arith.mulf %mul3A_1815, %dot_general3A_957 : vector<256x256xf32>
    %add3A_1817 = arith.addf %add3A_1813, %mul3A_1816 : vector<256x256xf32>
    %slice3A_1818 = vector.extract_strided_slice %mul3A_1803 {offsets = [0, 3], sizes = [256, 1], strides = [1, 1]} : vector<256x9xf32> to vector<256x1xf32>
    %mul3A_1819 = vector.broadcast %slice3A_1818 : vector<256x1xf32> to vector<256x256xf32>
    %mul3A_1820 = arith.mulf %mul3A_1819, %dot_general3A_962 : vector<256x256xf32>
    %add3A_1821 = arith.addf %add3A_1817, %mul3A_1820 : vector<256x256xf32>
    %slice3A_1822 = vector.extract_strided_slice %mul3A_1803 {offsets = [0, 4], sizes = [256, 1], strides = [1, 1]} : vector<256x9xf32> to vector<256x1xf32>
    %mul3A_1823 = vector.broadcast %slice3A_1822 : vector<256x1xf32> to vector<256x256xf32>
    %mul3A_1824 = arith.mulf %mul3A_1823, %dot_general3A_967 : vector<256x256xf32>
    %add3A_1825 = arith.addf %add3A_1821, %mul3A_1824 : vector<256x256xf32>
    %slice3A_1826 = vector.extract_strided_slice %mul3A_1803 {offsets = [0, 5], sizes = [256, 1], strides = [1, 1]} : vector<256x9xf32> to vector<256x1xf32>
    %mul3A_1827 = vector.broadcast %slice3A_1826 : vector<256x1xf32> to vector<256x256xf32>
    %mul3A_1828 = arith.mulf %mul3A_1827, %dot_general3A_972 : vector<256x256xf32>
    %add3A_1829 = arith.addf %add3A_1825, %mul3A_1828 : vector<256x256xf32>
    %slice3A_1830 = vector.extract_strided_slice %mul3A_1803 {offsets = [0, 6], sizes = [256, 1], strides = [1, 1]} : vector<256x9xf32> to vector<256x1xf32>
    %mul3A_1831 = vector.broadcast %slice3A_1830 : vector<256x1xf32> to vector<256x256xf32>
    %mul3A_1832 = arith.mulf %mul3A_1831, %dot_general3A_977 : vector<256x256xf32>
    %add3A_1833 = arith.addf %add3A_1829, %mul3A_1832 : vector<256x256xf32>
    %slice3A_1834 = vector.extract_strided_slice %mul3A_1803 {offsets = [0, 7], sizes = [256, 1], strides = [1, 1]} : vector<256x9xf32> to vector<256x1xf32>
    %mul3A_1835 = vector.broadcast %slice3A_1834 : vector<256x1xf32> to vector<256x256xf32>
    %mul3A_1836 = arith.mulf %mul3A_1835, %dot_general3A_982 : vector<256x256xf32>
    %add3A_1837 = arith.addf %add3A_1833, %mul3A_1836 : vector<256x256xf32>
    %slice3A_1838 = vector.extract_strided_slice %mul3A_1803 {offsets = [0, 8], sizes = [256, 1], strides = [1, 1]} : vector<256x9xf32> to vector<256x1xf32>
    %mul3A_1839 = vector.broadcast %slice3A_1838 : vector<256x1xf32> to vector<256x256xf32>
    %mul3A_1840 = arith.mulf %mul3A_1839, %dot_general3A_987 : vector<256x256xf32>
    %add3A_1841 = arith.addf %add3A_1837, %mul3A_1840 : vector<256x256xf32>
    %mul3A_1842 = arith.mulf %get3A_6, %get3A_4 : f32
    %mul3A_1843 = vector.broadcast %mul3A_1842 : f32 to vector<256x256xf32>
    %mul3A_1844 = arith.mulf %mul3A_1843, %add3A_1841 : vector<256x256xf32>
    %add3A_1845 = arith.addf %mul3A_1844, %select_n3A_832 : vector<256x256xf32>
    %swap3A_1846 = arith.constant 0 : index
    %swap3A_1847 = arith.constant 1792 : index
    %swap3A_1848 = vector.load %arg29[%swap3A_1846, %swap3A_1847] : memref<256x2304xf32, #tpu.memory_space<vmem>>, vector<256x256xf32>
    tpu.vector_store %arg29[%swap3A_1846, %swap3A_1847], %add3A_1845 {strides = array<i32>} : memref<256x2304xf32, #tpu.memory_space<vmem>>, vector<256x256xf32>,
    %get3A_1849 = arith.constant 7 : index
    %get3A_1850 = arith.constant 0 : index
    %get3A_1851 = arith.constant 0 : index
    %get3A_1852 = vector.load %arg22[%get3A_1849, %get3A_1850, %get3A_1851] : memref<9x256x8xf32, #tpu.memory_space<vmem>>, vector<1x256x8xf32>
    %get3A_1853 = vector.shape_cast %get3A_1852 : vector<1x256x8xf32> to vector<256x8xf32>
    %dot_general3A_1854 = arith.constant dense<0.000000e+00> : vector<256x8xf32>
    %dot_general3A_1855 = tpu.matmul %add3A_1845, %get3A_1853, %dot_general3A_1854 {dimension_numbers = #tpu.dot_dimension_numbers<[1], [0], [0], [1], [0, 0, 1, 1], [], []>, transpose_lhs_hint = false} : vector<256x256xf32>, vector<256x8xf32>, vector<256x8xf32> -> vector<256x8xf32>
    %add3A_1856 = arith.addf %add3A_1747, %dot_general3A_1855 : vector<256x8xf32>
    %mul3A_1857 = arith.mulf %dot_general3A_857, %dot_general3A_942 : vector<256x32xf32>
    %reduce_sum3A_1858 = arith.constant dense<0.000000e+00> : vector<256xf32>
    %reduce_sum3A_1859 = vector.multi_reduction <add>, %mul3A_1857, %reduce_sum3A_1858 [1] : vector<256x32xf32> to vector<256xf32>
    %broadcast_in_dim3A_1860 = vector.shape_cast %reduce_sum3A_1859 : vector<256xf32> to vector<256x1xf32>
    %mul3A_1861 = arith.mulf %dot_general3A_862, %dot_general3A_942 : vector<256x32xf32>
    %reduce_sum3A_1862 = arith.constant dense<0.000000e+00> : vector<256xf32>
    %reduce_sum3A_1863 = vector.multi_reduction <add>, %mul3A_1861, %reduce_sum3A_1862 [1] : vector<256x32xf32> to vector<256xf32>
    %broadcast_in_dim3A_1864 = vector.shape_cast %reduce_sum3A_1863 : vector<256xf32> to vector<256x1xf32>
    %mul3A_1865 = arith.mulf %dot_general3A_867, %dot_general3A_942 : vector<256x32xf32>
    %reduce_sum3A_1866 = arith.constant dense<0.000000e+00> : vector<256xf32>
    %reduce_sum3A_1867 = vector.multi_reduction <add>, %mul3A_1865, %reduce_sum3A_1866 [1] : vector<256x32xf32> to vector<256xf32>
    %broadcast_in_dim3A_1868 = vector.shape_cast %reduce_sum3A_1867 : vector<256xf32> to vector<256x1xf32>
    %mul3A_1869 = arith.mulf %dot_general3A_872, %dot_general3A_942 : vector<256x32xf32>
    %reduce_sum3A_1870 = arith.constant dense<0.000000e+00> : vector<256xf32>
    %reduce_sum3A_1871 = vector.multi_reduction <add>, %mul3A_1869, %reduce_sum3A_1870 [1] : vector<256x32xf32> to vector<256xf32>
    %broadcast_in_dim3A_1872 = vector.shape_cast %reduce_sum3A_1871 : vector<256xf32> to vector<256x1xf32>
    %mul3A_1873 = arith.mulf %dot_general3A_877, %dot_general3A_942 : vector<256x32xf32>
    %reduce_sum3A_1874 = arith.constant dense<0.000000e+00> : vector<256xf32>
    %reduce_sum3A_1875 = vector.multi_reduction <add>, %mul3A_1873, %reduce_sum3A_1874 [1] : vector<256x32xf32> to vector<256xf32>
    %broadcast_in_dim3A_1876 = vector.shape_cast %reduce_sum3A_1875 : vector<256xf32> to vector<256x1xf32>
    %mul3A_1877 = arith.mulf %dot_general3A_882, %dot_general3A_942 : vector<256x32xf32>
    %reduce_sum3A_1878 = arith.constant dense<0.000000e+00> : vector<256xf32>
    %reduce_sum3A_1879 = vector.multi_reduction <add>, %mul3A_1877, %reduce_sum3A_1878 [1] : vector<256x32xf32> to vector<256xf32>
    %broadcast_in_dim3A_1880 = vector.shape_cast %reduce_sum3A_1879 : vector<256xf32> to vector<256x1xf32>
    %mul3A_1881 = arith.mulf %dot_general3A_887, %dot_general3A_942 : vector<256x32xf32>
    %reduce_sum3A_1882 = arith.constant dense<0.000000e+00> : vector<256xf32>
    %reduce_sum3A_1883 = vector.multi_reduction <add>, %mul3A_1881, %reduce_sum3A_1882 [1] : vector<256x32xf32> to vector<256xf32>
    %broadcast_in_dim3A_1884 = vector.shape_cast %reduce_sum3A_1883 : vector<256xf32> to vector<256x1xf32>
    %mul3A_1885 = arith.mulf %dot_general3A_892, %dot_general3A_942 : vector<256x32xf32>
    %reduce_sum3A_1886 = arith.constant dense<0.000000e+00> : vector<256xf32>
    %reduce_sum3A_1887 = vector.multi_reduction <add>, %mul3A_1885, %reduce_sum3A_1886 [1] : vector<256x32xf32> to vector<256xf32>
    %broadcast_in_dim3A_1888 = vector.shape_cast %reduce_sum3A_1887 : vector<256xf32> to vector<256x1xf32>
    %mul3A_1889 = arith.mulf %dot_general3A_897, %dot_general3A_942 : vector<256x32xf32>
    %reduce_sum3A_1890 = arith.constant dense<0.000000e+00> : vector<256xf32>
    %reduce_sum3A_1891 = vector.multi_reduction <add>, %mul3A_1889, %reduce_sum3A_1890 [1] : vector<256x32xf32> to vector<256xf32>
    %broadcast_in_dim3A_1892 = vector.shape_cast %reduce_sum3A_1891 : vector<256xf32> to vector<256x1xf32>
    %concatenate3A_1893 = tpu.concatenate %broadcast_in_dim3A_1860, %broadcast_in_dim3A_1864, %broadcast_in_dim3A_1868, %broadcast_in_dim3A_1872, %broadcast_in_dim3A_1876, %broadcast_in_dim3A_1880, %broadcast_in_dim3A_1884, %broadcast_in_dim3A_1888, %broadcast_in_dim3A_1892 in 1 : vector<256x1xf32>, vector<256x1xf32>, vector<256x1xf32>, vector<256x1xf32>, vector<256x1xf32>, vector<256x1xf32>, vector<256x1xf32>, vector<256x1xf32>, vector<256x1xf32> -> vector<256x9xf32>
    %mul3A_1894 = vector.broadcast %get3A_2 : f32 to vector<256x9xf32>
    %mul3A_1895 = arith.mulf %concatenate3A_1893, %mul3A_1894 : vector<256x9xf32>
    %max3A_1896 = arith.constant 0.000000e+00 : f32
    %max3A_1897 = vector.broadcast %max3A_1896 : f32 to vector<256x9xf32>
    %max3A_1898 = arith.maximumf %mul3A_1895, %max3A_1897 : vector<256x9xf32>
    %reduce_max3A_1899 = arith.constant dense<0xFF800000> : vector<256xf32>
    %reduce_max3A_1900 = vector.multi_reduction <maximumf>, %max3A_1898, %reduce_max3A_1899 [1] : vector<256x9xf32> to vector<256xf32>
    %broadcast_in_dim3A_1901 = vector.shape_cast %reduce_max3A_1900 : vector<256xf32> to vector<256x1xf32>
    %sub3A_1902 = vector.broadcast %broadcast_in_dim3A_1901 : vector<256x1xf32> to vector<256x9xf32>
    %sub3A_1903 = arith.subf %max3A_1898, %sub3A_1902 : vector<256x9xf32>
    %exp3A_1904 = math.exp %sub3A_1903 : vector<256x9xf32>
    %reduce_sum3A_1905 = arith.constant dense<0.000000e+00> : vector<256xf32>
    %reduce_sum3A_1906 = vector.multi_reduction <add>, %exp3A_1904, %reduce_sum3A_1905 [1] : vector<256x9xf32> to vector<256xf32>
    %broadcast_in_dim3A_1907 = vector.shape_cast %reduce_sum3A_1906 : vector<256xf32> to vector<256x1xf32>
    %div3A_1908 = arith.constant 1.000000e+00 : f32
    %div3A_1909 = vector.broadcast %div3A_1908 : f32 to vector<256x1xf32>
    %div3A_1910 = arith.divf %div3A_1909, %broadcast_in_dim3A_1907 : vector<256x1xf32>
    %mul3A_1911 = vector.broadcast %div3A_1910 : vector<256x1xf32> to vector<256x9xf32>
    %mul3A_1912 = arith.mulf %exp3A_1904, %mul3A_1911 : vector<256x9xf32>
    %broadcast_in_dim3A_1913 = arith.constant 0.000000e+00 : f32
    %broadcast_in_dim3A_1914 = vector.broadcast %broadcast_in_dim3A_1913 : f32 to vector<256x256xf32>
    %slice3A_1915 = vector.extract_strided_slice %mul3A_1912 {offsets = [0, 0], sizes = [256, 1], strides = [1, 1]} : vector<256x9xf32> to vector<256x1xf32>
    %mul3A_1916 = vector.broadcast %slice3A_1915 : vector<256x1xf32> to vector<256x256xf32>
    %mul3A_1917 = arith.mulf %mul3A_1916, %dot_general3A_947 : vector<256x256xf32>
    %add3A_1918 = arith.addf %broadcast_in_dim3A_1914, %mul3A_1917 : vector<256x256xf32>
    %slice3A_1919 = vector.extract_strided_slice %mul3A_1912 {offsets = [0, 1], sizes = [256, 1], strides = [1, 1]} : vector<256x9xf32> to vector<256x1xf32>
    %mul3A_1920 = vector.broadcast %slice3A_1919 : vector<256x1xf32> to vector<256x256xf32>
    %mul3A_1921 = arith.mulf %mul3A_1920, %dot_general3A_952 : vector<256x256xf32>
    %add3A_1922 = arith.addf %add3A_1918, %mul3A_1921 : vector<256x256xf32>
    %slice3A_1923 = vector.extract_strided_slice %mul3A_1912 {offsets = [0, 2], sizes = [256, 1], strides = [1, 1]} : vector<256x9xf32> to vector<256x1xf32>
    %mul3A_1924 = vector.broadcast %slice3A_1923 : vector<256x1xf32> to vector<256x256xf32>
    %mul3A_1925 = arith.mulf %mul3A_1924, %dot_general3A_957 : vector<256x256xf32>
    %add3A_1926 = arith.addf %add3A_1922, %mul3A_1925 : vector<256x256xf32>
    %slice3A_1927 = vector.extract_strided_slice %mul3A_1912 {offsets = [0, 3], sizes = [256, 1], strides = [1, 1]} : vector<256x9xf32> to vector<256x1xf32>
    %mul3A_1928 = vector.broadcast %slice3A_1927 : vector<256x1xf32> to vector<256x256xf32>
    %mul3A_1929 = arith.mulf %mul3A_1928, %dot_general3A_962 : vector<256x256xf32>
    %add3A_1930 = arith.addf %add3A_1926, %mul3A_1929 : vector<256x256xf32>
    %slice3A_1931 = vector.extract_strided_slice %mul3A_1912 {offsets = [0, 4], sizes = [256, 1], strides = [1, 1]} : vector<256x9xf32> to vector<256x1xf32>
    %mul3A_1932 = vector.broadcast %slice3A_1931 : vector<256x1xf32> to vector<256x256xf32>
    %mul3A_1933 = arith.mulf %mul3A_1932, %dot_general3A_967 : vector<256x256xf32>
    %add3A_1934 = arith.addf %add3A_1930, %mul3A_1933 : vector<256x256xf32>
    %slice3A_1935 = vector.extract_strided_slice %mul3A_1912 {offsets = [0, 5], sizes = [256, 1], strides = [1, 1]} : vector<256x9xf32> to vector<256x1xf32>
    %mul3A_1936 = vector.broadcast %slice3A_1935 : vector<256x1xf32> to vector<256x256xf32>
    %mul3A_1937 = arith.mulf %mul3A_1936, %dot_general3A_972 : vector<256x256xf32>
    %add3A_1938 = arith.addf %add3A_1934, %mul3A_1937 : vector<256x256xf32>
    %slice3A_1939 = vector.extract_strided_slice %mul3A_1912 {offsets = [0, 6], sizes = [256, 1], strides = [1, 1]} : vector<256x9xf32> to vector<256x1xf32>
    %mul3A_1940 = vector.broadcast %slice3A_1939 : vector<256x1xf32> to vector<256x256xf32>
    %mul3A_1941 = arith.mulf %mul3A_1940, %dot_general3A_977 : vector<256x256xf32>
    %add3A_1942 = arith.addf %add3A_1938, %mul3A_1941 : vector<256x256xf32>
    %slice3A_1943 = vector.extract_strided_slice %mul3A_1912 {offsets = [0, 7], sizes = [256, 1], strides = [1, 1]} : vector<256x9xf32> to vector<256x1xf32>
    %mul3A_1944 = vector.broadcast %slice3A_1943 : vector<256x1xf32> to vector<256x256xf32>
    %mul3A_1945 = arith.mulf %mul3A_1944, %dot_general3A_982 : vector<256x256xf32>
    %add3A_1946 = arith.addf %add3A_1942, %mul3A_1945 : vector<256x256xf32>
    %slice3A_1947 = vector.extract_strided_slice %mul3A_1912 {offsets = [0, 8], sizes = [256, 1], strides = [1, 1]} : vector<256x9xf32> to vector<256x1xf32>
    %mul3A_1948 = vector.broadcast %slice3A_1947 : vector<256x1xf32> to vector<256x256xf32>
    %mul3A_1949 = arith.mulf %mul3A_1948, %dot_general3A_987 : vector<256x256xf32>
    %add3A_1950 = arith.addf %add3A_1946, %mul3A_1949 : vector<256x256xf32>
    %mul3A_1951 = arith.mulf %get3A_6, %get3A_4 : f32
    %mul3A_1952 = vector.broadcast %mul3A_1951 : f32 to vector<256x256xf32>
    %mul3A_1953 = arith.mulf %mul3A_1952, %add3A_1950 : vector<256x256xf32>
    %add3A_1954 = arith.addf %mul3A_1953, %select_n3A_852 : vector<256x256xf32>
    %swap3A_1955 = arith.constant 0 : index
    %swap3A_1956 = arith.constant 2048 : index
    %swap3A_1957 = vector.load %arg29[%swap3A_1955, %swap3A_1956] : memref<256x2304xf32, #tpu.memory_space<vmem>>, vector<256x256xf32>
    tpu.vector_store %arg29[%swap3A_1955, %swap3A_1956], %add3A_1954 {strides = array<i32>} : memref<256x2304xf32, #tpu.memory_space<vmem>>, vector<256x256xf32>,
    %get3A_1958 = arith.constant 8 : index
    %get3A_1959 = arith.constant 0 : index
    %get3A_1960 = arith.constant 0 : index
    %get3A_1961 = vector.load %arg22[%get3A_1958, %get3A_1959, %get3A_1960] : memref<9x256x8xf32, #tpu.memory_space<vmem>>, vector<1x256x8xf32>
    %get3A_1962 = vector.shape_cast %get3A_1961 : vector<1x256x8xf32> to vector<256x8xf32>
    %dot_general3A_1963 = arith.constant dense<0.000000e+00> : vector<256x8xf32>
    %dot_general3A_1964 = tpu.matmul %add3A_1954, %get3A_1962, %dot_general3A_1963 {dimension_numbers = #tpu.dot_dimension_numbers<[1], [0], [0], [1], [0, 0, 1, 1], [], []>, transpose_lhs_hint = false} : vector<256x256xf32>, vector<256x8xf32>, vector<256x8xf32> -> vector<256x8xf32>
    %add3A_1965 = arith.addf %add3A_1856, %dot_general3A_1964 : vector<256x8xf32>
    %transpose3A = tpu.transpose %add3A_1965, [1, 0] : vector<256x8xf32> -> vector<8x256xf32>
    %swap3A_1966 = arith.constant 0 : index
    %swap3A_1967 = arith.constant 0 : index
    %swap3A_1968 = vector.load %arg30[%swap3A_1966, %swap3A_1967] : memref<8x256xf32, #tpu.memory_space<vmem>>, vector<8x256xf32>
    tpu.vector_store %arg30[%swap3A_1966, %swap3A_1967], %transpose3A {strides = array<i32>} : memref<8x256xf32, #tpu.memory_space<vmem>>, vector<8x256xf32>,
    return
  }
  func.func @transform_0(%arg0: i32) -> (i32, i32, i32) {
    %c0_i32 = arith.constant 0 : i32
    %c0_i32_0 = arith.constant 0 : i32
    %c0_i32_1 = arith.constant 0 : i32
    return %arg0, %c0_i32, %c0_i32_0 : i32, i32, i32
  }
  func.func @transform_1(%arg0: i32) -> (i32, i32, i32) {
    %c0_i32 = arith.constant 0 : i32
    %c0_i32_0 = arith.constant 0 : i32
    %c0_i32_1 = arith.constant 0 : i32
    return %arg0, %c0_i32, %c0_i32_0 : i32, i32, i32
  }
  func.func @transform_2(%arg0: i32) -> (i32, i32, i32) {
    %c0_i32 = arith.constant 0 : i32
    %c0_i32_0 = arith.constant 0 : i32
    %c0_i32_1 = arith.constant 0 : i32
    %c0_i32_2 = arith.constant 0 : i32
    return %c0_i32, %c0_i32_0, %c0_i32_1 : i32, i32, i32
  }
  func.func @transform_3(%arg0: i32) -> (i32, i32) {
    %c0_i32 = arith.constant 0 : i32
    %c0_i32_0 = arith.constant 0 : i32
    %c0_i32_1 = arith.constant 0 : i32
    return %c0_i32, %c0_i32_0 : i32, i32
  }
  func.func @transform_4(%arg0: i32) -> (i32, i32, i32) {
    %c0_i32 = arith.constant 0 : i32
    %c0_i32_0 = arith.constant 0 : i32
    %c0_i32_1 = arith.constant 0 : i32
    %c0_i32_2 = arith.constant 0 : i32
    return %c0_i32, %c0_i32_0, %c0_i32_1 : i32, i32, i32
  }
  func.func @transform_5(%arg0: i32) -> (i32, i32) {
    %c0_i32 = arith.constant 0 : i32
    %c0_i32_0 = arith.constant 0 : i32
    %c0_i32_1 = arith.constant 0 : i32
    return %c0_i32, %c0_i32_0 : i32, i32
  }
  func.func @transform_6(%arg0: i32) -> (i32, i32, i32) {
    %c0_i32 = arith.constant 0 : i32
    %c0_i32_0 = arith.constant 0 : i32
    %c0_i32_1 = arith.constant 0 : i32
    %c0_i32_2 = arith.constant 0 : i32
    return %c0_i32, %c0_i32_0, %c0_i32_1 : i32, i32, i32
  }
  func.func @transform_7(%arg0: i32) -> (i32, i32) {
    %c0_i32 = arith.constant 0 : i32
    %c0_i32_0 = arith.constant 0 : i32
    %c0_i32_1 = arith.constant 0 : i32
    return %c0_i32, %c0_i32_0 : i32, i32
  }
  func.func @transform_8(%arg0: i32) -> (i32, i32, i32) {
    %c0_i32 = arith.constant 0 : i32
    %c0_i32_0 = arith.constant 0 : i32
    %c0_i32_1 = arith.constant 0 : i32
    %c0_i32_2 = arith.constant 0 : i32
    return %c0_i32, %c0_i32_0, %c0_i32_1 : i32, i32, i32
  }
  func.func @transform_9(%arg0: i32) -> (i32, i32) {
    %c0_i32 = arith.constant 0 : i32
    %c0_i32_0 = arith.constant 0 : i32
    %c0_i32_1 = arith.constant 0 : i32
    return %c0_i32, %c0_i32_0 : i32, i32
  }
  func.func @transform_10(%arg0: i32) -> (i32, i32) {
    %c0_i32 = arith.constant 0 : i32
    %c0_i32_0 = arith.constant 0 : i32
    %c0_i32_1 = arith.constant 0 : i32
    return %c0_i32, %c0_i32_0 : i32, i32
  }
  func.func @transform_11(%arg0: i32) -> (i32, i32) {
    %c0_i32 = arith.constant 0 : i32
    %c0_i32_0 = arith.constant 0 : i32
    %c0_i32_1 = arith.constant 0 : i32
    return %c0_i32, %c0_i32_0 : i32, i32
  }
  func.func @transform_12(%arg0: i32) -> (i32, i32) {
    %c0_i32 = arith.constant 0 : i32
    %c0_i32_0 = arith.constant 0 : i32
    %c0_i32_1 = arith.constant 0 : i32
    return %c0_i32, %c0_i32_0 : i32, i32
  }
  func.func @transform_13(%arg0: i32) -> (i32, i32) {
    %c0_i32 = arith.constant 0 : i32
    %c0_i32_0 = arith.constant 0 : i32
    %c0_i32_1 = arith.constant 0 : i32
    return %c0_i32, %c0_i32_0 : i32, i32
  }
  func.func @transform_14(%arg0: i32) -> (i32, i32) {
    %c0_i32 = arith.constant 0 : i32
    %c0_i32_0 = arith.constant 0 : i32
    %c0_i32_1 = arith.constant 0 : i32
    return %c0_i32, %c0_i32_0 : i32, i32
  }
  func.func @transform_15(%arg0: i32) -> (i32, i32) {
    %c0_i32 = arith.constant 0 : i32
    %c0_i32_0 = arith.constant 0 : i32
    %c0_i32_1 = arith.constant 0 : i32
    return %c0_i32, %c0_i32_0 : i32, i32
  }
  func.func @transform_16(%arg0: i32) -> (i32, i32) {
    %c0_i32 = arith.constant 0 : i32
    %c0_i32_0 = arith.constant 0 : i32
    %c0_i32_1 = arith.constant 0 : i32
    return %c0_i32, %c0_i32_0 : i32, i32
  }
  func.func @transform_17(%arg0: i32) -> (i32, i32) {
    %c0_i32 = arith.constant 0 : i32
    %c0_i32_0 = arith.constant 0 : i32
    %c0_i32_1 = arith.constant 0 : i32
    return %c0_i32, %c0_i32_0 : i32, i32
  }
  func.func @transform_18(%arg0: i32) -> (i32, i32) {
    %c0_i32 = arith.constant 0 : i32
    %c0_i32_0 = arith.constant 0 : i32
    %c0_i32_1 = arith.constant 0 : i32
    return %c0_i32, %c0_i32_0 : i32, i32
  }
  func.func @transform_19(%arg0: i32) -> (i32, i32) {
    %c0_i32 = arith.constant 0 : i32
    %c0_i32_0 = arith.constant 0 : i32
    %c0_i32_1 = arith.constant 0 : i32
    return %c0_i32, %c0_i32_0 : i32, i32
  }
  func.func @transform_20(%arg0: i32) -> (i32, i32) {
    %c0_i32 = arith.constant 0 : i32
    %c0_i32_0 = arith.constant 0 : i32
    %c0_i32_1 = arith.constant 0 : i32
    return %c0_i32, %c0_i32_0 : i32, i32
  }
  func.func @transform_21(%arg0: i32) -> (i32, i32, i32) {
    %c0_i32 = arith.constant 0 : i32
    %c0_i32_0 = arith.constant 0 : i32
    %c0_i32_1 = arith.constant 0 : i32
    %c0_i32_2 = arith.constant 0 : i32
    return %c0_i32, %c0_i32_0, %c0_i32_1 : i32, i32, i32
  }
  func.func @transform_22(%arg0: i32) -> (i32, i32) {
    %c0_i32 = arith.constant 0 : i32
    %c0_i32_0 = arith.constant 0 : i32
    %c0_i32_1 = arith.constant 0 : i32
    return %c0_i32, %c0_i32_0 : i32, i32
  }
  func.func @transform_23(%arg0: i32) -> i32 {
    %c0_i32 = arith.constant 0 : i32
    %c0_i32_0 = arith.constant 0 : i32
    return %c0_i32 : i32
  }
  func.func @transform_24(%arg0: i32) -> i32 {
    %c0_i32 = arith.constant 0 : i32
    %c0_i32_0 = arith.constant 0 : i32
    return %c0_i32 : i32
  }
  func.func @transform_25(%arg0: i32) -> i32 {
    %c0_i32 = arith.constant 0 : i32
    %c0_i32_0 = arith.constant 0 : i32
    return %c0_i32 : i32
  }
  func.func @transform_26(%arg0: i32) -> i32 {
    %c0_i32 = arith.constant 0 : i32
    %c0_i32_0 = arith.constant 0 : i32
    return %c0_i32 : i32
  }
  func.func @transform_27(%arg0: i32) -> i32 {
    %c0_i32 = arith.constant 0 : i32
    %c0_i32_0 = arith.constant 0 : i32
    return %c0_i32 : i32
  }
  func.func @transform_28(%arg0: i32) -> (i32, i32) {
    %c0_i32 = arith.constant 0 : i32
    %c0_i32_0 = arith.constant 0 : i32
    return %arg0, %c0_i32 : i32, i32
  }
  func.func @transform_29(%arg0: i32) -> (i32, i32) {
    %c0_i32 = arith.constant 0 : i32
    %c0_i32_0 = arith.constant 0 : i32
    return %c0_i32, %arg0 : i32, i32
  }
}

</mosaic_0001>

<sc_bundles>
// kernel: kernel.5.cloned.1.call-start
scs
__scs_entry_jumppad:
0x0: {  	(pc) =	sbr.rel $0x88, $3  }
0x1: {  	(tag) =	ssettag $0x0;
	lr =	simm.s32 $0x1  }
0x2: {  	[smem:$0x3F83] =	sst lr;
	_ =	strace $0xD0000000  }
0x3: {  	_ = 	snop  }
0x4: {  	_ = 	snop  }
0x5: {  	_ = 	snop  }
0x6: {  	_ = 	snop  }
0x7: {  	_ = 	snop  }
__scs_overlays_trampoline_lowered:
0x8: {  	[smem:$0x3F92] =	sst s0  }
0x9: {  	[smem:$0x3F93] =	sst s1  }
0xa: {  	[smem:$0x3F94] =	sst s2  }
0xb: {  	[smem:$0x3F95] =	sst s3  }
0xc: {  	[smem:$0x3F96] =	sst s4  }
0xd: {  	[smem:$0x3F97] =	sst s5  }
0xe: {  	[smem:$0x3F98] =	sst s6  }
0xf: {  	[smem:$0x3F99] =	sst s7  }
0x10: {  	[smem:$0x3F9A] =	sst s8  }
0x11: {  	[smem:$0x3F9B] =	sst s9;
	s0 =	simm.s32 @!p0 $0x0  }
0x12: {  	s1 =	sld [smem:$0x3F81];
	s0 =	simm.s32 @p0 $0x1  }
0x13: {  	[smem:$0x3F9C] =	sst s0;
	s0 =	simm.s32 @!p1 $0x0  }
0x14: {  	s2 =	sld [smem:$0x3F80];
	s0 =	simm.s32 @p1 $0x1  }
0x15: {  	[smem:$0x3F9D] =	sst s0;
	s0 =	simm.s32 @!p2 $0x0  }
0x16: {  	s3 =	sld [smem:$0x3FDB];
	s0 =	simm.s32 @p2 $0x1  }
0x17: {  	s4 =	simm.s32 $0x1BF5;
	[smem:$0x3F9F] =	sst s0  }
0x18: {  	s0 =	sld [smem:$0x3F82];
	_ =	swait.ge [sflag:s4], $0x0  }
0x19: {  	s7 =	sld [smem:$0x3F83]  }
0x1a: {  	s8 =	sadd.s32 $0xFFFFE003, lr  }
0x1b: {  	s9 =	sadd.s32 $0xFFFFFEF7, lr;
	s5 =	simm.s32 $0xFFFFFFFF;
	p2 =	slt.u32 s8, $0xFFFFF086  }
0x1c: {  	p1 =	slt.u32 s9, $0xF7A;
	s5 =	simm.s32 @!p2 $0x0  }
0x1d: {  	s5 =	simm.s32 @p1 $0x1;
	p0 =	seq.s32 s7, s2  }
0x1e: {  	s7 =	smul.u32 @!p0 $0xF7A, s2;
	p2 =	seq.s32 @!p0 s5, $0x0  }
0x1f: {  	s9 =	smul.u32 $0xF7A, s1;
	s8 =	simm.s32 @!p0 $0x1BF5;
	p2 =	por !p2, p0  }
0x20: {  	[sflag:s8] =	ssyncset.s32 @!p0 $0xFFFFF086;
	s6 =	sadd.s32 @!p0 s3, s7;
	s7 =	simm.s32 @!p0 $0x108  }
0x21: {  	s3 =	sadd.s32 s3, s9;
	s6 =	sadd.s32 @!p0 $0x88, s6;
	s7 =	simm.s32 @p2 $0x1082  }
0x22: {  	[simem:s7], [sflag:s8] =	dma.local @!p0 [hbm:s6], $0xF7A  }
0x23: {  	s9 =	sor.u32 $0xD0000000, s2;
	s6 =	simm.s32 $0x108;
	_ =	swait.ge @!p0 [sflag:s8], $0x0  }
0x24: {  	s3 =	sadd.s32 $0x88, s3;
	s6 =	simm.s32 @!p1 $0x1082;
	[sflag:s4] =	ssyncset.s32 $0xFFFFF086  }
0x25: {  	[simem:s6], [sflag:s4] =	dma.local [hbm:s3], $0xF7A  }
0x26: {  	[smem:$0x3F83] =	sst s1;
	(tag) =	ssettag s2;
	_ =	strace s9  }
0x27: {  	s1 =	sld [smem:$0x3F93]  }
0x28: {  	s2 =	sld [smem:$0x3F94]  }
0x29: {  	s4 =	sld [smem:$0x3F96]  }
0x2a: {  	p0 =	seq.s32 s5, $0x0;
	s5 =	sld [smem:$0x3F97]  }
0x2b: {  	s6 =	sld [smem:$0x3F98]  }
0x2c: {  	s7 =	sld [smem:$0x3F99]  }
0x2d: {  	s3 =	simm.s32 $0x108;
	s8 =	sld [smem:$0x3F9A]  }
0x2e: {  	s3 =	simm.s32 @!p0 $0x1082;
	s9 =	sld [smem:$0x3F9B]  }
0x2f: {  	lr =	sadd.s32 s0, s3;
	s0 =	sld [smem:$0x3F92]  }
0x30: {  	s3 =	sld [smem:$0x3F95]  }
0x31: {  	[smem:$0x3F9E] =	sst s10  }
0x32: {  	s10 =	sld [smem:$0x3F9C];
	_ =	sdelay $0x3  }
0x33: {  	p0 =	seq.s32 s10, $0x1;
	s10 =	sld [smem:$0x3F9E];
	_ =	sdelay $0x3  }
0x34: {  	[smem:$0x3F9E] =	sst s10  }
0x35: {  	s10 =	sld [smem:$0x3F9D];
	_ =	sdelay $0x3  }
0x36: {  	p1 =	seq.s32 s10, $0x1;
	s10 =	sld [smem:$0x3F9E];
	_ =	sdelay $0x3  }
0x37: {  	[smem:$0x3F9E] =	sst s10  }
0x38: {  	s10 =	sld [smem:$0x3F9F]  }
0x39: {  	_ = 	snop;
	(pc) =	sbr.ind lr, $3  }
0x3a: {  	_ = 	snop  }
0x3b: {  	_ = 	snop  }
0x3c: {  	p2 =	seq.s32 s10, $0x1;
	s10 =	sld [smem:$0x3F9E]  }
0x3d: {  	_ =	shalt  }
0x3e: {  	_ =	shalt  }
0x3f: {  	_ =	shalt  }
0x40: {  	_ =	shalt  }
0x41: {  	_ =	shalt  }
0x42: {  	_ =	shalt  }
0x43: {  	_ =	shalt  }
0x44: {  	_ =	shalt  }
0x45: {  	_ =	shalt  }
0x46: {  	_ =	shalt  }
0x47: {  	_ =	shalt  }
0x48: {  	_ =	shalt  }
0x49: {  	_ =	shalt  }
0x4a: {  	_ =	shalt  }
0x4b: {  	_ =	shalt  }
0x4c: {  	_ =	shalt  }
0x4d: {  	_ =	shalt  }
0x4e: {  	_ =	shalt  }
0x4f: {  	_ =	shalt  }
0x50: {  	_ =	shalt  }
0x51: {  	_ =	shalt  }
0x52: {  	_ =	shalt  }
0x53: {  	_ =	shalt  }
0x54: {  	_ =	shalt  }
0x55: {  	_ =	shalt  }
0x56: {  	_ =	shalt  }
0x57: {  	_ =	shalt  }
0x58: {  	_ =	shalt  }
0x59: {  	_ =	shalt  }
0x5a: {  	_ =	shalt  }
0x5b: {  	_ =	shalt  }
0x5c: {  	_ =	shalt  }
0x5d: {  	_ =	shalt  }
0x5e: {  	_ =	shalt  }
0x5f: {  	_ =	shalt  }
0x60: {  	_ =	shalt  }
0x61: {  	_ =	shalt  }
0x62: {  	_ =	shalt  }
0x63: {  	_ =	shalt  }
0x64: {  	_ =	shalt  }
0x65: {  	_ =	shalt  }
0x66: {  	_ =	shalt  }
0x67: {  	_ =	shalt  }
0x68: {  	_ =	shalt  }
0x69: {  	_ =	shalt  }
0x6a: {  	_ =	shalt  }
0x6b: {  	_ =	shalt  }
0x6c: {  	_ =	shalt  }
0x6d: {  	_ =	shalt  }
0x6e: {  	_ =	shalt  }
0x6f: {  	_ =	shalt  }
0x70: {  	_ =	shalt  }
0x71: {  	_ =	shalt  }
0x72: {  	_ =	shalt  }
0x73: {  	_ =	shalt  }
0x74: {  	_ =	shalt  }
0x75: {  	_ =	shalt  }
0x76: {  	_ =	shalt  }
0x77: {  	_ =	shalt  }
0x78: {  	_ =	shalt  }
0x79: {  	_ =	shalt  }
0x7a: {  	_ =	shalt  }
0x7b: {  	_ =	shalt  }
0x7c: {  	_ =	shalt  }
0x7d: {  	_ =	shalt  }
0x7e: {  	_ =	shalt  }
0x7f: {  	_ =	shalt  }
0x80: {  	_ =	shalt  }
0x81: {  	_ =	shalt  }
0x82: {  	_ =	shalt  }
0x83: {  	_ =	shalt  }
0x84: {  	_ =	shalt  }
0x85: {  	_ =	shalt  }
0x86: {  	_ =	shalt  }
0x87: {  	_ =	shalt  }
.Lfunc_end0:
.L_simem_size_0:
called_computation_lowered:
.L_overlay_start_0:
0x88: {  	s2 =	sld [smem:$0x3FD9]  }
0x89: {  	s3 =	sld [smem:$0x3FFE];
	_ =	sdelay $0x1  }
0x8a: {  	s1 =	srdreg.scid  }
0x8b: {  	s0 =	sand.u32 $0x1, s1  }
0x8c: {  	s17 =	sshll.u32 s0, $0xA;
	s2 =	sadd.s32 s3, s2  }
0x8d: {  	s2 =	sadd.s32 s2, s17  }
0x8e: {  	[smem:$0x3FAA] =	sst s2  }
0x8f: {  	_ = 	snop  }
0x90: {  	s2 =	sld [smem:$0x3FD0];
	(tm) =	ssettm $0x1  }
0x91: {  	s18 =	sld [smem:$0x3FFB];
	_ =	sdelay $0x3  }
0x92: {  	_ =	strace s18  }
0x93: {  	s3 =	sld [smem:$0x3FFC];
	_ =	sdelay $0x3  }
0x94: {  	_ =	strace s3  }
0x95: {  	s3 =	sld [smem:$0x3FFD];
	_ =	sdelay $0x3  }
0x96: {  	_ =	strace s3  }
0x97: {  	_ =	strace $0x8FFFFFFF  }
0x98: {  	s19 =	sld [smem:$0x3FDB];
	_ =	sdelay $0x1  }
0x99: {  	s4 =	simm.s32 $_scs_section_size  }
0x9a: {  	s5 =	simm.s32 $_size__tile_overlayer_lowered;
	s6 =	simm.s32 $_tile_overlayer_lowered  }
0x9b: {  	s22 =	simm.s32 $0x1BFF;
	s21 =	sshll.u32 s6, $0x1;
	s3 =	sadd.s32 s4, s19  }
0x9c: {  	s7 =	simm.s32 $0x0;
	s20 =	sshll.u32 s5, $0x1;
	s5 =	sadd.s32 s21, s3  }
0x9d: {  	[timem:s7], [sflag:s22] =	dma.local [hbm:s5], s20  }
0x9e: {  	_ =	swait.ge [sflag:s22], s20  }
0x9f: {  	s4 =	ssub.s32 $0x0, s20;
	[sflag:s22] =	ssyncset.done $0x0  }
0xa0: {  	[sflag:s22] =	ssyncadd.s32 s4;
	_ =	sdelay $0x1  }
0xa1: {  	s23 =	simm.s32 $0x1B8B  }
0xa2: {  	_ =	swait.ge [sflag:s23], $0x1  }
0xa3: {  	[sflag:s23] =	ssyncset.done $0x0  }
0xa4: {  	s25 =	simm.s32 $0x1B8E;
	s24 =	sld [smem:$0x3FFE];
	[sflag:s23] =	ssyncadd.s32 $0xFFFFFFFF  }
0xa5: {  	s26 =	simm.s32 $execute0_lowered;
	[smem:$0x3FD2] =	sst s25  }
0xa6: {  	s5 =	sshll.u32 s26, $0x1;
	_ =	strace $0x80000046;
	[dreg:$0x1] =	wrdreg $0xFFFFFFFF  }
0xa7: {  	s28 =	simm.s32 $_size_execute0_lowered;
	s3 =	sadd.s32 s3, s5;
	[dreg:$0x0] =	wrdreg $0x0  }
0xa8: {  	s5 =	sshll.u32 s28, $0x1;
	[dreg:$0x2] =	wrdreg s3  }
0xa9: {  	[dreg:$0x3] =	wrdreg s5  }
0xaa: {  	[dreg:$0x4] =	wrdreg $0xC0  }
0xab: {  	_ =	task [dreg:s7], $0x5FFFF  }
0xac: {  	[dreg:$0x1] =	wrdreg $0xFFFFFFFF  }
0xad: {  	[dreg:$0x0] =	wrdreg $0x60  }
0xae: {  	[dreg:$0x2] =	wrdreg s2  }
0xaf: {  	[dreg:$0x3] =	wrdreg s24  }
0xb0: {  	[dreg:$0x4] =	wrdreg $0x9  }
0xb1: {  	_ =	task.clear_ibuf [dreg:s7], $0x5FFFF;
	_ =	strace $0x90000046  }
0xb2: {  	s29 =	simm.s32 $0x9;
	_ =	strace $0x80000048  }
0xb3: {  	_ =	swait.ge [sflag:s29], $0x1  }
0xb4: {  	[sflag:s29] =	ssyncadd.s32 $0xFFFFFFFF  }
0xb5: {  	_ =	strace $0x90000048  }
0xb6: {  	_ =	sfence  }
0xb7: {  	s30 =	sld [smem:$0x0];
	_ =	sdelay $0x2  }
0xb8: {  	s31 =	sshll.u32 s1, $0xD;
	s1 =	sshrl.u32 s1, $0x2  }
0xb9: {  	s3 =	sand.u32 $0x4000, s31;
	s1 =	sadd.s32 s1, s30  }
0xba: {  	s0 =	sor.u32 s3, s0;
	s1 =	sshll.u32 s1, $0x11  }
0xbb: {  	s0 =	sor.u32 s1, s0  }
0xbc: {  	s0 =	sadd.s32 $0x8F2B, s0  }
0xbd: {  	[sflag:s0] =	ssyncadd.remote.s32 $0x1  }
0xbe: {  	_ =	sfence.sel $0xFFFF  }
0xbf: {  	[dreg:$0x0] =	wrdreg $0xFFFFFFFF;
	(pc) =	sbr.abs _section_cstart, $3  }
0xc0: {  	[dreg:$0x1] =	wrdreg $0xFFFFFFFF  }
0xc1: {  	_ =	task.clear_ibuf [dreg:s7], $0x2FFFF;
	_ =	strace $0x9FFFFFFF  }
0xc2: {  	(tm) =	ssettm $0x7FFFFFFF  }
0xc3: {  	_ =	shalt  }
tec
execute0_lowered:
.L_overlay_start_1:
0x0: {  	(tag) =	ssettag $0x1  }
0x1: {  	s2 =	rddreg [dreg:$0x0]  }
0x2: {  	s4 =	rddreg [dreg:$0x1];
	s3 =	srdreg.scid  }
0x3: {  	s0 =	rddreg [dreg:$0x2];
	s1 =	stileid.u32  }
0x4: {  	s19 =	simm.s32 $0x1;
	s20 =	simm.s32 $0x2000;
	s21 =	simm.s32 $0x2020  }
0x5: {  	s22 =	simm.s32 $0x2040;
	s23 =	simm.s32 $0x2060;
	s24 =	simm.s32 $0x2080  }
0x6: {  	s25 =	simm.s32 $0x20A0;
	s26 =	simm.s32 $0x20C0;
	s28 =	simm.s32 $0x20E0  }
0x7: {  	s5 =	sand.u32 $0x1, s3;
	s3 =	simm.s32 $0x0;
	s6 =	sshll.u32 s1, $0x6  }
0x8: {  	s7 =	sshll.u32 s5, $0x5;
	[smem:$0x7FF] =	sst s3;
	s5 =	ssub.s32 $0x2, s5  }
0x9: {  	s6 =	sor.u32 s7, s6;
	_ =	strace $0x80000047;
	s29 =	sshrl.u32 s5, $0x1  }
0xa: {  	s7 =	sshrl.u32 s6, $0x3;
	s30 =	sshll.u32 s6, $0x3;
	s18 =	ssub.s32 s5, s29  }
0xb: {  	s31 =	sand.u32 $0x60, s6;
	s17 =	sadd.s32 s7, s4;
	s8 =	sand.u32 $0x1C00, s30  }
0xc: {  	s6 =	sor.u32 s31, s30;
	s9 =	sor.u32 $0x10, s31;
	s18 =	smax.u32 s18, $0x1  }
0xd: {  	s4 =	sor.u32 s31, s8;
	s5 =	sor.u32 $0x300, s6;
	s6 =	sor.u32 $0x380, s6  }
0xe: {  	s10 =	sor.u32 s30, s9;
	s7 =	sor.u32 s9, s8;
	s11 =	sadd.s32 $0x4B880, s17  }
0xf: {  	s12 =	sadd.s32 $0x4B900, s17;
	s13 =	sadd.s32 $0x4B980, s17;
	s14 =	sadd.s32 $0x4BA00, s17  }
0x10: {  	s15 =	sadd.s32 $0x4BA80, s17;
	s16 =	sadd.s32 $0x4BB00, s17;
	s8 =	sor.u32 $0x300, s10  }
0x11: {  	v0 =	vimm.f32 $8.000000000e+00;
	s9 =	sor.u32 $0x380, s10;
	s10 =	sadd.s32 $0x4B800, s17;
	s17 =	sadd.s32 $0x4BB80, s17  }
.LBB2_1:
0x12: {  	[tilespmem:s3], [sflag:$0x1] =	stream.linear.gather [hbm4b:s2+s3], $0x2000, $0x38;
	[tilespmem:$0x2100] =	vst v63  }
0x13: {  	_ =	swait.ge [sflag:s19], $0x2000  }
0x14: {  	[sflag:s19] =	ssyncset.done $0x0  }
0x15: {  	[sflag:s19] =	ssyncadd.s32 $0xFFFFE000  }
0x16: {  	v1 =	vld [tilespmem:s4+$0x0]  }
0x17: {  	v2 =	vld [tilespmem:s4+$0x80]  }
0x18: {  	v3 =	vld [tilespmem:s4+$0x100]  }
0x19: {  	v4 =	vld [tilespmem:s4+$0x180]  }
0x1a: {  	v5 =	vld [tilespmem:s4+$0x200]  }
0x1b: {  	v6 =	vld [tilespmem:s4+$0x280]  }
0x1c: {  	v7 =	vld [tilespmem:s5+$0x0];
	v8 =	vmax.f32 v1, v2  }
0x1d: {  	v9 =	vld [tilespmem:s6+$0x0];
	v8 =	vmax.f32 v8, v3  }
0x1e: {  	v8 =	vmax.f32 v8, v4  }
0x1f: {  	v8 =	vmax.f32 v8, v5  }
0x20: {  	v8 =	vmax.f32 v8, v6  }
0x21: {  	v8 =	vmax.f32 v8, v7  }
0x22: {  	v8 =	vmax.f32 v8, v9  }
0x23: {  	vm0 =	veq.f32 v1, v8;
	vm1 =	veq.f32 v2, v8  }
0x24: {  	vm6 =	veq.f32 v3, v8;
	v10 =	vsel vm0, $0x0, v0;
	v11 =	vsel vm1, $0x3F800000, v0  }
0x25: {  	vm7 =	veq.f32 v4, v8;
	v60 =	vsel vm6, $0x40000000, v0;
	v10 =	vmin.f32 v10, v11  }
0x26: {  	vm8 =	veq.f32 v5, v8;
	v61 =	vsel vm7, $0x40400000, v0;
	v10 =	vmin.f32 v10, v60  }
0x27: {  	vm9 =	veq.f32 v6, v8;
	v62 =	vsel vm8, $0x40800000, v0;
	v10 =	vmin.f32 v10, v61  }
0x28: {  	vm10 =	veq.f32 v7, v8;
	v63 =	vsel vm9, $0x40A00000, v0;
	v10 =	vmin.f32 v10, v62  }
0x29: {  	vm11 =	veq.f32 v9, v8;
	v12 =	vsel vm10, $0x40C00000, v0;
	v10 =	vmin.f32 v10, v63  }
0x2a: {  	v13 =	vsel vm11, $0x40E00000, v0;
	v10 =	vmin.f32 v10, v12  }
0x2b: {  	v10 =	vmin.f32 v10, v13  }
0x2c: {  	vm7 =	veq.f32 v10, $0.0e+00;
	vm6 =	veq.f32 v10, $1.000000000e+00  }
0x2d: {  	vm5 =	veq.f32 v10, $2.000000000e+00;
	v1 =	vsel vm7, $0xFF800000, v1;
	v2 =	vsel vm6, $0xFF800000, v2  }
0x2e: {  	vm4 =	veq.f32 v10, $3.000000000e+00;
	v3 =	vsel vm5, $0xFF800000, v3;
	v14 =	vmax.f32 v1, v2  }
0x2f: {  	vm3 =	veq.f32 v10, $4.000000000e+00;
	v4 =	vsel vm4, $0xFF800000, v4;
	v11 =	vmax.f32 v14, v3  }
0x30: {  	vm2 =	veq.f32 v10, $5.000000000e+00;
	v5 =	vsel vm3, $0xFF800000, v5;
	v11 =	vmax.f32 v11, v4  }
0x31: {  	vm1 =	veq.f32 v10, $6.000000000e+00;
	v6 =	vsel vm2, $0xFF800000, v6;
	v11 =	vmax.f32 v11, v5  }
0x32: {  	vm0 =	veq.f32 v10, $7.000000000e+00;
	v7 =	vsel vm1, $0xFF800000, v7;
	v15 =	vmax.f32 v11, v6  }
0x33: {  	v9 =	vsel vm0, $0xFF800000, v9;
	v10 =	vmax.f32 v15, v7  }
0x34: {  	v10 =	vmax.f32 v10, v9  }
0x35: {  	v8 =	vsub.f32 v10, v8;
	_ =	sdelay $0x1  }
0x36: {  	v8 =	vmul.f32 $1.442695020e+00, v8;
	_ =	sdelay $0x1  }
0x37: {  	(erf) = vpow2.f32 v8;
	_ =	sdelay $0x8  }
0x38: {  	v8 =	vpop (erf)  }
0x39: {  	v8 =	vadd.f32 $1.000000000e+00, v8  }
0x3a: {  	vm8 =	veq.f32 v1, v10;
	vm9 =	veq.f32 v2, v10;
	vm12 =	veq.f32 v3, v10  }
0x3b: {  	v1 =	vsel vm8, $0x0, v0;
	v2 =	vsel vm9, $0x3F800000, v0;
	(erf) = vrcp.f32 v8  }
0x3c: {  	vm13 =	veq.f32 v4, v10;
	v1 =	vmin.f32 v1, v2;
	v2 =	vsel vm12, $0x40000000, v0  }
0x3d: {  	vm14 =	veq.f32 v5, v10;
	v1 =	vmin.f32 v1, v2;
	v2 =	vsel vm13, $0x40400000, v0  }
0x3e: {  	vm15 =	veq.f32 v6, v10;
	v1 =	vmin.f32 v1, v2;
	v2 =	vsel vm14, $0x40800000, v0  }
0x3f: {  	vm12 =	veq.f32 v7, v10;
	v1 =	vmin.f32 v1, v2;
	v2 =	vsel vm15, $0x40A00000, v0  }
0x40: {  	vm13 =	veq.f32 v9, v10;
	v1 =	vmin.f32 v1, v2;
	v2 =	vsel vm12, $0x40C00000, v0  }
0x41: {  	v1 =	vmin.f32 v1, v2;
	v2 =	vsel vm13, $0x40E00000, v0  }
0x42: {  	v1 =	vmin.f32 v1, v2  }
0x43: {  	vm14 =	veq.f32 v1, $0.0e+00  }
0x44: {  	vm15 =	veq.f32 v1, $1.000000000e+00;
	vm12 =	veq.f32 v1, $2.000000000e+00;
	vm13 =	veq.f32 v1, $3.000000000e+00;
	v3 =	vpop (erf)  }
0x45: {  	v2 =	vsub.f32 $1.000000000e+00, v3;
	v16 =	vnsel vm7, $0x0, v3;
	v18 =	vnsel vm6, $0x0, v3  }
0x46: {  	v21 =	vnsel vm5, $0x0, v3;
	v23 =	vnsel vm4, $0x0, v3;
	v26 =	vnsel vm3, $0x0, v3  }
0x47: {  	v28 =	vnsel vm2, $0x0, v3;
	vm4 =	veq.f32 v1, $6.000000000e+00;
	v17 =	vnsel vm14, $0x0, v2  }
0x48: {  	v31 =	vnsel vm1, $0x0, v3;
	v19 =	vnsel vm15, $0x0, v2;
	v4 =	vadd.f32 v17, v16  }
0x49: {  	vm5 =	veq.f32 v1, $7.000000000e+00;
	v22 =	vnsel vm12, $0x0, v2;
	v20 =	vadd.f32 v19, v18  }
0x4a: {  	v3 =	vnsel vm0, $0x0, v3;
	v24 =	vnsel vm13, $0x0, v2;
	v6 =	vadd.f32 v22, v21;
	[tilespmem:$0x2000] =	vst v4  }
0x4b: {  	vm15 =	veq.f32 v1, $5.000000000e+00;
	v32 =	vnsel vm4, $0x0, v2;
	v25 =	vadd.f32 v24, v23;
	[tilespmem:$0x2020] =	vst v20  }
0x4c: {  	vm14 =	veq.f32 v1, $4.000000000e+00;
	v29 =	vnsel vm15, $0x0, v2;
	v1 =	vadd.f32 v32, v31;
	[tilespmem:$0x2040] =	vst v6  }
0x4d: {  	v27 =	vnsel vm14, $0x0, v2;
	v2 =	vnsel vm5, $0x0, v2;
	v30 =	vadd.f32 v29, v28;
	[tilespmem:$0x2060] =	vst v25  }
0x4e: {  	v2 =	vadd.f32 v2, v3;
	[tilespmem:$0x20C0] =	vst v1  }
0x4f: {  	v4 =	vadd.f32 v27, v26;
	[tilespmem:$0x20A0] =	vst v30  }
0x50: {  	[tilespmem:$0x20E0] =	vst v2  }
0x51: {  	[tilespmem:$0x2080] =	vst v4  }
0x52: {  	v1 =	vld [tilespmem:s7+$0x0]  }
0x53: {  	v2 =	vld [tilespmem:s7+$0x80]  }
0x54: {  	v3 =	vld [tilespmem:s7+$0x100]  }
0x55: {  	v4 =	vld [tilespmem:s7+$0x180]  }
0x56: {  	v5 =	vld [tilespmem:s7+$0x200]  }
0x57: {  	v33 =	vld [tilespmem:s7+$0x280]  }
0x58: {  	v34 =	vld [tilespmem:s8+$0x0];
	v35 =	vmax.f32 v1, v2  }
0x59: {  	v36 =	vld [tilespmem:s9+$0x0];
	v8 =	vmax.f32 v35, v3  }
0x5a: {  	v8 =	vmax.f32 v8, v4  }
0x5b: {  	v8 =	vmax.f32 v8, v5  }
0x5c: {  	v8 =	vmax.f32 v8, v33  }
0x5d: {  	v8 =	vmax.f32 v8, v34  }
0x5e: {  	v8 =	vmax.f32 v8, v36  }
0x5f: {  	vm6 =	veq.f32 v1, v8;
	vm7 =	veq.f32 v2, v8  }
0x60: {  	vm8 =	veq.f32 v3, v8;
	v37 =	vsel vm6, $0x0, v0;
	v38 =	vsel vm7, $0x3F800000, v0  }
0x61: {  	vm9 =	veq.f32 v4, v8;
	v39 =	vsel vm8, $0x40000000, v0;
	v10 =	vmin.f32 v37, v38  }
0x62: {  	vm10 =	veq.f32 v5, v8;
	v40 =	vsel vm9, $0x40400000, v0;
	v10 =	vmin.f32 v10, v39  }
0x63: {  	vm11 =	veq.f32 v33, v8;
	v41 =	vsel vm10, $0x40800000, v0;
	v10 =	vmin.f32 v10, v40  }
0x64: {  	vm12 =	veq.f32 v34, v8;
	v42 =	vsel vm11, $0x40A00000, v0;
	v10 =	vmin.f32 v10, v41  }
0x65: {  	vm13 =	veq.f32 v36, v8;
	v43 =	vsel vm12, $0x40C00000, v0;
	v10 =	vmin.f32 v10, v42  }
0x66: {  	v44 =	vsel vm13, $0x40E00000, v0;
	v10 =	vmin.f32 v10, v43  }
0x67: {  	v10 =	vmin.f32 v10, v44  }
0x68: {  	vm7 =	veq.f32 v10, $0.0e+00;
	vm6 =	veq.f32 v10, $1.000000000e+00  }
0x69: {  	vm5 =	veq.f32 v10, $2.000000000e+00;
	v1 =	vsel vm7, $0xFF800000, v1;
	v2 =	vsel vm6, $0xFF800000, v2  }
0x6a: {  	vm4 =	veq.f32 v10, $3.000000000e+00;
	v3 =	vsel vm5, $0xFF800000, v3;
	v45 =	vmax.f32 v1, v2  }
0x6b: {  	vm3 =	veq.f32 v10, $4.000000000e+00;
	v4 =	vsel vm4, $0xFF800000, v4;
	v11 =	vmax.f32 v45, v3  }
0x6c: {  	vm2 =	veq.f32 v10, $5.000000000e+00;
	v5 =	vsel vm3, $0xFF800000, v5;
	v11 =	vmax.f32 v11, v4  }
0x6d: {  	vm1 =	veq.f32 v10, $6.000000000e+00;
	v6 =	vsel vm2, $0xFF800000, v33;
	v11 =	vmax.f32 v11, v5  }
0x6e: {  	vm0 =	veq.f32 v10, $7.000000000e+00;
	v7 =	vsel vm1, $0xFF800000, v34;
	v46 =	vmax.f32 v11, v6  }
0x6f: {  	v9 =	vsel vm0, $0xFF800000, v36;
	v10 =	vmax.f32 v46, v7  }
0x70: {  	v10 =	vmax.f32 v10, v9  }
0x71: {  	v8 =	vsub.f32 v10, v8;
	_ =	sdelay $0x1  }
0x72: {  	v8 =	vmul.f32 $1.442695020e+00, v8;
	_ =	sdelay $0x1  }
0x73: {  	(erf) = vpow2.f32 v8;
	_ =	sdelay $0x8  }
0x74: {  	v8 =	vpop (erf)  }
0x75: {  	v8 =	vadd.f32 $1.000000000e+00, v8  }
0x76: {  	vm14 =	veq.f32 v1, v10;
	vm15 =	veq.f32 v2, v10;
	vm12 =	veq.f32 v3, v10  }
0x77: {  	v1 =	vsel vm14, $0x0, v0;
	v2 =	vsel vm15, $0x3F800000, v0;
	(erf) = vrcp.f32 v8  }
0x78: {  	vm13 =	veq.f32 v4, v10;
	v1 =	vmin.f32 v1, v2;
	v2 =	vsel vm12, $0x40000000, v0  }
0x79: {  	vm14 =	veq.f32 v5, v10;
	v1 =	vmin.f32 v1, v2;
	v2 =	vsel vm13, $0x40400000, v0  }
0x7a: {  	vm15 =	veq.f32 v6, v10;
	v1 =	vmin.f32 v1, v2;
	v2 =	vsel vm14, $0x40800000, v0  }
0x7b: {  	vm12 =	veq.f32 v7, v10;
	v1 =	vmin.f32 v1, v2;
	v2 =	vsel vm15, $0x40A00000, v0  }
0x7c: {  	vm13 =	veq.f32 v9, v10;
	v1 =	vmin.f32 v1, v2;
	v2 =	vsel vm12, $0x40C00000, v0  }
0x7d: {  	v1 =	vmin.f32 v1, v2;
	v2 =	vsel vm13, $0x40E00000, v0  }
0x7e: {  	v1 =	vmin.f32 v1, v2  }
0x7f: {  	vm14 =	veq.f32 v1, $0.0e+00  }
0x80: {  	vm15 =	veq.f32 v1, $1.000000000e+00;
	vm10 =	veq.f32 v1, $2.000000000e+00;
	vm11 =	veq.f32 v1, $3.000000000e+00;
	v3 =	vpop (erf)  }
0x81: {  	vm12 =	veq.f32 v1, $4.000000000e+00;
	vm13 =	veq.f32 v1, $5.000000000e+00;
	v2 =	vsub.f32 $1.000000000e+00, v3  }
0x82: {  	v47 =	vnsel vm7, $0x0, v3;
	v49 =	vnsel vm6, $0x0, v3;
	v52 =	vnsel vm5, $0x0, v3  }
0x83: {  	v54 =	vnsel vm4, $0x0, v3;
	v57 =	vnsel vm3, $0x0, v3;
	v48 =	vnsel vm14, $0x0, v2  }
0x84: {  	v59 =	vnsel vm2, $0x0, v3;
	v50 =	vnsel vm15, $0x0, v2;
	v4 =	vadd.f32 v48, v47  }
0x85: {  	v62 =	vnsel vm1, $0x0, v3;
	v53 =	vnsel vm10, $0x0, v2;
	v51 =	vadd.f32 v50, v49  }
0x86: {  	v3 =	vnsel vm0, $0x0, v3;
	v55 =	vnsel vm11, $0x0, v2;
	v6 =	vadd.f32 v53, v52;
	[tilespmem:$0x2010] =	vst v4  }
0x87: {  	v60 =	vnsel vm13, $0x0, v2;
	vm14 =	veq.f32 v1, $6.000000000e+00;
	v56 =	vadd.f32 v55, v54;
	[tilespmem:$0x2030] =	vst v51  }
0x88: {  	vm15 =	veq.f32 v1, $7.000000000e+00;
	v61 =	vadd.f32 v60, v59;
	v63 =	vnsel vm14, $0x0, v2;
	[tilespmem:$0x2050] =	vst v6  }
0x89: {  	v58 =	vnsel vm12, $0x0, v2;
	v2 =	vnsel vm15, $0x0, v2;
	v1 =	vadd.f32 v63, v62;
	[tilespmem:$0x2070] =	vst v56  }
0x8a: {  	v2 =	vadd.f32 v2, v3;
	[tilespmem:$0x20B0] =	vst v61  }
0x8b: {  	v4 =	vadd.f32 v58, v57;
	[tilespmem:$0x20D0] =	vst v1  }
0x8c: {  	[tilespmem:$0x20F0] =	vst v2  }
0x8d: {  	[tilespmem:$0x2090] =	vst v4  }
0x8e: {  	[hbm4b:s10+s3] =	stream.linear.scatter [tilespmem:s20], [sflag:$0x1], $0x20, $0x38;
	[tilespmem:$0x2100] =	vst v63  }
0x8f: {  	_ =	swait.ge [sflag:s19], $0x20  }
0x90: {  	[sflag:s19] =	ssyncset.done $0x0  }
0x91: {  	[sflag:s19] =	ssyncadd.s32 $0xFFFFFFE0  }
0x92: {  	[hbm4b:s11+s3] =	stream.linear.scatter [tilespmem:s21], [sflag:$0x1], $0x20, $0x38;
	[tilespmem:$0x2100] =	vst v63  }
0x93: {  	_ =	swait.ge [sflag:s19], $0x20  }
0x94: {  	[sflag:s19] =	ssyncset.done $0x0  }
0x95: {  	[sflag:s19] =	ssyncadd.s32 $0xFFFFFFE0  }
0x96: {  	[hbm4b:s12+s3] =	stream.linear.scatter [tilespmem:s22], [sflag:$0x1], $0x20, $0x38;
	[tilespmem:$0x2100] =	vst v63  }
0x97: {  	_ =	swait.ge [sflag:s19], $0x20  }
0x98: {  	[sflag:s19] =	ssyncset.done $0x0  }
0x99: {  	[sflag:s19] =	ssyncadd.s32 $0xFFFFFFE0  }
0x9a: {  	[hbm4b:s13+s3] =	stream.linear.scatter [tilespmem:s23], [sflag:$0x1], $0x20, $0x38;
	[tilespmem:$0x2100] =	vst v63  }
0x9b: {  	_ =	swait.ge [sflag:s19], $0x20  }
0x9c: {  	[sflag:s19] =	ssyncset.done $0x0  }
0x9d: {  	[sflag:s19] =	ssyncadd.s32 $0xFFFFFFE0  }
0x9e: {  	[hbm4b:s14+s3] =	stream.linear.scatter [tilespmem:s24], [sflag:$0x1], $0x20, $0x38;
	[tilespmem:$0x2100] =	vst v63  }
0x9f: {  	_ =	swait.ge [sflag:s19], $0x20  }
0xa0: {  	[sflag:s19] =	ssyncset.done $0x0  }
0xa1: {  	[sflag:s19] =	ssyncadd.s32 $0xFFFFFFE0  }
0xa2: {  	[hbm4b:s15+s3] =	stream.linear.scatter [tilespmem:s25], [sflag:$0x1], $0x20, $0x38;
	[tilespmem:$0x2100] =	vst v63  }
0xa3: {  	_ =	swait.ge [sflag:s19], $0x20  }
0xa4: {  	[sflag:s19] =	ssyncset.done $0x0  }
0xa5: {  	[sflag:s19] =	ssyncadd.s32 $0xFFFFFFE0  }
0xa6: {  	[hbm4b:s16+s3] =	stream.linear.scatter [tilespmem:s26], [sflag:$0x1], $0x20, $0x38;
	[tilespmem:$0x2100] =	vst v63  }
0xa7: {  	_ =	swait.ge [sflag:s19], $0x20  }
0xa8: {  	p0 =	sne.s32 s18, $0x1;
	[sflag:s19] =	ssyncset.done $0x0  }
.Ltmp0:
0xa9: {  	[sflag:s19] =	ssyncadd.s32 $0xFFFFFFE0;
	(pc) =	sbr.rel @p0 .LBB2_1-.Ltmp0, $4  }
0xaa: {  	[hbm4b:s17+s3] =	stream.linear.scatter [tilespmem:s28], [sflag:$0x1], $0x20, $0x38;
	[tilespmem:$0x2100] =	vst v63  }
0xab: {  	_ =	swait.ge [sflag:s19], $0x20  }
0xac: {  	[sflag:s19] =	ssyncset.done $0x0  }
0xad: {  	s18 =	sadd.s32 $0xFFFFFFFF, s18;
	[sflag:s19] =	ssyncadd.s32 $0xFFFFFFE0  }
0xae: {  	_ =	sfence.sel $0x180000  }
0xaf: {  	[bflag:$0x0] =	sbarrier.arrive $0xFFFF  }
0xb0: {  	p0 =	sne.s32 s1, $0x0;
	_ =	strace $0x90000047  }
0xb1: {  	s0 =	sadd.s32 @!p0 $0x100000, s0;
	[bflag:$0x2] =	sbarrier.arrive $0xFFFF  }
0xb2: {  	[sflag:s0] =	ssyncadd.tile.s32 @!p0 $0x1;
	_ =	shalt  }
.Lfunc_end2:
_tile_overlayer_lowered:
.L_overlay_start_2:
0xb3: {  	(tag) =	ssettag $0x2  }
0xb4: {  	s0 =	rddreg [dreg:$0x0];
	s2 =	stileid.u32  }
0xb5: {  	s1 =	rddreg [dreg:$0x1];
	p0 =	sne.s32 s2, $0x0  }
0xb6: {  	s3 =	rddreg [dreg:$0x2];
	[bflag:$0x3] =	sbarrier.arrive $0xFFFF;
	s2 =	simm.s32 @!p0 $0x1C01  }
0xb7: {  	[timem:s3], [sflag:s2] =	dma.local @!p0 [hbm:s0], s1  }
0xb8: {  	s0 =	simm.s32 @!p0 $0x1  }
0xb9: {  	_ =	swait.ge @!p0 [sflag:s0], s1  }
0xba: {  	s1 =	ssub.s32 @!p0 $0x0, s1;
	[sflag:s0] =	ssyncset.done @!p0 $0x0  }
0xbb: {  	[sflag:s0] =	ssyncadd.s32 @!p0 s1  }
0xbc: {  	[bflag:$0x3] =	sbarrier.arrive $0xFFFF  }
0xbd: {  	_ =	shalt  }

</sc_bundles>
